<compile_context>
chip_gen: v7x
topology: tpu7x:2x2x1
jax: 0.10.2.dev20260603
libtpu: 0.0.44.dev20260713+nightly
codegen_flags: <defaults>
</compile_context>

<pallas_src>
import functools

import jax
import jax.numpy as jnp
from jax import lax
from jax.experimental import pallas as pl
from jax.experimental.pallas import tpu as pltpu
from jax.experimental.pallas import tpu_sc as plsc

N = 50000
E = 800000
H1, H2, H3 = 320, 320, 64
HH = 32
CK = H2 // HH

NC, NS, NW = 2, 16, 32
EPT = 25088
E_PAD = EPT * NW
NPAD = 50176
TRASH = N
G16 = EPT // 16
GDW = E_PAD // NS // 128
CH = EPT // 4
KI = 28
RB = 512

_f32 = jnp.float32
_i32 = jnp.int32


def _zero_vmem_1d(ref, nwords):
    zero = jnp.zeros((16,), _f32)

    def body(i, _):
        ref[pl.ds(i * 16, 16)] = zero
        return _

    lax.fori_loop(0, nwords // 16, body, None)




@functools.cache
def _sc_kernels():
    mesh = plsc.VectorSubcoreMesh(core_axis_name="c", subcore_axis_name="s",
                                  num_cores=NC, num_subcores=NS)

    @functools.partial(
        pl.kernel,
        out_type=jax.ShapeDtypeStruct((NW, NPAD), _f32),
        mesh=mesh,
        compiler_params=pltpu.CompilerParams(needs_layout_passes=False),
        scratch_types=[
            pltpu.VMEM((EPT,), _i32),
            pltpu.VMEM((NPAD,), _f32),
        ],
    )
    def _sc_degree(dst_hbm, out_hbm, dbuf, acc):
        w = lax.axis_index("s") * NC + lax.axis_index("c")
        _zero_vmem_1d(acc, NPAD)
        pltpu.sync_copy(dst_hbm.at[w], dbuf)
        ones = jnp.ones((16,), _f32)

        def body(g, _):
            d = dbuf[pl.ds(g * 16, 16)]
            plsc.addupdate_scatter(acc, [d], ones)
            return _

        lax.fori_loop(0, G16, body, None)
        pltpu.sync_copy(acc, out_hbm.at[w])

    @functools.partial(
        pl.kernel,
        out_type=jax.ShapeDtypeStruct((NW, NPAD), _f32),
        mesh=mesh,
        compiler_params=pltpu.CompilerParams(needs_layout_passes=False),
        scratch_types=[
            pltpu.VMEM((NPAD,), _f32),
            pltpu.VMEM((NPAD,), _f32),
            pltpu.VMEM((CH,), _i32),
            pltpu.VMEM((CH,), _i32),
        ],
    )
    def _sc_agg_scalar(q_hbm, src_hbm, dst_hbm, out_hbm, qbuf, acc, sbuf, dbuf):
        w = lax.axis_index("s") * NC + lax.axis_index("c")
        _zero_vmem_1d(acc, NPAD)
        pltpu.sync_copy(q_hbm, qbuf)
        for k in range(EPT // CH):
            pltpu.sync_copy(src_hbm.at[w, pl.ds(k * CH, CH)], sbuf)
            pltpu.sync_copy(dst_hbm.at[w, pl.ds(k * CH, CH)], dbuf)

            def body(g, _):
                si = sbuf[pl.ds(g * 16, 16)]
                vals = plsc.load_gather(qbuf, [si])
                di = dbuf[pl.ds(g * 16, 16)]
                plsc.addupdate_scatter(acc, [di], vals)
                return _

            lax.fori_loop(0, CH // 16, body, None)
        pltpu.sync_copy(acc, out_hbm.at[w])

    def _wide_agg_pass(g_hbm, src_hbm, dst_hbm, sidx, didx, rows, semg, sems,
                       shacc, sid, row_off):
        nbuf = len(rows)
        zero = jnp.zeros((16,), _f32)

        def zb(r, _):
            rows[0][r, pl.ds(0, 16)] = zero
            rows[0][r, pl.ds(16, 16)] = zero
            return _

        lax.fori_loop(0, 128, zb, None)
        rows_per_tile = NPAD // NS
        row0 = sid * rows_per_tile

        def zcopy(j, _):
            pltpu.sync_copy(rows[0].at[pl.ds(0, 64)],
                            shacc.at[pl.ds(row0 + j * 64, 64)])
            return _

        lax.fori_loop(0, rows_per_tile // 64, zcopy, None)
        plsc.subcore_barrier()

        def gather_start(g, b):
            pltpu.async_copy(g_hbm.at[sidx.at[g]], rows[b], semg[b])

        def gather_wait(b):
            pltpu.make_async_copy(g_hbm.at[sidx.at[0]], rows[b],
                                  semg[b]).wait()

        def scatter_start(g, b):
            pltpu.async_copy(rows[b], shacc.at[didx.at[g]], sems[b], add=True)

        def scatter_wait(g, b):
            pltpu.make_async_copy(rows[b], shacc.at[didx.at[g]],
                                  sems[b]).wait()

        def chunk_body(ci, _):
            pltpu.sync_copy(src_hbm.at[sid, pl.ds(ci * KI, KI)], sidx)
            pltpu.sync_copy(dst_hbm.at[sid, pl.ds(ci * KI, KI)], didx)

            def addoff(t, _):
                k = t // 8
                j = (t % 8) * 16
                sidx[k, pl.ds(j, 16)] = sidx[k, pl.ds(j, 16)] + row_off
                return _

            lax.fori_loop(0, KI * 8, addoff, None)
            for b in range(nbuf):
                gather_start(b, b)

            def round_body(r, _):
                g0 = r * nbuf
                for b in range(nbuf):
                    gather_wait(b)
                    scatter_start(g0 + b, b)
                for b in range(nbuf):
                    @pl.when(g0 + nbuf + b < KI)
                    def _next():
                        scatter_wait(g0 + b, b)
                        gather_start(g0 + nbuf + b, b)
                return _

            lax.fori_loop(0, KI // nbuf, round_body, None)
            for b in range(nbuf):
                scatter_wait(KI - nbuf + b, b)
            return _

        lax.fori_loop(0, GDW // KI, chunk_body, None)
        plsc.subcore_barrier()

    _NBUF = 4
    _wide_scratch = (
        [pltpu.VMEM((KI, 128), _i32),
         pltpu.VMEM((KI, 128), _i32)]
        + [pltpu.VMEM((128, HH), _f32) for _ in range(_NBUF)]
        + [pltpu.SemaphoreType.DMA for _ in range(2 * _NBUF)]
        + [pltpu.VMEM_SHARED((NPAD, HH), _f32)]
    )
    _wide_params = pltpu.CompilerParams(needs_layout_passes=False,
                                        use_tc_tiling_on_sc=False)

    @functools.partial(
        pl.kernel,
        out_type=jax.ShapeDtypeStruct((NC, NPAD, HH), _f32),
        mesh=mesh,
        compiler_params=_wide_params,
        scratch_types=list(_wide_scratch),
    )
    def _sc_agg_64(g_hbm, src_hbm, dst_hbm, out_hbm, sidx, didx,
                   r0, r1, r2, r3, sg0, sg1, sg2, sg3, ss0, ss1, ss2, ss3,
                   shacc):
        cid = lax.axis_index("c")
        sid = lax.axis_index("s")
        _wide_agg_pass(g_hbm, src_hbm, dst_hbm, sidx, didx,
                       (r0, r1, r2, r3), (sg0, sg1, sg2, sg3),
                       (ss0, ss1, ss2, ss3), shacc, sid, cid * NPAD)

        @pl.when(sid == 0)
        def _writeback():
            pltpu.sync_copy(shacc, out_hbm.at[cid])

    @functools.partial(
        pl.kernel,
        out_type=jax.ShapeDtypeStruct((CK, NPAD, HH), _f32),
        mesh=mesh,
        compiler_params=_wide_params,
        scratch_types=list(_wide_scratch),
    )
    def _sc_agg_320(g_hbm, src_hbm, dst_hbm, out_hbm, sidx, didx,
                    r0, r1, r2, r3, sg0, sg1, sg2, sg3, ss0, ss1, ss2, ss3,
                    shacc):
        cid = lax.axis_index("c")
        sid = lax.axis_index("s")
        for cc in range(CK // NC):
            chunk = cid * (CK // NC) + cc
            _wide_agg_pass(g_hbm, src_hbm, dst_hbm, sidx, didx,
                           (r0, r1, r2, r3), (sg0, sg1, sg2, sg3),
                           (ss0, ss1, ss2, ss3), shacc, sid, chunk * NPAD)

            @pl.when(sid == 0)
            def _writeback():
                pltpu.sync_copy(shacc, out_hbm.at[chunk])

            plsc.subcore_barrier()

    return _sc_degree, _sc_agg_scalar, _sc_agg_64, _sc_agg_320




def _tc1_body(degp_ref, x_ref, dinv_ref, q_ref):
    deg = jnp.sum(degp_ref[...], axis=0, keepdims=True) + 1.0
    dinv = 1.0 / jnp.sqrt(deg)
    dinv_ref[...] = dinv
    q_ref[...] = dinv * x_ref[...]


def _tc2a_body(yp_ref, dinv_ref, q_ref, s_ref):
    dinv = dinv_ref[...]
    s_ref[...] = dinv * jnp.sum(yp_ref[...], axis=0, keepdims=True) \
        + dinv * q_ref[...]


def _tc2b_body(s_ref, dinv_ref, w1_ref, w2_ref, m2s_ref):
    h1 = jnp.maximum(s_ref[...] * w1_ref[...], 0.0)
    m2 = jnp.dot(h1, w2_ref[...], preferred_element_type=_f32)
    m2s = dinv_ref[...] * m2
    for c in range(CK):
        m2s_ref[c] = m2s[:, c * HH:(c + 1) * HH]


def _tc3_body(y2_ref, m2s_ref, dinv_ref, b2_ref, w3_ref, g3_ref):
    dinv = dinv_ref[...]
    y2 = jnp.concatenate([y2_ref[c] for c in range(CK)], axis=1)
    m2s = jnp.concatenate([m2s_ref[c] for c in range(CK)], axis=1)
    z2 = dinv * (y2 + m2s) + b2_ref[...]
    h2 = jnp.maximum(z2, 0.0)
    g = jnp.dot(h2, w3_ref[...], preferred_element_type=_f32)
    gs = dinv * g
    g3_ref[0] = gs[:, :HH]
    g3_ref[1] = gs[:, HH:]


def _tc4_body(y3_ref, g3_ref, dinv_ref, b3_ref, w4_ref, b4_ref, out_ref):
    dinv = dinv_ref[...]
    b3 = b3_ref[...]
    w4 = w4_ref[...]
    za = dinv * (y3_ref[0] + g3_ref[0]) + b3[:, :HH]
    zb = dinv * (y3_ref[1] + g3_ref[1]) + b3[:, HH:]
    h3 = jnp.concatenate([jnp.maximum(za, 0.0), jnp.maximum(zb, 0.0)], axis=1)
    out_ref[...] = jnp.dot(h3, w4, preferred_element_type=_f32) + b4_ref[...]


def _tc1(deg_part, x_row):
    return pl.pallas_call(
        _tc1_body,
        out_shape=[jax.ShapeDtypeStruct((1, NPAD), _f32),
                   jax.ShapeDtypeStruct((1, NPAD), _f32)],
    )(deg_part, x_row)


def _tc2a(y_part, dinv_row, q_row):
    return pl.pallas_call(
        _tc2a_body,
        out_shape=jax.ShapeDtypeStruct((1, NPAD), _f32),
    )(y_part, dinv_row, q_row)


def _tc2b(s_col, dinv_col, w1_row, W2):
    nb = NPAD // RB
    col_spec = pl.BlockSpec((RB, 1), lambda i: (i, 0))
    return pl.pallas_call(
        _tc2b_body,
        grid=(nb,),
        in_specs=[
            col_spec, col_spec,
            pl.BlockSpec((1, H1), lambda i: (0, 0)),
            pl.BlockSpec((H1, H2), lambda i: (0, 0)),
        ],
        out_specs=pl.BlockSpec((CK, RB, HH), lambda i: (0, i, 0)),
        out_shape=jax.ShapeDtypeStruct((CK, NPAD, HH), _f32),
    )(s_col, dinv_col, w1_row, W2)


def _tc3(y2, m2s, dinv_col, b2_row, W3):
    nb = NPAD // RB
    chunk_spec = pl.BlockSpec((CK, RB, HH), lambda i: (0, i, 0))
    return pl.pallas_call(
        _tc3_body,
        grid=(nb,),
        in_specs=[
            chunk_spec, chunk_spec,
            pl.BlockSpec((RB, 1), lambda i: (i, 0)),
            pl.BlockSpec((1, H2), lambda i: (0, 0)),
            pl.BlockSpec((H2, H3), lambda i: (0, 0)),
        ],
        out_specs=pl.BlockSpec((NC, RB, HH), lambda i: (0, i, 0)),
        out_shape=jax.ShapeDtypeStruct((NC, NPAD, HH), _f32),
    )(y2, m2s, dinv_col, b2_row, W3)


def _tc4(y3, g3, dinv_col, b3_row, W4, b4_row):
    nb = NPAD // RB
    half_spec = pl.BlockSpec((NC, RB, HH), lambda i: (0, i, 0))
    return pl.pallas_call(
        _tc4_body,
        grid=(nb,),
        in_specs=[
            half_spec, half_spec,
            pl.BlockSpec((RB, 1), lambda i: (i, 0)),
            pl.BlockSpec((1, H3), lambda i: (0, 0)),
            pl.BlockSpec((H3, 1), lambda i: (0, 0)),
            pl.BlockSpec((1, 1), lambda i: (0, 0)),
        ],
        out_specs=pl.BlockSpec((RB, 1), lambda i: (i, 0)),
        out_shape=jax.ShapeDtypeStruct((NPAD, 1), _f32),
    )(y3, g3, dinv_col, b3_row, W4, b4_row)




def kernel(x, edge_index, W1, b1, W2, b2, W3, b3, W4, b4):
    del b1
    sc_degree, sc_agg_scalar, sc_agg_64, sc_agg_320 = _sc_kernels()
    src = edge_index[0]
    dst = edge_index[1]
    pad = E_PAD - E
    src_p = jnp.concatenate([src, jnp.zeros((pad,), _i32)])
    dst_p = jnp.concatenate([dst, jnp.full((pad,), TRASH, _i32)])
    src32 = src_p.reshape(NW, EPT)
    dst32 = dst_p.reshape(NW, EPT)
    srcW = src_p.reshape(NS, GDW, 128)
    dstW = dst_p.reshape(NS, GDW, 128)
    x_row = jnp.concatenate(
        [x[:, 0], jnp.zeros((NPAD - N,), _f32)]).reshape(1, NPAD)

    deg_part = sc_degree(dst32)
    dinv_row, q_row = _tc1(deg_part, x_row)

    y_part = sc_agg_scalar(q_row.reshape(NPAD), src32, dst32)
    s_row = _tc2a(y_part, dinv_row, q_row)

    s_col = s_row.reshape(NPAD, 1)
    dinv_col = dinv_row.reshape(NPAD, 1)
    m2s = _tc2b(s_col, dinv_col, W1, W2)

    y2 = sc_agg_320(m2s.reshape(CK * NPAD, HH), srcW, dstW)

    g3 = _tc3(y2, m2s, dinv_col, b2.reshape(1, H1), W3)

    y3 = sc_agg_64(g3.reshape(NC * NPAD, HH), srcW, dstW)

    out_pad = _tc4(y3, g3, dinv_col, b3.reshape(1, H3), W4, b4.reshape(1, 1))
    return out_pad[:N]

# --- scband reference (transcript-rebuilt; emitter-appended) ---
"""Pipeline reference for scband-gcn-net-15358803050744 (READ-ONLY COPY).

The authoritative reference and input builder live on the scoring server;
editing this copy changes nothing except your own understanding.
"""

import jax, jax.numpy as jnp
import numpy as np

N_NODES = 50000
N_EDGES = 800000
H1 = 320
H2 = 320
H3 = 64


def _glorot(key, shape):
    fan_in, fan_out = shape[0], shape[1]
    scale = jnp.sqrt(6.0 / (fan_in + fan_out))
    return jax.random.uniform(key, shape, dtype=jnp.float32, minval=-scale, maxval=scale)


def gcn_conv(x, edge_index, W, b):
    # Faithful PyG GCNConv: x' = D^{-1/2} (A + I) D^{-1/2} X W + b
    n = x.shape[0]
    x = x @ W
    loops = jnp.arange(n, dtype=edge_index.dtype)
    src = jnp.concatenate([edge_index[0], loops])
    dst = jnp.concatenate([edge_index[1], loops])
    ones = jnp.ones(src.shape[0], dtype=x.dtype)
    deg = jax.ops.segment_sum(ones, dst, num_segments=n)
    dinv = jnp.where(deg > 0, 1.0 / jnp.sqrt(deg), 0.0)
    norm = dinv[src] * dinv[dst]
    msg = x[src] * norm[:, None]
    out = jax.ops.segment_sum(msg, dst, num_segments=n)
    return out + b


def setup_inputs(seed: int = 0) -> dict:
    key = jax.random.key(seed)
    ks = jax.random.split(key, 12)
    x = jax.random.normal(ks[0], (N_NODES, 1), dtype=jnp.float32)
    edge_index = jax.random.randint(ks[1], (2, N_EDGES), 0, N_NODES, dtype=jnp.int32)
    W1 = _glorot(ks[2], (1, H1))
    b1 = jnp.zeros((H1,), dtype=jnp.float32)
    W2 = _glorot(ks[3], (H1, H2))
    b2 = jnp.zeros((H2,), dtype=jnp.float32)
    W3 = _glorot(ks[4], (H2, H3))
    b3 = jnp.zeros((H3,), dtype=jnp.float32)
    W4 = _glorot(ks[5], (H3, 1))
    b4 = jnp.zeros((1,), dtype=jnp.float32)
    return {"x": x, "edge_index": edge_index, "W1": W1, "b1": b1, "W2": W2, "b2": b2, "W3": W3, "b3": b3, "W4": W4, "b4": b4}


def reference(x, edge_index, W1, b1, W2, b2, W3, b3, W4, b4):
    h = jax.nn.relu(gcn_conv(x, edge_index, W1, b1))
    h = jax.nn.relu(gcn_conv(h, edge_index, W2, b2))
    h = jax.nn.relu(gcn_conv(h, edge_index, W3, b3))
    return h @ W4 + b4

if __name__ == "__main__":
    import jax
    _d = setup_inputs()
    print(jax.jit(kernel)(*tuple(_d.values())))

</pallas_src>

<mosaic_0001>
#map = affine_map<(d0, d1) -> (0, 0)>
#map1 = affine_map<(d0, d1) -> (0, 0, 0)>
module attributes {stable_mosaic.version = 14 : i64} {
  func.func @_sc_agg_320(%arg0: i32, %arg1: i32, %arg2: memref<501760x32xf32, #tpu.memory_space<hbm>>, %arg3: memref<16x392x128xi32, #tpu.memory_space<hbm>>, %arg4: memref<16x392x128xi32, #tpu.memory_space<hbm>>, %arg5: memref<10x50176x32xf32, #tpu.memory_space<hbm>>, %arg6: memref<28x128xi32, #tpu.memory_space<vmem>>, %arg7: memref<28x128xi32, #tpu.memory_space<vmem>>, %arg8: memref<128x32xf32, #tpu.memory_space<vmem>>, %arg9: memref<128x32xf32, #tpu.memory_space<vmem>>, %arg10: memref<128x32xf32, #tpu.memory_space<vmem>>, %arg11: memref<128x32xf32, #tpu.memory_space<vmem>>, %arg12: memref<!tpu.dma_semaphore, #tpu.memory_space<semaphore_mem>>, %arg13: memref<!tpu.dma_semaphore, #tpu.memory_space<semaphore_mem>>, %arg14: memref<!tpu.dma_semaphore, #tpu.memory_space<semaphore_mem>>, %arg15: memref<!tpu.dma_semaphore, #tpu.memory_space<semaphore_mem>>, %arg16: memref<!tpu.dma_semaphore, #tpu.memory_space<semaphore_mem>>, %arg17: memref<!tpu.dma_semaphore, #tpu.memory_space<semaphore_mem>>, %arg18: memref<!tpu.dma_semaphore, #tpu.memory_space<semaphore_mem>>, %arg19: memref<!tpu.dma_semaphore, #tpu.memory_space<semaphore_mem>>, %arg20: memref<50176x32xf32, #tpu.memory_space<vmem_shared>>) attributes {dimension_semantics = [#tpu.dimension_semantics<core_parallel>, #tpu.dimension_semantics<subcore_parallel>], iteration_bounds = array<i64: 2, 16>, scalar_prefetch = 0 : i64, scratch_operands = 15 : i64, tpu.core_type = #tpu.core_type<sc_vector_subcore>, window_params = [{transform_indices = #map}, {transform_indices = #map1}, {transform_indices = #map1}, {transform_indices = #map1}]} {
    %mul3A = arith.constant 5 : i32
    %mul3A_0 = arith.muli %arg0, %mul3A : i32
    %add3A = arith.constant 0 : i32
    %add3A_1 = arith.addi %mul3A_0, %add3A : i32
    %mul3A_2 = arith.constant 50176 : i32
    %mul3A_3 = arith.muli %add3A_1, %mul3A_2 : i32
    %broadcast_in_dim3A = arith.constant 0.000000e+00 : f32
    %broadcast_in_dim3A_4 = vector.broadcast %broadcast_in_dim3A : f32 to vector<16xf32>
    %scan3A = arith.constant 0 : i32
    %scan3A_5 = arith.constant 128 : i32
    %scan3A_6 = arith.addi %scan3A, %scan3A_5 : i32
    %scan3A_7 = arith.constant 1 : i32
    scf.for %scan3A_157 = %scan3A to %scan3A_6 step %scan3A_7  : i32 {
      %swap3A = arith.index_cast %scan3A_157 : i32 to index
      %swap3A_158 = arith.constant 0 : index
      %swap3A_159 = tpu.vector_load %arg8[%swap3A, %swap3A_158] {strides = array<i32>} : memref<128x32xf32, #tpu.memory_space<vmem>>, vector<16xf32>,
      tpu.vector_store %arg8[%swap3A, %swap3A_158], %broadcast_in_dim3A_4 {strides = array<i32>} : memref<128x32xf32, #tpu.memory_space<vmem>>, vector<16xf32>,
      %swap3A_160 = arith.index_cast %scan3A_157 : i32 to index
      %swap3A_161 = arith.constant 16 : index
      %swap3A_162 = tpu.vector_load %arg8[%swap3A_160, %swap3A_161] {strides = array<i32>} : memref<128x32xf32, #tpu.memory_space<vmem>>, vector<16xf32>,
      tpu.vector_store %arg8[%swap3A_160, %swap3A_161], %broadcast_in_dim3A_4 {strides = array<i32>} : memref<128x32xf32, #tpu.memory_space<vmem>>, vector<16xf32>,
    }
    %scan3A_8 = arith.constant 128 : i32
    %mul3A_9 = arith.constant 3136 : i32
    %mul3A_10 = arith.muli %arg1, %mul3A_9 : i32
    %scan3A_11 = arith.constant 0 : i32
    %scan3A_12 = arith.constant 49 : i32
    %scan3A_13 = arith.addi %scan3A_11, %scan3A_12 : i32
    %scan3A_14 = arith.constant 1 : i32
    scf.for %scan3A_157 = %scan3A_11 to %scan3A_13 step %scan3A_14  : i32 {
      %mul3A_158 = arith.constant 64 : i32
      %mul3A_159 = arith.muli %scan3A_157, %mul3A_158 : i32
      %add3A_160 = arith.addi %mul3A_10, %mul3A_159 : i32
      "tpu.region"() ({
        %run_scoped3A = tpu.sem_alloc : memref<!tpu.dma_semaphore, #tpu.memory_space<semaphore_mem>>
        %dma_start3A = arith.constant 0 : i32
        %dma_start3A_161 = arith.constant 0 : i32
        %dma_start3A_162 = tpu.memref_slice %arg8[%dma_start3A, %dma_start3A_161] : memref<128x32xf32, #tpu.memory_space<vmem>> -> memref<64x32xf32, #tpu.memory_space<vmem>>
        %dma_start3A_163 = arith.constant 0 : i32
        %dma_start3A_164 = tpu.memref_slice %arg20[%add3A_160, %dma_start3A_163] : memref<50176x32xf32, #tpu.memory_space<vmem_shared>> -> memref<64x32xf32, #tpu.memory_space<vmem_shared>>
        %dma_start3A_165 = arith.constant 0 : i32
        %dma_start3A_166 = tpu.memref_slice %arg20[%add3A_160, %dma_start3A_165] : memref<50176x32xf32, #tpu.memory_space<vmem_shared>> -> memref<64x32xf32, #tpu.memory_space<vmem_shared>>
        %dma_start3A_167 = arith.constant 0 : i32
        %dma_start3A_168 = arith.constant 0 : i32
        %dma_start3A_169 = tpu.memref_slice %arg8[%dma_start3A_167, %dma_start3A_168] : memref<128x32xf32, #tpu.memory_space<vmem>> -> memref<64x32xf32, #tpu.memory_space<vmem>>
        tpu.enqueue_dma source(%dma_start3A_169 : memref<64x32xf32, #tpu.memory_space<vmem>>) target(%dma_start3A_166 : memref<64x32xf32, #tpu.memory_space<vmem_shared>>) target_semaphore(%run_scoped3A : memref<!tpu.dma_semaphore, #tpu.memory_space<semaphore_mem>>)
        %dma_wait3A = arith.constant 0 : i32
        %dma_wait3A_170 = arith.constant 0 : i32
        %dma_wait3A_171 = tpu.memref_slice %arg8[%dma_wait3A, %dma_wait3A_170] : memref<128x32xf32, #tpu.memory_space<vmem>> -> memref<64x32xf32, #tpu.memory_space<vmem>>
        %dma_wait3A_172 = arith.constant 0 : i32
        %dma_wait3A_173 = tpu.memref_slice %arg20[%add3A_160, %dma_wait3A_172] : memref<50176x32xf32, #tpu.memory_space<vmem_shared>> -> memref<64x32xf32, #tpu.memory_space<vmem_shared>>
        %dma_wait3A_174 = arith.constant 0 : i32
        %dma_wait3A_175 = tpu.memref_slice %arg20[%add3A_160, %dma_wait3A_174] : memref<50176x32xf32, #tpu.memory_space<vmem_shared>> -> memref<64x32xf32, #tpu.memory_space<vmem_shared>>
        %dma_wait3A_176 = arith.constant 0 : i32
        %dma_wait3A_177 = arith.constant 0 : i32
        %dma_wait3A_178 = tpu.memref_slice %arg8[%dma_wait3A_176, %dma_wait3A_177] : memref<128x32xf32, #tpu.memory_space<vmem>> -> memref<64x32xf32, #tpu.memory_space<vmem>>
        tpu.wait_dma2 semaphore(%run_scoped3A : memref<!tpu.dma_semaphore, #tpu.memory_space<semaphore_mem>>) src(%dma_wait3A_178 : memref<64x32xf32, #tpu.memory_space<vmem>>) dst(%dma_wait3A_175 : memref<64x32xf32, #tpu.memory_space<vmem_shared>>)
        tpu.yield
      }) : () -> ()
    }
    %scan3A_15 = arith.constant 49 : i32
    %barrier3A = arith.constant 0 : index
    tpu.barrier barrier_id(%barrier3A)
    %scan3A_16 = arith.constant 0 : i32
    %scan3A_17 = arith.constant 14 : i32
    %scan3A_18 = arith.addi %scan3A_16, %scan3A_17 : i32
    %scan3A_19 = arith.constant 1 : i32
    scf.for %scan3A_157 = %scan3A_16 to %scan3A_18 step %scan3A_19  : i32 {
      %mul3A_158 = arith.constant 28 : i32
      %mul3A_159 = arith.muli %scan3A_157, %mul3A_158 : i32
      "tpu.region"() ({
        %run_scoped3A = tpu.sem_alloc : memref<!tpu.dma_semaphore, #tpu.memory_space<semaphore_mem>>
        %dma_start3A_226 = arith.constant 0 : i32
        %dma_start3A_227 = tpu.memref_slice %arg3[%arg1, %mul3A_159, %dma_start3A_226] : memref<16x392x128xi32, #tpu.memory_space<hbm>> -> memref<1x28x128xi32, #tpu.memory_space<hbm>>
        %dma_start3A_228 = tpu.memref_squeeze %dma_start3A_227 : memref<1x28x128xi32, #tpu.memory_space<hbm>> -> memref<28x128xi32, #tpu.memory_space<hbm>>
        %dma_start3A_229 = arith.constant 0 : i32
        %dma_start3A_230 = tpu.memref_slice %arg3[%arg1, %mul3A_159, %dma_start3A_229] : memref<16x392x128xi32, #tpu.memory_space<hbm>> -> memref<1x28x128xi32, #tpu.memory_space<hbm>>
        %dma_start3A_231 = tpu.memref_squeeze %dma_start3A_230 : memref<1x28x128xi32, #tpu.memory_space<hbm>> -> memref<28x128xi32, #tpu.memory_space<hbm>>
        tpu.enqueue_dma source(%dma_start3A_231 : memref<28x128xi32, #tpu.memory_space<hbm>>) target(%arg6 : memref<28x128xi32, #tpu.memory_space<vmem>>) target_semaphore(%run_scoped3A : memref<!tpu.dma_semaphore, #tpu.memory_space<semaphore_mem>>)
        %dma_wait3A_232 = arith.constant 0 : i32
        %dma_wait3A_233 = tpu.memref_slice %arg3[%arg1, %mul3A_159, %dma_wait3A_232] : memref<16x392x128xi32, #tpu.memory_space<hbm>> -> memref<1x28x128xi32, #tpu.memory_space<hbm>>
        %dma_wait3A_234 = tpu.memref_squeeze %dma_wait3A_233 : memref<1x28x128xi32, #tpu.memory_space<hbm>> -> memref<28x128xi32, #tpu.memory_space<hbm>>
        %dma_wait3A_235 = arith.constant 0 : i32
        %dma_wait3A_236 = tpu.memref_slice %arg3[%arg1, %mul3A_159, %dma_wait3A_235] : memref<16x392x128xi32, #tpu.memory_space<hbm>> -> memref<1x28x128xi32, #tpu.memory_space<hbm>>
        %dma_wait3A_237 = tpu.memref_squeeze %dma_wait3A_236 : memref<1x28x128xi32, #tpu.memory_space<hbm>> -> memref<28x128xi32, #tpu.memory_space<hbm>>
        tpu.wait_dma2 semaphore(%run_scoped3A : memref<!tpu.dma_semaphore, #tpu.memory_space<semaphore_mem>>) src(%dma_wait3A_237 : memref<28x128xi32, #tpu.memory_space<hbm>>) dst(%arg6 : memref<28x128xi32, #tpu.memory_space<vmem>>)
        tpu.yield
      }) : () -> ()
      %mul3A_160 = arith.constant 28 : i32
      %mul3A_161 = arith.muli %scan3A_157, %mul3A_160 : i32
      "tpu.region"() ({
        %run_scoped3A = tpu.sem_alloc : memref<!tpu.dma_semaphore, #tpu.memory_space<semaphore_mem>>
        %dma_start3A_226 = arith.constant 0 : i32
        %dma_start3A_227 = tpu.memref_slice %arg4[%arg1, %mul3A_161, %dma_start3A_226] : memref<16x392x128xi32, #tpu.memory_space<hbm>> -> memref<1x28x128xi32, #tpu.memory_space<hbm>>
        %dma_start3A_228 = tpu.memref_squeeze %dma_start3A_227 : memref<1x28x128xi32, #tpu.memory_space<hbm>> -> memref<28x128xi32, #tpu.memory_space<hbm>>
        %dma_start3A_229 = arith.constant 0 : i32
        %dma_start3A_230 = tpu.memref_slice %arg4[%arg1, %mul3A_161, %dma_start3A_229] : memref<16x392x128xi32, #tpu.memory_space<hbm>> -> memref<1x28x128xi32, #tpu.memory_space<hbm>>
        %dma_start3A_231 = tpu.memref_squeeze %dma_start3A_230 : memref<1x28x128xi32, #tpu.memory_space<hbm>> -> memref<28x128xi32, #tpu.memory_space<hbm>>
        tpu.enqueue_dma source(%dma_start3A_231 : memref<28x128xi32, #tpu.memory_space<hbm>>) target(%arg7 : memref<28x128xi32, #tpu.memory_space<vmem>>) target_semaphore(%run_scoped3A : memref<!tpu.dma_semaphore, #tpu.memory_space<semaphore_mem>>)
        %dma_wait3A_232 = arith.constant 0 : i32
        %dma_wait3A_233 = tpu.memref_slice %arg4[%arg1, %mul3A_161, %dma_wait3A_232] : memref<16x392x128xi32, #tpu.memory_space<hbm>> -> memref<1x28x128xi32, #tpu.memory_space<hbm>>
        %dma_wait3A_234 = tpu.memref_squeeze %dma_wait3A_233 : memref<1x28x128xi32, #tpu.memory_space<hbm>> -> memref<28x128xi32, #tpu.memory_space<hbm>>
        %dma_wait3A_235 = arith.constant 0 : i32
        %dma_wait3A_236 = tpu.memref_slice %arg4[%arg1, %mul3A_161, %dma_wait3A_235] : memref<16x392x128xi32, #tpu.memory_space<hbm>> -> memref<1x28x128xi32, #tpu.memory_space<hbm>>
        %dma_wait3A_237 = tpu.memref_squeeze %dma_wait3A_236 : memref<1x28x128xi32, #tpu.memory_space<hbm>> -> memref<28x128xi32, #tpu.memory_space<hbm>>
        tpu.wait_dma2 semaphore(%run_scoped3A : memref<!tpu.dma_semaphore, #tpu.memory_space<semaphore_mem>>) src(%dma_wait3A_237 : memref<28x128xi32, #tpu.memory_space<hbm>>) dst(%arg7 : memref<28x128xi32, #tpu.memory_space<vmem>>)
        tpu.yield
      }) : () -> ()
      %scan3A_162 = arith.constant 0 : i32
      %scan3A_163 = arith.constant 224 : i32
      %scan3A_164 = arith.addi %scan3A_162, %scan3A_163 : i32
      %scan3A_165 = arith.constant 1 : i32
      scf.for %scan3A_226 = %scan3A_162 to %scan3A_164 step %scan3A_165  : i32 {
        %jit3A = arith.constant 8 : i32
        %div3A = arith.divsi %scan3A_226, %jit3A : i32
        %sign3A = arith.constant 0 : i32
        %sign3A_227 = arith.cmpi sgt, %scan3A_226, %sign3A : i32
        %sign3A_228 = arith.extui %sign3A_227 : i1 to i32
        %sign3A_229 = arith.constant 0 : i32
        %sign3A_230 = arith.cmpi slt, %scan3A_226, %sign3A_229 : i32
        %sign3A_231 = arith.extui %sign3A_230 : i1 to i32
        %sign3A_232 = arith.subi %sign3A_228, %sign3A_231 : i32
        %sign3A_233 = arith.constant 0 : i32
        %sign3A_234 = arith.cmpi sgt, %jit3A, %sign3A_233 : i32
        %sign3A_235 = arith.extui %sign3A_234 : i1 to i32
        %sign3A_236 = arith.constant 0 : i32
        %sign3A_237 = arith.cmpi slt, %jit3A, %sign3A_236 : i32
        %sign3A_238 = arith.extui %sign3A_237 : i1 to i32
        %sign3A_239 = arith.subi %sign3A_235, %sign3A_238 : i32
        %ne3A = arith.cmpi ne, %sign3A_232, %sign3A_239 : i32
        %rem3A = arith.remsi %scan3A_226, %jit3A : i32
        %ne3A_240 = arith.constant 0 : i32
        %ne3A_241 = arith.cmpi ne, %rem3A, %ne3A_240 : i32
        %and3A = arith.andi %ne3A, %ne3A_241 : i1
        %sub3A = arith.constant 1 : i32
        %sub3A_242 = arith.subi %div3A, %sub3A : i32
        %select_n3A = arith.select %and3A, %sub3A_242, %div3A : i32
        %jit3A_243 = arith.constant 8 : i32
        %eq3A_244 = arith.constant 0 : i32
        %eq3A_245 = arith.cmpi eq, %jit3A_243, %eq3A_244 : i32
        %jit3A_246 = arith.constant 1 : i32
        %select_n3A_247 = arith.select %eq3A_245, %jit3A_246, %jit3A_243 : i32
        %rem3A_248 = arith.remsi %scan3A_226, %select_n3A_247 : i32
        %ne3A_249 = arith.constant 0 : i32
        %ne3A_250 = arith.cmpi ne, %rem3A_248, %ne3A_249 : i32
        %lt3A = arith.constant 0 : i32
        %lt3A_251 = arith.cmpi slt, %rem3A_248, %lt3A : i32
        %lt3A_252 = arith.constant 0 : i32
        %lt3A_253 = arith.cmpi slt, %select_n3A_247, %lt3A_252 : i32
        %ne3A_254 = arith.xori %lt3A_251, %lt3A_253 : i1
        %and3A_255 = arith.andi %ne3A_254, %ne3A_250 : i1
        %add3A_256 = arith.addi %rem3A_248, %select_n3A_247 : i32
        %select_n3A_257 = arith.select %and3A_255, %add3A_256, %rem3A_248 : i32
        %mul3A_258 = arith.constant 16 : i32
        %mul3A_259 = arith.muli %select_n3A_257, %mul3A_258 : i32
        %get3A = arith.index_cast %select_n3A : i32 to index
        %get3A_260 = arith.index_cast %mul3A_259 : i32 to index
        %get3A_261 = tpu.vector_load %arg6[%get3A, %get3A_260] {strides = array<i32>} : memref<28x128xi32, #tpu.memory_space<vmem>>, vector<16xi32>,
        %add3A_262 = vector.broadcast %mul3A_3 : i32 to vector<16xi32>
        %add3A_263 = arith.addi %get3A_261, %add3A_262 : vector<16xi32>
        %swap3A = arith.index_cast %select_n3A : i32 to index
        %swap3A_264 = arith.index_cast %mul3A_259 : i32 to index
        %swap3A_265 = tpu.vector_load %arg6[%swap3A, %swap3A_264] {strides = array<i32>} : memref<28x128xi32, #tpu.memory_space<vmem>>, vector<16xi32>,
        tpu.vector_store %arg6[%swap3A, %swap3A_264], %add3A_263 {strides = array<i32>} : memref<28x128xi32, #tpu.memory_space<vmem>>, vector<16xi32>,
      }
      %scan3A_166 = arith.constant 224 : i32
      %dma_start3A = arith.constant 0 : i32
      %dma_start3A_167 = arith.constant 0 : i32
      %dma_start3A_168 = tpu.memref_slice %arg6[%dma_start3A, %dma_start3A_167] : memref<28x128xi32, #tpu.memory_space<vmem>> -> memref<1x128xi32, #tpu.memory_space<vmem>>
      %dma_start3A_169 = tpu.memref_squeeze %dma_start3A_168 : memref<1x128xi32, #tpu.memory_space<vmem>> -> memref<128xi32, #tpu.memory_space<vmem>>
      %dma_start3A_170 = arith.constant 0 : i32
      %dma_start3A_171 = arith.constant 0 : i32
      %dma_start3A_172 = tpu.memref_slice %arg2[%dma_start3A_170, %dma_start3A_171] : memref<501760x32xf32, #tpu.memory_space<hbm>> -> memref<501760x32xf32, #tpu.memory_space<hbm>>
      tpu.enqueue_indirect_dma source(%dma_start3A_172 : memref<501760x32xf32, #tpu.memory_space<hbm>>) target(%arg8 : memref<128x32xf32, #tpu.memory_space<vmem>>) offsets(%dma_start3A_169 : memref<128xi32, #tpu.memory_space<vmem>>) semaphore(%arg12 : memref<!tpu.dma_semaphore, #tpu.memory_space<semaphore_mem>>)
      %dma_start3A_173 = arith.constant 1 : i32
      %dma_start3A_174 = arith.constant 0 : i32
      %dma_start3A_175 = tpu.memref_slice %arg6[%dma_start3A_173, %dma_start3A_174] : memref<28x128xi32, #tpu.memory_space<vmem>> -> memref<1x128xi32, #tpu.memory_space<vmem>>
      %dma_start3A_176 = tpu.memref_squeeze %dma_start3A_175 : memref<1x128xi32, #tpu.memory_space<vmem>> -> memref<128xi32, #tpu.memory_space<vmem>>
      %dma_start3A_177 = arith.constant 0 : i32
      %dma_start3A_178 = arith.constant 0 : i32
      %dma_start3A_179 = tpu.memref_slice %arg2[%dma_start3A_177, %dma_start3A_178] : memref<501760x32xf32, #tpu.memory_space<hbm>> -> memref<501760x32xf32, #tpu.memory_space<hbm>>
      tpu.enqueue_indirect_dma source(%dma_start3A_179 : memref<501760x32xf32, #tpu.memory_space<hbm>>) target(%arg9 : memref<128x32xf32, #tpu.memory_space<vmem>>) offsets(%dma_start3A_176 : memref<128xi32, #tpu.memory_space<vmem>>) semaphore(%arg13 : memref<!tpu.dma_semaphore, #tpu.memory_space<semaphore_mem>>)
      %dma_start3A_180 = arith.constant 2 : i32
      %dma_start3A_181 = arith.constant 0 : i32
      %dma_start3A_182 = tpu.memref_slice %arg6[%dma_start3A_180, %dma_start3A_181] : memref<28x128xi32, #tpu.memory_space<vmem>> -> memref<1x128xi32, #tpu.memory_space<vmem>>
      %dma_start3A_183 = tpu.memref_squeeze %dma_start3A_182 : memref<1x128xi32, #tpu.memory_space<vmem>> -> memref<128xi32, #tpu.memory_space<vmem>>
      %dma_start3A_184 = arith.constant 0 : i32
      %dma_start3A_185 = arith.constant 0 : i32
      %dma_start3A_186 = tpu.memref_slice %arg2[%dma_start3A_184, %dma_start3A_185] : memref<501760x32xf32, #tpu.memory_space<hbm>> -> memref<501760x32xf32, #tpu.memory_space<hbm>>
      tpu.enqueue_indirect_dma source(%dma_start3A_186 : memref<501760x32xf32, #tpu.memory_space<hbm>>) target(%arg10 : memref<128x32xf32, #tpu.memory_space<vmem>>) offsets(%dma_start3A_183 : memref<128xi32, #tpu.memory_space<vmem>>) semaphore(%arg14 : memref<!tpu.dma_semaphore, #tpu.memory_space<semaphore_mem>>)
      %dma_start3A_187 = arith.constant 3 : i32
      %dma_start3A_188 = arith.constant 0 : i32
      %dma_start3A_189 = tpu.memref_slice %arg6[%dma_start3A_187, %dma_start3A_188] : memref<28x128xi32, #tpu.memory_space<vmem>> -> memref<1x128xi32, #tpu.memory_space<vmem>>
      %dma_start3A_190 = tpu.memref_squeeze %dma_start3A_189 : memref<1x128xi32, #tpu.memory_space<vmem>> -> memref<128xi32, #tpu.memory_space<vmem>>
      %dma_start3A_191 = arith.constant 0 : i32
      %dma_start3A_192 = arith.constant 0 : i32
      %dma_start3A_193 = tpu.memref_slice %arg2[%dma_start3A_191, %dma_start3A_192] : memref<501760x32xf32, #tpu.memory_space<hbm>> -> memref<501760x32xf32, #tpu.memory_space<hbm>>
      tpu.enqueue_indirect_dma source(%dma_start3A_193 : memref<501760x32xf32, #tpu.memory_space<hbm>>) target(%arg11 : memref<128x32xf32, #tpu.memory_space<vmem>>) offsets(%dma_start3A_190 : memref<128xi32, #tpu.memory_space<vmem>>) semaphore(%arg15 : memref<!tpu.dma_semaphore, #tpu.memory_space<semaphore_mem>>)
      %scan3A_194 = arith.constant 0 : i32
      %scan3A_195 = arith.constant 7 : i32
      %scan3A_196 = arith.addi %scan3A_194, %scan3A_195 : i32
      %scan3A_197 = arith.constant 1 : i32
      scf.for %scan3A_226 = %scan3A_194 to %scan3A_196 step %scan3A_197  : i32 {
        %mul3A_227 = arith.constant 4 : i32
        %mul3A_228 = arith.muli %scan3A_226, %mul3A_227 : i32
        %dma_wait3A_229 = arith.constant 0 : i32
        %dma_wait3A_230 = arith.constant 0 : i32
        %dma_wait3A_231 = tpu.memref_slice %arg6[%dma_wait3A_229, %dma_wait3A_230] : memref<28x128xi32, #tpu.memory_space<vmem>> -> memref<1x128xi32, #tpu.memory_space<vmem>>
        %dma_wait3A_232 = tpu.memref_squeeze %dma_wait3A_231 : memref<1x128xi32, #tpu.memory_space<vmem>> -> memref<128xi32, #tpu.memory_space<vmem>>
        %dma_wait3A_233 = arith.constant 0 : i32
        %dma_wait3A_234 = arith.constant 0 : i32
        %dma_wait3A_235 = tpu.memref_slice %arg2[%dma_wait3A_233, %dma_wait3A_234] : memref<501760x32xf32, #tpu.memory_space<hbm>> -> memref<501760x32xf32, #tpu.memory_space<hbm>>
        tpu.wait_indirect_dma semaphore(%arg12 : memref<!tpu.dma_semaphore, #tpu.memory_space<semaphore_mem>>) src(%dma_wait3A_235 : memref<501760x32xf32, #tpu.memory_space<hbm>>) dst(%arg8 : memref<128x32xf32, #tpu.memory_space<vmem>>)
        %add3A_236 = arith.constant 0 : i32
        %add3A_237 = arith.addi %mul3A_228, %add3A_236 : i32
        %dma_start3A_238 = arith.constant 0 : i32
        %dma_start3A_239 = tpu.memref_slice %arg7[%add3A_237, %dma_start3A_238] : memref<28x128xi32, #tpu.memory_space<vmem>> -> memref<1x128xi32, #tpu.memory_space<vmem>>
        %dma_start3A_240 = tpu.memref_squeeze %dma_start3A_239 : memref<1x128xi32, #tpu.memory_space<vmem>> -> memref<128xi32, #tpu.memory_space<vmem>>
        %dma_start3A_241 = arith.constant 0 : i32
        %dma_start3A_242 = arith.constant 0 : i32
        %dma_start3A_243 = tpu.memref_slice %arg20[%dma_start3A_241, %dma_start3A_242] : memref<50176x32xf32, #tpu.memory_space<vmem_shared>> -> memref<50176x32xf32, #tpu.memory_space<vmem_shared>>
        tpu.enqueue_indirect_dma source(%arg8 : memref<128x32xf32, #tpu.memory_space<vmem>>) target(%dma_start3A_243 : memref<50176x32xf32, #tpu.memory_space<vmem_shared>>) offsets(%dma_start3A_240 : memref<128xi32, #tpu.memory_space<vmem>>) semaphore(%arg16 : memref<!tpu.dma_semaphore, #tpu.memory_space<semaphore_mem>>) {add = true}
        %dma_wait3A_244 = arith.constant 0 : i32
        %dma_wait3A_245 = arith.constant 0 : i32
        %dma_wait3A_246 = tpu.memref_slice %arg6[%dma_wait3A_244, %dma_wait3A_245] : memref<28x128xi32, #tpu.memory_space<vmem>> -> memref<1x128xi32, #tpu.memory_space<vmem>>
        %dma_wait3A_247 = tpu.memref_squeeze %dma_wait3A_246 : memref<1x128xi32, #tpu.memory_space<vmem>> -> memref<128xi32, #tpu.memory_space<vmem>>
        %dma_wait3A_248 = arith.constant 0 : i32
        %dma_wait3A_249 = arith.constant 0 : i32
        %dma_wait3A_250 = tpu.memref_slice %arg2[%dma_wait3A_248, %dma_wait3A_249] : memref<501760x32xf32, #tpu.memory_space<hbm>> -> memref<501760x32xf32, #tpu.memory_space<hbm>>
        tpu.wait_indirect_dma semaphore(%arg13 : memref<!tpu.dma_semaphore, #tpu.memory_space<semaphore_mem>>) src(%dma_wait3A_250 : memref<501760x32xf32, #tpu.memory_space<hbm>>) dst(%arg9 : memref<128x32xf32, #tpu.memory_space<vmem>>)
        %add3A_251 = arith.constant 1 : i32
        %add3A_252 = arith.addi %mul3A_228, %add3A_251 : i32
        %dma_start3A_253 = arith.constant 0 : i32
        %dma_start3A_254 = tpu.memref_slice %arg7[%add3A_252, %dma_start3A_253] : memref<28x128xi32, #tpu.memory_space<vmem>> -> memref<1x128xi32, #tpu.memory_space<vmem>>
        %dma_start3A_255 = tpu.memref_squeeze %dma_start3A_254 : memref<1x128xi32, #tpu.memory_space<vmem>> -> memref<128xi32, #tpu.memory_space<vmem>>
        %dma_start3A_256 = arith.constant 0 : i32
        %dma_start3A_257 = arith.constant 0 : i32
        %dma_start3A_258 = tpu.memref_slice %arg20[%dma_start3A_256, %dma_start3A_257] : memref<50176x32xf32, #tpu.memory_space<vmem_shared>> -> memref<50176x32xf32, #tpu.memory_space<vmem_shared>>
        tpu.enqueue_indirect_dma source(%arg9 : memref<128x32xf32, #tpu.memory_space<vmem>>) target(%dma_start3A_258 : memref<50176x32xf32, #tpu.memory_space<vmem_shared>>) offsets(%dma_start3A_255 : memref<128xi32, #tpu.memory_space<vmem>>) semaphore(%arg17 : memref<!tpu.dma_semaphore, #tpu.memory_space<semaphore_mem>>) {add = true}
        %dma_wait3A_259 = arith.constant 0 : i32
        %dma_wait3A_260 = arith.constant 0 : i32
        %dma_wait3A_261 = tpu.memref_slice %arg6[%dma_wait3A_259, %dma_wait3A_260] : memref<28x128xi32, #tpu.memory_space<vmem>> -> memref<1x128xi32, #tpu.memory_space<vmem>>
        %dma_wait3A_262 = tpu.memref_squeeze %dma_wait3A_261 : memref<1x128xi32, #tpu.memory_space<vmem>> -> memref<128xi32, #tpu.memory_space<vmem>>
        %dma_wait3A_263 = arith.constant 0 : i32
        %dma_wait3A_264 = arith.constant 0 : i32
        %dma_wait3A_265 = tpu.memref_slice %arg2[%dma_wait3A_263, %dma_wait3A_264] : memref<501760x32xf32, #tpu.memory_space<hbm>> -> memref<501760x32xf32, #tpu.memory_space<hbm>>
        tpu.wait_indirect_dma semaphore(%arg14 : memref<!tpu.dma_semaphore, #tpu.memory_space<semaphore_mem>>) src(%dma_wait3A_265 : memref<501760x32xf32, #tpu.memory_space<hbm>>) dst(%arg10 : memref<128x32xf32, #tpu.memory_space<vmem>>)
        %add3A_266 = arith.constant 2 : i32
        %add3A_267 = arith.addi %mul3A_228, %add3A_266 : i32
        %dma_start3A_268 = arith.constant 0 : i32
        %dma_start3A_269 = tpu.memref_slice %arg7[%add3A_267, %dma_start3A_268] : memref<28x128xi32, #tpu.memory_space<vmem>> -> memref<1x128xi32, #tpu.memory_space<vmem>>
        %dma_start3A_270 = tpu.memref_squeeze %dma_start3A_269 : memref<1x128xi32, #tpu.memory_space<vmem>> -> memref<128xi32, #tpu.memory_space<vmem>>
        %dma_start3A_271 = arith.constant 0 : i32
        %dma_start3A_272 = arith.constant 0 : i32
        %dma_start3A_273 = tpu.memref_slice %arg20[%dma_start3A_271, %dma_start3A_272] : memref<50176x32xf32, #tpu.memory_space<vmem_shared>> -> memref<50176x32xf32, #tpu.memory_space<vmem_shared>>
        tpu.enqueue_indirect_dma source(%arg10 : memref<128x32xf32, #tpu.memory_space<vmem>>) target(%dma_start3A_273 : memref<50176x32xf32, #tpu.memory_space<vmem_shared>>) offsets(%dma_start3A_270 : memref<128xi32, #tpu.memory_space<vmem>>) semaphore(%arg18 : memref<!tpu.dma_semaphore, #tpu.memory_space<semaphore_mem>>) {add = true}
        %dma_wait3A_274 = arith.constant 0 : i32
        %dma_wait3A_275 = arith.constant 0 : i32
        %dma_wait3A_276 = tpu.memref_slice %arg6[%dma_wait3A_274, %dma_wait3A_275] : memref<28x128xi32, #tpu.memory_space<vmem>> -> memref<1x128xi32, #tpu.memory_space<vmem>>
        %dma_wait3A_277 = tpu.memref_squeeze %dma_wait3A_276 : memref<1x128xi32, #tpu.memory_space<vmem>> -> memref<128xi32, #tpu.memory_space<vmem>>
        %dma_wait3A_278 = arith.constant 0 : i32
        %dma_wait3A_279 = arith.constant 0 : i32
        %dma_wait3A_280 = tpu.memref_slice %arg2[%dma_wait3A_278, %dma_wait3A_279] : memref<501760x32xf32, #tpu.memory_space<hbm>> -> memref<501760x32xf32, #tpu.memory_space<hbm>>
        tpu.wait_indirect_dma semaphore(%arg15 : memref<!tpu.dma_semaphore, #tpu.memory_space<semaphore_mem>>) src(%dma_wait3A_280 : memref<501760x32xf32, #tpu.memory_space<hbm>>) dst(%arg11 : memref<128x32xf32, #tpu.memory_space<vmem>>)
        %add3A_281 = arith.constant 3 : i32
        %add3A_282 = arith.addi %mul3A_228, %add3A_281 : i32
        %dma_start3A_283 = arith.constant 0 : i32
        %dma_start3A_284 = tpu.memref_slice %arg7[%add3A_282, %dma_start3A_283] : memref<28x128xi32, #tpu.memory_space<vmem>> -> memref<1x128xi32, #tpu.memory_space<vmem>>
        %dma_start3A_285 = tpu.memref_squeeze %dma_start3A_284 : memref<1x128xi32, #tpu.memory_space<vmem>> -> memref<128xi32, #tpu.memory_space<vmem>>
        %dma_start3A_286 = arith.constant 0 : i32
        %dma_start3A_287 = arith.constant 0 : i32
        %dma_start3A_288 = tpu.memref_slice %arg20[%dma_start3A_286, %dma_start3A_287] : memref<50176x32xf32, #tpu.memory_space<vmem_shared>> -> memref<50176x32xf32, #tpu.memory_space<vmem_shared>>
        tpu.enqueue_indirect_dma source(%arg11 : memref<128x32xf32, #tpu.memory_space<vmem>>) target(%dma_start3A_288 : memref<50176x32xf32, #tpu.memory_space<vmem_shared>>) offsets(%dma_start3A_285 : memref<128xi32, #tpu.memory_space<vmem>>) semaphore(%arg19 : memref<!tpu.dma_semaphore, #tpu.memory_space<semaphore_mem>>) {add = true}
        %add3A_289 = arith.constant 4 : i32
        %add3A_290 = arith.addi %mul3A_228, %add3A_289 : i32
        %add3A_291 = arith.constant 0 : i32
        %add3A_292 = arith.addi %add3A_290, %add3A_291 : i32
        %lt3A = arith.constant 28 : i32
        %lt3A_293 = arith.cmpi slt, %add3A_292, %lt3A : i32
        %convert_element_type3A_294 = arith.extui %lt3A_293 : i1 to i32
        %cond3A_295 = arith.constant 0 : i32
        %cond3A_296 = arith.cmpi ne, %convert_element_type3A_294, %cond3A_295 : i32
        scf.if %cond3A_296 {
          %add3A_324 = arith.constant 0 : i32
          %add3A_325 = arith.addi %mul3A_228, %add3A_324 : i32
          %dma_wait3A_326 = arith.constant 0 : i32
          %dma_wait3A_327 = tpu.memref_slice %arg7[%add3A_325, %dma_wait3A_326] : memref<28x128xi32, #tpu.memory_space<vmem>> -> memref<1x128xi32, #tpu.memory_space<vmem>>
          %dma_wait3A_328 = tpu.memref_squeeze %dma_wait3A_327 : memref<1x128xi32, #tpu.memory_space<vmem>> -> memref<128xi32, #tpu.memory_space<vmem>>
          %dma_wait3A_329 = arith.constant 0 : i32
          %dma_wait3A_330 = arith.constant 0 : i32
          %dma_wait3A_331 = tpu.memref_slice %arg20[%dma_wait3A_329, %dma_wait3A_330] : memref<50176x32xf32, #tpu.memory_space<vmem_shared>> -> memref<50176x32xf32, #tpu.memory_space<vmem_shared>>
          tpu.wait_indirect_dma semaphore(%arg16 : memref<!tpu.dma_semaphore, #tpu.memory_space<semaphore_mem>>) src(%arg8 : memref<128x32xf32, #tpu.memory_space<vmem>>) dst(%dma_wait3A_331 : memref<50176x32xf32, #tpu.memory_space<vmem_shared>>)
          %add3A_332 = arith.constant 4 : i32
          %add3A_333 = arith.addi %mul3A_228, %add3A_332 : i32
          %add3A_334 = arith.constant 0 : i32
          %add3A_335 = arith.addi %add3A_333, %add3A_334 : i32
          %dma_start3A_336 = arith.constant 0 : i32
          %dma_start3A_337 = tpu.memref_slice %arg6[%add3A_335, %dma_start3A_336] : memref<28x128xi32, #tpu.memory_space<vmem>> -> memref<1x128xi32, #tpu.memory_space<vmem>>
          %dma_start3A_338 = tpu.memref_squeeze %dma_start3A_337 : memref<1x128xi32, #tpu.memory_space<vmem>> -> memref<128xi32, #tpu.memory_space<vmem>>
          %dma_start3A_339 = arith.constant 0 : i32
          %dma_start3A_340 = arith.constant 0 : i32
          %dma_start3A_341 = tpu.memref_slice %arg2[%dma_start3A_339, %dma_start3A_340] : memref<501760x32xf32, #tpu.memory_space<hbm>> -> memref<501760x32xf32, #tpu.memory_space<hbm>>
          tpu.enqueue_indirect_dma source(%dma_start3A_341 : memref<501760x32xf32, #tpu.memory_space<hbm>>) target(%arg8 : memref<128x32xf32, #tpu.memory_space<vmem>>) offsets(%dma_start3A_338 : memref<128xi32, #tpu.memory_space<vmem>>) semaphore(%arg12 : memref<!tpu.dma_semaphore, #tpu.memory_space<semaphore_mem>>)
        } else {
        }
        %add3A_297 = arith.constant 4 : i32
        %add3A_298 = arith.addi %mul3A_228, %add3A_297 : i32
        %add3A_299 = arith.constant 1 : i32
        %add3A_300 = arith.addi %add3A_298, %add3A_299 : i32
        %lt3A_301 = arith.constant 28 : i32
        %lt3A_302 = arith.cmpi slt, %add3A_300, %lt3A_301 : i32
        %convert_element_type3A_303 = arith.extui %lt3A_302 : i1 to i32
        %cond3A_304 = arith.constant 0 : i32
        %cond3A_305 = arith.cmpi ne, %convert_element_type3A_303, %cond3A_304 : i32
        scf.if %cond3A_305 {
          %add3A_324 = arith.constant 1 : i32
          %add3A_325 = arith.addi %mul3A_228, %add3A_324 : i32
          %dma_wait3A_326 = arith.constant 0 : i32
          %dma_wait3A_327 = tpu.memref_slice %arg7[%add3A_325, %dma_wait3A_326] : memref<28x128xi32, #tpu.memory_space<vmem>> -> memref<1x128xi32, #tpu.memory_space<vmem>>
          %dma_wait3A_328 = tpu.memref_squeeze %dma_wait3A_327 : memref<1x128xi32, #tpu.memory_space<vmem>> -> memref<128xi32, #tpu.memory_space<vmem>>
          %dma_wait3A_329 = arith.constant 0 : i32
          %dma_wait3A_330 = arith.constant 0 : i32
          %dma_wait3A_331 = tpu.memref_slice %arg20[%dma_wait3A_329, %dma_wait3A_330] : memref<50176x32xf32, #tpu.memory_space<vmem_shared>> -> memref<50176x32xf32, #tpu.memory_space<vmem_shared>>
          tpu.wait_indirect_dma semaphore(%arg17 : memref<!tpu.dma_semaphore, #tpu.memory_space<semaphore_mem>>) src(%arg9 : memref<128x32xf32, #tpu.memory_space<vmem>>) dst(%dma_wait3A_331 : memref<50176x32xf32, #tpu.memory_space<vmem_shared>>)
          %add3A_332 = arith.constant 4 : i32
          %add3A_333 = arith.addi %mul3A_228, %add3A_332 : i32
          %add3A_334 = arith.constant 1 : i32
          %add3A_335 = arith.addi %add3A_333, %add3A_334 : i32
          %dma_start3A_336 = arith.constant 0 : i32
          %dma_start3A_337 = tpu.memref_slice %arg6[%add3A_335, %dma_start3A_336] : memref<28x128xi32, #tpu.memory_space<vmem>> -> memref<1x128xi32, #tpu.memory_space<vmem>>
          %dma_start3A_338 = tpu.memref_squeeze %dma_start3A_337 : memref<1x128xi32, #tpu.memory_space<vmem>> -> memref<128xi32, #tpu.memory_space<vmem>>
          %dma_start3A_339 = arith.constant 0 : i32
          %dma_start3A_340 = arith.constant 0 : i32
          %dma_start3A_341 = tpu.memref_slice %arg2[%dma_start3A_339, %dma_start3A_340] : memref<501760x32xf32, #tpu.memory_space<hbm>> -> memref<501760x32xf32, #tpu.memory_space<hbm>>
          tpu.enqueue_indirect_dma source(%dma_start3A_341 : memref<501760x32xf32, #tpu.memory_space<hbm>>) target(%arg9 : memref<128x32xf32, #tpu.memory_space<vmem>>) offsets(%dma_start3A_338 : memref<128xi32, #tpu.memory_space<vmem>>) semaphore(%arg13 : memref<!tpu.dma_semaphore, #tpu.memory_space<semaphore_mem>>)
        } else {
        }
        %add3A_306 = arith.constant 4 : i32
        %add3A_307 = arith.addi %mul3A_228, %add3A_306 : i32
        %add3A_308 = arith.constant 2 : i32
        %add3A_309 = arith.addi %add3A_307, %add3A_308 : i32
        %lt3A_310 = arith.constant 28 : i32
        %lt3A_311 = arith.cmpi slt, %add3A_309, %lt3A_310 : i32
        %convert_element_type3A_312 = arith.extui %lt3A_311 : i1 to i32
        %cond3A_313 = arith.constant 0 : i32
        %cond3A_314 = arith.cmpi ne, %convert_element_type3A_312, %cond3A_313 : i32
        scf.if %cond3A_314 {
          %add3A_324 = arith.constant 2 : i32
          %add3A_325 = arith.addi %mul3A_228, %add3A_324 : i32
          %dma_wait3A_326 = arith.constant 0 : i32
          %dma_wait3A_327 = tpu.memref_slice %arg7[%add3A_325, %dma_wait3A_326] : memref<28x128xi32, #tpu.memory_space<vmem>> -> memref<1x128xi32, #tpu.memory_space<vmem>>
          %dma_wait3A_328 = tpu.memref_squeeze %dma_wait3A_327 : memref<1x128xi32, #tpu.memory_space<vmem>> -> memref<128xi32, #tpu.memory_space<vmem>>
          %dma_wait3A_329 = arith.constant 0 : i32
          %dma_wait3A_330 = arith.constant 0 : i32
          %dma_wait3A_331 = tpu.memref_slice %arg20[%dma_wait3A_329, %dma_wait3A_330] : memref<50176x32xf32, #tpu.memory_space<vmem_shared>> -> memref<50176x32xf32, #tpu.memory_space<vmem_shared>>
          tpu.wait_indirect_dma semaphore(%arg18 : memref<!tpu.dma_semaphore, #tpu.memory_space<semaphore_mem>>) src(%arg10 : memref<128x32xf32, #tpu.memory_space<vmem>>) dst(%dma_wait3A_331 : memref<50176x32xf32, #tpu.memory_space<vmem_shared>>)
          %add3A_332 = arith.constant 4 : i32
          %add3A_333 = arith.addi %mul3A_228, %add3A_332 : i32
          %add3A_334 = arith.constant 2 : i32
          %add3A_335 = arith.addi %add3A_333, %add3A_334 : i32
          %dma_start3A_336 = arith.constant 0 : i32
          %dma_start3A_337 = tpu.memref_slice %arg6[%add3A_335, %dma_start3A_336] : memref<28x128xi32, #tpu.memory_space<vmem>> -> memref<1x128xi32, #tpu.memory_space<vmem>>
          %dma_start3A_338 = tpu.memref_squeeze %dma_start3A_337 : memref<1x128xi32, #tpu.memory_space<vmem>> -> memref<128xi32, #tpu.memory_space<vmem>>
          %dma_start3A_339 = arith.constant 0 : i32
          %dma_start3A_340 = arith.constant 0 : i32
          %dma_start3A_341 = tpu.memref_slice %arg2[%dma_start3A_339, %dma_start3A_340] : memref<501760x32xf32, #tpu.memory_space<hbm>> -> memref<501760x32xf32, #tpu.memory_space<hbm>>
          tpu.enqueue_indirect_dma source(%dma_start3A_341 : memref<501760x32xf32, #tpu.memory_space<hbm>>) target(%arg10 : memref<128x32xf32, #tpu.memory_space<vmem>>) offsets(%dma_start3A_338 : memref<128xi32, #tpu.memory_space<vmem>>) semaphore(%arg14 : memref<!tpu.dma_semaphore, #tpu.memory_space<semaphore_mem>>)
        } else {
        }
        %add3A_315 = arith.constant 4 : i32
        %add3A_316 = arith.addi %mul3A_228, %add3A_315 : i32
        %add3A_317 = arith.constant 3 : i32
        %add3A_318 = arith.addi %add3A_316, %add3A_317 : i32
        %lt3A_319 = arith.constant 28 : i32
        %lt3A_320 = arith.cmpi slt, %add3A_318, %lt3A_319 : i32
        %convert_element_type3A_321 = arith.extui %lt3A_320 : i1 to i32
        %cond3A_322 = arith.constant 0 : i32
        %cond3A_323 = arith.cmpi ne, %convert_element_type3A_321, %cond3A_322 : i32
        scf.if %cond3A_323 {
          %add3A_324 = arith.constant 3 : i32
          %add3A_325 = arith.addi %mul3A_228, %add3A_324 : i32
          %dma_wait3A_326 = arith.constant 0 : i32
          %dma_wait3A_327 = tpu.memref_slice %arg7[%add3A_325, %dma_wait3A_326] : memref<28x128xi32, #tpu.memory_space<vmem>> -> memref<1x128xi32, #tpu.memory_space<vmem>>
          %dma_wait3A_328 = tpu.memref_squeeze %dma_wait3A_327 : memref<1x128xi32, #tpu.memory_space<vmem>> -> memref<128xi32, #tpu.memory_space<vmem>>
          %dma_wait3A_329 = arith.constant 0 : i32
          %dma_wait3A_330 = arith.constant 0 : i32
          %dma_wait3A_331 = tpu.memref_slice %arg20[%dma_wait3A_329, %dma_wait3A_330] : memref<50176x32xf32, #tpu.memory_space<vmem_shared>> -> memref<50176x32xf32, #tpu.memory_space<vmem_shared>>
          tpu.wait_indirect_dma semaphore(%arg19 : memref<!tpu.dma_semaphore, #tpu.memory_space<semaphore_mem>>) src(%arg11 : memref<128x32xf32, #tpu.memory_space<vmem>>) dst(%dma_wait3A_331 : memref<50176x32xf32, #tpu.memory_space<vmem_shared>>)
          %add3A_332 = arith.constant 4 : i32
          %add3A_333 = arith.addi %mul3A_228, %add3A_332 : i32
          %add3A_334 = arith.constant 3 : i32
          %add3A_335 = arith.addi %add3A_333, %add3A_334 : i32
          %dma_start3A_336 = arith.constant 0 : i32
          %dma_start3A_337 = tpu.memref_slice %arg6[%add3A_335, %dma_start3A_336] : memref<28x128xi32, #tpu.memory_space<vmem>> -> memref<1x128xi32, #tpu.memory_space<vmem>>
          %dma_start3A_338 = tpu.memref_squeeze %dma_start3A_337 : memref<1x128xi32, #tpu.memory_space<vmem>> -> memref<128xi32, #tpu.memory_space<vmem>>
          %dma_start3A_339 = arith.constant 0 : i32
          %dma_start3A_340 = arith.constant 0 : i32
          %dma_start3A_341 = tpu.memref_slice %arg2[%dma_start3A_339, %dma_start3A_340] : memref<501760x32xf32, #tpu.memory_space<hbm>> -> memref<501760x32xf32, #tpu.memory_space<hbm>>
          tpu.enqueue_indirect_dma source(%dma_start3A_341 : memref<501760x32xf32, #tpu.memory_space<hbm>>) target(%arg11 : memref<128x32xf32, #tpu.memory_space<vmem>>) offsets(%dma_start3A_338 : memref<128xi32, #tpu.memory_space<vmem>>) semaphore(%arg15 : memref<!tpu.dma_semaphore, #tpu.memory_space<semaphore_mem>>)
        } else {
        }
      }
      %scan3A_198 = arith.constant 7 : i32
      %dma_wait3A = arith.constant 24 : i32
      %dma_wait3A_199 = arith.constant 0 : i32
      %dma_wait3A_200 = tpu.memref_slice %arg7[%dma_wait3A, %dma_wait3A_199] : memref<28x128xi32, #tpu.memory_space<vmem>> -> memref<1x128xi32, #tpu.memory_space<vmem>>
      %dma_wait3A_201 = tpu.memref_squeeze %dma_wait3A_200 : memref<1x128xi32, #tpu.memory_space<vmem>> -> memref<128xi32, #tpu.memory_space<vmem>>
      %dma_wait3A_202 = arith.constant 0 : i32
      %dma_wait3A_203 = arith.constant 0 : i32
      %dma_wait3A_204 = tpu.memref_slice %arg20[%dma_wait3A_202, %dma_wait3A_203] : memref<50176x32xf32, #tpu.memory_space<vmem_shared>> -> memref<50176x32xf32, #tpu.memory_space<vmem_shared>>
      tpu.wait_indirect_dma semaphore(%arg16 : memref<!tpu.dma_semaphore, #tpu.memory_space<semaphore_mem>>) src(%arg8 : memref<128x32xf32, #tpu.memory_space<vmem>>) dst(%dma_wait3A_204 : memref<50176x32xf32, #tpu.memory_space<vmem_shared>>)
      %dma_wait3A_205 = arith.constant 25 : i32
      %dma_wait3A_206 = arith.constant 0 : i32
      %dma_wait3A_207 = tpu.memref_slice %arg7[%dma_wait3A_205, %dma_wait3A_206] : memref<28x128xi32, #tpu.memory_space<vmem>> -> memref<1x128xi32, #tpu.memory_space<vmem>>
      %dma_wait3A_208 = tpu.memref_squeeze %dma_wait3A_207 : memref<1x128xi32, #tpu.memory_space<vmem>> -> memref<128xi32, #tpu.memory_space<vmem>>
      %dma_wait3A_209 = arith.constant 0 : i32
      %dma_wait3A_210 = arith.constant 0 : i32
      %dma_wait3A_211 = tpu.memref_slice %arg20[%dma_wait3A_209, %dma_wait3A_210] : memref<50176x32xf32, #tpu.memory_space<vmem_shared>> -> memref<50176x32xf32, #tpu.memory_space<vmem_shared>>
      tpu.wait_indirect_dma semaphore(%arg17 : memref<!tpu.dma_semaphore, #tpu.memory_space<semaphore_mem>>) src(%arg9 : memref<128x32xf32, #tpu.memory_space<vmem>>) dst(%dma_wait3A_211 : memref<50176x32xf32, #tpu.memory_space<vmem_shared>>)
      %dma_wait3A_212 = arith.constant 26 : i32
      %dma_wait3A_213 = arith.constant 0 : i32
      %dma_wait3A_214 = tpu.memref_slice %arg7[%dma_wait3A_212, %dma_wait3A_213] : memref<28x128xi32, #tpu.memory_space<vmem>> -> memref<1x128xi32, #tpu.memory_space<vmem>>
      %dma_wait3A_215 = tpu.memref_squeeze %dma_wait3A_214 : memref<1x128xi32, #tpu.memory_space<vmem>> -> memref<128xi32, #tpu.memory_space<vmem>>
      %dma_wait3A_216 = arith.constant 0 : i32
      %dma_wait3A_217 = arith.constant 0 : i32
      %dma_wait3A_218 = tpu.memref_slice %arg20[%dma_wait3A_216, %dma_wait3A_217] : memref<50176x32xf32, #tpu.memory_space<vmem_shared>> -> memref<50176x32xf32, #tpu.memory_space<vmem_shared>>
      tpu.wait_indirect_dma semaphore(%arg18 : memref<!tpu.dma_semaphore, #tpu.memory_space<semaphore_mem>>) src(%arg10 : memref<128x32xf32, #tpu.memory_space<vmem>>) dst(%dma_wait3A_218 : memref<50176x32xf32, #tpu.memory_space<vmem_shared>>)
      %dma_wait3A_219 = arith.constant 27 : i32
      %dma_wait3A_220 = arith.constant 0 : i32
      %dma_wait3A_221 = tpu.memref_slice %arg7[%dma_wait3A_219, %dma_wait3A_220] : memref<28x128xi32, #tpu.memory_space<vmem>> -> memref<1x128xi32, #tpu.memory_space<vmem>>
      %dma_wait3A_222 = tpu.memref_squeeze %dma_wait3A_221 : memref<1x128xi32, #tpu.memory_space<vmem>> -> memref<128xi32, #tpu.memory_space<vmem>>
      %dma_wait3A_223 = arith.constant 0 : i32
      %dma_wait3A_224 = arith.constant 0 : i32
      %dma_wait3A_225 = tpu.memref_slice %arg20[%dma_wait3A_223, %dma_wait3A_224] : memref<50176x32xf32, #tpu.memory_space<vmem_shared>> -> memref<50176x32xf32, #tpu.memory_space<vmem_shared>>
      tpu.wait_indirect_dma semaphore(%arg19 : memref<!tpu.dma_semaphore, #tpu.memory_space<semaphore_mem>>) src(%arg11 : memref<128x32xf32, #tpu.memory_space<vmem>>) dst(%dma_wait3A_225 : memref<50176x32xf32, #tpu.memory_space<vmem_shared>>)
    }
    %scan3A_20 = arith.constant 14 : i32
    %barrier3A_21 = arith.constant 0 : index
    tpu.barrier barrier_id(%barrier3A_21)
    %eq3A = arith.constant 0 : i32
    %eq3A_22 = arith.cmpi eq, %arg1, %eq3A : i32
    %convert_element_type3A = arith.extui %eq3A_22 : i1 to i32
    %cond3A = arith.constant 0 : i32
    %cond3A_23 = arith.cmpi ne, %convert_element_type3A, %cond3A : i32
    scf.if %cond3A_23 {
      "tpu.region"() ({
        %run_scoped3A = tpu.sem_alloc : memref<!tpu.dma_semaphore, #tpu.memory_space<semaphore_mem>>
        %dma_start3A = arith.constant 0 : i32
        %dma_start3A_157 = arith.constant 0 : i32
        %dma_start3A_158 = tpu.memref_slice %arg5[%add3A_1, %dma_start3A, %dma_start3A_157] : memref<10x50176x32xf32, #tpu.memory_space<hbm>> -> memref<1x50176x32xf32, #tpu.memory_space<hbm>>
        %dma_start3A_159 = tpu.memref_squeeze %dma_start3A_158 : memref<1x50176x32xf32, #tpu.memory_space<hbm>> -> memref<50176x32xf32, #tpu.memory_space<hbm>>
        tpu.enqueue_dma source(%arg20 : memref<50176x32xf32, #tpu.memory_space<vmem_shared>>) target(%dma_start3A_159 : memref<50176x32xf32, #tpu.memory_space<hbm>>) target_semaphore(%run_scoped3A : memref<!tpu.dma_semaphore, #tpu.memory_space<semaphore_mem>>)
        %dma_wait3A = arith.constant 0 : i32
        %dma_wait3A_160 = arith.constant 0 : i32
        %dma_wait3A_161 = tpu.memref_slice %arg5[%add3A_1, %dma_wait3A, %dma_wait3A_160] : memref<10x50176x32xf32, #tpu.memory_space<hbm>> -> memref<1x50176x32xf32, #tpu.memory_space<hbm>>
        %dma_wait3A_162 = tpu.memref_squeeze %dma_wait3A_161 : memref<1x50176x32xf32, #tpu.memory_space<hbm>> -> memref<50176x32xf32, #tpu.memory_space<hbm>>
        tpu.wait_dma2 semaphore(%run_scoped3A : memref<!tpu.dma_semaphore, #tpu.memory_space<semaphore_mem>>) src(%arg20 : memref<50176x32xf32, #tpu.memory_space<vmem_shared>>) dst(%dma_wait3A_162 : memref<50176x32xf32, #tpu.memory_space<hbm>>)
        tpu.yield
      }) : () -> ()
    } else {
    }
    %barrier3A_24 = arith.constant 0 : index
    tpu.barrier barrier_id(%barrier3A_24)
    %mul3A_25 = arith.constant 5 : i32
    %mul3A_26 = arith.muli %arg0, %mul3A_25 : i32
    %add3A_27 = arith.constant 1 : i32
    %add3A_28 = arith.addi %mul3A_26, %add3A_27 : i32
    %mul3A_29 = arith.constant 50176 : i32
    %mul3A_30 = arith.muli %add3A_28, %mul3A_29 : i32
    %broadcast_in_dim3A_31 = arith.constant 0.000000e+00 : f32
    %broadcast_in_dim3A_32 = vector.broadcast %broadcast_in_dim3A_31 : f32 to vector<16xf32>
    %scan3A_33 = arith.constant 0 : i32
    %scan3A_34 = arith.constant 128 : i32
    %scan3A_35 = arith.addi %scan3A_33, %scan3A_34 : i32
    %scan3A_36 = arith.constant 1 : i32
    scf.for %scan3A_157 = %scan3A_33 to %scan3A_35 step %scan3A_36  : i32 {
      %swap3A = arith.index_cast %scan3A_157 : i32 to index
      %swap3A_158 = arith.constant 0 : index
      %swap3A_159 = tpu.vector_load %arg8[%swap3A, %swap3A_158] {strides = array<i32>} : memref<128x32xf32, #tpu.memory_space<vmem>>, vector<16xf32>,
      tpu.vector_store %arg8[%swap3A, %swap3A_158], %broadcast_in_dim3A_32 {strides = array<i32>} : memref<128x32xf32, #tpu.memory_space<vmem>>, vector<16xf32>,
      %swap3A_160 = arith.index_cast %scan3A_157 : i32 to index
      %swap3A_161 = arith.constant 16 : index
      %swap3A_162 = tpu.vector_load %arg8[%swap3A_160, %swap3A_161] {strides = array<i32>} : memref<128x32xf32, #tpu.memory_space<vmem>>, vector<16xf32>,
      tpu.vector_store %arg8[%swap3A_160, %swap3A_161], %broadcast_in_dim3A_32 {strides = array<i32>} : memref<128x32xf32, #tpu.memory_space<vmem>>, vector<16xf32>,
    }
    %scan3A_37 = arith.constant 128 : i32
    %mul3A_38 = arith.constant 3136 : i32
    %mul3A_39 = arith.muli %arg1, %mul3A_38 : i32
    %scan3A_40 = arith.constant 0 : i32
    %scan3A_41 = arith.constant 49 : i32
    %scan3A_42 = arith.addi %scan3A_40, %scan3A_41 : i32
    %scan3A_43 = arith.constant 1 : i32
    scf.for %scan3A_157 = %scan3A_40 to %scan3A_42 step %scan3A_43  : i32 {
      %mul3A_158 = arith.constant 64 : i32
      %mul3A_159 = arith.muli %scan3A_157, %mul3A_158 : i32
      %add3A_160 = arith.addi %mul3A_39, %mul3A_159 : i32
      "tpu.region"() ({
        %run_scoped3A = tpu.sem_alloc : memref<!tpu.dma_semaphore, #tpu.memory_space<semaphore_mem>>
        %dma_start3A = arith.constant 0 : i32
        %dma_start3A_161 = arith.constant 0 : i32
        %dma_start3A_162 = tpu.memref_slice %arg8[%dma_start3A, %dma_start3A_161] : memref<128x32xf32, #tpu.memory_space<vmem>> -> memref<64x32xf32, #tpu.memory_space<vmem>>
        %dma_start3A_163 = arith.constant 0 : i32
        %dma_start3A_164 = tpu.memref_slice %arg20[%add3A_160, %dma_start3A_163] : memref<50176x32xf32, #tpu.memory_space<vmem_shared>> -> memref<64x32xf32, #tpu.memory_space<vmem_shared>>
        %dma_start3A_165 = arith.constant 0 : i32
        %dma_start3A_166 = tpu.memref_slice %arg20[%add3A_160, %dma_start3A_165] : memref<50176x32xf32, #tpu.memory_space<vmem_shared>> -> memref<64x32xf32, #tpu.memory_space<vmem_shared>>
        %dma_start3A_167 = arith.constant 0 : i32
        %dma_start3A_168 = arith.constant 0 : i32
        %dma_start3A_169 = tpu.memref_slice %arg8[%dma_start3A_167, %dma_start3A_168] : memref<128x32xf32, #tpu.memory_space<vmem>> -> memref<64x32xf32, #tpu.memory_space<vmem>>
        tpu.enqueue_dma source(%dma_start3A_169 : memref<64x32xf32, #tpu.memory_space<vmem>>) target(%dma_start3A_166 : memref<64x32xf32, #tpu.memory_space<vmem_shared>>) target_semaphore(%run_scoped3A : memref<!tpu.dma_semaphore, #tpu.memory_space<semaphore_mem>>)
        %dma_wait3A = arith.constant 0 : i32
        %dma_wait3A_170 = arith.constant 0 : i32
        %dma_wait3A_171 = tpu.memref_slice %arg8[%dma_wait3A, %dma_wait3A_170] : memref<128x32xf32, #tpu.memory_space<vmem>> -> memref<64x32xf32, #tpu.memory_space<vmem>>
        %dma_wait3A_172 = arith.constant 0 : i32
        %dma_wait3A_173 = tpu.memref_slice %arg20[%add3A_160, %dma_wait3A_172] : memref<50176x32xf32, #tpu.memory_space<vmem_shared>> -> memref<64x32xf32, #tpu.memory_space<vmem_shared>>
        %dma_wait3A_174 = arith.constant 0 : i32
        %dma_wait3A_175 = tpu.memref_slice %arg20[%add3A_160, %dma_wait3A_174] : memref<50176x32xf32, #tpu.memory_space<vmem_shared>> -> memref<64x32xf32, #tpu.memory_space<vmem_shared>>
        %dma_wait3A_176 = arith.constant 0 : i32
        %dma_wait3A_177 = arith.constant 0 : i32
        %dma_wait3A_178 = tpu.memref_slice %arg8[%dma_wait3A_176, %dma_wait3A_177] : memref<128x32xf32, #tpu.memory_space<vmem>> -> memref<64x32xf32, #tpu.memory_space<vmem>>
        tpu.wait_dma2 semaphore(%run_scoped3A : memref<!tpu.dma_semaphore, #tpu.memory_space<semaphore_mem>>) src(%dma_wait3A_178 : memref<64x32xf32, #tpu.memory_space<vmem>>) dst(%dma_wait3A_175 : memref<64x32xf32, #tpu.memory_space<vmem_shared>>)
        tpu.yield
      }) : () -> ()
    }
    %scan3A_44 = arith.constant 49 : i32
    %barrier3A_45 = arith.constant 0 : index
    tpu.barrier barrier_id(%barrier3A_45)
    %scan3A_46 = arith.constant 0 : i32
    %scan3A_47 = arith.constant 14 : i32
    %scan3A_48 = arith.addi %scan3A_46, %scan3A_47 : i32
    %scan3A_49 = arith.constant 1 : i32
    scf.for %scan3A_157 = %scan3A_46 to %scan3A_48 step %scan3A_49  : i32 {
      %mul3A_158 = arith.constant 28 : i32
      %mul3A_159 = arith.muli %scan3A_157, %mul3A_158 : i32
      "tpu.region"() ({
        %run_scoped3A = tpu.sem_alloc : memref<!tpu.dma_semaphore, #tpu.memory_space<semaphore_mem>>
        %dma_start3A_226 = arith.constant 0 : i32
        %dma_start3A_227 = tpu.memref_slice %arg3[%arg1, %mul3A_159, %dma_start3A_226] : memref<16x392x128xi32, #tpu.memory_space<hbm>> -> memref<1x28x128xi32, #tpu.memory_space<hbm>>
        %dma_start3A_228 = tpu.memref_squeeze %dma_start3A_227 : memref<1x28x128xi32, #tpu.memory_space<hbm>> -> memref<28x128xi32, #tpu.memory_space<hbm>>
        %dma_start3A_229 = arith.constant 0 : i32
        %dma_start3A_230 = tpu.memref_slice %arg3[%arg1, %mul3A_159, %dma_start3A_229] : memref<16x392x128xi32, #tpu.memory_space<hbm>> -> memref<1x28x128xi32, #tpu.memory_space<hbm>>
        %dma_start3A_231 = tpu.memref_squeeze %dma_start3A_230 : memref<1x28x128xi32, #tpu.memory_space<hbm>> -> memref<28x128xi32, #tpu.memory_space<hbm>>
        tpu.enqueue_dma source(%dma_start3A_231 : memref<28x128xi32, #tpu.memory_space<hbm>>) target(%arg6 : memref<28x128xi32, #tpu.memory_space<vmem>>) target_semaphore(%run_scoped3A : memref<!tpu.dma_semaphore, #tpu.memory_space<semaphore_mem>>)
        %dma_wait3A_232 = arith.constant 0 : i32
        %dma_wait3A_233 = tpu.memref_slice %arg3[%arg1, %mul3A_159, %dma_wait3A_232] : memref<16x392x128xi32, #tpu.memory_space<hbm>> -> memref<1x28x128xi32, #tpu.memory_space<hbm>>
        %dma_wait3A_234 = tpu.memref_squeeze %dma_wait3A_233 : memref<1x28x128xi32, #tpu.memory_space<hbm>> -> memref<28x128xi32, #tpu.memory_space<hbm>>
        %dma_wait3A_235 = arith.constant 0 : i32
        %dma_wait3A_236 = tpu.memref_slice %arg3[%arg1, %mul3A_159, %dma_wait3A_235] : memref<16x392x128xi32, #tpu.memory_space<hbm>> -> memref<1x28x128xi32, #tpu.memory_space<hbm>>
        %dma_wait3A_237 = tpu.memref_squeeze %dma_wait3A_236 : memref<1x28x128xi32, #tpu.memory_space<hbm>> -> memref<28x128xi32, #tpu.memory_space<hbm>>
        tpu.wait_dma2 semaphore(%run_scoped3A : memref<!tpu.dma_semaphore, #tpu.memory_space<semaphore_mem>>) src(%dma_wait3A_237 : memref<28x128xi32, #tpu.memory_space<hbm>>) dst(%arg6 : memref<28x128xi32, #tpu.memory_space<vmem>>)
        tpu.yield
      }) : () -> ()
      %mul3A_160 = arith.constant 28 : i32
      %mul3A_161 = arith.muli %scan3A_157, %mul3A_160 : i32
      "tpu.region"() ({
        %run_scoped3A = tpu.sem_alloc : memref<!tpu.dma_semaphore, #tpu.memory_space<semaphore_mem>>
        %dma_start3A_226 = arith.constant 0 : i32
        %dma_start3A_227 = tpu.memref_slice %arg4[%arg1, %mul3A_161, %dma_start3A_226] : memref<16x392x128xi32, #tpu.memory_space<hbm>> -> memref<1x28x128xi32, #tpu.memory_space<hbm>>
        %dma_start3A_228 = tpu.memref_squeeze %dma_start3A_227 : memref<1x28x128xi32, #tpu.memory_space<hbm>> -> memref<28x128xi32, #tpu.memory_space<hbm>>
        %dma_start3A_229 = arith.constant 0 : i32
        %dma_start3A_230 = tpu.memref_slice %arg4[%arg1, %mul3A_161, %dma_start3A_229] : memref<16x392x128xi32, #tpu.memory_space<hbm>> -> memref<1x28x128xi32, #tpu.memory_space<hbm>>
        %dma_start3A_231 = tpu.memref_squeeze %dma_start3A_230 : memref<1x28x128xi32, #tpu.memory_space<hbm>> -> memref<28x128xi32, #tpu.memory_space<hbm>>
        tpu.enqueue_dma source(%dma_start3A_231 : memref<28x128xi32, #tpu.memory_space<hbm>>) target(%arg7 : memref<28x128xi32, #tpu.memory_space<vmem>>) target_semaphore(%run_scoped3A : memref<!tpu.dma_semaphore, #tpu.memory_space<semaphore_mem>>)
        %dma_wait3A_232 = arith.constant 0 : i32
        %dma_wait3A_233 = tpu.memref_slice %arg4[%arg1, %mul3A_161, %dma_wait3A_232] : memref<16x392x128xi32, #tpu.memory_space<hbm>> -> memref<1x28x128xi32, #tpu.memory_space<hbm>>
        %dma_wait3A_234 = tpu.memref_squeeze %dma_wait3A_233 : memref<1x28x128xi32, #tpu.memory_space<hbm>> -> memref<28x128xi32, #tpu.memory_space<hbm>>
        %dma_wait3A_235 = arith.constant 0 : i32
        %dma_wait3A_236 = tpu.memref_slice %arg4[%arg1, %mul3A_161, %dma_wait3A_235] : memref<16x392x128xi32, #tpu.memory_space<hbm>> -> memref<1x28x128xi32, #tpu.memory_space<hbm>>
        %dma_wait3A_237 = tpu.memref_squeeze %dma_wait3A_236 : memref<1x28x128xi32, #tpu.memory_space<hbm>> -> memref<28x128xi32, #tpu.memory_space<hbm>>
        tpu.wait_dma2 semaphore(%run_scoped3A : memref<!tpu.dma_semaphore, #tpu.memory_space<semaphore_mem>>) src(%dma_wait3A_237 : memref<28x128xi32, #tpu.memory_space<hbm>>) dst(%arg7 : memref<28x128xi32, #tpu.memory_space<vmem>>)
        tpu.yield
      }) : () -> ()
      %scan3A_162 = arith.constant 0 : i32
      %scan3A_163 = arith.constant 224 : i32
      %scan3A_164 = arith.addi %scan3A_162, %scan3A_163 : i32
      %scan3A_165 = arith.constant 1 : i32
      scf.for %scan3A_226 = %scan3A_162 to %scan3A_164 step %scan3A_165  : i32 {
        %jit3A = arith.constant 8 : i32
        %div3A = arith.divsi %scan3A_226, %jit3A : i32
        %sign3A = arith.constant 0 : i32
        %sign3A_227 = arith.cmpi sgt, %scan3A_226, %sign3A : i32
        %sign3A_228 = arith.extui %sign3A_227 : i1 to i32
        %sign3A_229 = arith.constant 0 : i32
        %sign3A_230 = arith.cmpi slt, %scan3A_226, %sign3A_229 : i32
        %sign3A_231 = arith.extui %sign3A_230 : i1 to i32
        %sign3A_232 = arith.subi %sign3A_228, %sign3A_231 : i32
        %sign3A_233 = arith.constant 0 : i32
        %sign3A_234 = arith.cmpi sgt, %jit3A, %sign3A_233 : i32
        %sign3A_235 = arith.extui %sign3A_234 : i1 to i32
        %sign3A_236 = arith.constant 0 : i32
        %sign3A_237 = arith.cmpi slt, %jit3A, %sign3A_236 : i32
        %sign3A_238 = arith.extui %sign3A_237 : i1 to i32
        %sign3A_239 = arith.subi %sign3A_235, %sign3A_238 : i32
        %ne3A = arith.cmpi ne, %sign3A_232, %sign3A_239 : i32
        %rem3A = arith.remsi %scan3A_226, %jit3A : i32
        %ne3A_240 = arith.constant 0 : i32
        %ne3A_241 = arith.cmpi ne, %rem3A, %ne3A_240 : i32
        %and3A = arith.andi %ne3A, %ne3A_241 : i1
        %sub3A = arith.constant 1 : i32
        %sub3A_242 = arith.subi %div3A, %sub3A : i32
        %select_n3A = arith.select %and3A, %sub3A_242, %div3A : i32
        %jit3A_243 = arith.constant 8 : i32
        %eq3A_244 = arith.constant 0 : i32
        %eq3A_245 = arith.cmpi eq, %jit3A_243, %eq3A_244 : i32
        %jit3A_246 = arith.constant 1 : i32
        %select_n3A_247 = arith.select %eq3A_245, %jit3A_246, %jit3A_243 : i32
        %rem3A_248 = arith.remsi %scan3A_226, %select_n3A_247 : i32
        %ne3A_249 = arith.constant 0 : i32
        %ne3A_250 = arith.cmpi ne, %rem3A_248, %ne3A_249 : i32
        %lt3A = arith.constant 0 : i32
        %lt3A_251 = arith.cmpi slt, %rem3A_248, %lt3A : i32
        %lt3A_252 = arith.constant 0 : i32
        %lt3A_253 = arith.cmpi slt, %select_n3A_247, %lt3A_252 : i32
        %ne3A_254 = arith.xori %lt3A_251, %lt3A_253 : i1
        %and3A_255 = arith.andi %ne3A_254, %ne3A_250 : i1
        %add3A_256 = arith.addi %rem3A_248, %select_n3A_247 : i32
        %select_n3A_257 = arith.select %and3A_255, %add3A_256, %rem3A_248 : i32
        %mul3A_258 = arith.constant 16 : i32
        %mul3A_259 = arith.muli %select_n3A_257, %mul3A_258 : i32
        %get3A = arith.index_cast %select_n3A : i32 to index
        %get3A_260 = arith.index_cast %mul3A_259 : i32 to index
        %get3A_261 = tpu.vector_load %arg6[%get3A, %get3A_260] {strides = array<i32>} : memref<28x128xi32, #tpu.memory_space<vmem>>, vector<16xi32>,
        %add3A_262 = vector.broadcast %mul3A_30 : i32 to vector<16xi32>
        %add3A_263 = arith.addi %get3A_261, %add3A_262 : vector<16xi32>
        %swap3A = arith.index_cast %select_n3A : i32 to index
        %swap3A_264 = arith.index_cast %mul3A_259 : i32 to index
        %swap3A_265 = tpu.vector_load %arg6[%swap3A, %swap3A_264] {strides = array<i32>} : memref<28x128xi32, #tpu.memory_space<vmem>>, vector<16xi32>,
        tpu.vector_store %arg6[%swap3A, %swap3A_264], %add3A_263 {strides = array<i32>} : memref<28x128xi32, #tpu.memory_space<vmem>>, vector<16xi32>,
      }
      %scan3A_166 = arith.constant 224 : i32
      %dma_start3A = arith.constant 0 : i32
      %dma_start3A_167 = arith.constant 0 : i32
      %dma_start3A_168 = tpu.memref_slice %arg6[%dma_start3A, %dma_start3A_167] : memref<28x128xi32, #tpu.memory_space<vmem>> -> memref<1x128xi32, #tpu.memory_space<vmem>>
      %dma_start3A_169 = tpu.memref_squeeze %dma_start3A_168 : memref<1x128xi32, #tpu.memory_space<vmem>> -> memref<128xi32, #tpu.memory_space<vmem>>
      %dma_start3A_170 = arith.constant 0 : i32
      %dma_start3A_171 = arith.constant 0 : i32
      %dma_start3A_172 = tpu.memref_slice %arg2[%dma_start3A_170, %dma_start3A_171] : memref<501760x32xf32, #tpu.memory_space<hbm>> -> memref<501760x32xf32, #tpu.memory_space<hbm>>
      tpu.enqueue_indirect_dma source(%dma_start3A_172 : memref<501760x32xf32, #tpu.memory_space<hbm>>) target(%arg8 : memref<128x32xf32, #tpu.memory_space<vmem>>) offsets(%dma_start3A_169 : memref<128xi32, #tpu.memory_space<vmem>>) semaphore(%arg12 : memref<!tpu.dma_semaphore, #tpu.memory_space<semaphore_mem>>)
      %dma_start3A_173 = arith.constant 1 : i32
      %dma_start3A_174 = arith.constant 0 : i32
      %dma_start3A_175 = tpu.memref_slice %arg6[%dma_start3A_173, %dma_start3A_174] : memref<28x128xi32, #tpu.memory_space<vmem>> -> memref<1x128xi32, #tpu.memory_space<vmem>>
      %dma_start3A_176 = tpu.memref_squeeze %dma_start3A_175 : memref<1x128xi32, #tpu.memory_space<vmem>> -> memref<128xi32, #tpu.memory_space<vmem>>
      %dma_start3A_177 = arith.constant 0 : i32
      %dma_start3A_178 = arith.constant 0 : i32
      %dma_start3A_179 = tpu.memref_slice %arg2[%dma_start3A_177, %dma_start3A_178] : memref<501760x32xf32, #tpu.memory_space<hbm>> -> memref<501760x32xf32, #tpu.memory_space<hbm>>
      tpu.enqueue_indirect_dma source(%dma_start3A_179 : memref<501760x32xf32, #tpu.memory_space<hbm>>) target(%arg9 : memref<128x32xf32, #tpu.memory_space<vmem>>) offsets(%dma_start3A_176 : memref<128xi32, #tpu.memory_space<vmem>>) semaphore(%arg13 : memref<!tpu.dma_semaphore, #tpu.memory_space<semaphore_mem>>)
      %dma_start3A_180 = arith.constant 2 : i32
      %dma_start3A_181 = arith.constant 0 : i32
      %dma_start3A_182 = tpu.memref_slice %arg6[%dma_start3A_180, %dma_start3A_181] : memref<28x128xi32, #tpu.memory_space<vmem>> -> memref<1x128xi32, #tpu.memory_space<vmem>>
      %dma_start3A_183 = tpu.memref_squeeze %dma_start3A_182 : memref<1x128xi32, #tpu.memory_space<vmem>> -> memref<128xi32, #tpu.memory_space<vmem>>
      %dma_start3A_184 = arith.constant 0 : i32
      %dma_start3A_185 = arith.constant 0 : i32
      %dma_start3A_186 = tpu.memref_slice %arg2[%dma_start3A_184, %dma_start3A_185] : memref<501760x32xf32, #tpu.memory_space<hbm>> -> memref<501760x32xf32, #tpu.memory_space<hbm>>
      tpu.enqueue_indirect_dma source(%dma_start3A_186 : memref<501760x32xf32, #tpu.memory_space<hbm>>) target(%arg10 : memref<128x32xf32, #tpu.memory_space<vmem>>) offsets(%dma_start3A_183 : memref<128xi32, #tpu.memory_space<vmem>>) semaphore(%arg14 : memref<!tpu.dma_semaphore, #tpu.memory_space<semaphore_mem>>)
      %dma_start3A_187 = arith.constant 3 : i32
      %dma_start3A_188 = arith.constant 0 : i32
      %dma_start3A_189 = tpu.memref_slice %arg6[%dma_start3A_187, %dma_start3A_188] : memref<28x128xi32, #tpu.memory_space<vmem>> -> memref<1x128xi32, #tpu.memory_space<vmem>>
      %dma_start3A_190 = tpu.memref_squeeze %dma_start3A_189 : memref<1x128xi32, #tpu.memory_space<vmem>> -> memref<128xi32, #tpu.memory_space<vmem>>
      %dma_start3A_191 = arith.constant 0 : i32
      %dma_start3A_192 = arith.constant 0 : i32
      %dma_start3A_193 = tpu.memref_slice %arg2[%dma_start3A_191, %dma_start3A_192] : memref<501760x32xf32, #tpu.memory_space<hbm>> -> memref<501760x32xf32, #tpu.memory_space<hbm>>
      tpu.enqueue_indirect_dma source(%dma_start3A_193 : memref<501760x32xf32, #tpu.memory_space<hbm>>) target(%arg11 : memref<128x32xf32, #tpu.memory_space<vmem>>) offsets(%dma_start3A_190 : memref<128xi32, #tpu.memory_space<vmem>>) semaphore(%arg15 : memref<!tpu.dma_semaphore, #tpu.memory_space<semaphore_mem>>)
      %scan3A_194 = arith.constant 0 : i32
      %scan3A_195 = arith.constant 7 : i32
      %scan3A_196 = arith.addi %scan3A_194, %scan3A_195 : i32
      %scan3A_197 = arith.constant 1 : i32
      scf.for %scan3A_226 = %scan3A_194 to %scan3A_196 step %scan3A_197  : i32 {
        %mul3A_227 = arith.constant 4 : i32
        %mul3A_228 = arith.muli %scan3A_226, %mul3A_227 : i32
        %dma_wait3A_229 = arith.constant 0 : i32
        %dma_wait3A_230 = arith.constant 0 : i32
        %dma_wait3A_231 = tpu.memref_slice %arg6[%dma_wait3A_229, %dma_wait3A_230] : memref<28x128xi32, #tpu.memory_space<vmem>> -> memref<1x128xi32, #tpu.memory_space<vmem>>
        %dma_wait3A_232 = tpu.memref_squeeze %dma_wait3A_231 : memref<1x128xi32, #tpu.memory_space<vmem>> -> memref<128xi32, #tpu.memory_space<vmem>>
        %dma_wait3A_233 = arith.constant 0 : i32
        %dma_wait3A_234 = arith.constant 0 : i32
        %dma_wait3A_235 = tpu.memref_slice %arg2[%dma_wait3A_233, %dma_wait3A_234] : memref<501760x32xf32, #tpu.memory_space<hbm>> -> memref<501760x32xf32, #tpu.memory_space<hbm>>
        tpu.wait_indirect_dma semaphore(%arg12 : memref<!tpu.dma_semaphore, #tpu.memory_space<semaphore_mem>>) src(%dma_wait3A_235 : memref<501760x32xf32, #tpu.memory_space<hbm>>) dst(%arg8 : memref<128x32xf32, #tpu.memory_space<vmem>>)
        %add3A_236 = arith.constant 0 : i32
        %add3A_237 = arith.addi %mul3A_228, %add3A_236 : i32
        %dma_start3A_238 = arith.constant 0 : i32
        %dma_start3A_239 = tpu.memref_slice %arg7[%add3A_237, %dma_start3A_238] : memref<28x128xi32, #tpu.memory_space<vmem>> -> memref<1x128xi32, #tpu.memory_space<vmem>>
        %dma_start3A_240 = tpu.memref_squeeze %dma_start3A_239 : memref<1x128xi32, #tpu.memory_space<vmem>> -> memref<128xi32, #tpu.memory_space<vmem>>
        %dma_start3A_241 = arith.constant 0 : i32
        %dma_start3A_242 = arith.constant 0 : i32
        %dma_start3A_243 = tpu.memref_slice %arg20[%dma_start3A_241, %dma_start3A_242] : memref<50176x32xf32, #tpu.memory_space<vmem_shared>> -> memref<50176x32xf32, #tpu.memory_space<vmem_shared>>
        tpu.enqueue_indirect_dma source(%arg8 : memref<128x32xf32, #tpu.memory_space<vmem>>) target(%dma_start3A_243 : memref<50176x32xf32, #tpu.memory_space<vmem_shared>>) offsets(%dma_start3A_240 : memref<128xi32, #tpu.memory_space<vmem>>) semaphore(%arg16 : memref<!tpu.dma_semaphore, #tpu.memory_space<semaphore_mem>>) {add = true}
        %dma_wait3A_244 = arith.constant 0 : i32
        %dma_wait3A_245 = arith.constant 0 : i32
        %dma_wait3A_246 = tpu.memref_slice %arg6[%dma_wait3A_244, %dma_wait3A_245] : memref<28x128xi32, #tpu.memory_space<vmem>> -> memref<1x128xi32, #tpu.memory_space<vmem>>
        %dma_wait3A_247 = tpu.memref_squeeze %dma_wait3A_246 : memref<1x128xi32, #tpu.memory_space<vmem>> -> memref<128xi32, #tpu.memory_space<vmem>>
        %dma_wait3A_248 = arith.constant 0 : i32
        %dma_wait3A_249 = arith.constant 0 : i32
        %dma_wait3A_250 = tpu.memref_slice %arg2[%dma_wait3A_248, %dma_wait3A_249] : memref<501760x32xf32, #tpu.memory_space<hbm>> -> memref<501760x32xf32, #tpu.memory_space<hbm>>
        tpu.wait_indirect_dma semaphore(%arg13 : memref<!tpu.dma_semaphore, #tpu.memory_space<semaphore_mem>>) src(%dma_wait3A_250 : memref<501760x32xf32, #tpu.memory_space<hbm>>) dst(%arg9 : memref<128x32xf32, #tpu.memory_space<vmem>>)
        %add3A_251 = arith.constant 1 : i32
        %add3A_252 = arith.addi %mul3A_228, %add3A_251 : i32
        %dma_start3A_253 = arith.constant 0 : i32
        %dma_start3A_254 = tpu.memref_slice %arg7[%add3A_252, %dma_start3A_253] : memref<28x128xi32, #tpu.memory_space<vmem>> -> memref<1x128xi32, #tpu.memory_space<vmem>>
        %dma_start3A_255 = tpu.memref_squeeze %dma_start3A_254 : memref<1x128xi32, #tpu.memory_space<vmem>> -> memref<128xi32, #tpu.memory_space<vmem>>
        %dma_start3A_256 = arith.constant 0 : i32
        %dma_start3A_257 = arith.constant 0 : i32
        %dma_start3A_258 = tpu.memref_slice %arg20[%dma_start3A_256, %dma_start3A_257] : memref<50176x32xf32, #tpu.memory_space<vmem_shared>> -> memref<50176x32xf32, #tpu.memory_space<vmem_shared>>
        tpu.enqueue_indirect_dma source(%arg9 : memref<128x32xf32, #tpu.memory_space<vmem>>) target(%dma_start3A_258 : memref<50176x32xf32, #tpu.memory_space<vmem_shared>>) offsets(%dma_start3A_255 : memref<128xi32, #tpu.memory_space<vmem>>) semaphore(%arg17 : memref<!tpu.dma_semaphore, #tpu.memory_space<semaphore_mem>>) {add = true}
        %dma_wait3A_259 = arith.constant 0 : i32
        %dma_wait3A_260 = arith.constant 0 : i32
        %dma_wait3A_261 = tpu.memref_slice %arg6[%dma_wait3A_259, %dma_wait3A_260] : memref<28x128xi32, #tpu.memory_space<vmem>> -> memref<1x128xi32, #tpu.memory_space<vmem>>
        %dma_wait3A_262 = tpu.memref_squeeze %dma_wait3A_261 : memref<1x128xi32, #tpu.memory_space<vmem>> -> memref<128xi32, #tpu.memory_space<vmem>>
        %dma_wait3A_263 = arith.constant 0 : i32
        %dma_wait3A_264 = arith.constant 0 : i32
        %dma_wait3A_265 = tpu.memref_slice %arg2[%dma_wait3A_263, %dma_wait3A_264] : memref<501760x32xf32, #tpu.memory_space<hbm>> -> memref<501760x32xf32, #tpu.memory_space<hbm>>
        tpu.wait_indirect_dma semaphore(%arg14 : memref<!tpu.dma_semaphore, #tpu.memory_space<semaphore_mem>>) src(%dma_wait3A_265 : memref<501760x32xf32, #tpu.memory_space<hbm>>) dst(%arg10 : memref<128x32xf32, #tpu.memory_space<vmem>>)
        %add3A_266 = arith.constant 2 : i32
        %add3A_267 = arith.addi %mul3A_228, %add3A_266 : i32
        %dma_start3A_268 = arith.constant 0 : i32
        %dma_start3A_269 = tpu.memref_slice %arg7[%add3A_267, %dma_start3A_268] : memref<28x128xi32, #tpu.memory_space<vmem>> -> memref<1x128xi32, #tpu.memory_space<vmem>>
        %dma_start3A_270 = tpu.memref_squeeze %dma_start3A_269 : memref<1x128xi32, #tpu.memory_space<vmem>> -> memref<128xi32, #tpu.memory_space<vmem>>
        %dma_start3A_271 = arith.constant 0 : i32
        %dma_start3A_272 = arith.constant 0 : i32
        %dma_start3A_273 = tpu.memref_slice %arg20[%dma_start3A_271, %dma_start3A_272] : memref<50176x32xf32, #tpu.memory_space<vmem_shared>> -> memref<50176x32xf32, #tpu.memory_space<vmem_shared>>
        tpu.enqueue_indirect_dma source(%arg10 : memref<128x32xf32, #tpu.memory_space<vmem>>) target(%dma_start3A_273 : memref<50176x32xf32, #tpu.memory_space<vmem_shared>>) offsets(%dma_start3A_270 : memref<128xi32, #tpu.memory_space<vmem>>) semaphore(%arg18 : memref<!tpu.dma_semaphore, #tpu.memory_space<semaphore_mem>>) {add = true}
        %dma_wait3A_274 = arith.constant 0 : i32
        %dma_wait3A_275 = arith.constant 0 : i32
        %dma_wait3A_276 = tpu.memref_slice %arg6[%dma_wait3A_274, %dma_wait3A_275] : memref<28x128xi32, #tpu.memory_space<vmem>> -> memref<1x128xi32, #tpu.memory_space<vmem>>
        %dma_wait3A_277 = tpu.memref_squeeze %dma_wait3A_276 : memref<1x128xi32, #tpu.memory_space<vmem>> -> memref<128xi32, #tpu.memory_space<vmem>>
        %dma_wait3A_278 = arith.constant 0 : i32
        %dma_wait3A_279 = arith.constant 0 : i32
        %dma_wait3A_280 = tpu.memref_slice %arg2[%dma_wait3A_278, %dma_wait3A_279] : memref<501760x32xf32, #tpu.memory_space<hbm>> -> memref<501760x32xf32, #tpu.memory_space<hbm>>
        tpu.wait_indirect_dma semaphore(%arg15 : memref<!tpu.dma_semaphore, #tpu.memory_space<semaphore_mem>>) src(%dma_wait3A_280 : memref<501760x32xf32, #tpu.memory_space<hbm>>) dst(%arg11 : memref<128x32xf32, #tpu.memory_space<vmem>>)
        %add3A_281 = arith.constant 3 : i32
        %add3A_282 = arith.addi %mul3A_228, %add3A_281 : i32
        %dma_start3A_283 = arith.constant 0 : i32
        %dma_start3A_284 = tpu.memref_slice %arg7[%add3A_282, %dma_start3A_283] : memref<28x128xi32, #tpu.memory_space<vmem>> -> memref<1x128xi32, #tpu.memory_space<vmem>>
        %dma_start3A_285 = tpu.memref_squeeze %dma_start3A_284 : memref<1x128xi32, #tpu.memory_space<vmem>> -> memref<128xi32, #tpu.memory_space<vmem>>
        %dma_start3A_286 = arith.constant 0 : i32
        %dma_start3A_287 = arith.constant 0 : i32
        %dma_start3A_288 = tpu.memref_slice %arg20[%dma_start3A_286, %dma_start3A_287] : memref<50176x32xf32, #tpu.memory_space<vmem_shared>> -> memref<50176x32xf32, #tpu.memory_space<vmem_shared>>
        tpu.enqueue_indirect_dma source(%arg11 : memref<128x32xf32, #tpu.memory_space<vmem>>) target(%dma_start3A_288 : memref<50176x32xf32, #tpu.memory_space<vmem_shared>>) offsets(%dma_start3A_285 : memref<128xi32, #tpu.memory_space<vmem>>) semaphore(%arg19 : memref<!tpu.dma_semaphore, #tpu.memory_space<semaphore_mem>>) {add = true}
        %add3A_289 = arith.constant 4 : i32
        %add3A_290 = arith.addi %mul3A_228, %add3A_289 : i32
        %add3A_291 = arith.constant 0 : i32
        %add3A_292 = arith.addi %add3A_290, %add3A_291 : i32
        %lt3A = arith.constant 28 : i32
        %lt3A_293 = arith.cmpi slt, %add3A_292, %lt3A : i32
        %convert_element_type3A_294 = arith.extui %lt3A_293 : i1 to i32
        %cond3A_295 = arith.constant 0 : i32
        %cond3A_296 = arith.cmpi ne, %convert_element_type3A_294, %cond3A_295 : i32
        scf.if %cond3A_296 {
          %add3A_324 = arith.constant 0 : i32
          %add3A_325 = arith.addi %mul3A_228, %add3A_324 : i32
          %dma_wait3A_326 = arith.constant 0 : i32
          %dma_wait3A_327 = tpu.memref_slice %arg7[%add3A_325, %dma_wait3A_326] : memref<28x128xi32, #tpu.memory_space<vmem>> -> memref<1x128xi32, #tpu.memory_space<vmem>>
          %dma_wait3A_328 = tpu.memref_squeeze %dma_wait3A_327 : memref<1x128xi32, #tpu.memory_space<vmem>> -> memref<128xi32, #tpu.memory_space<vmem>>
          %dma_wait3A_329 = arith.constant 0 : i32
          %dma_wait3A_330 = arith.constant 0 : i32
          %dma_wait3A_331 = tpu.memref_slice %arg20[%dma_wait3A_329, %dma_wait3A_330] : memref<50176x32xf32, #tpu.memory_space<vmem_shared>> -> memref<50176x32xf32, #tpu.memory_space<vmem_shared>>
          tpu.wait_indirect_dma semaphore(%arg16 : memref<!tpu.dma_semaphore, #tpu.memory_space<semaphore_mem>>) src(%arg8 : memref<128x32xf32, #tpu.memory_space<vmem>>) dst(%dma_wait3A_331 : memref<50176x32xf32, #tpu.memory_space<vmem_shared>>)
          %add3A_332 = arith.constant 4 : i32
          %add3A_333 = arith.addi %mul3A_228, %add3A_332 : i32
          %add3A_334 = arith.constant 0 : i32
          %add3A_335 = arith.addi %add3A_333, %add3A_334 : i32
          %dma_start3A_336 = arith.constant 0 : i32
          %dma_start3A_337 = tpu.memref_slice %arg6[%add3A_335, %dma_start3A_336] : memref<28x128xi32, #tpu.memory_space<vmem>> -> memref<1x128xi32, #tpu.memory_space<vmem>>
          %dma_start3A_338 = tpu.memref_squeeze %dma_start3A_337 : memref<1x128xi32, #tpu.memory_space<vmem>> -> memref<128xi32, #tpu.memory_space<vmem>>
          %dma_start3A_339 = arith.constant 0 : i32
          %dma_start3A_340 = arith.constant 0 : i32
          %dma_start3A_341 = tpu.memref_slice %arg2[%dma_start3A_339, %dma_start3A_340] : memref<501760x32xf32, #tpu.memory_space<hbm>> -> memref<501760x32xf32, #tpu.memory_space<hbm>>
          tpu.enqueue_indirect_dma source(%dma_start3A_341 : memref<501760x32xf32, #tpu.memory_space<hbm>>) target(%arg8 : memref<128x32xf32, #tpu.memory_space<vmem>>) offsets(%dma_start3A_338 : memref<128xi32, #tpu.memory_space<vmem>>) semaphore(%arg12 : memref<!tpu.dma_semaphore, #tpu.memory_space<semaphore_mem>>)
        } else {
        }
        %add3A_297 = arith.constant 4 : i32
        %add3A_298 = arith.addi %mul3A_228, %add3A_297 : i32
        %add3A_299 = arith.constant 1 : i32
        %add3A_300 = arith.addi %add3A_298, %add3A_299 : i32
        %lt3A_301 = arith.constant 28 : i32
        %lt3A_302 = arith.cmpi slt, %add3A_300, %lt3A_301 : i32
        %convert_element_type3A_303 = arith.extui %lt3A_302 : i1 to i32
        %cond3A_304 = arith.constant 0 : i32
        %cond3A_305 = arith.cmpi ne, %convert_element_type3A_303, %cond3A_304 : i32
        scf.if %cond3A_305 {
          %add3A_324 = arith.constant 1 : i32
          %add3A_325 = arith.addi %mul3A_228, %add3A_324 : i32
          %dma_wait3A_326 = arith.constant 0 : i32
          %dma_wait3A_327 = tpu.memref_slice %arg7[%add3A_325, %dma_wait3A_326] : memref<28x128xi32, #tpu.memory_space<vmem>> -> memref<1x128xi32, #tpu.memory_space<vmem>>
          %dma_wait3A_328 = tpu.memref_squeeze %dma_wait3A_327 : memref<1x128xi32, #tpu.memory_space<vmem>> -> memref<128xi32, #tpu.memory_space<vmem>>
          %dma_wait3A_329 = arith.constant 0 : i32
          %dma_wait3A_330 = arith.constant 0 : i32
          %dma_wait3A_331 = tpu.memref_slice %arg20[%dma_wait3A_329, %dma_wait3A_330] : memref<50176x32xf32, #tpu.memory_space<vmem_shared>> -> memref<50176x32xf32, #tpu.memory_space<vmem_shared>>
          tpu.wait_indirect_dma semaphore(%arg17 : memref<!tpu.dma_semaphore, #tpu.memory_space<semaphore_mem>>) src(%arg9 : memref<128x32xf32, #tpu.memory_space<vmem>>) dst(%dma_wait3A_331 : memref<50176x32xf32, #tpu.memory_space<vmem_shared>>)
          %add3A_332 = arith.constant 4 : i32
          %add3A_333 = arith.addi %mul3A_228, %add3A_332 : i32
          %add3A_334 = arith.constant 1 : i32
          %add3A_335 = arith.addi %add3A_333, %add3A_334 : i32
          %dma_start3A_336 = arith.constant 0 : i32
          %dma_start3A_337 = tpu.memref_slice %arg6[%add3A_335, %dma_start3A_336] : memref<28x128xi32, #tpu.memory_space<vmem>> -> memref<1x128xi32, #tpu.memory_space<vmem>>
          %dma_start3A_338 = tpu.memref_squeeze %dma_start3A_337 : memref<1x128xi32, #tpu.memory_space<vmem>> -> memref<128xi32, #tpu.memory_space<vmem>>
          %dma_start3A_339 = arith.constant 0 : i32
          %dma_start3A_340 = arith.constant 0 : i32
          %dma_start3A_341 = tpu.memref_slice %arg2[%dma_start3A_339, %dma_start3A_340] : memref<501760x32xf32, #tpu.memory_space<hbm>> -> memref<501760x32xf32, #tpu.memory_space<hbm>>
          tpu.enqueue_indirect_dma source(%dma_start3A_341 : memref<501760x32xf32, #tpu.memory_space<hbm>>) target(%arg9 : memref<128x32xf32, #tpu.memory_space<vmem>>) offsets(%dma_start3A_338 : memref<128xi32, #tpu.memory_space<vmem>>) semaphore(%arg13 : memref<!tpu.dma_semaphore, #tpu.memory_space<semaphore_mem>>)
        } else {
        }
        %add3A_306 = arith.constant 4 : i32
        %add3A_307 = arith.addi %mul3A_228, %add3A_306 : i32
        %add3A_308 = arith.constant 2 : i32
        %add3A_309 = arith.addi %add3A_307, %add3A_308 : i32
        %lt3A_310 = arith.constant 28 : i32
        %lt3A_311 = arith.cmpi slt, %add3A_309, %lt3A_310 : i32
        %convert_element_type3A_312 = arith.extui %lt3A_311 : i1 to i32
        %cond3A_313 = arith.constant 0 : i32
        %cond3A_314 = arith.cmpi ne, %convert_element_type3A_312, %cond3A_313 : i32
        scf.if %cond3A_314 {
          %add3A_324 = arith.constant 2 : i32
          %add3A_325 = arith.addi %mul3A_228, %add3A_324 : i32
          %dma_wait3A_326 = arith.constant 0 : i32
          %dma_wait3A_327 = tpu.memref_slice %arg7[%add3A_325, %dma_wait3A_326] : memref<28x128xi32, #tpu.memory_space<vmem>> -> memref<1x128xi32, #tpu.memory_space<vmem>>
          %dma_wait3A_328 = tpu.memref_squeeze %dma_wait3A_327 : memref<1x128xi32, #tpu.memory_space<vmem>> -> memref<128xi32, #tpu.memory_space<vmem>>
          %dma_wait3A_329 = arith.constant 0 : i32
          %dma_wait3A_330 = arith.constant 0 : i32
          %dma_wait3A_331 = tpu.memref_slice %arg20[%dma_wait3A_329, %dma_wait3A_330] : memref<50176x32xf32, #tpu.memory_space<vmem_shared>> -> memref<50176x32xf32, #tpu.memory_space<vmem_shared>>
          tpu.wait_indirect_dma semaphore(%arg18 : memref<!tpu.dma_semaphore, #tpu.memory_space<semaphore_mem>>) src(%arg10 : memref<128x32xf32, #tpu.memory_space<vmem>>) dst(%dma_wait3A_331 : memref<50176x32xf32, #tpu.memory_space<vmem_shared>>)
          %add3A_332 = arith.constant 4 : i32
          %add3A_333 = arith.addi %mul3A_228, %add3A_332 : i32
          %add3A_334 = arith.constant 2 : i32
          %add3A_335 = arith.addi %add3A_333, %add3A_334 : i32
          %dma_start3A_336 = arith.constant 0 : i32
          %dma_start3A_337 = tpu.memref_slice %arg6[%add3A_335, %dma_start3A_336] : memref<28x128xi32, #tpu.memory_space<vmem>> -> memref<1x128xi32, #tpu.memory_space<vmem>>
          %dma_start3A_338 = tpu.memref_squeeze %dma_start3A_337 : memref<1x128xi32, #tpu.memory_space<vmem>> -> memref<128xi32, #tpu.memory_space<vmem>>
          %dma_start3A_339 = arith.constant 0 : i32
          %dma_start3A_340 = arith.constant 0 : i32
          %dma_start3A_341 = tpu.memref_slice %arg2[%dma_start3A_339, %dma_start3A_340] : memref<501760x32xf32, #tpu.memory_space<hbm>> -> memref<501760x32xf32, #tpu.memory_space<hbm>>
          tpu.enqueue_indirect_dma source(%dma_start3A_341 : memref<501760x32xf32, #tpu.memory_space<hbm>>) target(%arg10 : memref<128x32xf32, #tpu.memory_space<vmem>>) offsets(%dma_start3A_338 : memref<128xi32, #tpu.memory_space<vmem>>) semaphore(%arg14 : memref<!tpu.dma_semaphore, #tpu.memory_space<semaphore_mem>>)
        } else {
        }
        %add3A_315 = arith.constant 4 : i32
        %add3A_316 = arith.addi %mul3A_228, %add3A_315 : i32
        %add3A_317 = arith.constant 3 : i32
        %add3A_318 = arith.addi %add3A_316, %add3A_317 : i32
        %lt3A_319 = arith.constant 28 : i32
        %lt3A_320 = arith.cmpi slt, %add3A_318, %lt3A_319 : i32
        %convert_element_type3A_321 = arith.extui %lt3A_320 : i1 to i32
        %cond3A_322 = arith.constant 0 : i32
        %cond3A_323 = arith.cmpi ne, %convert_element_type3A_321, %cond3A_322 : i32
        scf.if %cond3A_323 {
          %add3A_324 = arith.constant 3 : i32
          %add3A_325 = arith.addi %mul3A_228, %add3A_324 : i32
          %dma_wait3A_326 = arith.constant 0 : i32
          %dma_wait3A_327 = tpu.memref_slice %arg7[%add3A_325, %dma_wait3A_326] : memref<28x128xi32, #tpu.memory_space<vmem>> -> memref<1x128xi32, #tpu.memory_space<vmem>>
          %dma_wait3A_328 = tpu.memref_squeeze %dma_wait3A_327 : memref<1x128xi32, #tpu.memory_space<vmem>> -> memref<128xi32, #tpu.memory_space<vmem>>
          %dma_wait3A_329 = arith.constant 0 : i32
          %dma_wait3A_330 = arith.constant 0 : i32
          %dma_wait3A_331 = tpu.memref_slice %arg20[%dma_wait3A_329, %dma_wait3A_330] : memref<50176x32xf32, #tpu.memory_space<vmem_shared>> -> memref<50176x32xf32, #tpu.memory_space<vmem_shared>>
          tpu.wait_indirect_dma semaphore(%arg19 : memref<!tpu.dma_semaphore, #tpu.memory_space<semaphore_mem>>) src(%arg11 : memref<128x32xf32, #tpu.memory_space<vmem>>) dst(%dma_wait3A_331 : memref<50176x32xf32, #tpu.memory_space<vmem_shared>>)
          %add3A_332 = arith.constant 4 : i32
          %add3A_333 = arith.addi %mul3A_228, %add3A_332 : i32
          %add3A_334 = arith.constant 3 : i32
          %add3A_335 = arith.addi %add3A_333, %add3A_334 : i32
          %dma_start3A_336 = arith.constant 0 : i32
          %dma_start3A_337 = tpu.memref_slice %arg6[%add3A_335, %dma_start3A_336] : memref<28x128xi32, #tpu.memory_space<vmem>> -> memref<1x128xi32, #tpu.memory_space<vmem>>
          %dma_start3A_338 = tpu.memref_squeeze %dma_start3A_337 : memref<1x128xi32, #tpu.memory_space<vmem>> -> memref<128xi32, #tpu.memory_space<vmem>>
          %dma_start3A_339 = arith.constant 0 : i32
          %dma_start3A_340 = arith.constant 0 : i32
          %dma_start3A_341 = tpu.memref_slice %arg2[%dma_start3A_339, %dma_start3A_340] : memref<501760x32xf32, #tpu.memory_space<hbm>> -> memref<501760x32xf32, #tpu.memory_space<hbm>>
          tpu.enqueue_indirect_dma source(%dma_start3A_341 : memref<501760x32xf32, #tpu.memory_space<hbm>>) target(%arg11 : memref<128x32xf32, #tpu.memory_space<vmem>>) offsets(%dma_start3A_338 : memref<128xi32, #tpu.memory_space<vmem>>) semaphore(%arg15 : memref<!tpu.dma_semaphore, #tpu.memory_space<semaphore_mem>>)
        } else {
        }
      }
      %scan3A_198 = arith.constant 7 : i32
      %dma_wait3A = arith.constant 24 : i32
      %dma_wait3A_199 = arith.constant 0 : i32
      %dma_wait3A_200 = tpu.memref_slice %arg7[%dma_wait3A, %dma_wait3A_199] : memref<28x128xi32, #tpu.memory_space<vmem>> -> memref<1x128xi32, #tpu.memory_space<vmem>>
      %dma_wait3A_201 = tpu.memref_squeeze %dma_wait3A_200 : memref<1x128xi32, #tpu.memory_space<vmem>> -> memref<128xi32, #tpu.memory_space<vmem>>
      %dma_wait3A_202 = arith.constant 0 : i32
      %dma_wait3A_203 = arith.constant 0 : i32
      %dma_wait3A_204 = tpu.memref_slice %arg20[%dma_wait3A_202, %dma_wait3A_203] : memref<50176x32xf32, #tpu.memory_space<vmem_shared>> -> memref<50176x32xf32, #tpu.memory_space<vmem_shared>>
      tpu.wait_indirect_dma semaphore(%arg16 : memref<!tpu.dma_semaphore, #tpu.memory_space<semaphore_mem>>) src(%arg8 : memref<128x32xf32, #tpu.memory_space<vmem>>) dst(%dma_wait3A_204 : memref<50176x32xf32, #tpu.memory_space<vmem_shared>>)
      %dma_wait3A_205 = arith.constant 25 : i32
      %dma_wait3A_206 = arith.constant 0 : i32
      %dma_wait3A_207 = tpu.memref_slice %arg7[%dma_wait3A_205, %dma_wait3A_206] : memref<28x128xi32, #tpu.memory_space<vmem>> -> memref<1x128xi32, #tpu.memory_space<vmem>>
      %dma_wait3A_208 = tpu.memref_squeeze %dma_wait3A_207 : memref<1x128xi32, #tpu.memory_space<vmem>> -> memref<128xi32, #tpu.memory_space<vmem>>
      %dma_wait3A_209 = arith.constant 0 : i32
      %dma_wait3A_210 = arith.constant 0 : i32
      %dma_wait3A_211 = tpu.memref_slice %arg20[%dma_wait3A_209, %dma_wait3A_210] : memref<50176x32xf32, #tpu.memory_space<vmem_shared>> -> memref<50176x32xf32, #tpu.memory_space<vmem_shared>>
      tpu.wait_indirect_dma semaphore(%arg17 : memref<!tpu.dma_semaphore, #tpu.memory_space<semaphore_mem>>) src(%arg9 : memref<128x32xf32, #tpu.memory_space<vmem>>) dst(%dma_wait3A_211 : memref<50176x32xf32, #tpu.memory_space<vmem_shared>>)
      %dma_wait3A_212 = arith.constant 26 : i32
      %dma_wait3A_213 = arith.constant 0 : i32
      %dma_wait3A_214 = tpu.memref_slice %arg7[%dma_wait3A_212, %dma_wait3A_213] : memref<28x128xi32, #tpu.memory_space<vmem>> -> memref<1x128xi32, #tpu.memory_space<vmem>>
      %dma_wait3A_215 = tpu.memref_squeeze %dma_wait3A_214 : memref<1x128xi32, #tpu.memory_space<vmem>> -> memref<128xi32, #tpu.memory_space<vmem>>
      %dma_wait3A_216 = arith.constant 0 : i32
      %dma_wait3A_217 = arith.constant 0 : i32
      %dma_wait3A_218 = tpu.memref_slice %arg20[%dma_wait3A_216, %dma_wait3A_217] : memref<50176x32xf32, #tpu.memory_space<vmem_shared>> -> memref<50176x32xf32, #tpu.memory_space<vmem_shared>>
      tpu.wait_indirect_dma semaphore(%arg18 : memref<!tpu.dma_semaphore, #tpu.memory_space<semaphore_mem>>) src(%arg10 : memref<128x32xf32, #tpu.memory_space<vmem>>) dst(%dma_wait3A_218 : memref<50176x32xf32, #tpu.memory_space<vmem_shared>>)
      %dma_wait3A_219 = arith.constant 27 : i32
      %dma_wait3A_220 = arith.constant 0 : i32
      %dma_wait3A_221 = tpu.memref_slice %arg7[%dma_wait3A_219, %dma_wait3A_220] : memref<28x128xi32, #tpu.memory_space<vmem>> -> memref<1x128xi32, #tpu.memory_space<vmem>>
      %dma_wait3A_222 = tpu.memref_squeeze %dma_wait3A_221 : memref<1x128xi32, #tpu.memory_space<vmem>> -> memref<128xi32, #tpu.memory_space<vmem>>
      %dma_wait3A_223 = arith.constant 0 : i32
      %dma_wait3A_224 = arith.constant 0 : i32
      %dma_wait3A_225 = tpu.memref_slice %arg20[%dma_wait3A_223, %dma_wait3A_224] : memref<50176x32xf32, #tpu.memory_space<vmem_shared>> -> memref<50176x32xf32, #tpu.memory_space<vmem_shared>>
      tpu.wait_indirect_dma semaphore(%arg19 : memref<!tpu.dma_semaphore, #tpu.memory_space<semaphore_mem>>) src(%arg11 : memref<128x32xf32, #tpu.memory_space<vmem>>) dst(%dma_wait3A_225 : memref<50176x32xf32, #tpu.memory_space<vmem_shared>>)
    }
    %scan3A_50 = arith.constant 14 : i32
    %barrier3A_51 = arith.constant 0 : index
    tpu.barrier barrier_id(%barrier3A_51)
    %eq3A_52 = arith.constant 0 : i32
    %eq3A_53 = arith.cmpi eq, %arg1, %eq3A_52 : i32
    %convert_element_type3A_54 = arith.extui %eq3A_53 : i1 to i32
    %cond3A_55 = arith.constant 0 : i32
    %cond3A_56 = arith.cmpi ne, %convert_element_type3A_54, %cond3A_55 : i32
    scf.if %cond3A_56 {
      "tpu.region"() ({
        %run_scoped3A = tpu.sem_alloc : memref<!tpu.dma_semaphore, #tpu.memory_space<semaphore_mem>>
        %dma_start3A = arith.constant 0 : i32
        %dma_start3A_157 = arith.constant 0 : i32
        %dma_start3A_158 = tpu.memref_slice %arg5[%add3A_28, %dma_start3A, %dma_start3A_157] : memref<10x50176x32xf32, #tpu.memory_space<hbm>> -> memref<1x50176x32xf32, #tpu.memory_space<hbm>>
        %dma_start3A_159 = tpu.memref_squeeze %dma_start3A_158 : memref<1x50176x32xf32, #tpu.memory_space<hbm>> -> memref<50176x32xf32, #tpu.memory_space<hbm>>
        tpu.enqueue_dma source(%arg20 : memref<50176x32xf32, #tpu.memory_space<vmem_shared>>) target(%dma_start3A_159 : memref<50176x32xf32, #tpu.memory_space<hbm>>) target_semaphore(%run_scoped3A : memref<!tpu.dma_semaphore, #tpu.memory_space<semaphore_mem>>)
        %dma_wait3A = arith.constant 0 : i32
        %dma_wait3A_160 = arith.constant 0 : i32
        %dma_wait3A_161 = tpu.memref_slice %arg5[%add3A_28, %dma_wait3A, %dma_wait3A_160] : memref<10x50176x32xf32, #tpu.memory_space<hbm>> -> memref<1x50176x32xf32, #tpu.memory_space<hbm>>
        %dma_wait3A_162 = tpu.memref_squeeze %dma_wait3A_161 : memref<1x50176x32xf32, #tpu.memory_space<hbm>> -> memref<50176x32xf32, #tpu.memory_space<hbm>>
        tpu.wait_dma2 semaphore(%run_scoped3A : memref<!tpu.dma_semaphore, #tpu.memory_space<semaphore_mem>>) src(%arg20 : memref<50176x32xf32, #tpu.memory_space<vmem_shared>>) dst(%dma_wait3A_162 : memref<50176x32xf32, #tpu.memory_space<hbm>>)
        tpu.yield
      }) : () -> ()
    } else {
    }
    %barrier3A_57 = arith.constant 0 : index
    tpu.barrier barrier_id(%barrier3A_57)
    %mul3A_58 = arith.constant 5 : i32
    %mul3A_59 = arith.muli %arg0, %mul3A_58 : i32
    %add3A_60 = arith.constant 2 : i32
    %add3A_61 = arith.addi %mul3A_59, %add3A_60 : i32
    %mul3A_62 = arith.constant 50176 : i32
    %mul3A_63 = arith.muli %add3A_61, %mul3A_62 : i32
    %broadcast_in_dim3A_64 = arith.constant 0.000000e+00 : f32
    %broadcast_in_dim3A_65 = vector.broadcast %broadcast_in_dim3A_64 : f32 to vector<16xf32>
    %scan3A_66 = arith.constant 0 : i32
    %scan3A_67 = arith.constant 128 : i32
    %scan3A_68 = arith.addi %scan3A_66, %scan3A_67 : i32
    %scan3A_69 = arith.constant 1 : i32
    scf.for %scan3A_157 = %scan3A_66 to %scan3A_68 step %scan3A_69  : i32 {
      %swap3A = arith.index_cast %scan3A_157 : i32 to index
      %swap3A_158 = arith.constant 0 : index
      %swap3A_159 = tpu.vector_load %arg8[%swap3A, %swap3A_158] {strides = array<i32>} : memref<128x32xf32, #tpu.memory_space<vmem>>, vector<16xf32>,
      tpu.vector_store %arg8[%swap3A, %swap3A_158], %broadcast_in_dim3A_65 {strides = array<i32>} : memref<128x32xf32, #tpu.memory_space<vmem>>, vector<16xf32>,
      %swap3A_160 = arith.index_cast %scan3A_157 : i32 to index
      %swap3A_161 = arith.constant 16 : index
      %swap3A_162 = tpu.vector_load %arg8[%swap3A_160, %swap3A_161] {strides = array<i32>} : memref<128x32xf32, #tpu.memory_space<vmem>>, vector<16xf32>,
      tpu.vector_store %arg8[%swap3A_160, %swap3A_161], %broadcast_in_dim3A_65 {strides = array<i32>} : memref<128x32xf32, #tpu.memory_space<vmem>>, vector<16xf32>,
    }
    %scan3A_70 = arith.constant 128 : i32
    %mul3A_71 = arith.constant 3136 : i32
    %mul3A_72 = arith.muli %arg1, %mul3A_71 : i32
    %scan3A_73 = arith.constant 0 : i32
    %scan3A_74 = arith.constant 49 : i32
    %scan3A_75 = arith.addi %scan3A_73, %scan3A_74 : i32
    %scan3A_76 = arith.constant 1 : i32
    scf.for %scan3A_157 = %scan3A_73 to %scan3A_75 step %scan3A_76  : i32 {
      %mul3A_158 = arith.constant 64 : i32
      %mul3A_159 = arith.muli %scan3A_157, %mul3A_158 : i32
      %add3A_160 = arith.addi %mul3A_72, %mul3A_159 : i32
      "tpu.region"() ({
        %run_scoped3A = tpu.sem_alloc : memref<!tpu.dma_semaphore, #tpu.memory_space<semaphore_mem>>
        %dma_start3A = arith.constant 0 : i32
        %dma_start3A_161 = arith.constant 0 : i32
        %dma_start3A_162 = tpu.memref_slice %arg8[%dma_start3A, %dma_start3A_161] : memref<128x32xf32, #tpu.memory_space<vmem>> -> memref<64x32xf32, #tpu.memory_space<vmem>>
        %dma_start3A_163 = arith.constant 0 : i32
        %dma_start3A_164 = tpu.memref_slice %arg20[%add3A_160, %dma_start3A_163] : memref<50176x32xf32, #tpu.memory_space<vmem_shared>> -> memref<64x32xf32, #tpu.memory_space<vmem_shared>>
        %dma_start3A_165 = arith.constant 0 : i32
        %dma_start3A_166 = tpu.memref_slice %arg20[%add3A_160, %dma_start3A_165] : memref<50176x32xf32, #tpu.memory_space<vmem_shared>> -> memref<64x32xf32, #tpu.memory_space<vmem_shared>>
        %dma_start3A_167 = arith.constant 0 : i32
        %dma_start3A_168 = arith.constant 0 : i32
        %dma_start3A_169 = tpu.memref_slice %arg8[%dma_start3A_167, %dma_start3A_168] : memref<128x32xf32, #tpu.memory_space<vmem>> -> memref<64x32xf32, #tpu.memory_space<vmem>>
        tpu.enqueue_dma source(%dma_start3A_169 : memref<64x32xf32, #tpu.memory_space<vmem>>) target(%dma_start3A_166 : memref<64x32xf32, #tpu.memory_space<vmem_shared>>) target_semaphore(%run_scoped3A : memref<!tpu.dma_semaphore, #tpu.memory_space<semaphore_mem>>)
        %dma_wait3A = arith.constant 0 : i32
        %dma_wait3A_170 = arith.constant 0 : i32
        %dma_wait3A_171 = tpu.memref_slice %arg8[%dma_wait3A, %dma_wait3A_170] : memref<128x32xf32, #tpu.memory_space<vmem>> -> memref<64x32xf32, #tpu.memory_space<vmem>>
        %dma_wait3A_172 = arith.constant 0 : i32
        %dma_wait3A_173 = tpu.memref_slice %arg20[%add3A_160, %dma_wait3A_172] : memref<50176x32xf32, #tpu.memory_space<vmem_shared>> -> memref<64x32xf32, #tpu.memory_space<vmem_shared>>
        %dma_wait3A_174 = arith.constant 0 : i32
        %dma_wait3A_175 = tpu.memref_slice %arg20[%add3A_160, %dma_wait3A_174] : memref<50176x32xf32, #tpu.memory_space<vmem_shared>> -> memref<64x32xf32, #tpu.memory_space<vmem_shared>>
        %dma_wait3A_176 = arith.constant 0 : i32
        %dma_wait3A_177 = arith.constant 0 : i32
        %dma_wait3A_178 = tpu.memref_slice %arg8[%dma_wait3A_176, %dma_wait3A_177] : memref<128x32xf32, #tpu.memory_space<vmem>> -> memref<64x32xf32, #tpu.memory_space<vmem>>
        tpu.wait_dma2 semaphore(%run_scoped3A : memref<!tpu.dma_semaphore, #tpu.memory_space<semaphore_mem>>) src(%dma_wait3A_178 : memref<64x32xf32, #tpu.memory_space<vmem>>) dst(%dma_wait3A_175 : memref<64x32xf32, #tpu.memory_space<vmem_shared>>)
        tpu.yield
      }) : () -> ()
    }
    %scan3A_77 = arith.constant 49 : i32
    %barrier3A_78 = arith.constant 0 : index
    tpu.barrier barrier_id(%barrier3A_78)
    %scan3A_79 = arith.constant 0 : i32
    %scan3A_80 = arith.constant 14 : i32
    %scan3A_81 = arith.addi %scan3A_79, %scan3A_80 : i32
    %scan3A_82 = arith.constant 1 : i32
    scf.for %scan3A_157 = %scan3A_79 to %scan3A_81 step %scan3A_82  : i32 {
      %mul3A_158 = arith.constant 28 : i32
      %mul3A_159 = arith.muli %scan3A_157, %mul3A_158 : i32
      "tpu.region"() ({
        %run_scoped3A = tpu.sem_alloc : memref<!tpu.dma_semaphore, #tpu.memory_space<semaphore_mem>>
        %dma_start3A_226 = arith.constant 0 : i32
        %dma_start3A_227 = tpu.memref_slice %arg3[%arg1, %mul3A_159, %dma_start3A_226] : memref<16x392x128xi32, #tpu.memory_space<hbm>> -> memref<1x28x128xi32, #tpu.memory_space<hbm>>
        %dma_start3A_228 = tpu.memref_squeeze %dma_start3A_227 : memref<1x28x128xi32, #tpu.memory_space<hbm>> -> memref<28x128xi32, #tpu.memory_space<hbm>>
        %dma_start3A_229 = arith.constant 0 : i32
        %dma_start3A_230 = tpu.memref_slice %arg3[%arg1, %mul3A_159, %dma_start3A_229] : memref<16x392x128xi32, #tpu.memory_space<hbm>> -> memref<1x28x128xi32, #tpu.memory_space<hbm>>
        %dma_start3A_231 = tpu.memref_squeeze %dma_start3A_230 : memref<1x28x128xi32, #tpu.memory_space<hbm>> -> memref<28x128xi32, #tpu.memory_space<hbm>>
        tpu.enqueue_dma source(%dma_start3A_231 : memref<28x128xi32, #tpu.memory_space<hbm>>) target(%arg6 : memref<28x128xi32, #tpu.memory_space<vmem>>) target_semaphore(%run_scoped3A : memref<!tpu.dma_semaphore, #tpu.memory_space<semaphore_mem>>)
        %dma_wait3A_232 = arith.constant 0 : i32
        %dma_wait3A_233 = tpu.memref_slice %arg3[%arg1, %mul3A_159, %dma_wait3A_232] : memref<16x392x128xi32, #tpu.memory_space<hbm>> -> memref<1x28x128xi32, #tpu.memory_space<hbm>>
        %dma_wait3A_234 = tpu.memref_squeeze %dma_wait3A_233 : memref<1x28x128xi32, #tpu.memory_space<hbm>> -> memref<28x128xi32, #tpu.memory_space<hbm>>
        %dma_wait3A_235 = arith.constant 0 : i32
        %dma_wait3A_236 = tpu.memref_slice %arg3[%arg1, %mul3A_159, %dma_wait3A_235] : memref<16x392x128xi32, #tpu.memory_space<hbm>> -> memref<1x28x128xi32, #tpu.memory_space<hbm>>
        %dma_wait3A_237 = tpu.memref_squeeze %dma_wait3A_236 : memref<1x28x128xi32, #tpu.memory_space<hbm>> -> memref<28x128xi32, #tpu.memory_space<hbm>>
        tpu.wait_dma2 semaphore(%run_scoped3A : memref<!tpu.dma_semaphore, #tpu.memory_space<semaphore_mem>>) src(%dma_wait3A_237 : memref<28x128xi32, #tpu.memory_space<hbm>>) dst(%arg6 : memref<28x128xi32, #tpu.memory_space<vmem>>)
        tpu.yield
      }) : () -> ()
      %mul3A_160 = arith.constant 28 : i32
      %mul3A_161 = arith.muli %scan3A_157, %mul3A_160 : i32
      "tpu.region"() ({
        %run_scoped3A = tpu.sem_alloc : memref<!tpu.dma_semaphore, #tpu.memory_space<semaphore_mem>>
        %dma_start3A_226 = arith.constant 0 : i32
        %dma_start3A_227 = tpu.memref_slice %arg4[%arg1, %mul3A_161, %dma_start3A_226] : memref<16x392x128xi32, #tpu.memory_space<hbm>> -> memref<1x28x128xi32, #tpu.memory_space<hbm>>
        %dma_start3A_228 = tpu.memref_squeeze %dma_start3A_227 : memref<1x28x128xi32, #tpu.memory_space<hbm>> -> memref<28x128xi32, #tpu.memory_space<hbm>>
        %dma_start3A_229 = arith.constant 0 : i32
        %dma_start3A_230 = tpu.memref_slice %arg4[%arg1, %mul3A_161, %dma_start3A_229] : memref<16x392x128xi32, #tpu.memory_space<hbm>> -> memref<1x28x128xi32, #tpu.memory_space<hbm>>
        %dma_start3A_231 = tpu.memref_squeeze %dma_start3A_230 : memref<1x28x128xi32, #tpu.memory_space<hbm>> -> memref<28x128xi32, #tpu.memory_space<hbm>>
        tpu.enqueue_dma source(%dma_start3A_231 : memref<28x128xi32, #tpu.memory_space<hbm>>) target(%arg7 : memref<28x128xi32, #tpu.memory_space<vmem>>) target_semaphore(%run_scoped3A : memref<!tpu.dma_semaphore, #tpu.memory_space<semaphore_mem>>)
        %dma_wait3A_232 = arith.constant 0 : i32
        %dma_wait3A_233 = tpu.memref_slice %arg4[%arg1, %mul3A_161, %dma_wait3A_232] : memref<16x392x128xi32, #tpu.memory_space<hbm>> -> memref<1x28x128xi32, #tpu.memory_space<hbm>>
        %dma_wait3A_234 = tpu.memref_squeeze %dma_wait3A_233 : memref<1x28x128xi32, #tpu.memory_space<hbm>> -> memref<28x128xi32, #tpu.memory_space<hbm>>
        %dma_wait3A_235 = arith.constant 0 : i32
        %dma_wait3A_236 = tpu.memref_slice %arg4[%arg1, %mul3A_161, %dma_wait3A_235] : memref<16x392x128xi32, #tpu.memory_space<hbm>> -> memref<1x28x128xi32, #tpu.memory_space<hbm>>
        %dma_wait3A_237 = tpu.memref_squeeze %dma_wait3A_236 : memref<1x28x128xi32, #tpu.memory_space<hbm>> -> memref<28x128xi32, #tpu.memory_space<hbm>>
        tpu.wait_dma2 semaphore(%run_scoped3A : memref<!tpu.dma_semaphore, #tpu.memory_space<semaphore_mem>>) src(%dma_wait3A_237 : memref<28x128xi32, #tpu.memory_space<hbm>>) dst(%arg7 : memref<28x128xi32, #tpu.memory_space<vmem>>)
        tpu.yield
      }) : () -> ()
      %scan3A_162 = arith.constant 0 : i32
      %scan3A_163 = arith.constant 224 : i32
      %scan3A_164 = arith.addi %scan3A_162, %scan3A_163 : i32
      %scan3A_165 = arith.constant 1 : i32
      scf.for %scan3A_226 = %scan3A_162 to %scan3A_164 step %scan3A_165  : i32 {
        %jit3A = arith.constant 8 : i32
        %div3A = arith.divsi %scan3A_226, %jit3A : i32
        %sign3A = arith.constant 0 : i32
        %sign3A_227 = arith.cmpi sgt, %scan3A_226, %sign3A : i32
        %sign3A_228 = arith.extui %sign3A_227 : i1 to i32
        %sign3A_229 = arith.constant 0 : i32
        %sign3A_230 = arith.cmpi slt, %scan3A_226, %sign3A_229 : i32
        %sign3A_231 = arith.extui %sign3A_230 : i1 to i32
        %sign3A_232 = arith.subi %sign3A_228, %sign3A_231 : i32
        %sign3A_233 = arith.constant 0 : i32
        %sign3A_234 = arith.cmpi sgt, %jit3A, %sign3A_233 : i32
        %sign3A_235 = arith.extui %sign3A_234 : i1 to i32
        %sign3A_236 = arith.constant 0 : i32
        %sign3A_237 = arith.cmpi slt, %jit3A, %sign3A_236 : i32
        %sign3A_238 = arith.extui %sign3A_237 : i1 to i32
        %sign3A_239 = arith.subi %sign3A_235, %sign3A_238 : i32
        %ne3A = arith.cmpi ne, %sign3A_232, %sign3A_239 : i32
        %rem3A = arith.remsi %scan3A_226, %jit3A : i32
        %ne3A_240 = arith.constant 0 : i32
        %ne3A_241 = arith.cmpi ne, %rem3A, %ne3A_240 : i32
        %and3A = arith.andi %ne3A, %ne3A_241 : i1
        %sub3A = arith.constant 1 : i32
        %sub3A_242 = arith.subi %div3A, %sub3A : i32
        %select_n3A = arith.select %and3A, %sub3A_242, %div3A : i32
        %jit3A_243 = arith.constant 8 : i32
        %eq3A_244 = arith.constant 0 : i32
        %eq3A_245 = arith.cmpi eq, %jit3A_243, %eq3A_244 : i32
        %jit3A_246 = arith.constant 1 : i32
        %select_n3A_247 = arith.select %eq3A_245, %jit3A_246, %jit3A_243 : i32
        %rem3A_248 = arith.remsi %scan3A_226, %select_n3A_247 : i32
        %ne3A_249 = arith.constant 0 : i32
        %ne3A_250 = arith.cmpi ne, %rem3A_248, %ne3A_249 : i32
        %lt3A = arith.constant 0 : i32
        %lt3A_251 = arith.cmpi slt, %rem3A_248, %lt3A : i32
        %lt3A_252 = arith.constant 0 : i32
        %lt3A_253 = arith.cmpi slt, %select_n3A_247, %lt3A_252 : i32
        %ne3A_254 = arith.xori %lt3A_251, %lt3A_253 : i1
        %and3A_255 = arith.andi %ne3A_254, %ne3A_250 : i1
        %add3A_256 = arith.addi %rem3A_248, %select_n3A_247 : i32
        %select_n3A_257 = arith.select %and3A_255, %add3A_256, %rem3A_248 : i32
        %mul3A_258 = arith.constant 16 : i32
        %mul3A_259 = arith.muli %select_n3A_257, %mul3A_258 : i32
        %get3A = arith.index_cast %select_n3A : i32 to index
        %get3A_260 = arith.index_cast %mul3A_259 : i32 to index
        %get3A_261 = tpu.vector_load %arg6[%get3A, %get3A_260] {strides = array<i32>} : memref<28x128xi32, #tpu.memory_space<vmem>>, vector<16xi32>,
        %add3A_262 = vector.broadcast %mul3A_63 : i32 to vector<16xi32>
        %add3A_263 = arith.addi %get3A_261, %add3A_262 : vector<16xi32>
        %swap3A = arith.index_cast %select_n3A : i32 to index
        %swap3A_264 = arith.index_cast %mul3A_259 : i32 to index
        %swap3A_265 = tpu.vector_load %arg6[%swap3A, %swap3A_264] {strides = array<i32>} : memref<28x128xi32, #tpu.memory_space<vmem>>, vector<16xi32>,
        tpu.vector_store %arg6[%swap3A, %swap3A_264], %add3A_263 {strides = array<i32>} : memref<28x128xi32, #tpu.memory_space<vmem>>, vector<16xi32>,
      }
      %scan3A_166 = arith.constant 224 : i32
      %dma_start3A = arith.constant 0 : i32
      %dma_start3A_167 = arith.constant 0 : i32
      %dma_start3A_168 = tpu.memref_slice %arg6[%dma_start3A, %dma_start3A_167] : memref<28x128xi32, #tpu.memory_space<vmem>> -> memref<1x128xi32, #tpu.memory_space<vmem>>
      %dma_start3A_169 = tpu.memref_squeeze %dma_start3A_168 : memref<1x128xi32, #tpu.memory_space<vmem>> -> memref<128xi32, #tpu.memory_space<vmem>>
      %dma_start3A_170 = arith.constant 0 : i32
      %dma_start3A_171 = arith.constant 0 : i32
      %dma_start3A_172 = tpu.memref_slice %arg2[%dma_start3A_170, %dma_start3A_171] : memref<501760x32xf32, #tpu.memory_space<hbm>> -> memref<501760x32xf32, #tpu.memory_space<hbm>>
      tpu.enqueue_indirect_dma source(%dma_start3A_172 : memref<501760x32xf32, #tpu.memory_space<hbm>>) target(%arg8 : memref<128x32xf32, #tpu.memory_space<vmem>>) offsets(%dma_start3A_169 : memref<128xi32, #tpu.memory_space<vmem>>) semaphore(%arg12 : memref<!tpu.dma_semaphore, #tpu.memory_space<semaphore_mem>>)
      %dma_start3A_173 = arith.constant 1 : i32
      %dma_start3A_174 = arith.constant 0 : i32
      %dma_start3A_175 = tpu.memref_slice %arg6[%dma_start3A_173, %dma_start3A_174] : memref<28x128xi32, #tpu.memory_space<vmem>> -> memref<1x128xi32, #tpu.memory_space<vmem>>
      %dma_start3A_176 = tpu.memref_squeeze %dma_start3A_175 : memref<1x128xi32, #tpu.memory_space<vmem>> -> memref<128xi32, #tpu.memory_space<vmem>>
      %dma_start3A_177 = arith.constant 0 : i32
      %dma_start3A_178 = arith.constant 0 : i32
      %dma_start3A_179 = tpu.memref_slice %arg2[%dma_start3A_177, %dma_start3A_178] : memref<501760x32xf32, #tpu.memory_space<hbm>> -> memref<501760x32xf32, #tpu.memory_space<hbm>>
      tpu.enqueue_indirect_dma source(%dma_start3A_179 : memref<501760x32xf32, #tpu.memory_space<hbm>>) target(%arg9 : memref<128x32xf32, #tpu.memory_space<vmem>>) offsets(%dma_start3A_176 : memref<128xi32, #tpu.memory_space<vmem>>) semaphore(%arg13 : memref<!tpu.dma_semaphore, #tpu.memory_space<semaphore_mem>>)
      %dma_start3A_180 = arith.constant 2 : i32
      %dma_start3A_181 = arith.constant 0 : i32
      %dma_start3A_182 = tpu.memref_slice %arg6[%dma_start3A_180, %dma_start3A_181] : memref<28x128xi32, #tpu.memory_space<vmem>> -> memref<1x128xi32, #tpu.memory_space<vmem>>
      %dma_start3A_183 = tpu.memref_squeeze %dma_start3A_182 : memref<1x128xi32, #tpu.memory_space<vmem>> -> memref<128xi32, #tpu.memory_space<vmem>>
      %dma_start3A_184 = arith.constant 0 : i32
      %dma_start3A_185 = arith.constant 0 : i32
      %dma_start3A_186 = tpu.memref_slice %arg2[%dma_start3A_184, %dma_start3A_185] : memref<501760x32xf32, #tpu.memory_space<hbm>> -> memref<501760x32xf32, #tpu.memory_space<hbm>>
      tpu.enqueue_indirect_dma source(%dma_start3A_186 : memref<501760x32xf32, #tpu.memory_space<hbm>>) target(%arg10 : memref<128x32xf32, #tpu.memory_space<vmem>>) offsets(%dma_start3A_183 : memref<128xi32, #tpu.memory_space<vmem>>) semaphore(%arg14 : memref<!tpu.dma_semaphore, #tpu.memory_space<semaphore_mem>>)
      %dma_start3A_187 = arith.constant 3 : i32
      %dma_start3A_188 = arith.constant 0 : i32
      %dma_start3A_189 = tpu.memref_slice %arg6[%dma_start3A_187, %dma_start3A_188] : memref<28x128xi32, #tpu.memory_space<vmem>> -> memref<1x128xi32, #tpu.memory_space<vmem>>
      %dma_start3A_190 = tpu.memref_squeeze %dma_start3A_189 : memref<1x128xi32, #tpu.memory_space<vmem>> -> memref<128xi32, #tpu.memory_space<vmem>>
      %dma_start3A_191 = arith.constant 0 : i32
      %dma_start3A_192 = arith.constant 0 : i32
      %dma_start3A_193 = tpu.memref_slice %arg2[%dma_start3A_191, %dma_start3A_192] : memref<501760x32xf32, #tpu.memory_space<hbm>> -> memref<501760x32xf32, #tpu.memory_space<hbm>>
      tpu.enqueue_indirect_dma source(%dma_start3A_193 : memref<501760x32xf32, #tpu.memory_space<hbm>>) target(%arg11 : memref<128x32xf32, #tpu.memory_space<vmem>>) offsets(%dma_start3A_190 : memref<128xi32, #tpu.memory_space<vmem>>) semaphore(%arg15 : memref<!tpu.dma_semaphore, #tpu.memory_space<semaphore_mem>>)
      %scan3A_194 = arith.constant 0 : i32
      %scan3A_195 = arith.constant 7 : i32
      %scan3A_196 = arith.addi %scan3A_194, %scan3A_195 : i32
      %scan3A_197 = arith.constant 1 : i32
      scf.for %scan3A_226 = %scan3A_194 to %scan3A_196 step %scan3A_197  : i32 {
        %mul3A_227 = arith.constant 4 : i32
        %mul3A_228 = arith.muli %scan3A_226, %mul3A_227 : i32
        %dma_wait3A_229 = arith.constant 0 : i32
        %dma_wait3A_230 = arith.constant 0 : i32
        %dma_wait3A_231 = tpu.memref_slice %arg6[%dma_wait3A_229, %dma_wait3A_230] : memref<28x128xi32, #tpu.memory_space<vmem>> -> memref<1x128xi32, #tpu.memory_space<vmem>>
        %dma_wait3A_232 = tpu.memref_squeeze %dma_wait3A_231 : memref<1x128xi32, #tpu.memory_space<vmem>> -> memref<128xi32, #tpu.memory_space<vmem>>
        %dma_wait3A_233 = arith.constant 0 : i32
        %dma_wait3A_234 = arith.constant 0 : i32
        %dma_wait3A_235 = tpu.memref_slice %arg2[%dma_wait3A_233, %dma_wait3A_234] : memref<501760x32xf32, #tpu.memory_space<hbm>> -> memref<501760x32xf32, #tpu.memory_space<hbm>>
        tpu.wait_indirect_dma semaphore(%arg12 : memref<!tpu.dma_semaphore, #tpu.memory_space<semaphore_mem>>) src(%dma_wait3A_235 : memref<501760x32xf32, #tpu.memory_space<hbm>>) dst(%arg8 : memref<128x32xf32, #tpu.memory_space<vmem>>)
        %add3A_236 = arith.constant 0 : i32
        %add3A_237 = arith.addi %mul3A_228, %add3A_236 : i32
        %dma_start3A_238 = arith.constant 0 : i32
        %dma_start3A_239 = tpu.memref_slice %arg7[%add3A_237, %dma_start3A_238] : memref<28x128xi32, #tpu.memory_space<vmem>> -> memref<1x128xi32, #tpu.memory_space<vmem>>
        %dma_start3A_240 = tpu.memref_squeeze %dma_start3A_239 : memref<1x128xi32, #tpu.memory_space<vmem>> -> memref<128xi32, #tpu.memory_space<vmem>>
        %dma_start3A_241 = arith.constant 0 : i32
        %dma_start3A_242 = arith.constant 0 : i32
        %dma_start3A_243 = tpu.memref_slice %arg20[%dma_start3A_241, %dma_start3A_242] : memref<50176x32xf32, #tpu.memory_space<vmem_shared>> -> memref<50176x32xf32, #tpu.memory_space<vmem_shared>>
        tpu.enqueue_indirect_dma source(%arg8 : memref<128x32xf32, #tpu.memory_space<vmem>>) target(%dma_start3A_243 : memref<50176x32xf32, #tpu.memory_space<vmem_shared>>) offsets(%dma_start3A_240 : memref<128xi32, #tpu.memory_space<vmem>>) semaphore(%arg16 : memref<!tpu.dma_semaphore, #tpu.memory_space<semaphore_mem>>) {add = true}
        %dma_wait3A_244 = arith.constant 0 : i32
        %dma_wait3A_245 = arith.constant 0 : i32
        %dma_wait3A_246 = tpu.memref_slice %arg6[%dma_wait3A_244, %dma_wait3A_245] : memref<28x128xi32, #tpu.memory_space<vmem>> -> memref<1x128xi32, #tpu.memory_space<vmem>>
        %dma_wait3A_247 = tpu.memref_squeeze %dma_wait3A_246 : memref<1x128xi32, #tpu.memory_space<vmem>> -> memref<128xi32, #tpu.memory_space<vmem>>
        %dma_wait3A_248 = arith.constant 0 : i32
        %dma_wait3A_249 = arith.constant 0 : i32
        %dma_wait3A_250 = tpu.memref_slice %arg2[%dma_wait3A_248, %dma_wait3A_249] : memref<501760x32xf32, #tpu.memory_space<hbm>> -> memref<501760x32xf32, #tpu.memory_space<hbm>>
        tpu.wait_indirect_dma semaphore(%arg13 : memref<!tpu.dma_semaphore, #tpu.memory_space<semaphore_mem>>) src(%dma_wait3A_250 : memref<501760x32xf32, #tpu.memory_space<hbm>>) dst(%arg9 : memref<128x32xf32, #tpu.memory_space<vmem>>)
        %add3A_251 = arith.constant 1 : i32
        %add3A_252 = arith.addi %mul3A_228, %add3A_251 : i32
        %dma_start3A_253 = arith.constant 0 : i32
        %dma_start3A_254 = tpu.memref_slice %arg7[%add3A_252, %dma_start3A_253] : memref<28x128xi32, #tpu.memory_space<vmem>> -> memref<1x128xi32, #tpu.memory_space<vmem>>
        %dma_start3A_255 = tpu.memref_squeeze %dma_start3A_254 : memref<1x128xi32, #tpu.memory_space<vmem>> -> memref<128xi32, #tpu.memory_space<vmem>>
        %dma_start3A_256 = arith.constant 0 : i32
        %dma_start3A_257 = arith.constant 0 : i32
        %dma_start3A_258 = tpu.memref_slice %arg20[%dma_start3A_256, %dma_start3A_257] : memref<50176x32xf32, #tpu.memory_space<vmem_shared>> -> memref<50176x32xf32, #tpu.memory_space<vmem_shared>>
        tpu.enqueue_indirect_dma source(%arg9 : memref<128x32xf32, #tpu.memory_space<vmem>>) target(%dma_start3A_258 : memref<50176x32xf32, #tpu.memory_space<vmem_shared>>) offsets(%dma_start3A_255 : memref<128xi32, #tpu.memory_space<vmem>>) semaphore(%arg17 : memref<!tpu.dma_semaphore, #tpu.memory_space<semaphore_mem>>) {add = true}
        %dma_wait3A_259 = arith.constant 0 : i32
        %dma_wait3A_260 = arith.constant 0 : i32
        %dma_wait3A_261 = tpu.memref_slice %arg6[%dma_wait3A_259, %dma_wait3A_260] : memref<28x128xi32, #tpu.memory_space<vmem>> -> memref<1x128xi32, #tpu.memory_space<vmem>>
        %dma_wait3A_262 = tpu.memref_squeeze %dma_wait3A_261 : memref<1x128xi32, #tpu.memory_space<vmem>> -> memref<128xi32, #tpu.memory_space<vmem>>
        %dma_wait3A_263 = arith.constant 0 : i32
        %dma_wait3A_264 = arith.constant 0 : i32
        %dma_wait3A_265 = tpu.memref_slice %arg2[%dma_wait3A_263, %dma_wait3A_264] : memref<501760x32xf32, #tpu.memory_space<hbm>> -> memref<501760x32xf32, #tpu.memory_space<hbm>>
        tpu.wait_indirect_dma semaphore(%arg14 : memref<!tpu.dma_semaphore, #tpu.memory_space<semaphore_mem>>) src(%dma_wait3A_265 : memref<501760x32xf32, #tpu.memory_space<hbm>>) dst(%arg10 : memref<128x32xf32, #tpu.memory_space<vmem>>)
        %add3A_266 = arith.constant 2 : i32
        %add3A_267 = arith.addi %mul3A_228, %add3A_266 : i32
        %dma_start3A_268 = arith.constant 0 : i32
        %dma_start3A_269 = tpu.memref_slice %arg7[%add3A_267, %dma_start3A_268] : memref<28x128xi32, #tpu.memory_space<vmem>> -> memref<1x128xi32, #tpu.memory_space<vmem>>
        %dma_start3A_270 = tpu.memref_squeeze %dma_start3A_269 : memref<1x128xi32, #tpu.memory_space<vmem>> -> memref<128xi32, #tpu.memory_space<vmem>>
        %dma_start3A_271 = arith.constant 0 : i32
        %dma_start3A_272 = arith.constant 0 : i32
        %dma_start3A_273 = tpu.memref_slice %arg20[%dma_start3A_271, %dma_start3A_272] : memref<50176x32xf32, #tpu.memory_space<vmem_shared>> -> memref<50176x32xf32, #tpu.memory_space<vmem_shared>>
        tpu.enqueue_indirect_dma source(%arg10 : memref<128x32xf32, #tpu.memory_space<vmem>>) target(%dma_start3A_273 : memref<50176x32xf32, #tpu.memory_space<vmem_shared>>) offsets(%dma_start3A_270 : memref<128xi32, #tpu.memory_space<vmem>>) semaphore(%arg18 : memref<!tpu.dma_semaphore, #tpu.memory_space<semaphore_mem>>) {add = true}
        %dma_wait3A_274 = arith.constant 0 : i32
        %dma_wait3A_275 = arith.constant 0 : i32
        %dma_wait3A_276 = tpu.memref_slice %arg6[%dma_wait3A_274, %dma_wait3A_275] : memref<28x128xi32, #tpu.memory_space<vmem>> -> memref<1x128xi32, #tpu.memory_space<vmem>>
        %dma_wait3A_277 = tpu.memref_squeeze %dma_wait3A_276 : memref<1x128xi32, #tpu.memory_space<vmem>> -> memref<128xi32, #tpu.memory_space<vmem>>
        %dma_wait3A_278 = arith.constant 0 : i32
        %dma_wait3A_279 = arith.constant 0 : i32
        %dma_wait3A_280 = tpu.memref_slice %arg2[%dma_wait3A_278, %dma_wait3A_279] : memref<501760x32xf32, #tpu.memory_space<hbm>> -> memref<501760x32xf32, #tpu.memory_space<hbm>>
        tpu.wait_indirect_dma semaphore(%arg15 : memref<!tpu.dma_semaphore, #tpu.memory_space<semaphore_mem>>) src(%dma_wait3A_280 : memref<501760x32xf32, #tpu.memory_space<hbm>>) dst(%arg11 : memref<128x32xf32, #tpu.memory_space<vmem>>)
        %add3A_281 = arith.constant 3 : i32
        %add3A_282 = arith.addi %mul3A_228, %add3A_281 : i32
        %dma_start3A_283 = arith.constant 0 : i32
        %dma_start3A_284 = tpu.memref_slice %arg7[%add3A_282, %dma_start3A_283] : memref<28x128xi32, #tpu.memory_space<vmem>> -> memref<1x128xi32, #tpu.memory_space<vmem>>
        %dma_start3A_285 = tpu.memref_squeeze %dma_start3A_284 : memref<1x128xi32, #tpu.memory_space<vmem>> -> memref<128xi32, #tpu.memory_space<vmem>>
        %dma_start3A_286 = arith.constant 0 : i32
        %dma_start3A_287 = arith.constant 0 : i32
        %dma_start3A_288 = tpu.memref_slice %arg20[%dma_start3A_286, %dma_start3A_287] : memref<50176x32xf32, #tpu.memory_space<vmem_shared>> -> memref<50176x32xf32, #tpu.memory_space<vmem_shared>>
        tpu.enqueue_indirect_dma source(%arg11 : memref<128x32xf32, #tpu.memory_space<vmem>>) target(%dma_start3A_288 : memref<50176x32xf32, #tpu.memory_space<vmem_shared>>) offsets(%dma_start3A_285 : memref<128xi32, #tpu.memory_space<vmem>>) semaphore(%arg19 : memref<!tpu.dma_semaphore, #tpu.memory_space<semaphore_mem>>) {add = true}
        %add3A_289 = arith.constant 4 : i32
        %add3A_290 = arith.addi %mul3A_228, %add3A_289 : i32
        %add3A_291 = arith.constant 0 : i32
        %add3A_292 = arith.addi %add3A_290, %add3A_291 : i32
        %lt3A = arith.constant 28 : i32
        %lt3A_293 = arith.cmpi slt, %add3A_292, %lt3A : i32
        %convert_element_type3A_294 = arith.extui %lt3A_293 : i1 to i32
        %cond3A_295 = arith.constant 0 : i32
        %cond3A_296 = arith.cmpi ne, %convert_element_type3A_294, %cond3A_295 : i32
        scf.if %cond3A_296 {
          %add3A_324 = arith.constant 0 : i32
          %add3A_325 = arith.addi %mul3A_228, %add3A_324 : i32
          %dma_wait3A_326 = arith.constant 0 : i32
          %dma_wait3A_327 = tpu.memref_slice %arg7[%add3A_325, %dma_wait3A_326] : memref<28x128xi32, #tpu.memory_space<vmem>> -> memref<1x128xi32, #tpu.memory_space<vmem>>
          %dma_wait3A_328 = tpu.memref_squeeze %dma_wait3A_327 : memref<1x128xi32, #tpu.memory_space<vmem>> -> memref<128xi32, #tpu.memory_space<vmem>>
          %dma_wait3A_329 = arith.constant 0 : i32
          %dma_wait3A_330 = arith.constant 0 : i32
          %dma_wait3A_331 = tpu.memref_slice %arg20[%dma_wait3A_329, %dma_wait3A_330] : memref<50176x32xf32, #tpu.memory_space<vmem_shared>> -> memref<50176x32xf32, #tpu.memory_space<vmem_shared>>
          tpu.wait_indirect_dma semaphore(%arg16 : memref<!tpu.dma_semaphore, #tpu.memory_space<semaphore_mem>>) src(%arg8 : memref<128x32xf32, #tpu.memory_space<vmem>>) dst(%dma_wait3A_331 : memref<50176x32xf32, #tpu.memory_space<vmem_shared>>)
          %add3A_332 = arith.constant 4 : i32
          %add3A_333 = arith.addi %mul3A_228, %add3A_332 : i32
          %add3A_334 = arith.constant 0 : i32
          %add3A_335 = arith.addi %add3A_333, %add3A_334 : i32
          %dma_start3A_336 = arith.constant 0 : i32
          %dma_start3A_337 = tpu.memref_slice %arg6[%add3A_335, %dma_start3A_336] : memref<28x128xi32, #tpu.memory_space<vmem>> -> memref<1x128xi32, #tpu.memory_space<vmem>>
          %dma_start3A_338 = tpu.memref_squeeze %dma_start3A_337 : memref<1x128xi32, #tpu.memory_space<vmem>> -> memref<128xi32, #tpu.memory_space<vmem>>
          %dma_start3A_339 = arith.constant 0 : i32
          %dma_start3A_340 = arith.constant 0 : i32
          %dma_start3A_341 = tpu.memref_slice %arg2[%dma_start3A_339, %dma_start3A_340] : memref<501760x32xf32, #tpu.memory_space<hbm>> -> memref<501760x32xf32, #tpu.memory_space<hbm>>
          tpu.enqueue_indirect_dma source(%dma_start3A_341 : memref<501760x32xf32, #tpu.memory_space<hbm>>) target(%arg8 : memref<128x32xf32, #tpu.memory_space<vmem>>) offsets(%dma_start3A_338 : memref<128xi32, #tpu.memory_space<vmem>>) semaphore(%arg12 : memref<!tpu.dma_semaphore, #tpu.memory_space<semaphore_mem>>)
        } else {
        }
        %add3A_297 = arith.constant 4 : i32
        %add3A_298 = arith.addi %mul3A_228, %add3A_297 : i32
        %add3A_299 = arith.constant 1 : i32
        %add3A_300 = arith.addi %add3A_298, %add3A_299 : i32
        %lt3A_301 = arith.constant 28 : i32
        %lt3A_302 = arith.cmpi slt, %add3A_300, %lt3A_301 : i32
        %convert_element_type3A_303 = arith.extui %lt3A_302 : i1 to i32
        %cond3A_304 = arith.constant 0 : i32
        %cond3A_305 = arith.cmpi ne, %convert_element_type3A_303, %cond3A_304 : i32
        scf.if %cond3A_305 {
          %add3A_324 = arith.constant 1 : i32
          %add3A_325 = arith.addi %mul3A_228, %add3A_324 : i32
          %dma_wait3A_326 = arith.constant 0 : i32
          %dma_wait3A_327 = tpu.memref_slice %arg7[%add3A_325, %dma_wait3A_326] : memref<28x128xi32, #tpu.memory_space<vmem>> -> memref<1x128xi32, #tpu.memory_space<vmem>>
          %dma_wait3A_328 = tpu.memref_squeeze %dma_wait3A_327 : memref<1x128xi32, #tpu.memory_space<vmem>> -> memref<128xi32, #tpu.memory_space<vmem>>
          %dma_wait3A_329 = arith.constant 0 : i32
          %dma_wait3A_330 = arith.constant 0 : i32
          %dma_wait3A_331 = tpu.memref_slice %arg20[%dma_wait3A_329, %dma_wait3A_330] : memref<50176x32xf32, #tpu.memory_space<vmem_shared>> -> memref<50176x32xf32, #tpu.memory_space<vmem_shared>>
          tpu.wait_indirect_dma semaphore(%arg17 : memref<!tpu.dma_semaphore, #tpu.memory_space<semaphore_mem>>) src(%arg9 : memref<128x32xf32, #tpu.memory_space<vmem>>) dst(%dma_wait3A_331 : memref<50176x32xf32, #tpu.memory_space<vmem_shared>>)
          %add3A_332 = arith.constant 4 : i32
          %add3A_333 = arith.addi %mul3A_228, %add3A_332 : i32
          %add3A_334 = arith.constant 1 : i32
          %add3A_335 = arith.addi %add3A_333, %add3A_334 : i32
          %dma_start3A_336 = arith.constant 0 : i32
          %dma_start3A_337 = tpu.memref_slice %arg6[%add3A_335, %dma_start3A_336] : memref<28x128xi32, #tpu.memory_space<vmem>> -> memref<1x128xi32, #tpu.memory_space<vmem>>
          %dma_start3A_338 = tpu.memref_squeeze %dma_start3A_337 : memref<1x128xi32, #tpu.memory_space<vmem>> -> memref<128xi32, #tpu.memory_space<vmem>>
          %dma_start3A_339 = arith.constant 0 : i32
          %dma_start3A_340 = arith.constant 0 : i32
          %dma_start3A_341 = tpu.memref_slice %arg2[%dma_start3A_339, %dma_start3A_340] : memref<501760x32xf32, #tpu.memory_space<hbm>> -> memref<501760x32xf32, #tpu.memory_space<hbm>>
          tpu.enqueue_indirect_dma source(%dma_start3A_341 : memref<501760x32xf32, #tpu.memory_space<hbm>>) target(%arg9 : memref<128x32xf32, #tpu.memory_space<vmem>>) offsets(%dma_start3A_338 : memref<128xi32, #tpu.memory_space<vmem>>) semaphore(%arg13 : memref<!tpu.dma_semaphore, #tpu.memory_space<semaphore_mem>>)
        } else {
        }
        %add3A_306 = arith.constant 4 : i32
        %add3A_307 = arith.addi %mul3A_228, %add3A_306 : i32
        %add3A_308 = arith.constant 2 : i32
        %add3A_309 = arith.addi %add3A_307, %add3A_308 : i32
        %lt3A_310 = arith.constant 28 : i32
        %lt3A_311 = arith.cmpi slt, %add3A_309, %lt3A_310 : i32
        %convert_element_type3A_312 = arith.extui %lt3A_311 : i1 to i32
        %cond3A_313 = arith.constant 0 : i32
        %cond3A_314 = arith.cmpi ne, %convert_element_type3A_312, %cond3A_313 : i32
        scf.if %cond3A_314 {
          %add3A_324 = arith.constant 2 : i32
          %add3A_325 = arith.addi %mul3A_228, %add3A_324 : i32
          %dma_wait3A_326 = arith.constant 0 : i32
          %dma_wait3A_327 = tpu.memref_slice %arg7[%add3A_325, %dma_wait3A_326] : memref<28x128xi32, #tpu.memory_space<vmem>> -> memref<1x128xi32, #tpu.memory_space<vmem>>
          %dma_wait3A_328 = tpu.memref_squeeze %dma_wait3A_327 : memref<1x128xi32, #tpu.memory_space<vmem>> -> memref<128xi32, #tpu.memory_space<vmem>>
          %dma_wait3A_329 = arith.constant 0 : i32
          %dma_wait3A_330 = arith.constant 0 : i32
          %dma_wait3A_331 = tpu.memref_slice %arg20[%dma_wait3A_329, %dma_wait3A_330] : memref<50176x32xf32, #tpu.memory_space<vmem_shared>> -> memref<50176x32xf32, #tpu.memory_space<vmem_shared>>
          tpu.wait_indirect_dma semaphore(%arg18 : memref<!tpu.dma_semaphore, #tpu.memory_space<semaphore_mem>>) src(%arg10 : memref<128x32xf32, #tpu.memory_space<vmem>>) dst(%dma_wait3A_331 : memref<50176x32xf32, #tpu.memory_space<vmem_shared>>)
          %add3A_332 = arith.constant 4 : i32
          %add3A_333 = arith.addi %mul3A_228, %add3A_332 : i32
          %add3A_334 = arith.constant 2 : i32
          %add3A_335 = arith.addi %add3A_333, %add3A_334 : i32
          %dma_start3A_336 = arith.constant 0 : i32
          %dma_start3A_337 = tpu.memref_slice %arg6[%add3A_335, %dma_start3A_336] : memref<28x128xi32, #tpu.memory_space<vmem>> -> memref<1x128xi32, #tpu.memory_space<vmem>>
          %dma_start3A_338 = tpu.memref_squeeze %dma_start3A_337 : memref<1x128xi32, #tpu.memory_space<vmem>> -> memref<128xi32, #tpu.memory_space<vmem>>
          %dma_start3A_339 = arith.constant 0 : i32
          %dma_start3A_340 = arith.constant 0 : i32
          %dma_start3A_341 = tpu.memref_slice %arg2[%dma_start3A_339, %dma_start3A_340] : memref<501760x32xf32, #tpu.memory_space<hbm>> -> memref<501760x32xf32, #tpu.memory_space<hbm>>
          tpu.enqueue_indirect_dma source(%dma_start3A_341 : memref<501760x32xf32, #tpu.memory_space<hbm>>) target(%arg10 : memref<128x32xf32, #tpu.memory_space<vmem>>) offsets(%dma_start3A_338 : memref<128xi32, #tpu.memory_space<vmem>>) semaphore(%arg14 : memref<!tpu.dma_semaphore, #tpu.memory_space<semaphore_mem>>)
        } else {
        }
        %add3A_315 = arith.constant 4 : i32
        %add3A_316 = arith.addi %mul3A_228, %add3A_315 : i32
        %add3A_317 = arith.constant 3 : i32
        %add3A_318 = arith.addi %add3A_316, %add3A_317 : i32
        %lt3A_319 = arith.constant 28 : i32
        %lt3A_320 = arith.cmpi slt, %add3A_318, %lt3A_319 : i32
        %convert_element_type3A_321 = arith.extui %lt3A_320 : i1 to i32
        %cond3A_322 = arith.constant 0 : i32
        %cond3A_323 = arith.cmpi ne, %convert_element_type3A_321, %cond3A_322 : i32
        scf.if %cond3A_323 {
          %add3A_324 = arith.constant 3 : i32
          %add3A_325 = arith.addi %mul3A_228, %add3A_324 : i32
          %dma_wait3A_326 = arith.constant 0 : i32
          %dma_wait3A_327 = tpu.memref_slice %arg7[%add3A_325, %dma_wait3A_326] : memref<28x128xi32, #tpu.memory_space<vmem>> -> memref<1x128xi32, #tpu.memory_space<vmem>>
          %dma_wait3A_328 = tpu.memref_squeeze %dma_wait3A_327 : memref<1x128xi32, #tpu.memory_space<vmem>> -> memref<128xi32, #tpu.memory_space<vmem>>
          %dma_wait3A_329 = arith.constant 0 : i32
          %dma_wait3A_330 = arith.constant 0 : i32
          %dma_wait3A_331 = tpu.memref_slice %arg20[%dma_wait3A_329, %dma_wait3A_330] : memref<50176x32xf32, #tpu.memory_space<vmem_shared>> -> memref<50176x32xf32, #tpu.memory_space<vmem_shared>>
          tpu.wait_indirect_dma semaphore(%arg19 : memref<!tpu.dma_semaphore, #tpu.memory_space<semaphore_mem>>) src(%arg11 : memref<128x32xf32, #tpu.memory_space<vmem>>) dst(%dma_wait3A_331 : memref<50176x32xf32, #tpu.memory_space<vmem_shared>>)
          %add3A_332 = arith.constant 4 : i32
          %add3A_333 = arith.addi %mul3A_228, %add3A_332 : i32
          %add3A_334 = arith.constant 3 : i32
          %add3A_335 = arith.addi %add3A_333, %add3A_334 : i32
          %dma_start3A_336 = arith.constant 0 : i32
          %dma_start3A_337 = tpu.memref_slice %arg6[%add3A_335, %dma_start3A_336] : memref<28x128xi32, #tpu.memory_space<vmem>> -> memref<1x128xi32, #tpu.memory_space<vmem>>
          %dma_start3A_338 = tpu.memref_squeeze %dma_start3A_337 : memref<1x128xi32, #tpu.memory_space<vmem>> -> memref<128xi32, #tpu.memory_space<vmem>>
          %dma_start3A_339 = arith.constant 0 : i32
          %dma_start3A_340 = arith.constant 0 : i32
          %dma_start3A_341 = tpu.memref_slice %arg2[%dma_start3A_339, %dma_start3A_340] : memref<501760x32xf32, #tpu.memory_space<hbm>> -> memref<501760x32xf32, #tpu.memory_space<hbm>>
          tpu.enqueue_indirect_dma source(%dma_start3A_341 : memref<501760x32xf32, #tpu.memory_space<hbm>>) target(%arg11 : memref<128x32xf32, #tpu.memory_space<vmem>>) offsets(%dma_start3A_338 : memref<128xi32, #tpu.memory_space<vmem>>) semaphore(%arg15 : memref<!tpu.dma_semaphore, #tpu.memory_space<semaphore_mem>>)
        } else {
        }
      }
      %scan3A_198 = arith.constant 7 : i32
      %dma_wait3A = arith.constant 24 : i32
      %dma_wait3A_199 = arith.constant 0 : i32
      %dma_wait3A_200 = tpu.memref_slice %arg7[%dma_wait3A, %dma_wait3A_199] : memref<28x128xi32, #tpu.memory_space<vmem>> -> memref<1x128xi32, #tpu.memory_space<vmem>>
      %dma_wait3A_201 = tpu.memref_squeeze %dma_wait3A_200 : memref<1x128xi32, #tpu.memory_space<vmem>> -> memref<128xi32, #tpu.memory_space<vmem>>
      %dma_wait3A_202 = arith.constant 0 : i32
      %dma_wait3A_203 = arith.constant 0 : i32
      %dma_wait3A_204 = tpu.memref_slice %arg20[%dma_wait3A_202, %dma_wait3A_203] : memref<50176x32xf32, #tpu.memory_space<vmem_shared>> -> memref<50176x32xf32, #tpu.memory_space<vmem_shared>>
      tpu.wait_indirect_dma semaphore(%arg16 : memref<!tpu.dma_semaphore, #tpu.memory_space<semaphore_mem>>) src(%arg8 : memref<128x32xf32, #tpu.memory_space<vmem>>) dst(%dma_wait3A_204 : memref<50176x32xf32, #tpu.memory_space<vmem_shared>>)
      %dma_wait3A_205 = arith.constant 25 : i32
      %dma_wait3A_206 = arith.constant 0 : i32
      %dma_wait3A_207 = tpu.memref_slice %arg7[%dma_wait3A_205, %dma_wait3A_206] : memref<28x128xi32, #tpu.memory_space<vmem>> -> memref<1x128xi32, #tpu.memory_space<vmem>>
      %dma_wait3A_208 = tpu.memref_squeeze %dma_wait3A_207 : memref<1x128xi32, #tpu.memory_space<vmem>> -> memref<128xi32, #tpu.memory_space<vmem>>
      %dma_wait3A_209 = arith.constant 0 : i32
      %dma_wait3A_210 = arith.constant 0 : i32
      %dma_wait3A_211 = tpu.memref_slice %arg20[%dma_wait3A_209, %dma_wait3A_210] : memref<50176x32xf32, #tpu.memory_space<vmem_shared>> -> memref<50176x32xf32, #tpu.memory_space<vmem_shared>>
      tpu.wait_indirect_dma semaphore(%arg17 : memref<!tpu.dma_semaphore, #tpu.memory_space<semaphore_mem>>) src(%arg9 : memref<128x32xf32, #tpu.memory_space<vmem>>) dst(%dma_wait3A_211 : memref<50176x32xf32, #tpu.memory_space<vmem_shared>>)
      %dma_wait3A_212 = arith.constant 26 : i32
      %dma_wait3A_213 = arith.constant 0 : i32
      %dma_wait3A_214 = tpu.memref_slice %arg7[%dma_wait3A_212, %dma_wait3A_213] : memref<28x128xi32, #tpu.memory_space<vmem>> -> memref<1x128xi32, #tpu.memory_space<vmem>>
      %dma_wait3A_215 = tpu.memref_squeeze %dma_wait3A_214 : memref<1x128xi32, #tpu.memory_space<vmem>> -> memref<128xi32, #tpu.memory_space<vmem>>
      %dma_wait3A_216 = arith.constant 0 : i32
      %dma_wait3A_217 = arith.constant 0 : i32
      %dma_wait3A_218 = tpu.memref_slice %arg20[%dma_wait3A_216, %dma_wait3A_217] : memref<50176x32xf32, #tpu.memory_space<vmem_shared>> -> memref<50176x32xf32, #tpu.memory_space<vmem_shared>>
      tpu.wait_indirect_dma semaphore(%arg18 : memref<!tpu.dma_semaphore, #tpu.memory_space<semaphore_mem>>) src(%arg10 : memref<128x32xf32, #tpu.memory_space<vmem>>) dst(%dma_wait3A_218 : memref<50176x32xf32, #tpu.memory_space<vmem_shared>>)
      %dma_wait3A_219 = arith.constant 27 : i32
      %dma_wait3A_220 = arith.constant 0 : i32
      %dma_wait3A_221 = tpu.memref_slice %arg7[%dma_wait3A_219, %dma_wait3A_220] : memref<28x128xi32, #tpu.memory_space<vmem>> -> memref<1x128xi32, #tpu.memory_space<vmem>>
      %dma_wait3A_222 = tpu.memref_squeeze %dma_wait3A_221 : memref<1x128xi32, #tpu.memory_space<vmem>> -> memref<128xi32, #tpu.memory_space<vmem>>
      %dma_wait3A_223 = arith.constant 0 : i32
      %dma_wait3A_224 = arith.constant 0 : i32
      %dma_wait3A_225 = tpu.memref_slice %arg20[%dma_wait3A_223, %dma_wait3A_224] : memref<50176x32xf32, #tpu.memory_space<vmem_shared>> -> memref<50176x32xf32, #tpu.memory_space<vmem_shared>>
      tpu.wait_indirect_dma semaphore(%arg19 : memref<!tpu.dma_semaphore, #tpu.memory_space<semaphore_mem>>) src(%arg11 : memref<128x32xf32, #tpu.memory_space<vmem>>) dst(%dma_wait3A_225 : memref<50176x32xf32, #tpu.memory_space<vmem_shared>>)
    }
    %scan3A_83 = arith.constant 14 : i32
    %barrier3A_84 = arith.constant 0 : index
    tpu.barrier barrier_id(%barrier3A_84)
    %eq3A_85 = arith.constant 0 : i32
    %eq3A_86 = arith.cmpi eq, %arg1, %eq3A_85 : i32
    %convert_element_type3A_87 = arith.extui %eq3A_86 : i1 to i32
    %cond3A_88 = arith.constant 0 : i32
    %cond3A_89 = arith.cmpi ne, %convert_element_type3A_87, %cond3A_88 : i32
    scf.if %cond3A_89 {
      "tpu.region"() ({
        %run_scoped3A = tpu.sem_alloc : memref<!tpu.dma_semaphore, #tpu.memory_space<semaphore_mem>>
        %dma_start3A = arith.constant 0 : i32
        %dma_start3A_157 = arith.constant 0 : i32
        %dma_start3A_158 = tpu.memref_slice %arg5[%add3A_61, %dma_start3A, %dma_start3A_157] : memref<10x50176x32xf32, #tpu.memory_space<hbm>> -> memref<1x50176x32xf32, #tpu.memory_space<hbm>>
        %dma_start3A_159 = tpu.memref_squeeze %dma_start3A_158 : memref<1x50176x32xf32, #tpu.memory_space<hbm>> -> memref<50176x32xf32, #tpu.memory_space<hbm>>
        tpu.enqueue_dma source(%arg20 : memref<50176x32xf32, #tpu.memory_space<vmem_shared>>) target(%dma_start3A_159 : memref<50176x32xf32, #tpu.memory_space<hbm>>) target_semaphore(%run_scoped3A : memref<!tpu.dma_semaphore, #tpu.memory_space<semaphore_mem>>)
        %dma_wait3A = arith.constant 0 : i32
        %dma_wait3A_160 = arith.constant 0 : i32
        %dma_wait3A_161 = tpu.memref_slice %arg5[%add3A_61, %dma_wait3A, %dma_wait3A_160] : memref<10x50176x32xf32, #tpu.memory_space<hbm>> -> memref<1x50176x32xf32, #tpu.memory_space<hbm>>
        %dma_wait3A_162 = tpu.memref_squeeze %dma_wait3A_161 : memref<1x50176x32xf32, #tpu.memory_space<hbm>> -> memref<50176x32xf32, #tpu.memory_space<hbm>>
        tpu.wait_dma2 semaphore(%run_scoped3A : memref<!tpu.dma_semaphore, #tpu.memory_space<semaphore_mem>>) src(%arg20 : memref<50176x32xf32, #tpu.memory_space<vmem_shared>>) dst(%dma_wait3A_162 : memref<50176x32xf32, #tpu.memory_space<hbm>>)
        tpu.yield
      }) : () -> ()
    } else {
    }
    %barrier3A_90 = arith.constant 0 : index
    tpu.barrier barrier_id(%barrier3A_90)
    %mul3A_91 = arith.constant 5 : i32
    %mul3A_92 = arith.muli %arg0, %mul3A_91 : i32
    %add3A_93 = arith.constant 3 : i32
    %add3A_94 = arith.addi %mul3A_92, %add3A_93 : i32
    %mul3A_95 = arith.constant 50176 : i32
    %mul3A_96 = arith.muli %add3A_94, %mul3A_95 : i32
    %broadcast_in_dim3A_97 = arith.constant 0.000000e+00 : f32
    %broadcast_in_dim3A_98 = vector.broadcast %broadcast_in_dim3A_97 : f32 to vector<16xf32>
    %scan3A_99 = arith.constant 0 : i32
    %scan3A_100 = arith.constant 128 : i32
    %scan3A_101 = arith.addi %scan3A_99, %scan3A_100 : i32
    %scan3A_102 = arith.constant 1 : i32
    scf.for %scan3A_157 = %scan3A_99 to %scan3A_101 step %scan3A_102  : i32 {
      %swap3A = arith.index_cast %scan3A_157 : i32 to index
      %swap3A_158 = arith.constant 0 : index
      %swap3A_159 = tpu.vector_load %arg8[%swap3A, %swap3A_158] {strides = array<i32>} : memref<128x32xf32, #tpu.memory_space<vmem>>, vector<16xf32>,
      tpu.vector_store %arg8[%swap3A, %swap3A_158], %broadcast_in_dim3A_98 {strides = array<i32>} : memref<128x32xf32, #tpu.memory_space<vmem>>, vector<16xf32>,
      %swap3A_160 = arith.index_cast %scan3A_157 : i32 to index
      %swap3A_161 = arith.constant 16 : index
      %swap3A_162 = tpu.vector_load %arg8[%swap3A_160, %swap3A_161] {strides = array<i32>} : memref<128x32xf32, #tpu.memory_space<vmem>>, vector<16xf32>,
      tpu.vector_store %arg8[%swap3A_160, %swap3A_161], %broadcast_in_dim3A_98 {strides = array<i32>} : memref<128x32xf32, #tpu.memory_space<vmem>>, vector<16xf32>,
    }
    %scan3A_103 = arith.constant 128 : i32
    %mul3A_104 = arith.constant 3136 : i32
    %mul3A_105 = arith.muli %arg1, %mul3A_104 : i32
    %scan3A_106 = arith.constant 0 : i32
    %scan3A_107 = arith.constant 49 : i32
    %scan3A_108 = arith.addi %scan3A_106, %scan3A_107 : i32
    %scan3A_109 = arith.constant 1 : i32
    scf.for %scan3A_157 = %scan3A_106 to %scan3A_108 step %scan3A_109  : i32 {
      %mul3A_158 = arith.constant 64 : i32
      %mul3A_159 = arith.muli %scan3A_157, %mul3A_158 : i32
      %add3A_160 = arith.addi %mul3A_105, %mul3A_159 : i32
      "tpu.region"() ({
        %run_scoped3A = tpu.sem_alloc : memref<!tpu.dma_semaphore, #tpu.memory_space<semaphore_mem>>
        %dma_start3A = arith.constant 0 : i32
        %dma_start3A_161 = arith.constant 0 : i32
        %dma_start3A_162 = tpu.memref_slice %arg8[%dma_start3A, %dma_start3A_161] : memref<128x32xf32, #tpu.memory_space<vmem>> -> memref<64x32xf32, #tpu.memory_space<vmem>>
        %dma_start3A_163 = arith.constant 0 : i32
        %dma_start3A_164 = tpu.memref_slice %arg20[%add3A_160, %dma_start3A_163] : memref<50176x32xf32, #tpu.memory_space<vmem_shared>> -> memref<64x32xf32, #tpu.memory_space<vmem_shared>>
        %dma_start3A_165 = arith.constant 0 : i32
        %dma_start3A_166 = tpu.memref_slice %arg20[%add3A_160, %dma_start3A_165] : memref<50176x32xf32, #tpu.memory_space<vmem_shared>> -> memref<64x32xf32, #tpu.memory_space<vmem_shared>>
        %dma_start3A_167 = arith.constant 0 : i32
        %dma_start3A_168 = arith.constant 0 : i32
        %dma_start3A_169 = tpu.memref_slice %arg8[%dma_start3A_167, %dma_start3A_168] : memref<128x32xf32, #tpu.memory_space<vmem>> -> memref<64x32xf32, #tpu.memory_space<vmem>>
        tpu.enqueue_dma source(%dma_start3A_169 : memref<64x32xf32, #tpu.memory_space<vmem>>) target(%dma_start3A_166 : memref<64x32xf32, #tpu.memory_space<vmem_shared>>) target_semaphore(%run_scoped3A : memref<!tpu.dma_semaphore, #tpu.memory_space<semaphore_mem>>)
        %dma_wait3A = arith.constant 0 : i32
        %dma_wait3A_170 = arith.constant 0 : i32
        %dma_wait3A_171 = tpu.memref_slice %arg8[%dma_wait3A, %dma_wait3A_170] : memref<128x32xf32, #tpu.memory_space<vmem>> -> memref<64x32xf32, #tpu.memory_space<vmem>>
        %dma_wait3A_172 = arith.constant 0 : i32
        %dma_wait3A_173 = tpu.memref_slice %arg20[%add3A_160, %dma_wait3A_172] : memref<50176x32xf32, #tpu.memory_space<vmem_shared>> -> memref<64x32xf32, #tpu.memory_space<vmem_shared>>
        %dma_wait3A_174 = arith.constant 0 : i32
        %dma_wait3A_175 = tpu.memref_slice %arg20[%add3A_160, %dma_wait3A_174] : memref<50176x32xf32, #tpu.memory_space<vmem_shared>> -> memref<64x32xf32, #tpu.memory_space<vmem_shared>>
        %dma_wait3A_176 = arith.constant 0 : i32
        %dma_wait3A_177 = arith.constant 0 : i32
        %dma_wait3A_178 = tpu.memref_slice %arg8[%dma_wait3A_176, %dma_wait3A_177] : memref<128x32xf32, #tpu.memory_space<vmem>> -> memref<64x32xf32, #tpu.memory_space<vmem>>
        tpu.wait_dma2 semaphore(%run_scoped3A : memref<!tpu.dma_semaphore, #tpu.memory_space<semaphore_mem>>) src(%dma_wait3A_178 : memref<64x32xf32, #tpu.memory_space<vmem>>) dst(%dma_wait3A_175 : memref<64x32xf32, #tpu.memory_space<vmem_shared>>)
        tpu.yield
      }) : () -> ()
    }
    %scan3A_110 = arith.constant 49 : i32
    %barrier3A_111 = arith.constant 0 : index
    tpu.barrier barrier_id(%barrier3A_111)
    %scan3A_112 = arith.constant 0 : i32
    %scan3A_113 = arith.constant 14 : i32
    %scan3A_114 = arith.addi %scan3A_112, %scan3A_113 : i32
    %scan3A_115 = arith.constant 1 : i32
    scf.for %scan3A_157 = %scan3A_112 to %scan3A_114 step %scan3A_115  : i32 {
      %mul3A_158 = arith.constant 28 : i32
      %mul3A_159 = arith.muli %scan3A_157, %mul3A_158 : i32
      "tpu.region"() ({
        %run_scoped3A = tpu.sem_alloc : memref<!tpu.dma_semaphore, #tpu.memory_space<semaphore_mem>>
        %dma_start3A_226 = arith.constant 0 : i32
        %dma_start3A_227 = tpu.memref_slice %arg3[%arg1, %mul3A_159, %dma_start3A_226] : memref<16x392x128xi32, #tpu.memory_space<hbm>> -> memref<1x28x128xi32, #tpu.memory_space<hbm>>
        %dma_start3A_228 = tpu.memref_squeeze %dma_start3A_227 : memref<1x28x128xi32, #tpu.memory_space<hbm>> -> memref<28x128xi32, #tpu.memory_space<hbm>>
        %dma_start3A_229 = arith.constant 0 : i32
        %dma_start3A_230 = tpu.memref_slice %arg3[%arg1, %mul3A_159, %dma_start3A_229] : memref<16x392x128xi32, #tpu.memory_space<hbm>> -> memref<1x28x128xi32, #tpu.memory_space<hbm>>
        %dma_start3A_231 = tpu.memref_squeeze %dma_start3A_230 : memref<1x28x128xi32, #tpu.memory_space<hbm>> -> memref<28x128xi32, #tpu.memory_space<hbm>>
        tpu.enqueue_dma source(%dma_start3A_231 : memref<28x128xi32, #tpu.memory_space<hbm>>) target(%arg6 : memref<28x128xi32, #tpu.memory_space<vmem>>) target_semaphore(%run_scoped3A : memref<!tpu.dma_semaphore, #tpu.memory_space<semaphore_mem>>)
        %dma_wait3A_232 = arith.constant 0 : i32
        %dma_wait3A_233 = tpu.memref_slice %arg3[%arg1, %mul3A_159, %dma_wait3A_232] : memref<16x392x128xi32, #tpu.memory_space<hbm>> -> memref<1x28x128xi32, #tpu.memory_space<hbm>>
        %dma_wait3A_234 = tpu.memref_squeeze %dma_wait3A_233 : memref<1x28x128xi32, #tpu.memory_space<hbm>> -> memref<28x128xi32, #tpu.memory_space<hbm>>
        %dma_wait3A_235 = arith.constant 0 : i32
        %dma_wait3A_236 = tpu.memref_slice %arg3[%arg1, %mul3A_159, %dma_wait3A_235] : memref<16x392x128xi32, #tpu.memory_space<hbm>> -> memref<1x28x128xi32, #tpu.memory_space<hbm>>
        %dma_wait3A_237 = tpu.memref_squeeze %dma_wait3A_236 : memref<1x28x128xi32, #tpu.memory_space<hbm>> -> memref<28x128xi32, #tpu.memory_space<hbm>>
        tpu.wait_dma2 semaphore(%run_scoped3A : memref<!tpu.dma_semaphore, #tpu.memory_space<semaphore_mem>>) src(%dma_wait3A_237 : memref<28x128xi32, #tpu.memory_space<hbm>>) dst(%arg6 : memref<28x128xi32, #tpu.memory_space<vmem>>)
        tpu.yield
      }) : () -> ()
      %mul3A_160 = arith.constant 28 : i32
      %mul3A_161 = arith.muli %scan3A_157, %mul3A_160 : i32
      "tpu.region"() ({
        %run_scoped3A = tpu.sem_alloc : memref<!tpu.dma_semaphore, #tpu.memory_space<semaphore_mem>>
        %dma_start3A_226 = arith.constant 0 : i32
        %dma_start3A_227 = tpu.memref_slice %arg4[%arg1, %mul3A_161, %dma_start3A_226] : memref<16x392x128xi32, #tpu.memory_space<hbm>> -> memref<1x28x128xi32, #tpu.memory_space<hbm>>
        %dma_start3A_228 = tpu.memref_squeeze %dma_start3A_227 : memref<1x28x128xi32, #tpu.memory_space<hbm>> -> memref<28x128xi32, #tpu.memory_space<hbm>>
        %dma_start3A_229 = arith.constant 0 : i32
        %dma_start3A_230 = tpu.memref_slice %arg4[%arg1, %mul3A_161, %dma_start3A_229] : memref<16x392x128xi32, #tpu.memory_space<hbm>> -> memref<1x28x128xi32, #tpu.memory_space<hbm>>
        %dma_start3A_231 = tpu.memref_squeeze %dma_start3A_230 : memref<1x28x128xi32, #tpu.memory_space<hbm>> -> memref<28x128xi32, #tpu.memory_space<hbm>>
        tpu.enqueue_dma source(%dma_start3A_231 : memref<28x128xi32, #tpu.memory_space<hbm>>) target(%arg7 : memref<28x128xi32, #tpu.memory_space<vmem>>) target_semaphore(%run_scoped3A : memref<!tpu.dma_semaphore, #tpu.memory_space<semaphore_mem>>)
        %dma_wait3A_232 = arith.constant 0 : i32
        %dma_wait3A_233 = tpu.memref_slice %arg4[%arg1, %mul3A_161, %dma_wait3A_232] : memref<16x392x128xi32, #tpu.memory_space<hbm>> -> memref<1x28x128xi32, #tpu.memory_space<hbm>>
        %dma_wait3A_234 = tpu.memref_squeeze %dma_wait3A_233 : memref<1x28x128xi32, #tpu.memory_space<hbm>> -> memref<28x128xi32, #tpu.memory_space<hbm>>
        %dma_wait3A_235 = arith.constant 0 : i32
        %dma_wait3A_236 = tpu.memref_slice %arg4[%arg1, %mul3A_161, %dma_wait3A_235] : memref<16x392x128xi32, #tpu.memory_space<hbm>> -> memref<1x28x128xi32, #tpu.memory_space<hbm>>
        %dma_wait3A_237 = tpu.memref_squeeze %dma_wait3A_236 : memref<1x28x128xi32, #tpu.memory_space<hbm>> -> memref<28x128xi32, #tpu.memory_space<hbm>>
        tpu.wait_dma2 semaphore(%run_scoped3A : memref<!tpu.dma_semaphore, #tpu.memory_space<semaphore_mem>>) src(%dma_wait3A_237 : memref<28x128xi32, #tpu.memory_space<hbm>>) dst(%arg7 : memref<28x128xi32, #tpu.memory_space<vmem>>)
        tpu.yield
      }) : () -> ()
      %scan3A_162 = arith.constant 0 : i32
      %scan3A_163 = arith.constant 224 : i32
      %scan3A_164 = arith.addi %scan3A_162, %scan3A_163 : i32
      %scan3A_165 = arith.constant 1 : i32
      scf.for %scan3A_226 = %scan3A_162 to %scan3A_164 step %scan3A_165  : i32 {
        %jit3A = arith.constant 8 : i32
        %div3A = arith.divsi %scan3A_226, %jit3A : i32
        %sign3A = arith.constant 0 : i32
        %sign3A_227 = arith.cmpi sgt, %scan3A_226, %sign3A : i32
        %sign3A_228 = arith.extui %sign3A_227 : i1 to i32
        %sign3A_229 = arith.constant 0 : i32
        %sign3A_230 = arith.cmpi slt, %scan3A_226, %sign3A_229 : i32
        %sign3A_231 = arith.extui %sign3A_230 : i1 to i32
        %sign3A_232 = arith.subi %sign3A_228, %sign3A_231 : i32
        %sign3A_233 = arith.constant 0 : i32
        %sign3A_234 = arith.cmpi sgt, %jit3A, %sign3A_233 : i32
        %sign3A_235 = arith.extui %sign3A_234 : i1 to i32
        %sign3A_236 = arith.constant 0 : i32
        %sign3A_237 = arith.cmpi slt, %jit3A, %sign3A_236 : i32
        %sign3A_238 = arith.extui %sign3A_237 : i1 to i32
        %sign3A_239 = arith.subi %sign3A_235, %sign3A_238 : i32
        %ne3A = arith.cmpi ne, %sign3A_232, %sign3A_239 : i32
        %rem3A = arith.remsi %scan3A_226, %jit3A : i32
        %ne3A_240 = arith.constant 0 : i32
        %ne3A_241 = arith.cmpi ne, %rem3A, %ne3A_240 : i32
        %and3A = arith.andi %ne3A, %ne3A_241 : i1
        %sub3A = arith.constant 1 : i32
        %sub3A_242 = arith.subi %div3A, %sub3A : i32
        %select_n3A = arith.select %and3A, %sub3A_242, %div3A : i32
        %jit3A_243 = arith.constant 8 : i32
        %eq3A_244 = arith.constant 0 : i32
        %eq3A_245 = arith.cmpi eq, %jit3A_243, %eq3A_244 : i32
        %jit3A_246 = arith.constant 1 : i32
        %select_n3A_247 = arith.select %eq3A_245, %jit3A_246, %jit3A_243 : i32
        %rem3A_248 = arith.remsi %scan3A_226, %select_n3A_247 : i32
        %ne3A_249 = arith.constant 0 : i32
        %ne3A_250 = arith.cmpi ne, %rem3A_248, %ne3A_249 : i32
        %lt3A = arith.constant 0 : i32
        %lt3A_251 = arith.cmpi slt, %rem3A_248, %lt3A : i32
        %lt3A_252 = arith.constant 0 : i32
        %lt3A_253 = arith.cmpi slt, %select_n3A_247, %lt3A_252 : i32
        %ne3A_254 = arith.xori %lt3A_251, %lt3A_253 : i1
        %and3A_255 = arith.andi %ne3A_254, %ne3A_250 : i1
        %add3A_256 = arith.addi %rem3A_248, %select_n3A_247 : i32
        %select_n3A_257 = arith.select %and3A_255, %add3A_256, %rem3A_248 : i32
        %mul3A_258 = arith.constant 16 : i32
        %mul3A_259 = arith.muli %select_n3A_257, %mul3A_258 : i32
        %get3A = arith.index_cast %select_n3A : i32 to index
        %get3A_260 = arith.index_cast %mul3A_259 : i32 to index
        %get3A_261 = tpu.vector_load %arg6[%get3A, %get3A_260] {strides = array<i32>} : memref<28x128xi32, #tpu.memory_space<vmem>>, vector<16xi32>,
        %add3A_262 = vector.broadcast %mul3A_96 : i32 to vector<16xi32>
        %add3A_263 = arith.addi %get3A_261, %add3A_262 : vector<16xi32>
        %swap3A = arith.index_cast %select_n3A : i32 to index
        %swap3A_264 = arith.index_cast %mul3A_259 : i32 to index
        %swap3A_265 = tpu.vector_load %arg6[%swap3A, %swap3A_264] {strides = array<i32>} : memref<28x128xi32, #tpu.memory_space<vmem>>, vector<16xi32>,
        tpu.vector_store %arg6[%swap3A, %swap3A_264], %add3A_263 {strides = array<i32>} : memref<28x128xi32, #tpu.memory_space<vmem>>, vector<16xi32>,
      }
      %scan3A_166 = arith.constant 224 : i32
      %dma_start3A = arith.constant 0 : i32
      %dma_start3A_167 = arith.constant 0 : i32
      %dma_start3A_168 = tpu.memref_slice %arg6[%dma_start3A, %dma_start3A_167] : memref<28x128xi32, #tpu.memory_space<vmem>> -> memref<1x128xi32, #tpu.memory_space<vmem>>
      %dma_start3A_169 = tpu.memref_squeeze %dma_start3A_168 : memref<1x128xi32, #tpu.memory_space<vmem>> -> memref<128xi32, #tpu.memory_space<vmem>>
      %dma_start3A_170 = arith.constant 0 : i32
      %dma_start3A_171 = arith.constant 0 : i32
      %dma_start3A_172 = tpu.memref_slice %arg2[%dma_start3A_170, %dma_start3A_171] : memref<501760x32xf32, #tpu.memory_space<hbm>> -> memref<501760x32xf32, #tpu.memory_space<hbm>>
      tpu.enqueue_indirect_dma source(%dma_start3A_172 : memref<501760x32xf32, #tpu.memory_space<hbm>>) target(%arg8 : memref<128x32xf32, #tpu.memory_space<vmem>>) offsets(%dma_start3A_169 : memref<128xi32, #tpu.memory_space<vmem>>) semaphore(%arg12 : memref<!tpu.dma_semaphore, #tpu.memory_space<semaphore_mem>>)
      %dma_start3A_173 = arith.constant 1 : i32
      %dma_start3A_174 = arith.constant 0 : i32
      %dma_start3A_175 = tpu.memref_slice %arg6[%dma_start3A_173, %dma_start3A_174] : memref<28x128xi32, #tpu.memory_space<vmem>> -> memref<1x128xi32, #tpu.memory_space<vmem>>
      %dma_start3A_176 = tpu.memref_squeeze %dma_start3A_175 : memref<1x128xi32, #tpu.memory_space<vmem>> -> memref<128xi32, #tpu.memory_space<vmem>>
      %dma_start3A_177 = arith.constant 0 : i32
      %dma_start3A_178 = arith.constant 0 : i32
      %dma_start3A_179 = tpu.memref_slice %arg2[%dma_start3A_177, %dma_start3A_178] : memref<501760x32xf32, #tpu.memory_space<hbm>> -> memref<501760x32xf32, #tpu.memory_space<hbm>>
      tpu.enqueue_indirect_dma source(%dma_start3A_179 : memref<501760x32xf32, #tpu.memory_space<hbm>>) target(%arg9 : memref<128x32xf32, #tpu.memory_space<vmem>>) offsets(%dma_start3A_176 : memref<128xi32, #tpu.memory_space<vmem>>) semaphore(%arg13 : memref<!tpu.dma_semaphore, #tpu.memory_space<semaphore_mem>>)
      %dma_start3A_180 = arith.constant 2 : i32
      %dma_start3A_181 = arith.constant 0 : i32
      %dma_start3A_182 = tpu.memref_slice %arg6[%dma_start3A_180, %dma_start3A_181] : memref<28x128xi32, #tpu.memory_space<vmem>> -> memref<1x128xi32, #tpu.memory_space<vmem>>
      %dma_start3A_183 = tpu.memref_squeeze %dma_start3A_182 : memref<1x128xi32, #tpu.memory_space<vmem>> -> memref<128xi32, #tpu.memory_space<vmem>>
      %dma_start3A_184 = arith.constant 0 : i32
      %dma_start3A_185 = arith.constant 0 : i32
      %dma_start3A_186 = tpu.memref_slice %arg2[%dma_start3A_184, %dma_start3A_185] : memref<501760x32xf32, #tpu.memory_space<hbm>> -> memref<501760x32xf32, #tpu.memory_space<hbm>>
      tpu.enqueue_indirect_dma source(%dma_start3A_186 : memref<501760x32xf32, #tpu.memory_space<hbm>>) target(%arg10 : memref<128x32xf32, #tpu.memory_space<vmem>>) offsets(%dma_start3A_183 : memref<128xi32, #tpu.memory_space<vmem>>) semaphore(%arg14 : memref<!tpu.dma_semaphore, #tpu.memory_space<semaphore_mem>>)
      %dma_start3A_187 = arith.constant 3 : i32
      %dma_start3A_188 = arith.constant 0 : i32
      %dma_start3A_189 = tpu.memref_slice %arg6[%dma_start3A_187, %dma_start3A_188] : memref<28x128xi32, #tpu.memory_space<vmem>> -> memref<1x128xi32, #tpu.memory_space<vmem>>
      %dma_start3A_190 = tpu.memref_squeeze %dma_start3A_189 : memref<1x128xi32, #tpu.memory_space<vmem>> -> memref<128xi32, #tpu.memory_space<vmem>>
      %dma_start3A_191 = arith.constant 0 : i32
      %dma_start3A_192 = arith.constant 0 : i32
      %dma_start3A_193 = tpu.memref_slice %arg2[%dma_start3A_191, %dma_start3A_192] : memref<501760x32xf32, #tpu.memory_space<hbm>> -> memref<501760x32xf32, #tpu.memory_space<hbm>>
      tpu.enqueue_indirect_dma source(%dma_start3A_193 : memref<501760x32xf32, #tpu.memory_space<hbm>>) target(%arg11 : memref<128x32xf32, #tpu.memory_space<vmem>>) offsets(%dma_start3A_190 : memref<128xi32, #tpu.memory_space<vmem>>) semaphore(%arg15 : memref<!tpu.dma_semaphore, #tpu.memory_space<semaphore_mem>>)
      %scan3A_194 = arith.constant 0 : i32
      %scan3A_195 = arith.constant 7 : i32
      %scan3A_196 = arith.addi %scan3A_194, %scan3A_195 : i32
      %scan3A_197 = arith.constant 1 : i32
      scf.for %scan3A_226 = %scan3A_194 to %scan3A_196 step %scan3A_197  : i32 {
        %mul3A_227 = arith.constant 4 : i32
        %mul3A_228 = arith.muli %scan3A_226, %mul3A_227 : i32
        %dma_wait3A_229 = arith.constant 0 : i32
        %dma_wait3A_230 = arith.constant 0 : i32
        %dma_wait3A_231 = tpu.memref_slice %arg6[%dma_wait3A_229, %dma_wait3A_230] : memref<28x128xi32, #tpu.memory_space<vmem>> -> memref<1x128xi32, #tpu.memory_space<vmem>>
        %dma_wait3A_232 = tpu.memref_squeeze %dma_wait3A_231 : memref<1x128xi32, #tpu.memory_space<vmem>> -> memref<128xi32, #tpu.memory_space<vmem>>
        %dma_wait3A_233 = arith.constant 0 : i32
        %dma_wait3A_234 = arith.constant 0 : i32
        %dma_wait3A_235 = tpu.memref_slice %arg2[%dma_wait3A_233, %dma_wait3A_234] : memref<501760x32xf32, #tpu.memory_space<hbm>> -> memref<501760x32xf32, #tpu.memory_space<hbm>>
        tpu.wait_indirect_dma semaphore(%arg12 : memref<!tpu.dma_semaphore, #tpu.memory_space<semaphore_mem>>) src(%dma_wait3A_235 : memref<501760x32xf32, #tpu.memory_space<hbm>>) dst(%arg8 : memref<128x32xf32, #tpu.memory_space<vmem>>)
        %add3A_236 = arith.constant 0 : i32
        %add3A_237 = arith.addi %mul3A_228, %add3A_236 : i32
        %dma_start3A_238 = arith.constant 0 : i32
        %dma_start3A_239 = tpu.memref_slice %arg7[%add3A_237, %dma_start3A_238] : memref<28x128xi32, #tpu.memory_space<vmem>> -> memref<1x128xi32, #tpu.memory_space<vmem>>
        %dma_start3A_240 = tpu.memref_squeeze %dma_start3A_239 : memref<1x128xi32, #tpu.memory_space<vmem>> -> memref<128xi32, #tpu.memory_space<vmem>>
        %dma_start3A_241 = arith.constant 0 : i32
        %dma_start3A_242 = arith.constant 0 : i32
        %dma_start3A_243 = tpu.memref_slice %arg20[%dma_start3A_241, %dma_start3A_242] : memref<50176x32xf32, #tpu.memory_space<vmem_shared>> -> memref<50176x32xf32, #tpu.memory_space<vmem_shared>>
        tpu.enqueue_indirect_dma source(%arg8 : memref<128x32xf32, #tpu.memory_space<vmem>>) target(%dma_start3A_243 : memref<50176x32xf32, #tpu.memory_space<vmem_shared>>) offsets(%dma_start3A_240 : memref<128xi32, #tpu.memory_space<vmem>>) semaphore(%arg16 : memref<!tpu.dma_semaphore, #tpu.memory_space<semaphore_mem>>) {add = true}
        %dma_wait3A_244 = arith.constant 0 : i32
        %dma_wait3A_245 = arith.constant 0 : i32
        %dma_wait3A_246 = tpu.memref_slice %arg6[%dma_wait3A_244, %dma_wait3A_245] : memref<28x128xi32, #tpu.memory_space<vmem>> -> memref<1x128xi32, #tpu.memory_space<vmem>>
        %dma_wait3A_247 = tpu.memref_squeeze %dma_wait3A_246 : memref<1x128xi32, #tpu.memory_space<vmem>> -> memref<128xi32, #tpu.memory_space<vmem>>
        %dma_wait3A_248 = arith.constant 0 : i32
        %dma_wait3A_249 = arith.constant 0 : i32
        %dma_wait3A_250 = tpu.memref_slice %arg2[%dma_wait3A_248, %dma_wait3A_249] : memref<501760x32xf32, #tpu.memory_space<hbm>> -> memref<501760x32xf32, #tpu.memory_space<hbm>>
        tpu.wait_indirect_dma semaphore(%arg13 : memref<!tpu.dma_semaphore, #tpu.memory_space<semaphore_mem>>) src(%dma_wait3A_250 : memref<501760x32xf32, #tpu.memory_space<hbm>>) dst(%arg9 : memref<128x32xf32, #tpu.memory_space<vmem>>)
        %add3A_251 = arith.constant 1 : i32
        %add3A_252 = arith.addi %mul3A_228, %add3A_251 : i32
        %dma_start3A_253 = arith.constant 0 : i32
        %dma_start3A_254 = tpu.memref_slice %arg7[%add3A_252, %dma_start3A_253] : memref<28x128xi32, #tpu.memory_space<vmem>> -> memref<1x128xi32, #tpu.memory_space<vmem>>
        %dma_start3A_255 = tpu.memref_squeeze %dma_start3A_254 : memref<1x128xi32, #tpu.memory_space<vmem>> -> memref<128xi32, #tpu.memory_space<vmem>>
        %dma_start3A_256 = arith.constant 0 : i32
        %dma_start3A_257 = arith.constant 0 : i32
        %dma_start3A_258 = tpu.memref_slice %arg20[%dma_start3A_256, %dma_start3A_257] : memref<50176x32xf32, #tpu.memory_space<vmem_shared>> -> memref<50176x32xf32, #tpu.memory_space<vmem_shared>>
        tpu.enqueue_indirect_dma source(%arg9 : memref<128x32xf32, #tpu.memory_space<vmem>>) target(%dma_start3A_258 : memref<50176x32xf32, #tpu.memory_space<vmem_shared>>) offsets(%dma_start3A_255 : memref<128xi32, #tpu.memory_space<vmem>>) semaphore(%arg17 : memref<!tpu.dma_semaphore, #tpu.memory_space<semaphore_mem>>) {add = true}
        %dma_wait3A_259 = arith.constant 0 : i32
        %dma_wait3A_260 = arith.constant 0 : i32
        %dma_wait3A_261 = tpu.memref_slice %arg6[%dma_wait3A_259, %dma_wait3A_260] : memref<28x128xi32, #tpu.memory_space<vmem>> -> memref<1x128xi32, #tpu.memory_space<vmem>>
        %dma_wait3A_262 = tpu.memref_squeeze %dma_wait3A_261 : memref<1x128xi32, #tpu.memory_space<vmem>> -> memref<128xi32, #tpu.memory_space<vmem>>
        %dma_wait3A_263 = arith.constant 0 : i32
        %dma_wait3A_264 = arith.constant 0 : i32
        %dma_wait3A_265 = tpu.memref_slice %arg2[%dma_wait3A_263, %dma_wait3A_264] : memref<501760x32xf32, #tpu.memory_space<hbm>> -> memref<501760x32xf32, #tpu.memory_space<hbm>>
        tpu.wait_indirect_dma semaphore(%arg14 : memref<!tpu.dma_semaphore, #tpu.memory_space<semaphore_mem>>) src(%dma_wait3A_265 : memref<501760x32xf32, #tpu.memory_space<hbm>>) dst(%arg10 : memref<128x32xf32, #tpu.memory_space<vmem>>)
        %add3A_266 = arith.constant 2 : i32
        %add3A_267 = arith.addi %mul3A_228, %add3A_266 : i32
        %dma_start3A_268 = arith.constant 0 : i32
        %dma_start3A_269 = tpu.memref_slice %arg7[%add3A_267, %dma_start3A_268] : memref<28x128xi32, #tpu.memory_space<vmem>> -> memref<1x128xi32, #tpu.memory_space<vmem>>
        %dma_start3A_270 = tpu.memref_squeeze %dma_start3A_269 : memref<1x128xi32, #tpu.memory_space<vmem>> -> memref<128xi32, #tpu.memory_space<vmem>>
        %dma_start3A_271 = arith.constant 0 : i32
        %dma_start3A_272 = arith.constant 0 : i32
        %dma_start3A_273 = tpu.memref_slice %arg20[%dma_start3A_271, %dma_start3A_272] : memref<50176x32xf32, #tpu.memory_space<vmem_shared>> -> memref<50176x32xf32, #tpu.memory_space<vmem_shared>>
        tpu.enqueue_indirect_dma source(%arg10 : memref<128x32xf32, #tpu.memory_space<vmem>>) target(%dma_start3A_273 : memref<50176x32xf32, #tpu.memory_space<vmem_shared>>) offsets(%dma_start3A_270 : memref<128xi32, #tpu.memory_space<vmem>>) semaphore(%arg18 : memref<!tpu.dma_semaphore, #tpu.memory_space<semaphore_mem>>) {add = true}
        %dma_wait3A_274 = arith.constant 0 : i32
        %dma_wait3A_275 = arith.constant 0 : i32
        %dma_wait3A_276 = tpu.memref_slice %arg6[%dma_wait3A_274, %dma_wait3A_275] : memref<28x128xi32, #tpu.memory_space<vmem>> -> memref<1x128xi32, #tpu.memory_space<vmem>>
        %dma_wait3A_277 = tpu.memref_squeeze %dma_wait3A_276 : memref<1x128xi32, #tpu.memory_space<vmem>> -> memref<128xi32, #tpu.memory_space<vmem>>
        %dma_wait3A_278 = arith.constant 0 : i32
        %dma_wait3A_279 = arith.constant 0 : i32
        %dma_wait3A_280 = tpu.memref_slice %arg2[%dma_wait3A_278, %dma_wait3A_279] : memref<501760x32xf32, #tpu.memory_space<hbm>> -> memref<501760x32xf32, #tpu.memory_space<hbm>>
        tpu.wait_indirect_dma semaphore(%arg15 : memref<!tpu.dma_semaphore, #tpu.memory_space<semaphore_mem>>) src(%dma_wait3A_280 : memref<501760x32xf32, #tpu.memory_space<hbm>>) dst(%arg11 : memref<128x32xf32, #tpu.memory_space<vmem>>)
        %add3A_281 = arith.constant 3 : i32
        %add3A_282 = arith.addi %mul3A_228, %add3A_281 : i32
        %dma_start3A_283 = arith.constant 0 : i32
        %dma_start3A_284 = tpu.memref_slice %arg7[%add3A_282, %dma_start3A_283] : memref<28x128xi32, #tpu.memory_space<vmem>> -> memref<1x128xi32, #tpu.memory_space<vmem>>
        %dma_start3A_285 = tpu.memref_squeeze %dma_start3A_284 : memref<1x128xi32, #tpu.memory_space<vmem>> -> memref<128xi32, #tpu.memory_space<vmem>>
        %dma_start3A_286 = arith.constant 0 : i32
        %dma_start3A_287 = arith.constant 0 : i32
        %dma_start3A_288 = tpu.memref_slice %arg20[%dma_start3A_286, %dma_start3A_287] : memref<50176x32xf32, #tpu.memory_space<vmem_shared>> -> memref<50176x32xf32, #tpu.memory_space<vmem_shared>>
        tpu.enqueue_indirect_dma source(%arg11 : memref<128x32xf32, #tpu.memory_space<vmem>>) target(%dma_start3A_288 : memref<50176x32xf32, #tpu.memory_space<vmem_shared>>) offsets(%dma_start3A_285 : memref<128xi32, #tpu.memory_space<vmem>>) semaphore(%arg19 : memref<!tpu.dma_semaphore, #tpu.memory_space<semaphore_mem>>) {add = true}
        %add3A_289 = arith.constant 4 : i32
        %add3A_290 = arith.addi %mul3A_228, %add3A_289 : i32
        %add3A_291 = arith.constant 0 : i32
        %add3A_292 = arith.addi %add3A_290, %add3A_291 : i32
        %lt3A = arith.constant 28 : i32
        %lt3A_293 = arith.cmpi slt, %add3A_292, %lt3A : i32
        %convert_element_type3A_294 = arith.extui %lt3A_293 : i1 to i32
        %cond3A_295 = arith.constant 0 : i32
        %cond3A_296 = arith.cmpi ne, %convert_element_type3A_294, %cond3A_295 : i32
        scf.if %cond3A_296 {
          %add3A_324 = arith.constant 0 : i32
          %add3A_325 = arith.addi %mul3A_228, %add3A_324 : i32
          %dma_wait3A_326 = arith.constant 0 : i32
          %dma_wait3A_327 = tpu.memref_slice %arg7[%add3A_325, %dma_wait3A_326] : memref<28x128xi32, #tpu.memory_space<vmem>> -> memref<1x128xi32, #tpu.memory_space<vmem>>
          %dma_wait3A_328 = tpu.memref_squeeze %dma_wait3A_327 : memref<1x128xi32, #tpu.memory_space<vmem>> -> memref<128xi32, #tpu.memory_space<vmem>>
          %dma_wait3A_329 = arith.constant 0 : i32
          %dma_wait3A_330 = arith.constant 0 : i32
          %dma_wait3A_331 = tpu.memref_slice %arg20[%dma_wait3A_329, %dma_wait3A_330] : memref<50176x32xf32, #tpu.memory_space<vmem_shared>> -> memref<50176x32xf32, #tpu.memory_space<vmem_shared>>
          tpu.wait_indirect_dma semaphore(%arg16 : memref<!tpu.dma_semaphore, #tpu.memory_space<semaphore_mem>>) src(%arg8 : memref<128x32xf32, #tpu.memory_space<vmem>>) dst(%dma_wait3A_331 : memref<50176x32xf32, #tpu.memory_space<vmem_shared>>)
          %add3A_332 = arith.constant 4 : i32
          %add3A_333 = arith.addi %mul3A_228, %add3A_332 : i32
          %add3A_334 = arith.constant 0 : i32
          %add3A_335 = arith.addi %add3A_333, %add3A_334 : i32
          %dma_start3A_336 = arith.constant 0 : i32
          %dma_start3A_337 = tpu.memref_slice %arg6[%add3A_335, %dma_start3A_336] : memref<28x128xi32, #tpu.memory_space<vmem>> -> memref<1x128xi32, #tpu.memory_space<vmem>>
          %dma_start3A_338 = tpu.memref_squeeze %dma_start3A_337 : memref<1x128xi32, #tpu.memory_space<vmem>> -> memref<128xi32, #tpu.memory_space<vmem>>
          %dma_start3A_339 = arith.constant 0 : i32
          %dma_start3A_340 = arith.constant 0 : i32
          %dma_start3A_341 = tpu.memref_slice %arg2[%dma_start3A_339, %dma_start3A_340] : memref<501760x32xf32, #tpu.memory_space<hbm>> -> memref<501760x32xf32, #tpu.memory_space<hbm>>
          tpu.enqueue_indirect_dma source(%dma_start3A_341 : memref<501760x32xf32, #tpu.memory_space<hbm>>) target(%arg8 : memref<128x32xf32, #tpu.memory_space<vmem>>) offsets(%dma_start3A_338 : memref<128xi32, #tpu.memory_space<vmem>>) semaphore(%arg12 : memref<!tpu.dma_semaphore, #tpu.memory_space<semaphore_mem>>)
        } else {
        }
        %add3A_297 = arith.constant 4 : i32
        %add3A_298 = arith.addi %mul3A_228, %add3A_297 : i32
        %add3A_299 = arith.constant 1 : i32
        %add3A_300 = arith.addi %add3A_298, %add3A_299 : i32
        %lt3A_301 = arith.constant 28 : i32
        %lt3A_302 = arith.cmpi slt, %add3A_300, %lt3A_301 : i32
        %convert_element_type3A_303 = arith.extui %lt3A_302 : i1 to i32
        %cond3A_304 = arith.constant 0 : i32
        %cond3A_305 = arith.cmpi ne, %convert_element_type3A_303, %cond3A_304 : i32
        scf.if %cond3A_305 {
          %add3A_324 = arith.constant 1 : i32
          %add3A_325 = arith.addi %mul3A_228, %add3A_324 : i32
          %dma_wait3A_326 = arith.constant 0 : i32
          %dma_wait3A_327 = tpu.memref_slice %arg7[%add3A_325, %dma_wait3A_326] : memref<28x128xi32, #tpu.memory_space<vmem>> -> memref<1x128xi32, #tpu.memory_space<vmem>>
          %dma_wait3A_328 = tpu.memref_squeeze %dma_wait3A_327 : memref<1x128xi32, #tpu.memory_space<vmem>> -> memref<128xi32, #tpu.memory_space<vmem>>
          %dma_wait3A_329 = arith.constant 0 : i32
          %dma_wait3A_330 = arith.constant 0 : i32
          %dma_wait3A_331 = tpu.memref_slice %arg20[%dma_wait3A_329, %dma_wait3A_330] : memref<50176x32xf32, #tpu.memory_space<vmem_shared>> -> memref<50176x32xf32, #tpu.memory_space<vmem_shared>>
          tpu.wait_indirect_dma semaphore(%arg17 : memref<!tpu.dma_semaphore, #tpu.memory_space<semaphore_mem>>) src(%arg9 : memref<128x32xf32, #tpu.memory_space<vmem>>) dst(%dma_wait3A_331 : memref<50176x32xf32, #tpu.memory_space<vmem_shared>>)
          %add3A_332 = arith.constant 4 : i32
          %add3A_333 = arith.addi %mul3A_228, %add3A_332 : i32
          %add3A_334 = arith.constant 1 : i32
          %add3A_335 = arith.addi %add3A_333, %add3A_334 : i32
          %dma_start3A_336 = arith.constant 0 : i32
          %dma_start3A_337 = tpu.memref_slice %arg6[%add3A_335, %dma_start3A_336] : memref<28x128xi32, #tpu.memory_space<vmem>> -> memref<1x128xi32, #tpu.memory_space<vmem>>
          %dma_start3A_338 = tpu.memref_squeeze %dma_start3A_337 : memref<1x128xi32, #tpu.memory_space<vmem>> -> memref<128xi32, #tpu.memory_space<vmem>>
          %dma_start3A_339 = arith.constant 0 : i32
          %dma_start3A_340 = arith.constant 0 : i32
          %dma_start3A_341 = tpu.memref_slice %arg2[%dma_start3A_339, %dma_start3A_340] : memref<501760x32xf32, #tpu.memory_space<hbm>> -> memref<501760x32xf32, #tpu.memory_space<hbm>>
          tpu.enqueue_indirect_dma source(%dma_start3A_341 : memref<501760x32xf32, #tpu.memory_space<hbm>>) target(%arg9 : memref<128x32xf32, #tpu.memory_space<vmem>>) offsets(%dma_start3A_338 : memref<128xi32, #tpu.memory_space<vmem>>) semaphore(%arg13 : memref<!tpu.dma_semaphore, #tpu.memory_space<semaphore_mem>>)
        } else {
        }
        %add3A_306 = arith.constant 4 : i32
        %add3A_307 = arith.addi %mul3A_228, %add3A_306 : i32
        %add3A_308 = arith.constant 2 : i32
        %add3A_309 = arith.addi %add3A_307, %add3A_308 : i32
        %lt3A_310 = arith.constant 28 : i32
        %lt3A_311 = arith.cmpi slt, %add3A_309, %lt3A_310 : i32
        %convert_element_type3A_312 = arith.extui %lt3A_311 : i1 to i32
        %cond3A_313 = arith.constant 0 : i32
        %cond3A_314 = arith.cmpi ne, %convert_element_type3A_312, %cond3A_313 : i32
        scf.if %cond3A_314 {
          %add3A_324 = arith.constant 2 : i32
          %add3A_325 = arith.addi %mul3A_228, %add3A_324 : i32
          %dma_wait3A_326 = arith.constant 0 : i32
          %dma_wait3A_327 = tpu.memref_slice %arg7[%add3A_325, %dma_wait3A_326] : memref<28x128xi32, #tpu.memory_space<vmem>> -> memref<1x128xi32, #tpu.memory_space<vmem>>
          %dma_wait3A_328 = tpu.memref_squeeze %dma_wait3A_327 : memref<1x128xi32, #tpu.memory_space<vmem>> -> memref<128xi32, #tpu.memory_space<vmem>>
          %dma_wait3A_329 = arith.constant 0 : i32
          %dma_wait3A_330 = arith.constant 0 : i32
          %dma_wait3A_331 = tpu.memref_slice %arg20[%dma_wait3A_329, %dma_wait3A_330] : memref<50176x32xf32, #tpu.memory_space<vmem_shared>> -> memref<50176x32xf32, #tpu.memory_space<vmem_shared>>
          tpu.wait_indirect_dma semaphore(%arg18 : memref<!tpu.dma_semaphore, #tpu.memory_space<semaphore_mem>>) src(%arg10 : memref<128x32xf32, #tpu.memory_space<vmem>>) dst(%dma_wait3A_331 : memref<50176x32xf32, #tpu.memory_space<vmem_shared>>)
          %add3A_332 = arith.constant 4 : i32
          %add3A_333 = arith.addi %mul3A_228, %add3A_332 : i32
          %add3A_334 = arith.constant 2 : i32
          %add3A_335 = arith.addi %add3A_333, %add3A_334 : i32
          %dma_start3A_336 = arith.constant 0 : i32
          %dma_start3A_337 = tpu.memref_slice %arg6[%add3A_335, %dma_start3A_336] : memref<28x128xi32, #tpu.memory_space<vmem>> -> memref<1x128xi32, #tpu.memory_space<vmem>>
          %dma_start3A_338 = tpu.memref_squeeze %dma_start3A_337 : memref<1x128xi32, #tpu.memory_space<vmem>> -> memref<128xi32, #tpu.memory_space<vmem>>
          %dma_start3A_339 = arith.constant 0 : i32
          %dma_start3A_340 = arith.constant 0 : i32
          %dma_start3A_341 = tpu.memref_slice %arg2[%dma_start3A_339, %dma_start3A_340] : memref<501760x32xf32, #tpu.memory_space<hbm>> -> memref<501760x32xf32, #tpu.memory_space<hbm>>
          tpu.enqueue_indirect_dma source(%dma_start3A_341 : memref<501760x32xf32, #tpu.memory_space<hbm>>) target(%arg10 : memref<128x32xf32, #tpu.memory_space<vmem>>) offsets(%dma_start3A_338 : memref<128xi32, #tpu.memory_space<vmem>>) semaphore(%arg14 : memref<!tpu.dma_semaphore, #tpu.memory_space<semaphore_mem>>)
        } else {
        }
        %add3A_315 = arith.constant 4 : i32
        %add3A_316 = arith.addi %mul3A_228, %add3A_315 : i32
        %add3A_317 = arith.constant 3 : i32
        %add3A_318 = arith.addi %add3A_316, %add3A_317 : i32
        %lt3A_319 = arith.constant 28 : i32
        %lt3A_320 = arith.cmpi slt, %add3A_318, %lt3A_319 : i32
        %convert_element_type3A_321 = arith.extui %lt3A_320 : i1 to i32
        %cond3A_322 = arith.constant 0 : i32
        %cond3A_323 = arith.cmpi ne, %convert_element_type3A_321, %cond3A_322 : i32
        scf.if %cond3A_323 {
          %add3A_324 = arith.constant 3 : i32
          %add3A_325 = arith.addi %mul3A_228, %add3A_324 : i32
          %dma_wait3A_326 = arith.constant 0 : i32
          %dma_wait3A_327 = tpu.memref_slice %arg7[%add3A_325, %dma_wait3A_326] : memref<28x128xi32, #tpu.memory_space<vmem>> -> memref<1x128xi32, #tpu.memory_space<vmem>>
          %dma_wait3A_328 = tpu.memref_squeeze %dma_wait3A_327 : memref<1x128xi32, #tpu.memory_space<vmem>> -> memref<128xi32, #tpu.memory_space<vmem>>
          %dma_wait3A_329 = arith.constant 0 : i32
          %dma_wait3A_330 = arith.constant 0 : i32
          %dma_wait3A_331 = tpu.memref_slice %arg20[%dma_wait3A_329, %dma_wait3A_330] : memref<50176x32xf32, #tpu.memory_space<vmem_shared>> -> memref<50176x32xf32, #tpu.memory_space<vmem_shared>>
          tpu.wait_indirect_dma semaphore(%arg19 : memref<!tpu.dma_semaphore, #tpu.memory_space<semaphore_mem>>) src(%arg11 : memref<128x32xf32, #tpu.memory_space<vmem>>) dst(%dma_wait3A_331 : memref<50176x32xf32, #tpu.memory_space<vmem_shared>>)
          %add3A_332 = arith.constant 4 : i32
          %add3A_333 = arith.addi %mul3A_228, %add3A_332 : i32
          %add3A_334 = arith.constant 3 : i32
          %add3A_335 = arith.addi %add3A_333, %add3A_334 : i32
          %dma_start3A_336 = arith.constant 0 : i32
          %dma_start3A_337 = tpu.memref_slice %arg6[%add3A_335, %dma_start3A_336] : memref<28x128xi32, #tpu.memory_space<vmem>> -> memref<1x128xi32, #tpu.memory_space<vmem>>
          %dma_start3A_338 = tpu.memref_squeeze %dma_start3A_337 : memref<1x128xi32, #tpu.memory_space<vmem>> -> memref<128xi32, #tpu.memory_space<vmem>>
          %dma_start3A_339 = arith.constant 0 : i32
          %dma_start3A_340 = arith.constant 0 : i32
          %dma_start3A_341 = tpu.memref_slice %arg2[%dma_start3A_339, %dma_start3A_340] : memref<501760x32xf32, #tpu.memory_space<hbm>> -> memref<501760x32xf32, #tpu.memory_space<hbm>>
          tpu.enqueue_indirect_dma source(%dma_start3A_341 : memref<501760x32xf32, #tpu.memory_space<hbm>>) target(%arg11 : memref<128x32xf32, #tpu.memory_space<vmem>>) offsets(%dma_start3A_338 : memref<128xi32, #tpu.memory_space<vmem>>) semaphore(%arg15 : memref<!tpu.dma_semaphore, #tpu.memory_space<semaphore_mem>>)
        } else {
        }
      }
      %scan3A_198 = arith.constant 7 : i32
      %dma_wait3A = arith.constant 24 : i32
      %dma_wait3A_199 = arith.constant 0 : i32
      %dma_wait3A_200 = tpu.memref_slice %arg7[%dma_wait3A, %dma_wait3A_199] : memref<28x128xi32, #tpu.memory_space<vmem>> -> memref<1x128xi32, #tpu.memory_space<vmem>>
      %dma_wait3A_201 = tpu.memref_squeeze %dma_wait3A_200 : memref<1x128xi32, #tpu.memory_space<vmem>> -> memref<128xi32, #tpu.memory_space<vmem>>
      %dma_wait3A_202 = arith.constant 0 : i32
      %dma_wait3A_203 = arith.constant 0 : i32
      %dma_wait3A_204 = tpu.memref_slice %arg20[%dma_wait3A_202, %dma_wait3A_203] : memref<50176x32xf32, #tpu.memory_space<vmem_shared>> -> memref<50176x32xf32, #tpu.memory_space<vmem_shared>>
      tpu.wait_indirect_dma semaphore(%arg16 : memref<!tpu.dma_semaphore, #tpu.memory_space<semaphore_mem>>) src(%arg8 : memref<128x32xf32, #tpu.memory_space<vmem>>) dst(%dma_wait3A_204 : memref<50176x32xf32, #tpu.memory_space<vmem_shared>>)
      %dma_wait3A_205 = arith.constant 25 : i32
      %dma_wait3A_206 = arith.constant 0 : i32
      %dma_wait3A_207 = tpu.memref_slice %arg7[%dma_wait3A_205, %dma_wait3A_206] : memref<28x128xi32, #tpu.memory_space<vmem>> -> memref<1x128xi32, #tpu.memory_space<vmem>>
      %dma_wait3A_208 = tpu.memref_squeeze %dma_wait3A_207 : memref<1x128xi32, #tpu.memory_space<vmem>> -> memref<128xi32, #tpu.memory_space<vmem>>
      %dma_wait3A_209 = arith.constant 0 : i32
      %dma_wait3A_210 = arith.constant 0 : i32
      %dma_wait3A_211 = tpu.memref_slice %arg20[%dma_wait3A_209, %dma_wait3A_210] : memref<50176x32xf32, #tpu.memory_space<vmem_shared>> -> memref<50176x32xf32, #tpu.memory_space<vmem_shared>>
      tpu.wait_indirect_dma semaphore(%arg17 : memref<!tpu.dma_semaphore, #tpu.memory_space<semaphore_mem>>) src(%arg9 : memref<128x32xf32, #tpu.memory_space<vmem>>) dst(%dma_wait3A_211 : memref<50176x32xf32, #tpu.memory_space<vmem_shared>>)
      %dma_wait3A_212 = arith.constant 26 : i32
      %dma_wait3A_213 = arith.constant 0 : i32
      %dma_wait3A_214 = tpu.memref_slice %arg7[%dma_wait3A_212, %dma_wait3A_213] : memref<28x128xi32, #tpu.memory_space<vmem>> -> memref<1x128xi32, #tpu.memory_space<vmem>>
      %dma_wait3A_215 = tpu.memref_squeeze %dma_wait3A_214 : memref<1x128xi32, #tpu.memory_space<vmem>> -> memref<128xi32, #tpu.memory_space<vmem>>
      %dma_wait3A_216 = arith.constant 0 : i32
      %dma_wait3A_217 = arith.constant 0 : i32
      %dma_wait3A_218 = tpu.memref_slice %arg20[%dma_wait3A_216, %dma_wait3A_217] : memref<50176x32xf32, #tpu.memory_space<vmem_shared>> -> memref<50176x32xf32, #tpu.memory_space<vmem_shared>>
      tpu.wait_indirect_dma semaphore(%arg18 : memref<!tpu.dma_semaphore, #tpu.memory_space<semaphore_mem>>) src(%arg10 : memref<128x32xf32, #tpu.memory_space<vmem>>) dst(%dma_wait3A_218 : memref<50176x32xf32, #tpu.memory_space<vmem_shared>>)
      %dma_wait3A_219 = arith.constant 27 : i32
      %dma_wait3A_220 = arith.constant 0 : i32
      %dma_wait3A_221 = tpu.memref_slice %arg7[%dma_wait3A_219, %dma_wait3A_220] : memref<28x128xi32, #tpu.memory_space<vmem>> -> memref<1x128xi32, #tpu.memory_space<vmem>>
      %dma_wait3A_222 = tpu.memref_squeeze %dma_wait3A_221 : memref<1x128xi32, #tpu.memory_space<vmem>> -> memref<128xi32, #tpu.memory_space<vmem>>
      %dma_wait3A_223 = arith.constant 0 : i32
      %dma_wait3A_224 = arith.constant 0 : i32
      %dma_wait3A_225 = tpu.memref_slice %arg20[%dma_wait3A_223, %dma_wait3A_224] : memref<50176x32xf32, #tpu.memory_space<vmem_shared>> -> memref<50176x32xf32, #tpu.memory_space<vmem_shared>>
      tpu.wait_indirect_dma semaphore(%arg19 : memref<!tpu.dma_semaphore, #tpu.memory_space<semaphore_mem>>) src(%arg11 : memref<128x32xf32, #tpu.memory_space<vmem>>) dst(%dma_wait3A_225 : memref<50176x32xf32, #tpu.memory_space<vmem_shared>>)
    }
    %scan3A_116 = arith.constant 14 : i32
    %barrier3A_117 = arith.constant 0 : index
    tpu.barrier barrier_id(%barrier3A_117)
    %eq3A_118 = arith.constant 0 : i32
    %eq3A_119 = arith.cmpi eq, %arg1, %eq3A_118 : i32
    %convert_element_type3A_120 = arith.extui %eq3A_119 : i1 to i32
    %cond3A_121 = arith.constant 0 : i32
    %cond3A_122 = arith.cmpi ne, %convert_element_type3A_120, %cond3A_121 : i32
    scf.if %cond3A_122 {
      "tpu.region"() ({
        %run_scoped3A = tpu.sem_alloc : memref<!tpu.dma_semaphore, #tpu.memory_space<semaphore_mem>>
        %dma_start3A = arith.constant 0 : i32
        %dma_start3A_157 = arith.constant 0 : i32
        %dma_start3A_158 = tpu.memref_slice %arg5[%add3A_94, %dma_start3A, %dma_start3A_157] : memref<10x50176x32xf32, #tpu.memory_space<hbm>> -> memref<1x50176x32xf32, #tpu.memory_space<hbm>>
        %dma_start3A_159 = tpu.memref_squeeze %dma_start3A_158 : memref<1x50176x32xf32, #tpu.memory_space<hbm>> -> memref<50176x32xf32, #tpu.memory_space<hbm>>
        tpu.enqueue_dma source(%arg20 : memref<50176x32xf32, #tpu.memory_space<vmem_shared>>) target(%dma_start3A_159 : memref<50176x32xf32, #tpu.memory_space<hbm>>) target_semaphore(%run_scoped3A : memref<!tpu.dma_semaphore, #tpu.memory_space<semaphore_mem>>)
        %dma_wait3A = arith.constant 0 : i32
        %dma_wait3A_160 = arith.constant 0 : i32
        %dma_wait3A_161 = tpu.memref_slice %arg5[%add3A_94, %dma_wait3A, %dma_wait3A_160] : memref<10x50176x32xf32, #tpu.memory_space<hbm>> -> memref<1x50176x32xf32, #tpu.memory_space<hbm>>
        %dma_wait3A_162 = tpu.memref_squeeze %dma_wait3A_161 : memref<1x50176x32xf32, #tpu.memory_space<hbm>> -> memref<50176x32xf32, #tpu.memory_space<hbm>>
        tpu.wait_dma2 semaphore(%run_scoped3A : memref<!tpu.dma_semaphore, #tpu.memory_space<semaphore_mem>>) src(%arg20 : memref<50176x32xf32, #tpu.memory_space<vmem_shared>>) dst(%dma_wait3A_162 : memref<50176x32xf32, #tpu.memory_space<hbm>>)
        tpu.yield
      }) : () -> ()
    } else {
    }
    %barrier3A_123 = arith.constant 0 : index
    tpu.barrier barrier_id(%barrier3A_123)
    %mul3A_124 = arith.constant 5 : i32
    %mul3A_125 = arith.muli %arg0, %mul3A_124 : i32
    %add3A_126 = arith.constant 4 : i32
    %add3A_127 = arith.addi %mul3A_125, %add3A_126 : i32
    %mul3A_128 = arith.constant 50176 : i32
    %mul3A_129 = arith.muli %add3A_127, %mul3A_128 : i32
    %broadcast_in_dim3A_130 = arith.constant 0.000000e+00 : f32
    %broadcast_in_dim3A_131 = vector.broadcast %broadcast_in_dim3A_130 : f32 to vector<16xf32>
    %scan3A_132 = arith.constant 0 : i32
    %scan3A_133 = arith.constant 128 : i32
    %scan3A_134 = arith.addi %scan3A_132, %scan3A_133 : i32
    %scan3A_135 = arith.constant 1 : i32
    scf.for %scan3A_157 = %scan3A_132 to %scan3A_134 step %scan3A_135  : i32 {
      %swap3A = arith.index_cast %scan3A_157 : i32 to index
      %swap3A_158 = arith.constant 0 : index
      %swap3A_159 = tpu.vector_load %arg8[%swap3A, %swap3A_158] {strides = array<i32>} : memref<128x32xf32, #tpu.memory_space<vmem>>, vector<16xf32>,
      tpu.vector_store %arg8[%swap3A, %swap3A_158], %broadcast_in_dim3A_131 {strides = array<i32>} : memref<128x32xf32, #tpu.memory_space<vmem>>, vector<16xf32>,
      %swap3A_160 = arith.index_cast %scan3A_157 : i32 to index
      %swap3A_161 = arith.constant 16 : index
      %swap3A_162 = tpu.vector_load %arg8[%swap3A_160, %swap3A_161] {strides = array<i32>} : memref<128x32xf32, #tpu.memory_space<vmem>>, vector<16xf32>,
      tpu.vector_store %arg8[%swap3A_160, %swap3A_161], %broadcast_in_dim3A_131 {strides = array<i32>} : memref<128x32xf32, #tpu.memory_space<vmem>>, vector<16xf32>,
    }
    %scan3A_136 = arith.constant 128 : i32
    %mul3A_137 = arith.constant 3136 : i32
    %mul3A_138 = arith.muli %arg1, %mul3A_137 : i32
    %scan3A_139 = arith.constant 0 : i32
    %scan3A_140 = arith.constant 49 : i32
    %scan3A_141 = arith.addi %scan3A_139, %scan3A_140 : i32
    %scan3A_142 = arith.constant 1 : i32
    scf.for %scan3A_157 = %scan3A_139 to %scan3A_141 step %scan3A_142  : i32 {
      %mul3A_158 = arith.constant 64 : i32
      %mul3A_159 = arith.muli %scan3A_157, %mul3A_158 : i32
      %add3A_160 = arith.addi %mul3A_138, %mul3A_159 : i32
      "tpu.region"() ({
        %run_scoped3A = tpu.sem_alloc : memref<!tpu.dma_semaphore, #tpu.memory_space<semaphore_mem>>
        %dma_start3A = arith.constant 0 : i32
        %dma_start3A_161 = arith.constant 0 : i32
        %dma_start3A_162 = tpu.memref_slice %arg8[%dma_start3A, %dma_start3A_161] : memref<128x32xf32, #tpu.memory_space<vmem>> -> memref<64x32xf32, #tpu.memory_space<vmem>>
        %dma_start3A_163 = arith.constant 0 : i32
        %dma_start3A_164 = tpu.memref_slice %arg20[%add3A_160, %dma_start3A_163] : memref<50176x32xf32, #tpu.memory_space<vmem_shared>> -> memref<64x32xf32, #tpu.memory_space<vmem_shared>>
        %dma_start3A_165 = arith.constant 0 : i32
        %dma_start3A_166 = tpu.memref_slice %arg20[%add3A_160, %dma_start3A_165] : memref<50176x32xf32, #tpu.memory_space<vmem_shared>> -> memref<64x32xf32, #tpu.memory_space<vmem_shared>>
        %dma_start3A_167 = arith.constant 0 : i32
        %dma_start3A_168 = arith.constant 0 : i32
        %dma_start3A_169 = tpu.memref_slice %arg8[%dma_start3A_167, %dma_start3A_168] : memref<128x32xf32, #tpu.memory_space<vmem>> -> memref<64x32xf32, #tpu.memory_space<vmem>>
        tpu.enqueue_dma source(%dma_start3A_169 : memref<64x32xf32, #tpu.memory_space<vmem>>) target(%dma_start3A_166 : memref<64x32xf32, #tpu.memory_space<vmem_shared>>) target_semaphore(%run_scoped3A : memref<!tpu.dma_semaphore, #tpu.memory_space<semaphore_mem>>)
        %dma_wait3A = arith.constant 0 : i32
        %dma_wait3A_170 = arith.constant 0 : i32
        %dma_wait3A_171 = tpu.memref_slice %arg8[%dma_wait3A, %dma_wait3A_170] : memref<128x32xf32, #tpu.memory_space<vmem>> -> memref<64x32xf32, #tpu.memory_space<vmem>>
        %dma_wait3A_172 = arith.constant 0 : i32
        %dma_wait3A_173 = tpu.memref_slice %arg20[%add3A_160, %dma_wait3A_172] : memref<50176x32xf32, #tpu.memory_space<vmem_shared>> -> memref<64x32xf32, #tpu.memory_space<vmem_shared>>
        %dma_wait3A_174 = arith.constant 0 : i32
        %dma_wait3A_175 = tpu.memref_slice %arg20[%add3A_160, %dma_wait3A_174] : memref<50176x32xf32, #tpu.memory_space<vmem_shared>> -> memref<64x32xf32, #tpu.memory_space<vmem_shared>>
        %dma_wait3A_176 = arith.constant 0 : i32
        %dma_wait3A_177 = arith.constant 0 : i32
        %dma_wait3A_178 = tpu.memref_slice %arg8[%dma_wait3A_176, %dma_wait3A_177] : memref<128x32xf32, #tpu.memory_space<vmem>> -> memref<64x32xf32, #tpu.memory_space<vmem>>
        tpu.wait_dma2 semaphore(%run_scoped3A : memref<!tpu.dma_semaphore, #tpu.memory_space<semaphore_mem>>) src(%dma_wait3A_178 : memref<64x32xf32, #tpu.memory_space<vmem>>) dst(%dma_wait3A_175 : memref<64x32xf32, #tpu.memory_space<vmem_shared>>)
        tpu.yield
      }) : () -> ()
    }
    %scan3A_143 = arith.constant 49 : i32
    %barrier3A_144 = arith.constant 0 : index
    tpu.barrier barrier_id(%barrier3A_144)
    %scan3A_145 = arith.constant 0 : i32
    %scan3A_146 = arith.constant 14 : i32
    %scan3A_147 = arith.addi %scan3A_145, %scan3A_146 : i32
    %scan3A_148 = arith.constant 1 : i32
    scf.for %scan3A_157 = %scan3A_145 to %scan3A_147 step %scan3A_148  : i32 {
      %mul3A_158 = arith.constant 28 : i32
      %mul3A_159 = arith.muli %scan3A_157, %mul3A_158 : i32
      "tpu.region"() ({
        %run_scoped3A = tpu.sem_alloc : memref<!tpu.dma_semaphore, #tpu.memory_space<semaphore_mem>>
        %dma_start3A_226 = arith.constant 0 : i32
        %dma_start3A_227 = tpu.memref_slice %arg3[%arg1, %mul3A_159, %dma_start3A_226] : memref<16x392x128xi32, #tpu.memory_space<hbm>> -> memref<1x28x128xi32, #tpu.memory_space<hbm>>
        %dma_start3A_228 = tpu.memref_squeeze %dma_start3A_227 : memref<1x28x128xi32, #tpu.memory_space<hbm>> -> memref<28x128xi32, #tpu.memory_space<hbm>>
        %dma_start3A_229 = arith.constant 0 : i32
        %dma_start3A_230 = tpu.memref_slice %arg3[%arg1, %mul3A_159, %dma_start3A_229] : memref<16x392x128xi32, #tpu.memory_space<hbm>> -> memref<1x28x128xi32, #tpu.memory_space<hbm>>
        %dma_start3A_231 = tpu.memref_squeeze %dma_start3A_230 : memref<1x28x128xi32, #tpu.memory_space<hbm>> -> memref<28x128xi32, #tpu.memory_space<hbm>>
        tpu.enqueue_dma source(%dma_start3A_231 : memref<28x128xi32, #tpu.memory_space<hbm>>) target(%arg6 : memref<28x128xi32, #tpu.memory_space<vmem>>) target_semaphore(%run_scoped3A : memref<!tpu.dma_semaphore, #tpu.memory_space<semaphore_mem>>)
        %dma_wait3A_232 = arith.constant 0 : i32
        %dma_wait3A_233 = tpu.memref_slice %arg3[%arg1, %mul3A_159, %dma_wait3A_232] : memref<16x392x128xi32, #tpu.memory_space<hbm>> -> memref<1x28x128xi32, #tpu.memory_space<hbm>>
        %dma_wait3A_234 = tpu.memref_squeeze %dma_wait3A_233 : memref<1x28x128xi32, #tpu.memory_space<hbm>> -> memref<28x128xi32, #tpu.memory_space<hbm>>
        %dma_wait3A_235 = arith.constant 0 : i32
        %dma_wait3A_236 = tpu.memref_slice %arg3[%arg1, %mul3A_159, %dma_wait3A_235] : memref<16x392x128xi32, #tpu.memory_space<hbm>> -> memref<1x28x128xi32, #tpu.memory_space<hbm>>
        %dma_wait3A_237 = tpu.memref_squeeze %dma_wait3A_236 : memref<1x28x128xi32, #tpu.memory_space<hbm>> -> memref<28x128xi32, #tpu.memory_space<hbm>>
        tpu.wait_dma2 semaphore(%run_scoped3A : memref<!tpu.dma_semaphore, #tpu.memory_space<semaphore_mem>>) src(%dma_wait3A_237 : memref<28x128xi32, #tpu.memory_space<hbm>>) dst(%arg6 : memref<28x128xi32, #tpu.memory_space<vmem>>)
        tpu.yield
      }) : () -> ()
      %mul3A_160 = arith.constant 28 : i32
      %mul3A_161 = arith.muli %scan3A_157, %mul3A_160 : i32
      "tpu.region"() ({
        %run_scoped3A = tpu.sem_alloc : memref<!tpu.dma_semaphore, #tpu.memory_space<semaphore_mem>>
        %dma_start3A_226 = arith.constant 0 : i32
        %dma_start3A_227 = tpu.memref_slice %arg4[%arg1, %mul3A_161, %dma_start3A_226] : memref<16x392x128xi32, #tpu.memory_space<hbm>> -> memref<1x28x128xi32, #tpu.memory_space<hbm>>
        %dma_start3A_228 = tpu.memref_squeeze %dma_start3A_227 : memref<1x28x128xi32, #tpu.memory_space<hbm>> -> memref<28x128xi32, #tpu.memory_space<hbm>>
        %dma_start3A_229 = arith.constant 0 : i32
        %dma_start3A_230 = tpu.memref_slice %arg4[%arg1, %mul3A_161, %dma_start3A_229] : memref<16x392x128xi32, #tpu.memory_space<hbm>> -> memref<1x28x128xi32, #tpu.memory_space<hbm>>
        %dma_start3A_231 = tpu.memref_squeeze %dma_start3A_230 : memref<1x28x128xi32, #tpu.memory_space<hbm>> -> memref<28x128xi32, #tpu.memory_space<hbm>>
        tpu.enqueue_dma source(%dma_start3A_231 : memref<28x128xi32, #tpu.memory_space<hbm>>) target(%arg7 : memref<28x128xi32, #tpu.memory_space<vmem>>) target_semaphore(%run_scoped3A : memref<!tpu.dma_semaphore, #tpu.memory_space<semaphore_mem>>)
        %dma_wait3A_232 = arith.constant 0 : i32
        %dma_wait3A_233 = tpu.memref_slice %arg4[%arg1, %mul3A_161, %dma_wait3A_232] : memref<16x392x128xi32, #tpu.memory_space<hbm>> -> memref<1x28x128xi32, #tpu.memory_space<hbm>>
        %dma_wait3A_234 = tpu.memref_squeeze %dma_wait3A_233 : memref<1x28x128xi32, #tpu.memory_space<hbm>> -> memref<28x128xi32, #tpu.memory_space<hbm>>
        %dma_wait3A_235 = arith.constant 0 : i32
        %dma_wait3A_236 = tpu.memref_slice %arg4[%arg1, %mul3A_161, %dma_wait3A_235] : memref<16x392x128xi32, #tpu.memory_space<hbm>> -> memref<1x28x128xi32, #tpu.memory_space<hbm>>
        %dma_wait3A_237 = tpu.memref_squeeze %dma_wait3A_236 : memref<1x28x128xi32, #tpu.memory_space<hbm>> -> memref<28x128xi32, #tpu.memory_space<hbm>>
        tpu.wait_dma2 semaphore(%run_scoped3A : memref<!tpu.dma_semaphore, #tpu.memory_space<semaphore_mem>>) src(%dma_wait3A_237 : memref<28x128xi32, #tpu.memory_space<hbm>>) dst(%arg7 : memref<28x128xi32, #tpu.memory_space<vmem>>)
        tpu.yield
      }) : () -> ()
      %scan3A_162 = arith.constant 0 : i32
      %scan3A_163 = arith.constant 224 : i32
      %scan3A_164 = arith.addi %scan3A_162, %scan3A_163 : i32
      %scan3A_165 = arith.constant 1 : i32
      scf.for %scan3A_226 = %scan3A_162 to %scan3A_164 step %scan3A_165  : i32 {
        %jit3A = arith.constant 8 : i32
        %div3A = arith.divsi %scan3A_226, %jit3A : i32
        %sign3A = arith.constant 0 : i32
        %sign3A_227 = arith.cmpi sgt, %scan3A_226, %sign3A : i32
        %sign3A_228 = arith.extui %sign3A_227 : i1 to i32
        %sign3A_229 = arith.constant 0 : i32
        %sign3A_230 = arith.cmpi slt, %scan3A_226, %sign3A_229 : i32
        %sign3A_231 = arith.extui %sign3A_230 : i1 to i32
        %sign3A_232 = arith.subi %sign3A_228, %sign3A_231 : i32
        %sign3A_233 = arith.constant 0 : i32
        %sign3A_234 = arith.cmpi sgt, %jit3A, %sign3A_233 : i32
        %sign3A_235 = arith.extui %sign3A_234 : i1 to i32
        %sign3A_236 = arith.constant 0 : i32
        %sign3A_237 = arith.cmpi slt, %jit3A, %sign3A_236 : i32
        %sign3A_238 = arith.extui %sign3A_237 : i1 to i32
        %sign3A_239 = arith.subi %sign3A_235, %sign3A_238 : i32
        %ne3A = arith.cmpi ne, %sign3A_232, %sign3A_239 : i32
        %rem3A = arith.remsi %scan3A_226, %jit3A : i32
        %ne3A_240 = arith.constant 0 : i32
        %ne3A_241 = arith.cmpi ne, %rem3A, %ne3A_240 : i32
        %and3A = arith.andi %ne3A, %ne3A_241 : i1
        %sub3A = arith.constant 1 : i32
        %sub3A_242 = arith.subi %div3A, %sub3A : i32
        %select_n3A = arith.select %and3A, %sub3A_242, %div3A : i32
        %jit3A_243 = arith.constant 8 : i32
        %eq3A_244 = arith.constant 0 : i32
        %eq3A_245 = arith.cmpi eq, %jit3A_243, %eq3A_244 : i32
        %jit3A_246 = arith.constant 1 : i32
        %select_n3A_247 = arith.select %eq3A_245, %jit3A_246, %jit3A_243 : i32
        %rem3A_248 = arith.remsi %scan3A_226, %select_n3A_247 : i32
        %ne3A_249 = arith.constant 0 : i32
        %ne3A_250 = arith.cmpi ne, %rem3A_248, %ne3A_249 : i32
        %lt3A = arith.constant 0 : i32
        %lt3A_251 = arith.cmpi slt, %rem3A_248, %lt3A : i32
        %lt3A_252 = arith.constant 0 : i32
        %lt3A_253 = arith.cmpi slt, %select_n3A_247, %lt3A_252 : i32
        %ne3A_254 = arith.xori %lt3A_251, %lt3A_253 : i1
        %and3A_255 = arith.andi %ne3A_254, %ne3A_250 : i1
        %add3A_256 = arith.addi %rem3A_248, %select_n3A_247 : i32
        %select_n3A_257 = arith.select %and3A_255, %add3A_256, %rem3A_248 : i32
        %mul3A_258 = arith.constant 16 : i32
        %mul3A_259 = arith.muli %select_n3A_257, %mul3A_258 : i32
        %get3A = arith.index_cast %select_n3A : i32 to index
        %get3A_260 = arith.index_cast %mul3A_259 : i32 to index
        %get3A_261 = tpu.vector_load %arg6[%get3A, %get3A_260] {strides = array<i32>} : memref<28x128xi32, #tpu.memory_space<vmem>>, vector<16xi32>,
        %add3A_262 = vector.broadcast %mul3A_129 : i32 to vector<16xi32>
        %add3A_263 = arith.addi %get3A_261, %add3A_262 : vector<16xi32>
        %swap3A = arith.index_cast %select_n3A : i32 to index
        %swap3A_264 = arith.index_cast %mul3A_259 : i32 to index
        %swap3A_265 = tpu.vector_load %arg6[%swap3A, %swap3A_264] {strides = array<i32>} : memref<28x128xi32, #tpu.memory_space<vmem>>, vector<16xi32>,
        tpu.vector_store %arg6[%swap3A, %swap3A_264], %add3A_263 {strides = array<i32>} : memref<28x128xi32, #tpu.memory_space<vmem>>, vector<16xi32>,
      }
      %scan3A_166 = arith.constant 224 : i32
      %dma_start3A = arith.constant 0 : i32
      %dma_start3A_167 = arith.constant 0 : i32
      %dma_start3A_168 = tpu.memref_slice %arg6[%dma_start3A, %dma_start3A_167] : memref<28x128xi32, #tpu.memory_space<vmem>> -> memref<1x128xi32, #tpu.memory_space<vmem>>
      %dma_start3A_169 = tpu.memref_squeeze %dma_start3A_168 : memref<1x128xi32, #tpu.memory_space<vmem>> -> memref<128xi32, #tpu.memory_space<vmem>>
      %dma_start3A_170 = arith.constant 0 : i32
      %dma_start3A_171 = arith.constant 0 : i32
      %dma_start3A_172 = tpu.memref_slice %arg2[%dma_start3A_170, %dma_start3A_171] : memref<501760x32xf32, #tpu.memory_space<hbm>> -> memref<501760x32xf32, #tpu.memory_space<hbm>>
      tpu.enqueue_indirect_dma source(%dma_start3A_172 : memref<501760x32xf32, #tpu.memory_space<hbm>>) target(%arg8 : memref<128x32xf32, #tpu.memory_space<vmem>>) offsets(%dma_start3A_169 : memref<128xi32, #tpu.memory_space<vmem>>) semaphore(%arg12 : memref<!tpu.dma_semaphore, #tpu.memory_space<semaphore_mem>>)
      %dma_start3A_173 = arith.constant 1 : i32
      %dma_start3A_174 = arith.constant 0 : i32
      %dma_start3A_175 = tpu.memref_slice %arg6[%dma_start3A_173, %dma_start3A_174] : memref<28x128xi32, #tpu.memory_space<vmem>> -> memref<1x128xi32, #tpu.memory_space<vmem>>
      %dma_start3A_176 = tpu.memref_squeeze %dma_start3A_175 : memref<1x128xi32, #tpu.memory_space<vmem>> -> memref<128xi32, #tpu.memory_space<vmem>>
      %dma_start3A_177 = arith.constant 0 : i32
      %dma_start3A_178 = arith.constant 0 : i32
      %dma_start3A_179 = tpu.memref_slice %arg2[%dma_start3A_177, %dma_start3A_178] : memref<501760x32xf32, #tpu.memory_space<hbm>> -> memref<501760x32xf32, #tpu.memory_space<hbm>>
      tpu.enqueue_indirect_dma source(%dma_start3A_179 : memref<501760x32xf32, #tpu.memory_space<hbm>>) target(%arg9 : memref<128x32xf32, #tpu.memory_space<vmem>>) offsets(%dma_start3A_176 : memref<128xi32, #tpu.memory_space<vmem>>) semaphore(%arg13 : memref<!tpu.dma_semaphore, #tpu.memory_space<semaphore_mem>>)
      %dma_start3A_180 = arith.constant 2 : i32
      %dma_start3A_181 = arith.constant 0 : i32
      %dma_start3A_182 = tpu.memref_slice %arg6[%dma_start3A_180, %dma_start3A_181] : memref<28x128xi32, #tpu.memory_space<vmem>> -> memref<1x128xi32, #tpu.memory_space<vmem>>
      %dma_start3A_183 = tpu.memref_squeeze %dma_start3A_182 : memref<1x128xi32, #tpu.memory_space<vmem>> -> memref<128xi32, #tpu.memory_space<vmem>>
      %dma_start3A_184 = arith.constant 0 : i32
      %dma_start3A_185 = arith.constant 0 : i32
      %dma_start3A_186 = tpu.memref_slice %arg2[%dma_start3A_184, %dma_start3A_185] : memref<501760x32xf32, #tpu.memory_space<hbm>> -> memref<501760x32xf32, #tpu.memory_space<hbm>>
      tpu.enqueue_indirect_dma source(%dma_start3A_186 : memref<501760x32xf32, #tpu.memory_space<hbm>>) target(%arg10 : memref<128x32xf32, #tpu.memory_space<vmem>>) offsets(%dma_start3A_183 : memref<128xi32, #tpu.memory_space<vmem>>) semaphore(%arg14 : memref<!tpu.dma_semaphore, #tpu.memory_space<semaphore_mem>>)
      %dma_start3A_187 = arith.constant 3 : i32
      %dma_start3A_188 = arith.constant 0 : i32
      %dma_start3A_189 = tpu.memref_slice %arg6[%dma_start3A_187, %dma_start3A_188] : memref<28x128xi32, #tpu.memory_space<vmem>> -> memref<1x128xi32, #tpu.memory_space<vmem>>
      %dma_start3A_190 = tpu.memref_squeeze %dma_start3A_189 : memref<1x128xi32, #tpu.memory_space<vmem>> -> memref<128xi32, #tpu.memory_space<vmem>>
      %dma_start3A_191 = arith.constant 0 : i32
      %dma_start3A_192 = arith.constant 0 : i32
      %dma_start3A_193 = tpu.memref_slice %arg2[%dma_start3A_191, %dma_start3A_192] : memref<501760x32xf32, #tpu.memory_space<hbm>> -> memref<501760x32xf32, #tpu.memory_space<hbm>>
      tpu.enqueue_indirect_dma source(%dma_start3A_193 : memref<501760x32xf32, #tpu.memory_space<hbm>>) target(%arg11 : memref<128x32xf32, #tpu.memory_space<vmem>>) offsets(%dma_start3A_190 : memref<128xi32, #tpu.memory_space<vmem>>) semaphore(%arg15 : memref<!tpu.dma_semaphore, #tpu.memory_space<semaphore_mem>>)
      %scan3A_194 = arith.constant 0 : i32
      %scan3A_195 = arith.constant 7 : i32
      %scan3A_196 = arith.addi %scan3A_194, %scan3A_195 : i32
      %scan3A_197 = arith.constant 1 : i32
      scf.for %scan3A_226 = %scan3A_194 to %scan3A_196 step %scan3A_197  : i32 {
        %mul3A_227 = arith.constant 4 : i32
        %mul3A_228 = arith.muli %scan3A_226, %mul3A_227 : i32
        %dma_wait3A_229 = arith.constant 0 : i32
        %dma_wait3A_230 = arith.constant 0 : i32
        %dma_wait3A_231 = tpu.memref_slice %arg6[%dma_wait3A_229, %dma_wait3A_230] : memref<28x128xi32, #tpu.memory_space<vmem>> -> memref<1x128xi32, #tpu.memory_space<vmem>>
        %dma_wait3A_232 = tpu.memref_squeeze %dma_wait3A_231 : memref<1x128xi32, #tpu.memory_space<vmem>> -> memref<128xi32, #tpu.memory_space<vmem>>
        %dma_wait3A_233 = arith.constant 0 : i32
        %dma_wait3A_234 = arith.constant 0 : i32
        %dma_wait3A_235 = tpu.memref_slice %arg2[%dma_wait3A_233, %dma_wait3A_234] : memref<501760x32xf32, #tpu.memory_space<hbm>> -> memref<501760x32xf32, #tpu.memory_space<hbm>>
        tpu.wait_indirect_dma semaphore(%arg12 : memref<!tpu.dma_semaphore, #tpu.memory_space<semaphore_mem>>) src(%dma_wait3A_235 : memref<501760x32xf32, #tpu.memory_space<hbm>>) dst(%arg8 : memref<128x32xf32, #tpu.memory_space<vmem>>)
        %add3A_236 = arith.constant 0 : i32
        %add3A_237 = arith.addi %mul3A_228, %add3A_236 : i32
        %dma_start3A_238 = arith.constant 0 : i32
        %dma_start3A_239 = tpu.memref_slice %arg7[%add3A_237, %dma_start3A_238] : memref<28x128xi32, #tpu.memory_space<vmem>> -> memref<1x128xi32, #tpu.memory_space<vmem>>
        %dma_start3A_240 = tpu.memref_squeeze %dma_start3A_239 : memref<1x128xi32, #tpu.memory_space<vmem>> -> memref<128xi32, #tpu.memory_space<vmem>>
        %dma_start3A_241 = arith.constant 0 : i32
        %dma_start3A_242 = arith.constant 0 : i32
        %dma_start3A_243 = tpu.memref_slice %arg20[%dma_start3A_241, %dma_start3A_242] : memref<50176x32xf32, #tpu.memory_space<vmem_shared>> -> memref<50176x32xf32, #tpu.memory_space<vmem_shared>>
        tpu.enqueue_indirect_dma source(%arg8 : memref<128x32xf32, #tpu.memory_space<vmem>>) target(%dma_start3A_243 : memref<50176x32xf32, #tpu.memory_space<vmem_shared>>) offsets(%dma_start3A_240 : memref<128xi32, #tpu.memory_space<vmem>>) semaphore(%arg16 : memref<!tpu.dma_semaphore, #tpu.memory_space<semaphore_mem>>) {add = true}
        %dma_wait3A_244 = arith.constant 0 : i32
        %dma_wait3A_245 = arith.constant 0 : i32
        %dma_wait3A_246 = tpu.memref_slice %arg6[%dma_wait3A_244, %dma_wait3A_245] : memref<28x128xi32, #tpu.memory_space<vmem>> -> memref<1x128xi32, #tpu.memory_space<vmem>>
        %dma_wait3A_247 = tpu.memref_squeeze %dma_wait3A_246 : memref<1x128xi32, #tpu.memory_space<vmem>> -> memref<128xi32, #tpu.memory_space<vmem>>
        %dma_wait3A_248 = arith.constant 0 : i32
        %dma_wait3A_249 = arith.constant 0 : i32
        %dma_wait3A_250 = tpu.memref_slice %arg2[%dma_wait3A_248, %dma_wait3A_249] : memref<501760x32xf32, #tpu.memory_space<hbm>> -> memref<501760x32xf32, #tpu.memory_space<hbm>>
        tpu.wait_indirect_dma semaphore(%arg13 : memref<!tpu.dma_semaphore, #tpu.memory_space<semaphore_mem>>) src(%dma_wait3A_250 : memref<501760x32xf32, #tpu.memory_space<hbm>>) dst(%arg9 : memref<128x32xf32, #tpu.memory_space<vmem>>)
        %add3A_251 = arith.constant 1 : i32
        %add3A_252 = arith.addi %mul3A_228, %add3A_251 : i32
        %dma_start3A_253 = arith.constant 0 : i32
        %dma_start3A_254 = tpu.memref_slice %arg7[%add3A_252, %dma_start3A_253] : memref<28x128xi32, #tpu.memory_space<vmem>> -> memref<1x128xi32, #tpu.memory_space<vmem>>
        %dma_start3A_255 = tpu.memref_squeeze %dma_start3A_254 : memref<1x128xi32, #tpu.memory_space<vmem>> -> memref<128xi32, #tpu.memory_space<vmem>>
        %dma_start3A_256 = arith.constant 0 : i32
        %dma_start3A_257 = arith.constant 0 : i32
        %dma_start3A_258 = tpu.memref_slice %arg20[%dma_start3A_256, %dma_start3A_257] : memref<50176x32xf32, #tpu.memory_space<vmem_shared>> -> memref<50176x32xf32, #tpu.memory_space<vmem_shared>>
        tpu.enqueue_indirect_dma source(%arg9 : memref<128x32xf32, #tpu.memory_space<vmem>>) target(%dma_start3A_258 : memref<50176x32xf32, #tpu.memory_space<vmem_shared>>) offsets(%dma_start3A_255 : memref<128xi32, #tpu.memory_space<vmem>>) semaphore(%arg17 : memref<!tpu.dma_semaphore, #tpu.memory_space<semaphore_mem>>) {add = true}
        %dma_wait3A_259 = arith.constant 0 : i32
        %dma_wait3A_260 = arith.constant 0 : i32
        %dma_wait3A_261 = tpu.memref_slice %arg6[%dma_wait3A_259, %dma_wait3A_260] : memref<28x128xi32, #tpu.memory_space<vmem>> -> memref<1x128xi32, #tpu.memory_space<vmem>>
        %dma_wait3A_262 = tpu.memref_squeeze %dma_wait3A_261 : memref<1x128xi32, #tpu.memory_space<vmem>> -> memref<128xi32, #tpu.memory_space<vmem>>
        %dma_wait3A_263 = arith.constant 0 : i32
        %dma_wait3A_264 = arith.constant 0 : i32
        %dma_wait3A_265 = tpu.memref_slice %arg2[%dma_wait3A_263, %dma_wait3A_264] : memref<501760x32xf32, #tpu.memory_space<hbm>> -> memref<501760x32xf32, #tpu.memory_space<hbm>>
        tpu.wait_indirect_dma semaphore(%arg14 : memref<!tpu.dma_semaphore, #tpu.memory_space<semaphore_mem>>) src(%dma_wait3A_265 : memref<501760x32xf32, #tpu.memory_space<hbm>>) dst(%arg10 : memref<128x32xf32, #tpu.memory_space<vmem>>)
        %add3A_266 = arith.constant 2 : i32
        %add3A_267 = arith.addi %mul3A_228, %add3A_266 : i32
        %dma_start3A_268 = arith.constant 0 : i32
        %dma_start3A_269 = tpu.memref_slice %arg7[%add3A_267, %dma_start3A_268] : memref<28x128xi32, #tpu.memory_space<vmem>> -> memref<1x128xi32, #tpu.memory_space<vmem>>
        %dma_start3A_270 = tpu.memref_squeeze %dma_start3A_269 : memref<1x128xi32, #tpu.memory_space<vmem>> -> memref<128xi32, #tpu.memory_space<vmem>>
        %dma_start3A_271 = arith.constant 0 : i32
        %dma_start3A_272 = arith.constant 0 : i32
        %dma_start3A_273 = tpu.memref_slice %arg20[%dma_start3A_271, %dma_start3A_272] : memref<50176x32xf32, #tpu.memory_space<vmem_shared>> -> memref<50176x32xf32, #tpu.memory_space<vmem_shared>>
        tpu.enqueue_indirect_dma source(%arg10 : memref<128x32xf32, #tpu.memory_space<vmem>>) target(%dma_start3A_273 : memref<50176x32xf32, #tpu.memory_space<vmem_shared>>) offsets(%dma_start3A_270 : memref<128xi32, #tpu.memory_space<vmem>>) semaphore(%arg18 : memref<!tpu.dma_semaphore, #tpu.memory_space<semaphore_mem>>) {add = true}
        %dma_wait3A_274 = arith.constant 0 : i32
        %dma_wait3A_275 = arith.constant 0 : i32
        %dma_wait3A_276 = tpu.memref_slice %arg6[%dma_wait3A_274, %dma_wait3A_275] : memref<28x128xi32, #tpu.memory_space<vmem>> -> memref<1x128xi32, #tpu.memory_space<vmem>>
        %dma_wait3A_277 = tpu.memref_squeeze %dma_wait3A_276 : memref<1x128xi32, #tpu.memory_space<vmem>> -> memref<128xi32, #tpu.memory_space<vmem>>
        %dma_wait3A_278 = arith.constant 0 : i32
        %dma_wait3A_279 = arith.constant 0 : i32
        %dma_wait3A_280 = tpu.memref_slice %arg2[%dma_wait3A_278, %dma_wait3A_279] : memref<501760x32xf32, #tpu.memory_space<hbm>> -> memref<501760x32xf32, #tpu.memory_space<hbm>>
        tpu.wait_indirect_dma semaphore(%arg15 : memref<!tpu.dma_semaphore, #tpu.memory_space<semaphore_mem>>) src(%dma_wait3A_280 : memref<501760x32xf32, #tpu.memory_space<hbm>>) dst(%arg11 : memref<128x32xf32, #tpu.memory_space<vmem>>)
        %add3A_281 = arith.constant 3 : i32
        %add3A_282 = arith.addi %mul3A_228, %add3A_281 : i32
        %dma_start3A_283 = arith.constant 0 : i32
        %dma_start3A_284 = tpu.memref_slice %arg7[%add3A_282, %dma_start3A_283] : memref<28x128xi32, #tpu.memory_space<vmem>> -> memref<1x128xi32, #tpu.memory_space<vmem>>
        %dma_start3A_285 = tpu.memref_squeeze %dma_start3A_284 : memref<1x128xi32, #tpu.memory_space<vmem>> -> memref<128xi32, #tpu.memory_space<vmem>>
        %dma_start3A_286 = arith.constant 0 : i32
        %dma_start3A_287 = arith.constant 0 : i32
        %dma_start3A_288 = tpu.memref_slice %arg20[%dma_start3A_286, %dma_start3A_287] : memref<50176x32xf32, #tpu.memory_space<vmem_shared>> -> memref<50176x32xf32, #tpu.memory_space<vmem_shared>>
        tpu.enqueue_indirect_dma source(%arg11 : memref<128x32xf32, #tpu.memory_space<vmem>>) target(%dma_start3A_288 : memref<50176x32xf32, #tpu.memory_space<vmem_shared>>) offsets(%dma_start3A_285 : memref<128xi32, #tpu.memory_space<vmem>>) semaphore(%arg19 : memref<!tpu.dma_semaphore, #tpu.memory_space<semaphore_mem>>) {add = true}
        %add3A_289 = arith.constant 4 : i32
        %add3A_290 = arith.addi %mul3A_228, %add3A_289 : i32
        %add3A_291 = arith.constant 0 : i32
        %add3A_292 = arith.addi %add3A_290, %add3A_291 : i32
        %lt3A = arith.constant 28 : i32
        %lt3A_293 = arith.cmpi slt, %add3A_292, %lt3A : i32
        %convert_element_type3A_294 = arith.extui %lt3A_293 : i1 to i32
        %cond3A_295 = arith.constant 0 : i32
        %cond3A_296 = arith.cmpi ne, %convert_element_type3A_294, %cond3A_295 : i32
        scf.if %cond3A_296 {
          %add3A_324 = arith.constant 0 : i32
          %add3A_325 = arith.addi %mul3A_228, %add3A_324 : i32
          %dma_wait3A_326 = arith.constant 0 : i32
          %dma_wait3A_327 = tpu.memref_slice %arg7[%add3A_325, %dma_wait3A_326] : memref<28x128xi32, #tpu.memory_space<vmem>> -> memref<1x128xi32, #tpu.memory_space<vmem>>
          %dma_wait3A_328 = tpu.memref_squeeze %dma_wait3A_327 : memref<1x128xi32, #tpu.memory_space<vmem>> -> memref<128xi32, #tpu.memory_space<vmem>>
          %dma_wait3A_329 = arith.constant 0 : i32
          %dma_wait3A_330 = arith.constant 0 : i32
          %dma_wait3A_331 = tpu.memref_slice %arg20[%dma_wait3A_329, %dma_wait3A_330] : memref<50176x32xf32, #tpu.memory_space<vmem_shared>> -> memref<50176x32xf32, #tpu.memory_space<vmem_shared>>
          tpu.wait_indirect_dma semaphore(%arg16 : memref<!tpu.dma_semaphore, #tpu.memory_space<semaphore_mem>>) src(%arg8 : memref<128x32xf32, #tpu.memory_space<vmem>>) dst(%dma_wait3A_331 : memref<50176x32xf32, #tpu.memory_space<vmem_shared>>)
          %add3A_332 = arith.constant 4 : i32
          %add3A_333 = arith.addi %mul3A_228, %add3A_332 : i32
          %add3A_334 = arith.constant 0 : i32
          %add3A_335 = arith.addi %add3A_333, %add3A_334 : i32
          %dma_start3A_336 = arith.constant 0 : i32
          %dma_start3A_337 = tpu.memref_slice %arg6[%add3A_335, %dma_start3A_336] : memref<28x128xi32, #tpu.memory_space<vmem>> -> memref<1x128xi32, #tpu.memory_space<vmem>>
          %dma_start3A_338 = tpu.memref_squeeze %dma_start3A_337 : memref<1x128xi32, #tpu.memory_space<vmem>> -> memref<128xi32, #tpu.memory_space<vmem>>
          %dma_start3A_339 = arith.constant 0 : i32
          %dma_start3A_340 = arith.constant 0 : i32
          %dma_start3A_341 = tpu.memref_slice %arg2[%dma_start3A_339, %dma_start3A_340] : memref<501760x32xf32, #tpu.memory_space<hbm>> -> memref<501760x32xf32, #tpu.memory_space<hbm>>
          tpu.enqueue_indirect_dma source(%dma_start3A_341 : memref<501760x32xf32, #tpu.memory_space<hbm>>) target(%arg8 : memref<128x32xf32, #tpu.memory_space<vmem>>) offsets(%dma_start3A_338 : memref<128xi32, #tpu.memory_space<vmem>>) semaphore(%arg12 : memref<!tpu.dma_semaphore, #tpu.memory_space<semaphore_mem>>)
        } else {
        }
        %add3A_297 = arith.constant 4 : i32
        %add3A_298 = arith.addi %mul3A_228, %add3A_297 : i32
        %add3A_299 = arith.constant 1 : i32
        %add3A_300 = arith.addi %add3A_298, %add3A_299 : i32
        %lt3A_301 = arith.constant 28 : i32
        %lt3A_302 = arith.cmpi slt, %add3A_300, %lt3A_301 : i32
        %convert_element_type3A_303 = arith.extui %lt3A_302 : i1 to i32
        %cond3A_304 = arith.constant 0 : i32
        %cond3A_305 = arith.cmpi ne, %convert_element_type3A_303, %cond3A_304 : i32
        scf.if %cond3A_305 {
          %add3A_324 = arith.constant 1 : i32
          %add3A_325 = arith.addi %mul3A_228, %add3A_324 : i32
          %dma_wait3A_326 = arith.constant 0 : i32
          %dma_wait3A_327 = tpu.memref_slice %arg7[%add3A_325, %dma_wait3A_326] : memref<28x128xi32, #tpu.memory_space<vmem>> -> memref<1x128xi32, #tpu.memory_space<vmem>>
          %dma_wait3A_328 = tpu.memref_squeeze %dma_wait3A_327 : memref<1x128xi32, #tpu.memory_space<vmem>> -> memref<128xi32, #tpu.memory_space<vmem>>
          %dma_wait3A_329 = arith.constant 0 : i32
          %dma_wait3A_330 = arith.constant 0 : i32
          %dma_wait3A_331 = tpu.memref_slice %arg20[%dma_wait3A_329, %dma_wait3A_330] : memref<50176x32xf32, #tpu.memory_space<vmem_shared>> -> memref<50176x32xf32, #tpu.memory_space<vmem_shared>>
          tpu.wait_indirect_dma semaphore(%arg17 : memref<!tpu.dma_semaphore, #tpu.memory_space<semaphore_mem>>) src(%arg9 : memref<128x32xf32, #tpu.memory_space<vmem>>) dst(%dma_wait3A_331 : memref<50176x32xf32, #tpu.memory_space<vmem_shared>>)
          %add3A_332 = arith.constant 4 : i32
          %add3A_333 = arith.addi %mul3A_228, %add3A_332 : i32
          %add3A_334 = arith.constant 1 : i32
          %add3A_335 = arith.addi %add3A_333, %add3A_334 : i32
          %dma_start3A_336 = arith.constant 0 : i32
          %dma_start3A_337 = tpu.memref_slice %arg6[%add3A_335, %dma_start3A_336] : memref<28x128xi32, #tpu.memory_space<vmem>> -> memref<1x128xi32, #tpu.memory_space<vmem>>
          %dma_start3A_338 = tpu.memref_squeeze %dma_start3A_337 : memref<1x128xi32, #tpu.memory_space<vmem>> -> memref<128xi32, #tpu.memory_space<vmem>>
          %dma_start3A_339 = arith.constant 0 : i32
          %dma_start3A_340 = arith.constant 0 : i32
          %dma_start3A_341 = tpu.memref_slice %arg2[%dma_start3A_339, %dma_start3A_340] : memref<501760x32xf32, #tpu.memory_space<hbm>> -> memref<501760x32xf32, #tpu.memory_space<hbm>>
          tpu.enqueue_indirect_dma source(%dma_start3A_341 : memref<501760x32xf32, #tpu.memory_space<hbm>>) target(%arg9 : memref<128x32xf32, #tpu.memory_space<vmem>>) offsets(%dma_start3A_338 : memref<128xi32, #tpu.memory_space<vmem>>) semaphore(%arg13 : memref<!tpu.dma_semaphore, #tpu.memory_space<semaphore_mem>>)
        } else {
        }
        %add3A_306 = arith.constant 4 : i32
        %add3A_307 = arith.addi %mul3A_228, %add3A_306 : i32
        %add3A_308 = arith.constant 2 : i32
        %add3A_309 = arith.addi %add3A_307, %add3A_308 : i32
        %lt3A_310 = arith.constant 28 : i32
        %lt3A_311 = arith.cmpi slt, %add3A_309, %lt3A_310 : i32
        %convert_element_type3A_312 = arith.extui %lt3A_311 : i1 to i32
        %cond3A_313 = arith.constant 0 : i32
        %cond3A_314 = arith.cmpi ne, %convert_element_type3A_312, %cond3A_313 : i32
        scf.if %cond3A_314 {
          %add3A_324 = arith.constant 2 : i32
          %add3A_325 = arith.addi %mul3A_228, %add3A_324 : i32
          %dma_wait3A_326 = arith.constant 0 : i32
          %dma_wait3A_327 = tpu.memref_slice %arg7[%add3A_325, %dma_wait3A_326] : memref<28x128xi32, #tpu.memory_space<vmem>> -> memref<1x128xi32, #tpu.memory_space<vmem>>
          %dma_wait3A_328 = tpu.memref_squeeze %dma_wait3A_327 : memref<1x128xi32, #tpu.memory_space<vmem>> -> memref<128xi32, #tpu.memory_space<vmem>>
          %dma_wait3A_329 = arith.constant 0 : i32
          %dma_wait3A_330 = arith.constant 0 : i32
          %dma_wait3A_331 = tpu.memref_slice %arg20[%dma_wait3A_329, %dma_wait3A_330] : memref<50176x32xf32, #tpu.memory_space<vmem_shared>> -> memref<50176x32xf32, #tpu.memory_space<vmem_shared>>
          tpu.wait_indirect_dma semaphore(%arg18 : memref<!tpu.dma_semaphore, #tpu.memory_space<semaphore_mem>>) src(%arg10 : memref<128x32xf32, #tpu.memory_space<vmem>>) dst(%dma_wait3A_331 : memref<50176x32xf32, #tpu.memory_space<vmem_shared>>)
          %add3A_332 = arith.constant 4 : i32
          %add3A_333 = arith.addi %mul3A_228, %add3A_332 : i32
          %add3A_334 = arith.constant 2 : i32
          %add3A_335 = arith.addi %add3A_333, %add3A_334 : i32
          %dma_start3A_336 = arith.constant 0 : i32
          %dma_start3A_337 = tpu.memref_slice %arg6[%add3A_335, %dma_start3A_336] : memref<28x128xi32, #tpu.memory_space<vmem>> -> memref<1x128xi32, #tpu.memory_space<vmem>>
          %dma_start3A_338 = tpu.memref_squeeze %dma_start3A_337 : memref<1x128xi32, #tpu.memory_space<vmem>> -> memref<128xi32, #tpu.memory_space<vmem>>
          %dma_start3A_339 = arith.constant 0 : i32
          %dma_start3A_340 = arith.constant 0 : i32
          %dma_start3A_341 = tpu.memref_slice %arg2[%dma_start3A_339, %dma_start3A_340] : memref<501760x32xf32, #tpu.memory_space<hbm>> -> memref<501760x32xf32, #tpu.memory_space<hbm>>
          tpu.enqueue_indirect_dma source(%dma_start3A_341 : memref<501760x32xf32, #tpu.memory_space<hbm>>) target(%arg10 : memref<128x32xf32, #tpu.memory_space<vmem>>) offsets(%dma_start3A_338 : memref<128xi32, #tpu.memory_space<vmem>>) semaphore(%arg14 : memref<!tpu.dma_semaphore, #tpu.memory_space<semaphore_mem>>)
        } else {
        }
        %add3A_315 = arith.constant 4 : i32
        %add3A_316 = arith.addi %mul3A_228, %add3A_315 : i32
        %add3A_317 = arith.constant 3 : i32
        %add3A_318 = arith.addi %add3A_316, %add3A_317 : i32
        %lt3A_319 = arith.constant 28 : i32
        %lt3A_320 = arith.cmpi slt, %add3A_318, %lt3A_319 : i32
        %convert_element_type3A_321 = arith.extui %lt3A_320 : i1 to i32
        %cond3A_322 = arith.constant 0 : i32
        %cond3A_323 = arith.cmpi ne, %convert_element_type3A_321, %cond3A_322 : i32
        scf.if %cond3A_323 {
          %add3A_324 = arith.constant 3 : i32
          %add3A_325 = arith.addi %mul3A_228, %add3A_324 : i32
          %dma_wait3A_326 = arith.constant 0 : i32
          %dma_wait3A_327 = tpu.memref_slice %arg7[%add3A_325, %dma_wait3A_326] : memref<28x128xi32, #tpu.memory_space<vmem>> -> memref<1x128xi32, #tpu.memory_space<vmem>>
          %dma_wait3A_328 = tpu.memref_squeeze %dma_wait3A_327 : memref<1x128xi32, #tpu.memory_space<vmem>> -> memref<128xi32, #tpu.memory_space<vmem>>
          %dma_wait3A_329 = arith.constant 0 : i32
          %dma_wait3A_330 = arith.constant 0 : i32
          %dma_wait3A_331 = tpu.memref_slice %arg20[%dma_wait3A_329, %dma_wait3A_330] : memref<50176x32xf32, #tpu.memory_space<vmem_shared>> -> memref<50176x32xf32, #tpu.memory_space<vmem_shared>>
          tpu.wait_indirect_dma semaphore(%arg19 : memref<!tpu.dma_semaphore, #tpu.memory_space<semaphore_mem>>) src(%arg11 : memref<128x32xf32, #tpu.memory_space<vmem>>) dst(%dma_wait3A_331 : memref<50176x32xf32, #tpu.memory_space<vmem_shared>>)
          %add3A_332 = arith.constant 4 : i32
          %add3A_333 = arith.addi %mul3A_228, %add3A_332 : i32
          %add3A_334 = arith.constant 3 : i32
          %add3A_335 = arith.addi %add3A_333, %add3A_334 : i32
          %dma_start3A_336 = arith.constant 0 : i32
          %dma_start3A_337 = tpu.memref_slice %arg6[%add3A_335, %dma_start3A_336] : memref<28x128xi32, #tpu.memory_space<vmem>> -> memref<1x128xi32, #tpu.memory_space<vmem>>
          %dma_start3A_338 = tpu.memref_squeeze %dma_start3A_337 : memref<1x128xi32, #tpu.memory_space<vmem>> -> memref<128xi32, #tpu.memory_space<vmem>>
          %dma_start3A_339 = arith.constant 0 : i32
          %dma_start3A_340 = arith.constant 0 : i32
          %dma_start3A_341 = tpu.memref_slice %arg2[%dma_start3A_339, %dma_start3A_340] : memref<501760x32xf32, #tpu.memory_space<hbm>> -> memref<501760x32xf32, #tpu.memory_space<hbm>>
          tpu.enqueue_indirect_dma source(%dma_start3A_341 : memref<501760x32xf32, #tpu.memory_space<hbm>>) target(%arg11 : memref<128x32xf32, #tpu.memory_space<vmem>>) offsets(%dma_start3A_338 : memref<128xi32, #tpu.memory_space<vmem>>) semaphore(%arg15 : memref<!tpu.dma_semaphore, #tpu.memory_space<semaphore_mem>>)
        } else {
        }
      }
      %scan3A_198 = arith.constant 7 : i32
      %dma_wait3A = arith.constant 24 : i32
      %dma_wait3A_199 = arith.constant 0 : i32
      %dma_wait3A_200 = tpu.memref_slice %arg7[%dma_wait3A, %dma_wait3A_199] : memref<28x128xi32, #tpu.memory_space<vmem>> -> memref<1x128xi32, #tpu.memory_space<vmem>>
      %dma_wait3A_201 = tpu.memref_squeeze %dma_wait3A_200 : memref<1x128xi32, #tpu.memory_space<vmem>> -> memref<128xi32, #tpu.memory_space<vmem>>
      %dma_wait3A_202 = arith.constant 0 : i32
      %dma_wait3A_203 = arith.constant 0 : i32
      %dma_wait3A_204 = tpu.memref_slice %arg20[%dma_wait3A_202, %dma_wait3A_203] : memref<50176x32xf32, #tpu.memory_space<vmem_shared>> -> memref<50176x32xf32, #tpu.memory_space<vmem_shared>>
      tpu.wait_indirect_dma semaphore(%arg16 : memref<!tpu.dma_semaphore, #tpu.memory_space<semaphore_mem>>) src(%arg8 : memref<128x32xf32, #tpu.memory_space<vmem>>) dst(%dma_wait3A_204 : memref<50176x32xf32, #tpu.memory_space<vmem_shared>>)
      %dma_wait3A_205 = arith.constant 25 : i32
      %dma_wait3A_206 = arith.constant 0 : i32
      %dma_wait3A_207 = tpu.memref_slice %arg7[%dma_wait3A_205, %dma_wait3A_206] : memref<28x128xi32, #tpu.memory_space<vmem>> -> memref<1x128xi32, #tpu.memory_space<vmem>>
      %dma_wait3A_208 = tpu.memref_squeeze %dma_wait3A_207 : memref<1x128xi32, #tpu.memory_space<vmem>> -> memref<128xi32, #tpu.memory_space<vmem>>
      %dma_wait3A_209 = arith.constant 0 : i32
      %dma_wait3A_210 = arith.constant 0 : i32
      %dma_wait3A_211 = tpu.memref_slice %arg20[%dma_wait3A_209, %dma_wait3A_210] : memref<50176x32xf32, #tpu.memory_space<vmem_shared>> -> memref<50176x32xf32, #tpu.memory_space<vmem_shared>>
      tpu.wait_indirect_dma semaphore(%arg17 : memref<!tpu.dma_semaphore, #tpu.memory_space<semaphore_mem>>) src(%arg9 : memref<128x32xf32, #tpu.memory_space<vmem>>) dst(%dma_wait3A_211 : memref<50176x32xf32, #tpu.memory_space<vmem_shared>>)
      %dma_wait3A_212 = arith.constant 26 : i32
      %dma_wait3A_213 = arith.constant 0 : i32
      %dma_wait3A_214 = tpu.memref_slice %arg7[%dma_wait3A_212, %dma_wait3A_213] : memref<28x128xi32, #tpu.memory_space<vmem>> -> memref<1x128xi32, #tpu.memory_space<vmem>>
      %dma_wait3A_215 = tpu.memref_squeeze %dma_wait3A_214 : memref<1x128xi32, #tpu.memory_space<vmem>> -> memref<128xi32, #tpu.memory_space<vmem>>
      %dma_wait3A_216 = arith.constant 0 : i32
      %dma_wait3A_217 = arith.constant 0 : i32
      %dma_wait3A_218 = tpu.memref_slice %arg20[%dma_wait3A_216, %dma_wait3A_217] : memref<50176x32xf32, #tpu.memory_space<vmem_shared>> -> memref<50176x32xf32, #tpu.memory_space<vmem_shared>>
      tpu.wait_indirect_dma semaphore(%arg18 : memref<!tpu.dma_semaphore, #tpu.memory_space<semaphore_mem>>) src(%arg10 : memref<128x32xf32, #tpu.memory_space<vmem>>) dst(%dma_wait3A_218 : memref<50176x32xf32, #tpu.memory_space<vmem_shared>>)
      %dma_wait3A_219 = arith.constant 27 : i32
      %dma_wait3A_220 = arith.constant 0 : i32
      %dma_wait3A_221 = tpu.memref_slice %arg7[%dma_wait3A_219, %dma_wait3A_220] : memref<28x128xi32, #tpu.memory_space<vmem>> -> memref<1x128xi32, #tpu.memory_space<vmem>>
      %dma_wait3A_222 = tpu.memref_squeeze %dma_wait3A_221 : memref<1x128xi32, #tpu.memory_space<vmem>> -> memref<128xi32, #tpu.memory_space<vmem>>
      %dma_wait3A_223 = arith.constant 0 : i32
      %dma_wait3A_224 = arith.constant 0 : i32
      %dma_wait3A_225 = tpu.memref_slice %arg20[%dma_wait3A_223, %dma_wait3A_224] : memref<50176x32xf32, #tpu.memory_space<vmem_shared>> -> memref<50176x32xf32, #tpu.memory_space<vmem_shared>>
      tpu.wait_indirect_dma semaphore(%arg19 : memref<!tpu.dma_semaphore, #tpu.memory_space<semaphore_mem>>) src(%arg11 : memref<128x32xf32, #tpu.memory_space<vmem>>) dst(%dma_wait3A_225 : memref<50176x32xf32, #tpu.memory_space<vmem_shared>>)
    }
    %scan3A_149 = arith.constant 14 : i32
    %barrier3A_150 = arith.constant 0 : index
    tpu.barrier barrier_id(%barrier3A_150)
    %eq3A_151 = arith.constant 0 : i32
    %eq3A_152 = arith.cmpi eq, %arg1, %eq3A_151 : i32
    %convert_element_type3A_153 = arith.extui %eq3A_152 : i1 to i32
    %cond3A_154 = arith.constant 0 : i32
    %cond3A_155 = arith.cmpi ne, %convert_element_type3A_153, %cond3A_154 : i32
    scf.if %cond3A_155 {
      "tpu.region"() ({
        %run_scoped3A = tpu.sem_alloc : memref<!tpu.dma_semaphore, #tpu.memory_space<semaphore_mem>>
        %dma_start3A = arith.constant 0 : i32
        %dma_start3A_157 = arith.constant 0 : i32
        %dma_start3A_158 = tpu.memref_slice %arg5[%add3A_127, %dma_start3A, %dma_start3A_157] : memref<10x50176x32xf32, #tpu.memory_space<hbm>> -> memref<1x50176x32xf32, #tpu.memory_space<hbm>>
        %dma_start3A_159 = tpu.memref_squeeze %dma_start3A_158 : memref<1x50176x32xf32, #tpu.memory_space<hbm>> -> memref<50176x32xf32, #tpu.memory_space<hbm>>
        tpu.enqueue_dma source(%arg20 : memref<50176x32xf32, #tpu.memory_space<vmem_shared>>) target(%dma_start3A_159 : memref<50176x32xf32, #tpu.memory_space<hbm>>) target_semaphore(%run_scoped3A : memref<!tpu.dma_semaphore, #tpu.memory_space<semaphore_mem>>)
        %dma_wait3A = arith.constant 0 : i32
        %dma_wait3A_160 = arith.constant 0 : i32
        %dma_wait3A_161 = tpu.memref_slice %arg5[%add3A_127, %dma_wait3A, %dma_wait3A_160] : memref<10x50176x32xf32, #tpu.memory_space<hbm>> -> memref<1x50176x32xf32, #tpu.memory_space<hbm>>
        %dma_wait3A_162 = tpu.memref_squeeze %dma_wait3A_161 : memref<1x50176x32xf32, #tpu.memory_space<hbm>> -> memref<50176x32xf32, #tpu.memory_space<hbm>>
        tpu.wait_dma2 semaphore(%run_scoped3A : memref<!tpu.dma_semaphore, #tpu.memory_space<semaphore_mem>>) src(%arg20 : memref<50176x32xf32, #tpu.memory_space<vmem_shared>>) dst(%dma_wait3A_162 : memref<50176x32xf32, #tpu.memory_space<hbm>>)
        tpu.yield
      }) : () -> ()
    } else {
    }
    %barrier3A_156 = arith.constant 0 : index
    tpu.barrier barrier_id(%barrier3A_156)
    return
  }
}

#map = affine_map<(d0, d1) -> (0)>
#map1 = affine_map<(d0, d1) -> (0, 0)>
module attributes {stable_mosaic.version = 14 : i64} {
  func.func @_sc_agg_scalar(%arg0: i32, %arg1: i32, %arg2: memref<50176xf32, #tpu.memory_space<hbm>>, %arg3: memref<32x25088xi32, #tpu.memory_space<hbm>>, %arg4: memref<32x25088xi32, #tpu.memory_space<hbm>>, %arg5: memref<32x50176xf32, #tpu.memory_space<hbm>>, %arg6: memref<50176xf32, #tpu.memory_space<vmem>>, %arg7: memref<50176xf32, #tpu.memory_space<vmem>>, %arg8: memref<6272xi32, #tpu.memory_space<vmem>>, %arg9: memref<6272xi32, #tpu.memory_space<vmem>>) attributes {dimension_semantics = [#tpu.dimension_semantics<core_parallel>, #tpu.dimension_semantics<subcore_parallel>], iteration_bounds = array<i64: 2, 16>, scalar_prefetch = 0 : i64, scratch_operands = 4 : i64, tpu.core_type = #tpu.core_type<sc_vector_subcore>, window_params = [{transform_indices = #map}, {transform_indices = #map1}, {transform_indices = #map1}, {transform_indices = #map1}]} {
    %mul3A = arith.constant 2 : i32
    %mul3A_0 = arith.muli %arg1, %mul3A : i32
    %add3A = arith.addi %mul3A_0, %arg0 : i32
    %broadcast_in_dim3A = arith.constant 0.000000e+00 : f32
    %broadcast_in_dim3A_1 = vector.broadcast %broadcast_in_dim3A : f32 to vector<16xf32>
    %scan3A = arith.constant 0 : i32
    %scan3A_2 = arith.constant 3136 : i32
    %scan3A_3 = arith.addi %scan3A, %scan3A_2 : i32
    %scan3A_4 = arith.constant 1 : i32
    scf.for %scan3A_26 = %scan3A to %scan3A_3 step %scan3A_4  : i32 {
      %mul3A_27 = arith.constant 16 : i32
      %mul3A_28 = arith.muli %scan3A_26, %mul3A_27 : i32
      %swap3A = arith.index_cast %mul3A_28 : i32 to index
      %swap3A_29 = tpu.vector_load %arg7[%swap3A] {strides = array<i32>} : memref<50176xf32, #tpu.memory_space<vmem>>, vector<16xf32>,
      tpu.vector_store %arg7[%swap3A], %broadcast_in_dim3A_1 {strides = array<i32>} : memref<50176xf32, #tpu.memory_space<vmem>>, vector<16xf32>,
    }
    %scan3A_5 = arith.constant 3136 : i32
    "tpu.region"() ({
      %run_scoped3A = tpu.sem_alloc : memref<!tpu.dma_semaphore, #tpu.memory_space<semaphore_mem>>
      tpu.enqueue_dma source(%arg2 : memref<50176xf32, #tpu.memory_space<hbm>>) target(%arg6 : memref<50176xf32, #tpu.memory_space<vmem>>) target_semaphore(%run_scoped3A : memref<!tpu.dma_semaphore, #tpu.memory_space<semaphore_mem>>)
      tpu.wait_dma2 semaphore(%run_scoped3A : memref<!tpu.dma_semaphore, #tpu.memory_space<semaphore_mem>>) src(%arg2 : memref<50176xf32, #tpu.memory_space<hbm>>) dst(%arg6 : memref<50176xf32, #tpu.memory_space<vmem>>)
      tpu.yield
    }) : () -> ()
    "tpu.region"() ({
      %run_scoped3A = tpu.sem_alloc : memref<!tpu.dma_semaphore, #tpu.memory_space<semaphore_mem>>
      %dma_start3A = arith.constant 0 : i32
      %dma_start3A_26 = tpu.memref_slice %arg3[%add3A, %dma_start3A] : memref<32x25088xi32, #tpu.memory_space<hbm>> -> memref<1x6272xi32, #tpu.memory_space<hbm>>
      %dma_start3A_27 = tpu.memref_squeeze %dma_start3A_26 : memref<1x6272xi32, #tpu.memory_space<hbm>> -> memref<6272xi32, #tpu.memory_space<hbm>>
      %dma_start3A_28 = arith.constant 0 : i32
      %dma_start3A_29 = tpu.memref_slice %arg3[%add3A, %dma_start3A_28] : memref<32x25088xi32, #tpu.memory_space<hbm>> -> memref<1x6272xi32, #tpu.memory_space<hbm>>
      %dma_start3A_30 = tpu.memref_squeeze %dma_start3A_29 : memref<1x6272xi32, #tpu.memory_space<hbm>> -> memref<6272xi32, #tpu.memory_space<hbm>>
      tpu.enqueue_dma source(%dma_start3A_30 : memref<6272xi32, #tpu.memory_space<hbm>>) target(%arg8 : memref<6272xi32, #tpu.memory_space<vmem>>) target_semaphore(%run_scoped3A : memref<!tpu.dma_semaphore, #tpu.memory_space<semaphore_mem>>)
      %dma_wait3A = arith.constant 0 : i32
      %dma_wait3A_31 = tpu.memref_slice %arg3[%add3A, %dma_wait3A] : memref<32x25088xi32, #tpu.memory_space<hbm>> -> memref<1x6272xi32, #tpu.memory_space<hbm>>
      %dma_wait3A_32 = tpu.memref_squeeze %dma_wait3A_31 : memref<1x6272xi32, #tpu.memory_space<hbm>> -> memref<6272xi32, #tpu.memory_space<hbm>>
      %dma_wait3A_33 = arith.constant 0 : i32
      %dma_wait3A_34 = tpu.memref_slice %arg3[%add3A, %dma_wait3A_33] : memref<32x25088xi32, #tpu.memory_space<hbm>> -> memref<1x6272xi32, #tpu.memory_space<hbm>>
      %dma_wait3A_35 = tpu.memref_squeeze %dma_wait3A_34 : memref<1x6272xi32, #tpu.memory_space<hbm>> -> memref<6272xi32, #tpu.memory_space<hbm>>
      tpu.wait_dma2 semaphore(%run_scoped3A : memref<!tpu.dma_semaphore, #tpu.memory_space<semaphore_mem>>) src(%dma_wait3A_35 : memref<6272xi32, #tpu.memory_space<hbm>>) dst(%arg8 : memref<6272xi32, #tpu.memory_space<vmem>>)
      tpu.yield
    }) : () -> ()
    "tpu.region"() ({
      %run_scoped3A = tpu.sem_alloc : memref<!tpu.dma_semaphore, #tpu.memory_space<semaphore_mem>>
      %dma_start3A = arith.constant 0 : i32
      %dma_start3A_26 = tpu.memref_slice %arg4[%add3A, %dma_start3A] : memref<32x25088xi32, #tpu.memory_space<hbm>> -> memref<1x6272xi32, #tpu.memory_space<hbm>>
      %dma_start3A_27 = tpu.memref_squeeze %dma_start3A_26 : memref<1x6272xi32, #tpu.memory_space<hbm>> -> memref<6272xi32, #tpu.memory_space<hbm>>
      %dma_start3A_28 = arith.constant 0 : i32
      %dma_start3A_29 = tpu.memref_slice %arg4[%add3A, %dma_start3A_28] : memref<32x25088xi32, #tpu.memory_space<hbm>> -> memref<1x6272xi32, #tpu.memory_space<hbm>>
      %dma_start3A_30 = tpu.memref_squeeze %dma_start3A_29 : memref<1x6272xi32, #tpu.memory_space<hbm>> -> memref<6272xi32, #tpu.memory_space<hbm>>
      tpu.enqueue_dma source(%dma_start3A_30 : memref<6272xi32, #tpu.memory_space<hbm>>) target(%arg9 : memref<6272xi32, #tpu.memory_space<vmem>>) target_semaphore(%run_scoped3A : memref<!tpu.dma_semaphore, #tpu.memory_space<semaphore_mem>>)
      %dma_wait3A = arith.constant 0 : i32
      %dma_wait3A_31 = tpu.memref_slice %arg4[%add3A, %dma_wait3A] : memref<32x25088xi32, #tpu.memory_space<hbm>> -> memref<1x6272xi32, #tpu.memory_space<hbm>>
      %dma_wait3A_32 = tpu.memref_squeeze %dma_wait3A_31 : memref<1x6272xi32, #tpu.memory_space<hbm>> -> memref<6272xi32, #tpu.memory_space<hbm>>
      %dma_wait3A_33 = arith.constant 0 : i32
      %dma_wait3A_34 = tpu.memref_slice %arg4[%add3A, %dma_wait3A_33] : memref<32x25088xi32, #tpu.memory_space<hbm>> -> memref<1x6272xi32, #tpu.memory_space<hbm>>
      %dma_wait3A_35 = tpu.memref_squeeze %dma_wait3A_34 : memref<1x6272xi32, #tpu.memory_space<hbm>> -> memref<6272xi32, #tpu.memory_space<hbm>>
      tpu.wait_dma2 semaphore(%run_scoped3A : memref<!tpu.dma_semaphore, #tpu.memory_space<semaphore_mem>>) src(%dma_wait3A_35 : memref<6272xi32, #tpu.memory_space<hbm>>) dst(%arg9 : memref<6272xi32, #tpu.memory_space<vmem>>)
      tpu.yield
    }) : () -> ()
    %scan3A_6 = arith.constant 0 : i32
    %scan3A_7 = arith.constant 392 : i32
    %scan3A_8 = arith.addi %scan3A_6, %scan3A_7 : i32
    %scan3A_9 = arith.constant 1 : i32
    scf.for %scan3A_26 = %scan3A_6 to %scan3A_8 step %scan3A_9  : i32 {
      %mul3A_27 = arith.constant 16 : i32
      %mul3A_28 = arith.muli %scan3A_26, %mul3A_27 : i32
      %get3A = arith.index_cast %mul3A_28 : i32 to index
      %get3A_29 = tpu.vector_load %arg8[%get3A] {strides = array<i32>} : memref<6272xi32, #tpu.memory_space<vmem>>, vector<16xi32>,
      %gather3A = tpu.vector_load_idx %arg6[%get3A_29] : memref<50176xf32, #tpu.memory_space<vmem>>[vector<16xi32>], vector<16xf32>,
      %mul3A_30 = arith.constant 16 : i32
      %mul3A_31 = arith.muli %scan3A_26, %mul3A_30 : i32
      %get3A_32 = arith.index_cast %mul3A_31 : i32 to index
      %get3A_33 = tpu.vector_load %arg9[%get3A_32] {strides = array<i32>} : memref<6272xi32, #tpu.memory_space<vmem>>, vector<16xi32>,
      tpu.vector_store_idx %arg7[%get3A_33], %gather3A {add = true} : memref<50176xf32, #tpu.memory_space<vmem>>[vector<16xi32>], vector<16xf32>,
    }
    %scan3A_10 = arith.constant 392 : i32
    "tpu.region"() ({
      %run_scoped3A = tpu.sem_alloc : memref<!tpu.dma_semaphore, #tpu.memory_space<semaphore_mem>>
      %dma_start3A = arith.constant 6272 : i32
      %dma_start3A_26 = tpu.memref_slice %arg3[%add3A, %dma_start3A] : memref<32x25088xi32, #tpu.memory_space<hbm>> -> memref<1x6272xi32, #tpu.memory_space<hbm>>
      %dma_start3A_27 = tpu.memref_squeeze %dma_start3A_26 : memref<1x6272xi32, #tpu.memory_space<hbm>> -> memref<6272xi32, #tpu.memory_space<hbm>>
      %dma_start3A_28 = arith.constant 6272 : i32
      %dma_start3A_29 = tpu.memref_slice %arg3[%add3A, %dma_start3A_28] : memref<32x25088xi32, #tpu.memory_space<hbm>> -> memref<1x6272xi32, #tpu.memory_space<hbm>>
      %dma_start3A_30 = tpu.memref_squeeze %dma_start3A_29 : memref<1x6272xi32, #tpu.memory_space<hbm>> -> memref<6272xi32, #tpu.memory_space<hbm>>
      tpu.enqueue_dma source(%dma_start3A_30 : memref<6272xi32, #tpu.memory_space<hbm>>) target(%arg8 : memref<6272xi32, #tpu.memory_space<vmem>>) target_semaphore(%run_scoped3A : memref<!tpu.dma_semaphore, #tpu.memory_space<semaphore_mem>>)
      %dma_wait3A = arith.constant 6272 : i32
      %dma_wait3A_31 = tpu.memref_slice %arg3[%add3A, %dma_wait3A] : memref<32x25088xi32, #tpu.memory_space<hbm>> -> memref<1x6272xi32, #tpu.memory_space<hbm>>
      %dma_wait3A_32 = tpu.memref_squeeze %dma_wait3A_31 : memref<1x6272xi32, #tpu.memory_space<hbm>> -> memref<6272xi32, #tpu.memory_space<hbm>>
      %dma_wait3A_33 = arith.constant 6272 : i32
      %dma_wait3A_34 = tpu.memref_slice %arg3[%add3A, %dma_wait3A_33] : memref<32x25088xi32, #tpu.memory_space<hbm>> -> memref<1x6272xi32, #tpu.memory_space<hbm>>
      %dma_wait3A_35 = tpu.memref_squeeze %dma_wait3A_34 : memref<1x6272xi32, #tpu.memory_space<hbm>> -> memref<6272xi32, #tpu.memory_space<hbm>>
      tpu.wait_dma2 semaphore(%run_scoped3A : memref<!tpu.dma_semaphore, #tpu.memory_space<semaphore_mem>>) src(%dma_wait3A_35 : memref<6272xi32, #tpu.memory_space<hbm>>) dst(%arg8 : memref<6272xi32, #tpu.memory_space<vmem>>)
      tpu.yield
    }) : () -> ()
    "tpu.region"() ({
      %run_scoped3A = tpu.sem_alloc : memref<!tpu.dma_semaphore, #tpu.memory_space<semaphore_mem>>
      %dma_start3A = arith.constant 6272 : i32
      %dma_start3A_26 = tpu.memref_slice %arg4[%add3A, %dma_start3A] : memref<32x25088xi32, #tpu.memory_space<hbm>> -> memref<1x6272xi32, #tpu.memory_space<hbm>>
      %dma_start3A_27 = tpu.memref_squeeze %dma_start3A_26 : memref<1x6272xi32, #tpu.memory_space<hbm>> -> memref<6272xi32, #tpu.memory_space<hbm>>
      %dma_start3A_28 = arith.constant 6272 : i32
      %dma_start3A_29 = tpu.memref_slice %arg4[%add3A, %dma_start3A_28] : memref<32x25088xi32, #tpu.memory_space<hbm>> -> memref<1x6272xi32, #tpu.memory_space<hbm>>
      %dma_start3A_30 = tpu.memref_squeeze %dma_start3A_29 : memref<1x6272xi32, #tpu.memory_space<hbm>> -> memref<6272xi32, #tpu.memory_space<hbm>>
      tpu.enqueue_dma source(%dma_start3A_30 : memref<6272xi32, #tpu.memory_space<hbm>>) target(%arg9 : memref<6272xi32, #tpu.memory_space<vmem>>) target_semaphore(%run_scoped3A : memref<!tpu.dma_semaphore, #tpu.memory_space<semaphore_mem>>)
      %dma_wait3A = arith.constant 6272 : i32
      %dma_wait3A_31 = tpu.memref_slice %arg4[%add3A, %dma_wait3A] : memref<32x25088xi32, #tpu.memory_space<hbm>> -> memref<1x6272xi32, #tpu.memory_space<hbm>>
      %dma_wait3A_32 = tpu.memref_squeeze %dma_wait3A_31 : memref<1x6272xi32, #tpu.memory_space<hbm>> -> memref<6272xi32, #tpu.memory_space<hbm>>
      %dma_wait3A_33 = arith.constant 6272 : i32
      %dma_wait3A_34 = tpu.memref_slice %arg4[%add3A, %dma_wait3A_33] : memref<32x25088xi32, #tpu.memory_space<hbm>> -> memref<1x6272xi32, #tpu.memory_space<hbm>>
      %dma_wait3A_35 = tpu.memref_squeeze %dma_wait3A_34 : memref<1x6272xi32, #tpu.memory_space<hbm>> -> memref<6272xi32, #tpu.memory_space<hbm>>
      tpu.wait_dma2 semaphore(%run_scoped3A : memref<!tpu.dma_semaphore, #tpu.memory_space<semaphore_mem>>) src(%dma_wait3A_35 : memref<6272xi32, #tpu.memory_space<hbm>>) dst(%arg9 : memref<6272xi32, #tpu.memory_space<vmem>>)
      tpu.yield
    }) : () -> ()
    %scan3A_11 = arith.constant 0 : i32
    %scan3A_12 = arith.constant 392 : i32
    %scan3A_13 = arith.addi %scan3A_11, %scan3A_12 : i32
    %scan3A_14 = arith.constant 1 : i32
    scf.for %scan3A_26 = %scan3A_11 to %scan3A_13 step %scan3A_14  : i32 {
      %mul3A_27 = arith.constant 16 : i32
      %mul3A_28 = arith.muli %scan3A_26, %mul3A_27 : i32
      %get3A = arith.index_cast %mul3A_28 : i32 to index
      %get3A_29 = tpu.vector_load %arg8[%get3A] {strides = array<i32>} : memref<6272xi32, #tpu.memory_space<vmem>>, vector<16xi32>,
      %gather3A = tpu.vector_load_idx %arg6[%get3A_29] : memref<50176xf32, #tpu.memory_space<vmem>>[vector<16xi32>], vector<16xf32>,
      %mul3A_30 = arith.constant 16 : i32
      %mul3A_31 = arith.muli %scan3A_26, %mul3A_30 : i32
      %get3A_32 = arith.index_cast %mul3A_31 : i32 to index
      %get3A_33 = tpu.vector_load %arg9[%get3A_32] {strides = array<i32>} : memref<6272xi32, #tpu.memory_space<vmem>>, vector<16xi32>,
      tpu.vector_store_idx %arg7[%get3A_33], %gather3A {add = true} : memref<50176xf32, #tpu.memory_space<vmem>>[vector<16xi32>], vector<16xf32>,
    }
    %scan3A_15 = arith.constant 392 : i32
    "tpu.region"() ({
      %run_scoped3A = tpu.sem_alloc : memref<!tpu.dma_semaphore, #tpu.memory_space<semaphore_mem>>
      %dma_start3A = arith.constant 12544 : i32
      %dma_start3A_26 = tpu.memref_slice %arg3[%add3A, %dma_start3A] : memref<32x25088xi32, #tpu.memory_space<hbm>> -> memref<1x6272xi32, #tpu.memory_space<hbm>>
      %dma_start3A_27 = tpu.memref_squeeze %dma_start3A_26 : memref<1x6272xi32, #tpu.memory_space<hbm>> -> memref<6272xi32, #tpu.memory_space<hbm>>
      %dma_start3A_28 = arith.constant 12544 : i32
      %dma_start3A_29 = tpu.memref_slice %arg3[%add3A, %dma_start3A_28] : memref<32x25088xi32, #tpu.memory_space<hbm>> -> memref<1x6272xi32, #tpu.memory_space<hbm>>
      %dma_start3A_30 = tpu.memref_squeeze %dma_start3A_29 : memref<1x6272xi32, #tpu.memory_space<hbm>> -> memref<6272xi32, #tpu.memory_space<hbm>>
      tpu.enqueue_dma source(%dma_start3A_30 : memref<6272xi32, #tpu.memory_space<hbm>>) target(%arg8 : memref<6272xi32, #tpu.memory_space<vmem>>) target_semaphore(%run_scoped3A : memref<!tpu.dma_semaphore, #tpu.memory_space<semaphore_mem>>)
      %dma_wait3A = arith.constant 12544 : i32
      %dma_wait3A_31 = tpu.memref_slice %arg3[%add3A, %dma_wait3A] : memref<32x25088xi32, #tpu.memory_space<hbm>> -> memref<1x6272xi32, #tpu.memory_space<hbm>>
      %dma_wait3A_32 = tpu.memref_squeeze %dma_wait3A_31 : memref<1x6272xi32, #tpu.memory_space<hbm>> -> memref<6272xi32, #tpu.memory_space<hbm>>
      %dma_wait3A_33 = arith.constant 12544 : i32
      %dma_wait3A_34 = tpu.memref_slice %arg3[%add3A, %dma_wait3A_33] : memref<32x25088xi32, #tpu.memory_space<hbm>> -> memref<1x6272xi32, #tpu.memory_space<hbm>>
      %dma_wait3A_35 = tpu.memref_squeeze %dma_wait3A_34 : memref<1x6272xi32, #tpu.memory_space<hbm>> -> memref<6272xi32, #tpu.memory_space<hbm>>
      tpu.wait_dma2 semaphore(%run_scoped3A : memref<!tpu.dma_semaphore, #tpu.memory_space<semaphore_mem>>) src(%dma_wait3A_35 : memref<6272xi32, #tpu.memory_space<hbm>>) dst(%arg8 : memref<6272xi32, #tpu.memory_space<vmem>>)
      tpu.yield
    }) : () -> ()
    "tpu.region"() ({
      %run_scoped3A = tpu.sem_alloc : memref<!tpu.dma_semaphore, #tpu.memory_space<semaphore_mem>>
      %dma_start3A = arith.constant 12544 : i32
      %dma_start3A_26 = tpu.memref_slice %arg4[%add3A, %dma_start3A] : memref<32x25088xi32, #tpu.memory_space<hbm>> -> memref<1x6272xi32, #tpu.memory_space<hbm>>
      %dma_start3A_27 = tpu.memref_squeeze %dma_start3A_26 : memref<1x6272xi32, #tpu.memory_space<hbm>> -> memref<6272xi32, #tpu.memory_space<hbm>>
      %dma_start3A_28 = arith.constant 12544 : i32
      %dma_start3A_29 = tpu.memref_slice %arg4[%add3A, %dma_start3A_28] : memref<32x25088xi32, #tpu.memory_space<hbm>> -> memref<1x6272xi32, #tpu.memory_space<hbm>>
      %dma_start3A_30 = tpu.memref_squeeze %dma_start3A_29 : memref<1x6272xi32, #tpu.memory_space<hbm>> -> memref<6272xi32, #tpu.memory_space<hbm>>
      tpu.enqueue_dma source(%dma_start3A_30 : memref<6272xi32, #tpu.memory_space<hbm>>) target(%arg9 : memref<6272xi32, #tpu.memory_space<vmem>>) target_semaphore(%run_scoped3A : memref<!tpu.dma_semaphore, #tpu.memory_space<semaphore_mem>>)
      %dma_wait3A = arith.constant 12544 : i32
      %dma_wait3A_31 = tpu.memref_slice %arg4[%add3A, %dma_wait3A] : memref<32x25088xi32, #tpu.memory_space<hbm>> -> memref<1x6272xi32, #tpu.memory_space<hbm>>
      %dma_wait3A_32 = tpu.memref_squeeze %dma_wait3A_31 : memref<1x6272xi32, #tpu.memory_space<hbm>> -> memref<6272xi32, #tpu.memory_space<hbm>>
      %dma_wait3A_33 = arith.constant 12544 : i32
      %dma_wait3A_34 = tpu.memref_slice %arg4[%add3A, %dma_wait3A_33] : memref<32x25088xi32, #tpu.memory_space<hbm>> -> memref<1x6272xi32, #tpu.memory_space<hbm>>
      %dma_wait3A_35 = tpu.memref_squeeze %dma_wait3A_34 : memref<1x6272xi32, #tpu.memory_space<hbm>> -> memref<6272xi32, #tpu.memory_space<hbm>>
      tpu.wait_dma2 semaphore(%run_scoped3A : memref<!tpu.dma_semaphore, #tpu.memory_space<semaphore_mem>>) src(%dma_wait3A_35 : memref<6272xi32, #tpu.memory_space<hbm>>) dst(%arg9 : memref<6272xi32, #tpu.memory_space<vmem>>)
      tpu.yield
    }) : () -> ()
    %scan3A_16 = arith.constant 0 : i32
    %scan3A_17 = arith.constant 392 : i32
    %scan3A_18 = arith.addi %scan3A_16, %scan3A_17 : i32
    %scan3A_19 = arith.constant 1 : i32
    scf.for %scan3A_26 = %scan3A_16 to %scan3A_18 step %scan3A_19  : i32 {
      %mul3A_27 = arith.constant 16 : i32
      %mul3A_28 = arith.muli %scan3A_26, %mul3A_27 : i32
      %get3A = arith.index_cast %mul3A_28 : i32 to index
      %get3A_29 = tpu.vector_load %arg8[%get3A] {strides = array<i32>} : memref<6272xi32, #tpu.memory_space<vmem>>, vector<16xi32>,
      %gather3A = tpu.vector_load_idx %arg6[%get3A_29] : memref<50176xf32, #tpu.memory_space<vmem>>[vector<16xi32>], vector<16xf32>,
      %mul3A_30 = arith.constant 16 : i32
      %mul3A_31 = arith.muli %scan3A_26, %mul3A_30 : i32
      %get3A_32 = arith.index_cast %mul3A_31 : i32 to index
      %get3A_33 = tpu.vector_load %arg9[%get3A_32] {strides = array<i32>} : memref<6272xi32, #tpu.memory_space<vmem>>, vector<16xi32>,
      tpu.vector_store_idx %arg7[%get3A_33], %gather3A {add = true} : memref<50176xf32, #tpu.memory_space<vmem>>[vector<16xi32>], vector<16xf32>,
    }
    %scan3A_20 = arith.constant 392 : i32
    "tpu.region"() ({
      %run_scoped3A = tpu.sem_alloc : memref<!tpu.dma_semaphore, #tpu.memory_space<semaphore_mem>>
      %dma_start3A = arith.constant 18816 : i32
      %dma_start3A_26 = tpu.memref_slice %arg3[%add3A, %dma_start3A] : memref<32x25088xi32, #tpu.memory_space<hbm>> -> memref<1x6272xi32, #tpu.memory_space<hbm>>
      %dma_start3A_27 = tpu.memref_squeeze %dma_start3A_26 : memref<1x6272xi32, #tpu.memory_space<hbm>> -> memref<6272xi32, #tpu.memory_space<hbm>>
      %dma_start3A_28 = arith.constant 18816 : i32
      %dma_start3A_29 = tpu.memref_slice %arg3[%add3A, %dma_start3A_28] : memref<32x25088xi32, #tpu.memory_space<hbm>> -> memref<1x6272xi32, #tpu.memory_space<hbm>>
      %dma_start3A_30 = tpu.memref_squeeze %dma_start3A_29 : memref<1x6272xi32, #tpu.memory_space<hbm>> -> memref<6272xi32, #tpu.memory_space<hbm>>
      tpu.enqueue_dma source(%dma_start3A_30 : memref<6272xi32, #tpu.memory_space<hbm>>) target(%arg8 : memref<6272xi32, #tpu.memory_space<vmem>>) target_semaphore(%run_scoped3A : memref<!tpu.dma_semaphore, #tpu.memory_space<semaphore_mem>>)
      %dma_wait3A = arith.constant 18816 : i32
      %dma_wait3A_31 = tpu.memref_slice %arg3[%add3A, %dma_wait3A] : memref<32x25088xi32, #tpu.memory_space<hbm>> -> memref<1x6272xi32, #tpu.memory_space<hbm>>
      %dma_wait3A_32 = tpu.memref_squeeze %dma_wait3A_31 : memref<1x6272xi32, #tpu.memory_space<hbm>> -> memref<6272xi32, #tpu.memory_space<hbm>>
      %dma_wait3A_33 = arith.constant 18816 : i32
      %dma_wait3A_34 = tpu.memref_slice %arg3[%add3A, %dma_wait3A_33] : memref<32x25088xi32, #tpu.memory_space<hbm>> -> memref<1x6272xi32, #tpu.memory_space<hbm>>
      %dma_wait3A_35 = tpu.memref_squeeze %dma_wait3A_34 : memref<1x6272xi32, #tpu.memory_space<hbm>> -> memref<6272xi32, #tpu.memory_space<hbm>>
      tpu.wait_dma2 semaphore(%run_scoped3A : memref<!tpu.dma_semaphore, #tpu.memory_space<semaphore_mem>>) src(%dma_wait3A_35 : memref<6272xi32, #tpu.memory_space<hbm>>) dst(%arg8 : memref<6272xi32, #tpu.memory_space<vmem>>)
      tpu.yield
    }) : () -> ()
    "tpu.region"() ({
      %run_scoped3A = tpu.sem_alloc : memref<!tpu.dma_semaphore, #tpu.memory_space<semaphore_mem>>
      %dma_start3A = arith.constant 18816 : i32
      %dma_start3A_26 = tpu.memref_slice %arg4[%add3A, %dma_start3A] : memref<32x25088xi32, #tpu.memory_space<hbm>> -> memref<1x6272xi32, #tpu.memory_space<hbm>>
      %dma_start3A_27 = tpu.memref_squeeze %dma_start3A_26 : memref<1x6272xi32, #tpu.memory_space<hbm>> -> memref<6272xi32, #tpu.memory_space<hbm>>
      %dma_start3A_28 = arith.constant 18816 : i32
      %dma_start3A_29 = tpu.memref_slice %arg4[%add3A, %dma_start3A_28] : memref<32x25088xi32, #tpu.memory_space<hbm>> -> memref<1x6272xi32, #tpu.memory_space<hbm>>
      %dma_start3A_30 = tpu.memref_squeeze %dma_start3A_29 : memref<1x6272xi32, #tpu.memory_space<hbm>> -> memref<6272xi32, #tpu.memory_space<hbm>>
      tpu.enqueue_dma source(%dma_start3A_30 : memref<6272xi32, #tpu.memory_space<hbm>>) target(%arg9 : memref<6272xi32, #tpu.memory_space<vmem>>) target_semaphore(%run_scoped3A : memref<!tpu.dma_semaphore, #tpu.memory_space<semaphore_mem>>)
      %dma_wait3A = arith.constant 18816 : i32
      %dma_wait3A_31 = tpu.memref_slice %arg4[%add3A, %dma_wait3A] : memref<32x25088xi32, #tpu.memory_space<hbm>> -> memref<1x6272xi32, #tpu.memory_space<hbm>>
      %dma_wait3A_32 = tpu.memref_squeeze %dma_wait3A_31 : memref<1x6272xi32, #tpu.memory_space<hbm>> -> memref<6272xi32, #tpu.memory_space<hbm>>
      %dma_wait3A_33 = arith.constant 18816 : i32
      %dma_wait3A_34 = tpu.memref_slice %arg4[%add3A, %dma_wait3A_33] : memref<32x25088xi32, #tpu.memory_space<hbm>> -> memref<1x6272xi32, #tpu.memory_space<hbm>>
      %dma_wait3A_35 = tpu.memref_squeeze %dma_wait3A_34 : memref<1x6272xi32, #tpu.memory_space<hbm>> -> memref<6272xi32, #tpu.memory_space<hbm>>
      tpu.wait_dma2 semaphore(%run_scoped3A : memref<!tpu.dma_semaphore, #tpu.memory_space<semaphore_mem>>) src(%dma_wait3A_35 : memref<6272xi32, #tpu.memory_space<hbm>>) dst(%arg9 : memref<6272xi32, #tpu.memory_space<vmem>>)
      tpu.yield
    }) : () -> ()
    %scan3A_21 = arith.constant 0 : i32
    %scan3A_22 = arith.constant 392 : i32
    %scan3A_23 = arith.addi %scan3A_21, %scan3A_22 : i32
    %scan3A_24 = arith.constant 1 : i32
    scf.for %scan3A_26 = %scan3A_21 to %scan3A_23 step %scan3A_24  : i32 {
      %mul3A_27 = arith.constant 16 : i32
      %mul3A_28 = arith.muli %scan3A_26, %mul3A_27 : i32
      %get3A = arith.index_cast %mul3A_28 : i32 to index
      %get3A_29 = tpu.vector_load %arg8[%get3A] {strides = array<i32>} : memref<6272xi32, #tpu.memory_space<vmem>>, vector<16xi32>,
      %gather3A = tpu.vector_load_idx %arg6[%get3A_29] : memref<50176xf32, #tpu.memory_space<vmem>>[vector<16xi32>], vector<16xf32>,
      %mul3A_30 = arith.constant 16 : i32
      %mul3A_31 = arith.muli %scan3A_26, %mul3A_30 : i32
      %get3A_32 = arith.index_cast %mul3A_31 : i32 to index
      %get3A_33 = tpu.vector_load %arg9[%get3A_32] {strides = array<i32>} : memref<6272xi32, #tpu.memory_space<vmem>>, vector<16xi32>,
      tpu.vector_store_idx %arg7[%get3A_33], %gather3A {add = true} : memref<50176xf32, #tpu.memory_space<vmem>>[vector<16xi32>], vector<16xf32>,
    }
    %scan3A_25 = arith.constant 392 : i32
    "tpu.region"() ({
      %run_scoped3A = tpu.sem_alloc : memref<!tpu.dma_semaphore, #tpu.memory_space<semaphore_mem>>
      %dma_start3A = arith.constant 0 : i32
      %dma_start3A_26 = tpu.memref_slice %arg5[%add3A, %dma_start3A] : memref<32x50176xf32, #tpu.memory_space<hbm>> -> memref<1x50176xf32, #tpu.memory_space<hbm>>
      %dma_start3A_27 = tpu.memref_squeeze %dma_start3A_26 : memref<1x50176xf32, #tpu.memory_space<hbm>> -> memref<50176xf32, #tpu.memory_space<hbm>>
      %dma_start3A_28 = arith.constant 0 : i32
      %dma_start3A_29 = tpu.memref_slice %arg5[%add3A, %dma_start3A_28] : memref<32x50176xf32, #tpu.memory_space<hbm>> -> memref<1x50176xf32, #tpu.memory_space<hbm>>
      %dma_start3A_30 = tpu.memref_squeeze %dma_start3A_29 : memref<1x50176xf32, #tpu.memory_space<hbm>> -> memref<50176xf32, #tpu.memory_space<hbm>>
      tpu.enqueue_dma source(%arg7 : memref<50176xf32, #tpu.memory_space<vmem>>) target(%dma_start3A_30 : memref<50176xf32, #tpu.memory_space<hbm>>) target_semaphore(%run_scoped3A : memref<!tpu.dma_semaphore, #tpu.memory_space<semaphore_mem>>)
      %dma_wait3A = arith.constant 0 : i32
      %dma_wait3A_31 = tpu.memref_slice %arg5[%add3A, %dma_wait3A] : memref<32x50176xf32, #tpu.memory_space<hbm>> -> memref<1x50176xf32, #tpu.memory_space<hbm>>
      %dma_wait3A_32 = tpu.memref_squeeze %dma_wait3A_31 : memref<1x50176xf32, #tpu.memory_space<hbm>> -> memref<50176xf32, #tpu.memory_space<hbm>>
      %dma_wait3A_33 = arith.constant 0 : i32
      %dma_wait3A_34 = tpu.memref_slice %arg5[%add3A, %dma_wait3A_33] : memref<32x50176xf32, #tpu.memory_space<hbm>> -> memref<1x50176xf32, #tpu.memory_space<hbm>>
      %dma_wait3A_35 = tpu.memref_squeeze %dma_wait3A_34 : memref<1x50176xf32, #tpu.memory_space<hbm>> -> memref<50176xf32, #tpu.memory_space<hbm>>
      tpu.wait_dma2 semaphore(%run_scoped3A : memref<!tpu.dma_semaphore, #tpu.memory_space<semaphore_mem>>) src(%arg7 : memref<50176xf32, #tpu.memory_space<vmem>>) dst(%dma_wait3A_35 : memref<50176xf32, #tpu.memory_space<hbm>>)
      tpu.yield
    }) : () -> ()
    return
  }
}

#map = affine_map<(d0, d1) -> (0, 0)>
module attributes {stable_mosaic.version = 14 : i64} {
  func.func @_sc_degree(%arg0: i32, %arg1: i32, %arg2: memref<32x25088xi32, #tpu.memory_space<hbm>>, %arg3: memref<32x50176xf32, #tpu.memory_space<hbm>>, %arg4: memref<25088xi32, #tpu.memory_space<vmem>>, %arg5: memref<50176xf32, #tpu.memory_space<vmem>>) attributes {dimension_semantics = [#tpu.dimension_semantics<core_parallel>, #tpu.dimension_semantics<subcore_parallel>], iteration_bounds = array<i64: 2, 16>, scalar_prefetch = 0 : i64, scratch_operands = 2 : i64, tpu.core_type = #tpu.core_type<sc_vector_subcore>, window_params = [{transform_indices = #map}, {transform_indices = #map}]} {
    %mul3A = arith.constant 2 : i32
    %mul3A_0 = arith.muli %arg1, %mul3A : i32
    %add3A = arith.addi %mul3A_0, %arg0 : i32
    %broadcast_in_dim3A = arith.constant 0.000000e+00 : f32
    %broadcast_in_dim3A_1 = vector.broadcast %broadcast_in_dim3A : f32 to vector<16xf32>
    %scan3A = arith.constant 0 : i32
    %scan3A_2 = arith.constant 3136 : i32
    %scan3A_3 = arith.addi %scan3A, %scan3A_2 : i32
    %scan3A_4 = arith.constant 1 : i32
    scf.for %scan3A_13 = %scan3A to %scan3A_3 step %scan3A_4  : i32 {
      %mul3A_14 = arith.constant 16 : i32
      %mul3A_15 = arith.muli %scan3A_13, %mul3A_14 : i32
      %swap3A = arith.index_cast %mul3A_15 : i32 to index
      %swap3A_16 = tpu.vector_load %arg5[%swap3A] {strides = array<i32>} : memref<50176xf32, #tpu.memory_space<vmem>>, vector<16xf32>,
      tpu.vector_store %arg5[%swap3A], %broadcast_in_dim3A_1 {strides = array<i32>} : memref<50176xf32, #tpu.memory_space<vmem>>, vector<16xf32>,
    }
    %scan3A_5 = arith.constant 3136 : i32
    "tpu.region"() ({
      %run_scoped3A = tpu.sem_alloc : memref<!tpu.dma_semaphore, #tpu.memory_space<semaphore_mem>>
      %dma_start3A = arith.constant 0 : i32
      %dma_start3A_13 = tpu.memref_slice %arg2[%add3A, %dma_start3A] : memref<32x25088xi32, #tpu.memory_space<hbm>> -> memref<1x25088xi32, #tpu.memory_space<hbm>>
      %dma_start3A_14 = tpu.memref_squeeze %dma_start3A_13 : memref<1x25088xi32, #tpu.memory_space<hbm>> -> memref<25088xi32, #tpu.memory_space<hbm>>
      %dma_start3A_15 = arith.constant 0 : i32
      %dma_start3A_16 = tpu.memref_slice %arg2[%add3A, %dma_start3A_15] : memref<32x25088xi32, #tpu.memory_space<hbm>> -> memref<1x25088xi32, #tpu.memory_space<hbm>>
      %dma_start3A_17 = tpu.memref_squeeze %dma_start3A_16 : memref<1x25088xi32, #tpu.memory_space<hbm>> -> memref<25088xi32, #tpu.memory_space<hbm>>
      tpu.enqueue_dma source(%dma_start3A_17 : memref<25088xi32, #tpu.memory_space<hbm>>) target(%arg4 : memref<25088xi32, #tpu.memory_space<vmem>>) target_semaphore(%run_scoped3A : memref<!tpu.dma_semaphore, #tpu.memory_space<semaphore_mem>>)
      %dma_wait3A = arith.constant 0 : i32
      %dma_wait3A_18 = tpu.memref_slice %arg2[%add3A, %dma_wait3A] : memref<32x25088xi32, #tpu.memory_space<hbm>> -> memref<1x25088xi32, #tpu.memory_space<hbm>>
      %dma_wait3A_19 = tpu.memref_squeeze %dma_wait3A_18 : memref<1x25088xi32, #tpu.memory_space<hbm>> -> memref<25088xi32, #tpu.memory_space<hbm>>
      %dma_wait3A_20 = arith.constant 0 : i32
      %dma_wait3A_21 = tpu.memref_slice %arg2[%add3A, %dma_wait3A_20] : memref<32x25088xi32, #tpu.memory_space<hbm>> -> memref<1x25088xi32, #tpu.memory_space<hbm>>
      %dma_wait3A_22 = tpu.memref_squeeze %dma_wait3A_21 : memref<1x25088xi32, #tpu.memory_space<hbm>> -> memref<25088xi32, #tpu.memory_space<hbm>>
      tpu.wait_dma2 semaphore(%run_scoped3A : memref<!tpu.dma_semaphore, #tpu.memory_space<semaphore_mem>>) src(%dma_wait3A_22 : memref<25088xi32, #tpu.memory_space<hbm>>) dst(%arg4 : memref<25088xi32, #tpu.memory_space<vmem>>)
      tpu.yield
    }) : () -> ()
    %broadcast_in_dim3A_6 = arith.constant 1.000000e+00 : f32
    %broadcast_in_dim3A_7 = vector.broadcast %broadcast_in_dim3A_6 : f32 to vector<16xf32>
    %scan3A_8 = arith.constant 0 : i32
    %scan3A_9 = arith.constant 1568 : i32
    %scan3A_10 = arith.addi %scan3A_8, %scan3A_9 : i32
    %scan3A_11 = arith.constant 1 : i32
    scf.for %scan3A_13 = %scan3A_8 to %scan3A_10 step %scan3A_11  : i32 {
      %mul3A_14 = arith.constant 16 : i32
      %mul3A_15 = arith.muli %scan3A_13, %mul3A_14 : i32
      %get3A = arith.index_cast %mul3A_15 : i32 to index
      %get3A_16 = tpu.vector_load %arg4[%get3A] {strides = array<i32>} : memref<25088xi32, #tpu.memory_space<vmem>>, vector<16xi32>,
      tpu.vector_store_idx %arg5[%get3A_16], %broadcast_in_dim3A_7 {add = true} : memref<50176xf32, #tpu.memory_space<vmem>>[vector<16xi32>], vector<16xf32>,
    }
    %scan3A_12 = arith.constant 1568 : i32
    "tpu.region"() ({
      %run_scoped3A = tpu.sem_alloc : memref<!tpu.dma_semaphore, #tpu.memory_space<semaphore_mem>>
      %dma_start3A = arith.constant 0 : i32
      %dma_start3A_13 = tpu.memref_slice %arg3[%add3A, %dma_start3A] : memref<32x50176xf32, #tpu.memory_space<hbm>> -> memref<1x50176xf32, #tpu.memory_space<hbm>>
      %dma_start3A_14 = tpu.memref_squeeze %dma_start3A_13 : memref<1x50176xf32, #tpu.memory_space<hbm>> -> memref<50176xf32, #tpu.memory_space<hbm>>
      %dma_start3A_15 = arith.constant 0 : i32
      %dma_start3A_16 = tpu.memref_slice %arg3[%add3A, %dma_start3A_15] : memref<32x50176xf32, #tpu.memory_space<hbm>> -> memref<1x50176xf32, #tpu.memory_space<hbm>>
      %dma_start3A_17 = tpu.memref_squeeze %dma_start3A_16 : memref<1x50176xf32, #tpu.memory_space<hbm>> -> memref<50176xf32, #tpu.memory_space<hbm>>
      tpu.enqueue_dma source(%arg5 : memref<50176xf32, #tpu.memory_space<vmem>>) target(%dma_start3A_17 : memref<50176xf32, #tpu.memory_space<hbm>>) target_semaphore(%run_scoped3A : memref<!tpu.dma_semaphore, #tpu.memory_space<semaphore_mem>>)
      %dma_wait3A = arith.constant 0 : i32
      %dma_wait3A_18 = tpu.memref_slice %arg3[%add3A, %dma_wait3A] : memref<32x50176xf32, #tpu.memory_space<hbm>> -> memref<1x50176xf32, #tpu.memory_space<hbm>>
      %dma_wait3A_19 = tpu.memref_squeeze %dma_wait3A_18 : memref<1x50176xf32, #tpu.memory_space<hbm>> -> memref<50176xf32, #tpu.memory_space<hbm>>
      %dma_wait3A_20 = arith.constant 0 : i32
      %dma_wait3A_21 = tpu.memref_slice %arg3[%add3A, %dma_wait3A_20] : memref<32x50176xf32, #tpu.memory_space<hbm>> -> memref<1x50176xf32, #tpu.memory_space<hbm>>
      %dma_wait3A_22 = tpu.memref_squeeze %dma_wait3A_21 : memref<1x50176xf32, #tpu.memory_space<hbm>> -> memref<50176xf32, #tpu.memory_space<hbm>>
      tpu.wait_dma2 semaphore(%run_scoped3A : memref<!tpu.dma_semaphore, #tpu.memory_space<semaphore_mem>>) src(%arg5 : memref<50176xf32, #tpu.memory_space<vmem>>) dst(%dma_wait3A_22 : memref<50176xf32, #tpu.memory_space<hbm>>)
      tpu.yield
    }) : () -> ()
    return
  }
}

#map = affine_map<(d0, d1) -> (0, 0)>
#map1 = affine_map<(d0, d1) -> (0, 0, 0)>
module attributes {stable_mosaic.version = 14 : i64} {
  func.func @_sc_agg_64(%arg0: i32, %arg1: i32, %arg2: memref<100352x32xf32, #tpu.memory_space<hbm>>, %arg3: memref<16x392x128xi32, #tpu.memory_space<hbm>>, %arg4: memref<16x392x128xi32, #tpu.memory_space<hbm>>, %arg5: memref<2x50176x32xf32, #tpu.memory_space<hbm>>, %arg6: memref<28x128xi32, #tpu.memory_space<vmem>>, %arg7: memref<28x128xi32, #tpu.memory_space<vmem>>, %arg8: memref<128x32xf32, #tpu.memory_space<vmem>>, %arg9: memref<128x32xf32, #tpu.memory_space<vmem>>, %arg10: memref<128x32xf32, #tpu.memory_space<vmem>>, %arg11: memref<128x32xf32, #tpu.memory_space<vmem>>, %arg12: memref<!tpu.dma_semaphore, #tpu.memory_space<semaphore_mem>>, %arg13: memref<!tpu.dma_semaphore, #tpu.memory_space<semaphore_mem>>, %arg14: memref<!tpu.dma_semaphore, #tpu.memory_space<semaphore_mem>>, %arg15: memref<!tpu.dma_semaphore, #tpu.memory_space<semaphore_mem>>, %arg16: memref<!tpu.dma_semaphore, #tpu.memory_space<semaphore_mem>>, %arg17: memref<!tpu.dma_semaphore, #tpu.memory_space<semaphore_mem>>, %arg18: memref<!tpu.dma_semaphore, #tpu.memory_space<semaphore_mem>>, %arg19: memref<!tpu.dma_semaphore, #tpu.memory_space<semaphore_mem>>, %arg20: memref<50176x32xf32, #tpu.memory_space<vmem_shared>>) attributes {dimension_semantics = [#tpu.dimension_semantics<core_parallel>, #tpu.dimension_semantics<subcore_parallel>], iteration_bounds = array<i64: 2, 16>, scalar_prefetch = 0 : i64, scratch_operands = 15 : i64, tpu.core_type = #tpu.core_type<sc_vector_subcore>, window_params = [{transform_indices = #map}, {transform_indices = #map1}, {transform_indices = #map1}, {transform_indices = #map1}]} {
    %mul3A = arith.constant 50176 : i32
    %mul3A_0 = arith.muli %arg0, %mul3A : i32
    %broadcast_in_dim3A = arith.constant 0.000000e+00 : f32
    %broadcast_in_dim3A_1 = vector.broadcast %broadcast_in_dim3A : f32 to vector<16xf32>
    %scan3A = arith.constant 0 : i32
    %scan3A_2 = arith.constant 128 : i32
    %scan3A_3 = arith.addi %scan3A, %scan3A_2 : i32
    %scan3A_4 = arith.constant 1 : i32
    scf.for %scan3A_21 = %scan3A to %scan3A_3 step %scan3A_4  : i32 {
      %swap3A = arith.index_cast %scan3A_21 : i32 to index
      %swap3A_22 = arith.constant 0 : index
      %swap3A_23 = tpu.vector_load %arg8[%swap3A, %swap3A_22] {strides = array<i32>} : memref<128x32xf32, #tpu.memory_space<vmem>>, vector<16xf32>,
      tpu.vector_store %arg8[%swap3A, %swap3A_22], %broadcast_in_dim3A_1 {strides = array<i32>} : memref<128x32xf32, #tpu.memory_space<vmem>>, vector<16xf32>,
      %swap3A_24 = arith.index_cast %scan3A_21 : i32 to index
      %swap3A_25 = arith.constant 16 : index
      %swap3A_26 = tpu.vector_load %arg8[%swap3A_24, %swap3A_25] {strides = array<i32>} : memref<128x32xf32, #tpu.memory_space<vmem>>, vector<16xf32>,
      tpu.vector_store %arg8[%swap3A_24, %swap3A_25], %broadcast_in_dim3A_1 {strides = array<i32>} : memref<128x32xf32, #tpu.memory_space<vmem>>, vector<16xf32>,
    }
    %scan3A_5 = arith.constant 128 : i32
    %mul3A_6 = arith.constant 3136 : i32
    %mul3A_7 = arith.muli %arg1, %mul3A_6 : i32
    %scan3A_8 = arith.constant 0 : i32
    %scan3A_9 = arith.constant 49 : i32
    %scan3A_10 = arith.addi %scan3A_8, %scan3A_9 : i32
    %scan3A_11 = arith.constant 1 : i32
    scf.for %scan3A_21 = %scan3A_8 to %scan3A_10 step %scan3A_11  : i32 {
      %mul3A_22 = arith.constant 64 : i32
      %mul3A_23 = arith.muli %scan3A_21, %mul3A_22 : i32
      %add3A = arith.addi %mul3A_7, %mul3A_23 : i32
      "tpu.region"() ({
        %run_scoped3A = tpu.sem_alloc : memref<!tpu.dma_semaphore, #tpu.memory_space<semaphore_mem>>
        %dma_start3A = arith.constant 0 : i32
        %dma_start3A_24 = arith.constant 0 : i32
        %dma_start3A_25 = tpu.memref_slice %arg8[%dma_start3A, %dma_start3A_24] : memref<128x32xf32, #tpu.memory_space<vmem>> -> memref<64x32xf32, #tpu.memory_space<vmem>>
        %dma_start3A_26 = arith.constant 0 : i32
        %dma_start3A_27 = tpu.memref_slice %arg20[%add3A, %dma_start3A_26] : memref<50176x32xf32, #tpu.memory_space<vmem_shared>> -> memref<64x32xf32, #tpu.memory_space<vmem_shared>>
        %dma_start3A_28 = arith.constant 0 : i32
        %dma_start3A_29 = tpu.memref_slice %arg20[%add3A, %dma_start3A_28] : memref<50176x32xf32, #tpu.memory_space<vmem_shared>> -> memref<64x32xf32, #tpu.memory_space<vmem_shared>>
        %dma_start3A_30 = arith.constant 0 : i32
        %dma_start3A_31 = arith.constant 0 : i32
        %dma_start3A_32 = tpu.memref_slice %arg8[%dma_start3A_30, %dma_start3A_31] : memref<128x32xf32, #tpu.memory_space<vmem>> -> memref<64x32xf32, #tpu.memory_space<vmem>>
        tpu.enqueue_dma source(%dma_start3A_32 : memref<64x32xf32, #tpu.memory_space<vmem>>) target(%dma_start3A_29 : memref<64x32xf32, #tpu.memory_space<vmem_shared>>) target_semaphore(%run_scoped3A : memref<!tpu.dma_semaphore, #tpu.memory_space<semaphore_mem>>)
        %dma_wait3A = arith.constant 0 : i32
        %dma_wait3A_33 = arith.constant 0 : i32
        %dma_wait3A_34 = tpu.memref_slice %arg8[%dma_wait3A, %dma_wait3A_33] : memref<128x32xf32, #tpu.memory_space<vmem>> -> memref<64x32xf32, #tpu.memory_space<vmem>>
        %dma_wait3A_35 = arith.constant 0 : i32
        %dma_wait3A_36 = tpu.memref_slice %arg20[%add3A, %dma_wait3A_35] : memref<50176x32xf32, #tpu.memory_space<vmem_shared>> -> memref<64x32xf32, #tpu.memory_space<vmem_shared>>
        %dma_wait3A_37 = arith.constant 0 : i32
        %dma_wait3A_38 = tpu.memref_slice %arg20[%add3A, %dma_wait3A_37] : memref<50176x32xf32, #tpu.memory_space<vmem_shared>> -> memref<64x32xf32, #tpu.memory_space<vmem_shared>>
        %dma_wait3A_39 = arith.constant 0 : i32
        %dma_wait3A_40 = arith.constant 0 : i32
        %dma_wait3A_41 = tpu.memref_slice %arg8[%dma_wait3A_39, %dma_wait3A_40] : memref<128x32xf32, #tpu.memory_space<vmem>> -> memref<64x32xf32, #tpu.memory_space<vmem>>
        tpu.wait_dma2 semaphore(%run_scoped3A : memref<!tpu.dma_semaphore, #tpu.memory_space<semaphore_mem>>) src(%dma_wait3A_41 : memref<64x32xf32, #tpu.memory_space<vmem>>) dst(%dma_wait3A_38 : memref<64x32xf32, #tpu.memory_space<vmem_shared>>)
        tpu.yield
      }) : () -> ()
    }
    %scan3A_12 = arith.constant 49 : i32
    %barrier3A = arith.constant 0 : index
    tpu.barrier barrier_id(%barrier3A)
    %scan3A_13 = arith.constant 0 : i32
    %scan3A_14 = arith.constant 14 : i32
    %scan3A_15 = arith.addi %scan3A_13, %scan3A_14 : i32
    %scan3A_16 = arith.constant 1 : i32
    scf.for %scan3A_21 = %scan3A_13 to %scan3A_15 step %scan3A_16  : i32 {
      %mul3A_22 = arith.constant 28 : i32
      %mul3A_23 = arith.muli %scan3A_21, %mul3A_22 : i32
      "tpu.region"() ({
        %run_scoped3A = tpu.sem_alloc : memref<!tpu.dma_semaphore, #tpu.memory_space<semaphore_mem>>
        %dma_start3A_90 = arith.constant 0 : i32
        %dma_start3A_91 = tpu.memref_slice %arg3[%arg1, %mul3A_23, %dma_start3A_90] : memref<16x392x128xi32, #tpu.memory_space<hbm>> -> memref<1x28x128xi32, #tpu.memory_space<hbm>>
        %dma_start3A_92 = tpu.memref_squeeze %dma_start3A_91 : memref<1x28x128xi32, #tpu.memory_space<hbm>> -> memref<28x128xi32, #tpu.memory_space<hbm>>
        %dma_start3A_93 = arith.constant 0 : i32
        %dma_start3A_94 = tpu.memref_slice %arg3[%arg1, %mul3A_23, %dma_start3A_93] : memref<16x392x128xi32, #tpu.memory_space<hbm>> -> memref<1x28x128xi32, #tpu.memory_space<hbm>>
        %dma_start3A_95 = tpu.memref_squeeze %dma_start3A_94 : memref<1x28x128xi32, #tpu.memory_space<hbm>> -> memref<28x128xi32, #tpu.memory_space<hbm>>
        tpu.enqueue_dma source(%dma_start3A_95 : memref<28x128xi32, #tpu.memory_space<hbm>>) target(%arg6 : memref<28x128xi32, #tpu.memory_space<vmem>>) target_semaphore(%run_scoped3A : memref<!tpu.dma_semaphore, #tpu.memory_space<semaphore_mem>>)
        %dma_wait3A_96 = arith.constant 0 : i32
        %dma_wait3A_97 = tpu.memref_slice %arg3[%arg1, %mul3A_23, %dma_wait3A_96] : memref<16x392x128xi32, #tpu.memory_space<hbm>> -> memref<1x28x128xi32, #tpu.memory_space<hbm>>
        %dma_wait3A_98 = tpu.memref_squeeze %dma_wait3A_97 : memref<1x28x128xi32, #tpu.memory_space<hbm>> -> memref<28x128xi32, #tpu.memory_space<hbm>>
        %dma_wait3A_99 = arith.constant 0 : i32
        %dma_wait3A_100 = tpu.memref_slice %arg3[%arg1, %mul3A_23, %dma_wait3A_99] : memref<16x392x128xi32, #tpu.memory_space<hbm>> -> memref<1x28x128xi32, #tpu.memory_space<hbm>>
        %dma_wait3A_101 = tpu.memref_squeeze %dma_wait3A_100 : memref<1x28x128xi32, #tpu.memory_space<hbm>> -> memref<28x128xi32, #tpu.memory_space<hbm>>
        tpu.wait_dma2 semaphore(%run_scoped3A : memref<!tpu.dma_semaphore, #tpu.memory_space<semaphore_mem>>) src(%dma_wait3A_101 : memref<28x128xi32, #tpu.memory_space<hbm>>) dst(%arg6 : memref<28x128xi32, #tpu.memory_space<vmem>>)
        tpu.yield
      }) : () -> ()
      %mul3A_24 = arith.constant 28 : i32
      %mul3A_25 = arith.muli %scan3A_21, %mul3A_24 : i32
      "tpu.region"() ({
        %run_scoped3A = tpu.sem_alloc : memref<!tpu.dma_semaphore, #tpu.memory_space<semaphore_mem>>
        %dma_start3A_90 = arith.constant 0 : i32
        %dma_start3A_91 = tpu.memref_slice %arg4[%arg1, %mul3A_25, %dma_start3A_90] : memref<16x392x128xi32, #tpu.memory_space<hbm>> -> memref<1x28x128xi32, #tpu.memory_space<hbm>>
        %dma_start3A_92 = tpu.memref_squeeze %dma_start3A_91 : memref<1x28x128xi32, #tpu.memory_space<hbm>> -> memref<28x128xi32, #tpu.memory_space<hbm>>
        %dma_start3A_93 = arith.constant 0 : i32
        %dma_start3A_94 = tpu.memref_slice %arg4[%arg1, %mul3A_25, %dma_start3A_93] : memref<16x392x128xi32, #tpu.memory_space<hbm>> -> memref<1x28x128xi32, #tpu.memory_space<hbm>>
        %dma_start3A_95 = tpu.memref_squeeze %dma_start3A_94 : memref<1x28x128xi32, #tpu.memory_space<hbm>> -> memref<28x128xi32, #tpu.memory_space<hbm>>
        tpu.enqueue_dma source(%dma_start3A_95 : memref<28x128xi32, #tpu.memory_space<hbm>>) target(%arg7 : memref<28x128xi32, #tpu.memory_space<vmem>>) target_semaphore(%run_scoped3A : memref<!tpu.dma_semaphore, #tpu.memory_space<semaphore_mem>>)
        %dma_wait3A_96 = arith.constant 0 : i32
        %dma_wait3A_97 = tpu.memref_slice %arg4[%arg1, %mul3A_25, %dma_wait3A_96] : memref<16x392x128xi32, #tpu.memory_space<hbm>> -> memref<1x28x128xi32, #tpu.memory_space<hbm>>
        %dma_wait3A_98 = tpu.memref_squeeze %dma_wait3A_97 : memref<1x28x128xi32, #tpu.memory_space<hbm>> -> memref<28x128xi32, #tpu.memory_space<hbm>>
        %dma_wait3A_99 = arith.constant 0 : i32
        %dma_wait3A_100 = tpu.memref_slice %arg4[%arg1, %mul3A_25, %dma_wait3A_99] : memref<16x392x128xi32, #tpu.memory_space<hbm>> -> memref<1x28x128xi32, #tpu.memory_space<hbm>>
        %dma_wait3A_101 = tpu.memref_squeeze %dma_wait3A_100 : memref<1x28x128xi32, #tpu.memory_space<hbm>> -> memref<28x128xi32, #tpu.memory_space<hbm>>
        tpu.wait_dma2 semaphore(%run_scoped3A : memref<!tpu.dma_semaphore, #tpu.memory_space<semaphore_mem>>) src(%dma_wait3A_101 : memref<28x128xi32, #tpu.memory_space<hbm>>) dst(%arg7 : memref<28x128xi32, #tpu.memory_space<vmem>>)
        tpu.yield
      }) : () -> ()
      %scan3A_26 = arith.constant 0 : i32
      %scan3A_27 = arith.constant 224 : i32
      %scan3A_28 = arith.addi %scan3A_26, %scan3A_27 : i32
      %scan3A_29 = arith.constant 1 : i32
      scf.for %scan3A_90 = %scan3A_26 to %scan3A_28 step %scan3A_29  : i32 {
        %jit3A = arith.constant 8 : i32
        %div3A = arith.divsi %scan3A_90, %jit3A : i32
        %sign3A = arith.constant 0 : i32
        %sign3A_91 = arith.cmpi sgt, %scan3A_90, %sign3A : i32
        %sign3A_92 = arith.extui %sign3A_91 : i1 to i32
        %sign3A_93 = arith.constant 0 : i32
        %sign3A_94 = arith.cmpi slt, %scan3A_90, %sign3A_93 : i32
        %sign3A_95 = arith.extui %sign3A_94 : i1 to i32
        %sign3A_96 = arith.subi %sign3A_92, %sign3A_95 : i32
        %sign3A_97 = arith.constant 0 : i32
        %sign3A_98 = arith.cmpi sgt, %jit3A, %sign3A_97 : i32
        %sign3A_99 = arith.extui %sign3A_98 : i1 to i32
        %sign3A_100 = arith.constant 0 : i32
        %sign3A_101 = arith.cmpi slt, %jit3A, %sign3A_100 : i32
        %sign3A_102 = arith.extui %sign3A_101 : i1 to i32
        %sign3A_103 = arith.subi %sign3A_99, %sign3A_102 : i32
        %ne3A = arith.cmpi ne, %sign3A_96, %sign3A_103 : i32
        %rem3A = arith.remsi %scan3A_90, %jit3A : i32
        %ne3A_104 = arith.constant 0 : i32
        %ne3A_105 = arith.cmpi ne, %rem3A, %ne3A_104 : i32
        %and3A = arith.andi %ne3A, %ne3A_105 : i1
        %sub3A = arith.constant 1 : i32
        %sub3A_106 = arith.subi %div3A, %sub3A : i32
        %select_n3A = arith.select %and3A, %sub3A_106, %div3A : i32
        %jit3A_107 = arith.constant 8 : i32
        %eq3A_108 = arith.constant 0 : i32
        %eq3A_109 = arith.cmpi eq, %jit3A_107, %eq3A_108 : i32
        %jit3A_110 = arith.constant 1 : i32
        %select_n3A_111 = arith.select %eq3A_109, %jit3A_110, %jit3A_107 : i32
        %rem3A_112 = arith.remsi %scan3A_90, %select_n3A_111 : i32
        %ne3A_113 = arith.constant 0 : i32
        %ne3A_114 = arith.cmpi ne, %rem3A_112, %ne3A_113 : i32
        %lt3A = arith.constant 0 : i32
        %lt3A_115 = arith.cmpi slt, %rem3A_112, %lt3A : i32
        %lt3A_116 = arith.constant 0 : i32
        %lt3A_117 = arith.cmpi slt, %select_n3A_111, %lt3A_116 : i32
        %ne3A_118 = arith.xori %lt3A_115, %lt3A_117 : i1
        %and3A_119 = arith.andi %ne3A_118, %ne3A_114 : i1
        %add3A = arith.addi %rem3A_112, %select_n3A_111 : i32
        %select_n3A_120 = arith.select %and3A_119, %add3A, %rem3A_112 : i32
        %mul3A_121 = arith.constant 16 : i32
        %mul3A_122 = arith.muli %select_n3A_120, %mul3A_121 : i32
        %get3A = arith.index_cast %select_n3A : i32 to index
        %get3A_123 = arith.index_cast %mul3A_122 : i32 to index
        %get3A_124 = tpu.vector_load %arg6[%get3A, %get3A_123] {strides = array<i32>} : memref<28x128xi32, #tpu.memory_space<vmem>>, vector<16xi32>,
        %add3A_125 = vector.broadcast %mul3A_0 : i32 to vector<16xi32>
        %add3A_126 = arith.addi %get3A_124, %add3A_125 : vector<16xi32>
        %swap3A = arith.index_cast %select_n3A : i32 to index
        %swap3A_127 = arith.index_cast %mul3A_122 : i32 to index
        %swap3A_128 = tpu.vector_load %arg6[%swap3A, %swap3A_127] {strides = array<i32>} : memref<28x128xi32, #tpu.memory_space<vmem>>, vector<16xi32>,
        tpu.vector_store %arg6[%swap3A, %swap3A_127], %add3A_126 {strides = array<i32>} : memref<28x128xi32, #tpu.memory_space<vmem>>, vector<16xi32>,
      }
      %scan3A_30 = arith.constant 224 : i32
      %dma_start3A = arith.constant 0 : i32
      %dma_start3A_31 = arith.constant 0 : i32
      %dma_start3A_32 = tpu.memref_slice %arg6[%dma_start3A, %dma_start3A_31] : memref<28x128xi32, #tpu.memory_space<vmem>> -> memref<1x128xi32, #tpu.memory_space<vmem>>
      %dma_start3A_33 = tpu.memref_squeeze %dma_start3A_32 : memref<1x128xi32, #tpu.memory_space<vmem>> -> memref<128xi32, #tpu.memory_space<vmem>>
      %dma_start3A_34 = arith.constant 0 : i32
      %dma_start3A_35 = arith.constant 0 : i32
      %dma_start3A_36 = tpu.memref_slice %arg2[%dma_start3A_34, %dma_start3A_35] : memref<100352x32xf32, #tpu.memory_space<hbm>> -> memref<100352x32xf32, #tpu.memory_space<hbm>>
      tpu.enqueue_indirect_dma source(%dma_start3A_36 : memref<100352x32xf32, #tpu.memory_space<hbm>>) target(%arg8 : memref<128x32xf32, #tpu.memory_space<vmem>>) offsets(%dma_start3A_33 : memref<128xi32, #tpu.memory_space<vmem>>) semaphore(%arg12 : memref<!tpu.dma_semaphore, #tpu.memory_space<semaphore_mem>>)
      %dma_start3A_37 = arith.constant 1 : i32
      %dma_start3A_38 = arith.constant 0 : i32
      %dma_start3A_39 = tpu.memref_slice %arg6[%dma_start3A_37, %dma_start3A_38] : memref<28x128xi32, #tpu.memory_space<vmem>> -> memref<1x128xi32, #tpu.memory_space<vmem>>
      %dma_start3A_40 = tpu.memref_squeeze %dma_start3A_39 : memref<1x128xi32, #tpu.memory_space<vmem>> -> memref<128xi32, #tpu.memory_space<vmem>>
      %dma_start3A_41 = arith.constant 0 : i32
      %dma_start3A_42 = arith.constant 0 : i32
      %dma_start3A_43 = tpu.memref_slice %arg2[%dma_start3A_41, %dma_start3A_42] : memref<100352x32xf32, #tpu.memory_space<hbm>> -> memref<100352x32xf32, #tpu.memory_space<hbm>>
      tpu.enqueue_indirect_dma source(%dma_start3A_43 : memref<100352x32xf32, #tpu.memory_space<hbm>>) target(%arg9 : memref<128x32xf32, #tpu.memory_space<vmem>>) offsets(%dma_start3A_40 : memref<128xi32, #tpu.memory_space<vmem>>) semaphore(%arg13 : memref<!tpu.dma_semaphore, #tpu.memory_space<semaphore_mem>>)
      %dma_start3A_44 = arith.constant 2 : i32
      %dma_start3A_45 = arith.constant 0 : i32
      %dma_start3A_46 = tpu.memref_slice %arg6[%dma_start3A_44, %dma_start3A_45] : memref<28x128xi32, #tpu.memory_space<vmem>> -> memref<1x128xi32, #tpu.memory_space<vmem>>
      %dma_start3A_47 = tpu.memref_squeeze %dma_start3A_46 : memref<1x128xi32, #tpu.memory_space<vmem>> -> memref<128xi32, #tpu.memory_space<vmem>>
      %dma_start3A_48 = arith.constant 0 : i32
      %dma_start3A_49 = arith.constant 0 : i32
      %dma_start3A_50 = tpu.memref_slice %arg2[%dma_start3A_48, %dma_start3A_49] : memref<100352x32xf32, #tpu.memory_space<hbm>> -> memref<100352x32xf32, #tpu.memory_space<hbm>>
      tpu.enqueue_indirect_dma source(%dma_start3A_50 : memref<100352x32xf32, #tpu.memory_space<hbm>>) target(%arg10 : memref<128x32xf32, #tpu.memory_space<vmem>>) offsets(%dma_start3A_47 : memref<128xi32, #tpu.memory_space<vmem>>) semaphore(%arg14 : memref<!tpu.dma_semaphore, #tpu.memory_space<semaphore_mem>>)
      %dma_start3A_51 = arith.constant 3 : i32
      %dma_start3A_52 = arith.constant 0 : i32
      %dma_start3A_53 = tpu.memref_slice %arg6[%dma_start3A_51, %dma_start3A_52] : memref<28x128xi32, #tpu.memory_space<vmem>> -> memref<1x128xi32, #tpu.memory_space<vmem>>
      %dma_start3A_54 = tpu.memref_squeeze %dma_start3A_53 : memref<1x128xi32, #tpu.memory_space<vmem>> -> memref<128xi32, #tpu.memory_space<vmem>>
      %dma_start3A_55 = arith.constant 0 : i32
      %dma_start3A_56 = arith.constant 0 : i32
      %dma_start3A_57 = tpu.memref_slice %arg2[%dma_start3A_55, %dma_start3A_56] : memref<100352x32xf32, #tpu.memory_space<hbm>> -> memref<100352x32xf32, #tpu.memory_space<hbm>>
      tpu.enqueue_indirect_dma source(%dma_start3A_57 : memref<100352x32xf32, #tpu.memory_space<hbm>>) target(%arg11 : memref<128x32xf32, #tpu.memory_space<vmem>>) offsets(%dma_start3A_54 : memref<128xi32, #tpu.memory_space<vmem>>) semaphore(%arg15 : memref<!tpu.dma_semaphore, #tpu.memory_space<semaphore_mem>>)
      %scan3A_58 = arith.constant 0 : i32
      %scan3A_59 = arith.constant 7 : i32
      %scan3A_60 = arith.addi %scan3A_58, %scan3A_59 : i32
      %scan3A_61 = arith.constant 1 : i32
      scf.for %scan3A_90 = %scan3A_58 to %scan3A_60 step %scan3A_61  : i32 {
        %mul3A_91 = arith.constant 4 : i32
        %mul3A_92 = arith.muli %scan3A_90, %mul3A_91 : i32
        %dma_wait3A_93 = arith.constant 0 : i32
        %dma_wait3A_94 = arith.constant 0 : i32
        %dma_wait3A_95 = tpu.memref_slice %arg6[%dma_wait3A_93, %dma_wait3A_94] : memref<28x128xi32, #tpu.memory_space<vmem>> -> memref<1x128xi32, #tpu.memory_space<vmem>>
        %dma_wait3A_96 = tpu.memref_squeeze %dma_wait3A_95 : memref<1x128xi32, #tpu.memory_space<vmem>> -> memref<128xi32, #tpu.memory_space<vmem>>
        %dma_wait3A_97 = arith.constant 0 : i32
        %dma_wait3A_98 = arith.constant 0 : i32
        %dma_wait3A_99 = tpu.memref_slice %arg2[%dma_wait3A_97, %dma_wait3A_98] : memref<100352x32xf32, #tpu.memory_space<hbm>> -> memref<100352x32xf32, #tpu.memory_space<hbm>>
        tpu.wait_indirect_dma semaphore(%arg12 : memref<!tpu.dma_semaphore, #tpu.memory_space<semaphore_mem>>) src(%dma_wait3A_99 : memref<100352x32xf32, #tpu.memory_space<hbm>>) dst(%arg8 : memref<128x32xf32, #tpu.memory_space<vmem>>)
        %add3A = arith.constant 0 : i32
        %add3A_100 = arith.addi %mul3A_92, %add3A : i32
        %dma_start3A_101 = arith.constant 0 : i32
        %dma_start3A_102 = tpu.memref_slice %arg7[%add3A_100, %dma_start3A_101] : memref<28x128xi32, #tpu.memory_space<vmem>> -> memref<1x128xi32, #tpu.memory_space<vmem>>
        %dma_start3A_103 = tpu.memref_squeeze %dma_start3A_102 : memref<1x128xi32, #tpu.memory_space<vmem>> -> memref<128xi32, #tpu.memory_space<vmem>>
        %dma_start3A_104 = arith.constant 0 : i32
        %dma_start3A_105 = arith.constant 0 : i32
        %dma_start3A_106 = tpu.memref_slice %arg20[%dma_start3A_104, %dma_start3A_105] : memref<50176x32xf32, #tpu.memory_space<vmem_shared>> -> memref<50176x32xf32, #tpu.memory_space<vmem_shared>>
        tpu.enqueue_indirect_dma source(%arg8 : memref<128x32xf32, #tpu.memory_space<vmem>>) target(%dma_start3A_106 : memref<50176x32xf32, #tpu.memory_space<vmem_shared>>) offsets(%dma_start3A_103 : memref<128xi32, #tpu.memory_space<vmem>>) semaphore(%arg16 : memref<!tpu.dma_semaphore, #tpu.memory_space<semaphore_mem>>) {add = true}
        %dma_wait3A_107 = arith.constant 0 : i32
        %dma_wait3A_108 = arith.constant 0 : i32
        %dma_wait3A_109 = tpu.memref_slice %arg6[%dma_wait3A_107, %dma_wait3A_108] : memref<28x128xi32, #tpu.memory_space<vmem>> -> memref<1x128xi32, #tpu.memory_space<vmem>>
        %dma_wait3A_110 = tpu.memref_squeeze %dma_wait3A_109 : memref<1x128xi32, #tpu.memory_space<vmem>> -> memref<128xi32, #tpu.memory_space<vmem>>
        %dma_wait3A_111 = arith.constant 0 : i32
        %dma_wait3A_112 = arith.constant 0 : i32
        %dma_wait3A_113 = tpu.memref_slice %arg2[%dma_wait3A_111, %dma_wait3A_112] : memref<100352x32xf32, #tpu.memory_space<hbm>> -> memref<100352x32xf32, #tpu.memory_space<hbm>>
        tpu.wait_indirect_dma semaphore(%arg13 : memref<!tpu.dma_semaphore, #tpu.memory_space<semaphore_mem>>) src(%dma_wait3A_113 : memref<100352x32xf32, #tpu.memory_space<hbm>>) dst(%arg9 : memref<128x32xf32, #tpu.memory_space<vmem>>)
        %add3A_114 = arith.constant 1 : i32
        %add3A_115 = arith.addi %mul3A_92, %add3A_114 : i32
        %dma_start3A_116 = arith.constant 0 : i32
        %dma_start3A_117 = tpu.memref_slice %arg7[%add3A_115, %dma_start3A_116] : memref<28x128xi32, #tpu.memory_space<vmem>> -> memref<1x128xi32, #tpu.memory_space<vmem>>
        %dma_start3A_118 = tpu.memref_squeeze %dma_start3A_117 : memref<1x128xi32, #tpu.memory_space<vmem>> -> memref<128xi32, #tpu.memory_space<vmem>>
        %dma_start3A_119 = arith.constant 0 : i32
        %dma_start3A_120 = arith.constant 0 : i32
        %dma_start3A_121 = tpu.memref_slice %arg20[%dma_start3A_119, %dma_start3A_120] : memref<50176x32xf32, #tpu.memory_space<vmem_shared>> -> memref<50176x32xf32, #tpu.memory_space<vmem_shared>>
        tpu.enqueue_indirect_dma source(%arg9 : memref<128x32xf32, #tpu.memory_space<vmem>>) target(%dma_start3A_121 : memref<50176x32xf32, #tpu.memory_space<vmem_shared>>) offsets(%dma_start3A_118 : memref<128xi32, #tpu.memory_space<vmem>>) semaphore(%arg17 : memref<!tpu.dma_semaphore, #tpu.memory_space<semaphore_mem>>) {add = true}
        %dma_wait3A_122 = arith.constant 0 : i32
        %dma_wait3A_123 = arith.constant 0 : i32
        %dma_wait3A_124 = tpu.memref_slice %arg6[%dma_wait3A_122, %dma_wait3A_123] : memref<28x128xi32, #tpu.memory_space<vmem>> -> memref<1x128xi32, #tpu.memory_space<vmem>>
        %dma_wait3A_125 = tpu.memref_squeeze %dma_wait3A_124 : memref<1x128xi32, #tpu.memory_space<vmem>> -> memref<128xi32, #tpu.memory_space<vmem>>
        %dma_wait3A_126 = arith.constant 0 : i32
        %dma_wait3A_127 = arith.constant 0 : i32
        %dma_wait3A_128 = tpu.memref_slice %arg2[%dma_wait3A_126, %dma_wait3A_127] : memref<100352x32xf32, #tpu.memory_space<hbm>> -> memref<100352x32xf32, #tpu.memory_space<hbm>>
        tpu.wait_indirect_dma semaphore(%arg14 : memref<!tpu.dma_semaphore, #tpu.memory_space<semaphore_mem>>) src(%dma_wait3A_128 : memref<100352x32xf32, #tpu.memory_space<hbm>>) dst(%arg10 : memref<128x32xf32, #tpu.memory_space<vmem>>)
        %add3A_129 = arith.constant 2 : i32
        %add3A_130 = arith.addi %mul3A_92, %add3A_129 : i32
        %dma_start3A_131 = arith.constant 0 : i32
        %dma_start3A_132 = tpu.memref_slice %arg7[%add3A_130, %dma_start3A_131] : memref<28x128xi32, #tpu.memory_space<vmem>> -> memref<1x128xi32, #tpu.memory_space<vmem>>
        %dma_start3A_133 = tpu.memref_squeeze %dma_start3A_132 : memref<1x128xi32, #tpu.memory_space<vmem>> -> memref<128xi32, #tpu.memory_space<vmem>>
        %dma_start3A_134 = arith.constant 0 : i32
        %dma_start3A_135 = arith.constant 0 : i32
        %dma_start3A_136 = tpu.memref_slice %arg20[%dma_start3A_134, %dma_start3A_135] : memref<50176x32xf32, #tpu.memory_space<vmem_shared>> -> memref<50176x32xf32, #tpu.memory_space<vmem_shared>>
        tpu.enqueue_indirect_dma source(%arg10 : memref<128x32xf32, #tpu.memory_space<vmem>>) target(%dma_start3A_136 : memref<50176x32xf32, #tpu.memory_space<vmem_shared>>) offsets(%dma_start3A_133 : memref<128xi32, #tpu.memory_space<vmem>>) semaphore(%arg18 : memref<!tpu.dma_semaphore, #tpu.memory_space<semaphore_mem>>) {add = true}
        %dma_wait3A_137 = arith.constant 0 : i32
        %dma_wait3A_138 = arith.constant 0 : i32
        %dma_wait3A_139 = tpu.memref_slice %arg6[%dma_wait3A_137, %dma_wait3A_138] : memref<28x128xi32, #tpu.memory_space<vmem>> -> memref<1x128xi32, #tpu.memory_space<vmem>>
        %dma_wait3A_140 = tpu.memref_squeeze %dma_wait3A_139 : memref<1x128xi32, #tpu.memory_space<vmem>> -> memref<128xi32, #tpu.memory_space<vmem>>
        %dma_wait3A_141 = arith.constant 0 : i32
        %dma_wait3A_142 = arith.constant 0 : i32
        %dma_wait3A_143 = tpu.memref_slice %arg2[%dma_wait3A_141, %dma_wait3A_142] : memref<100352x32xf32, #tpu.memory_space<hbm>> -> memref<100352x32xf32, #tpu.memory_space<hbm>>
        tpu.wait_indirect_dma semaphore(%arg15 : memref<!tpu.dma_semaphore, #tpu.memory_space<semaphore_mem>>) src(%dma_wait3A_143 : memref<100352x32xf32, #tpu.memory_space<hbm>>) dst(%arg11 : memref<128x32xf32, #tpu.memory_space<vmem>>)
        %add3A_144 = arith.constant 3 : i32
        %add3A_145 = arith.addi %mul3A_92, %add3A_144 : i32
        %dma_start3A_146 = arith.constant 0 : i32
        %dma_start3A_147 = tpu.memref_slice %arg7[%add3A_145, %dma_start3A_146] : memref<28x128xi32, #tpu.memory_space<vmem>> -> memref<1x128xi32, #tpu.memory_space<vmem>>
        %dma_start3A_148 = tpu.memref_squeeze %dma_start3A_147 : memref<1x128xi32, #tpu.memory_space<vmem>> -> memref<128xi32, #tpu.memory_space<vmem>>
        %dma_start3A_149 = arith.constant 0 : i32
        %dma_start3A_150 = arith.constant 0 : i32
        %dma_start3A_151 = tpu.memref_slice %arg20[%dma_start3A_149, %dma_start3A_150] : memref<50176x32xf32, #tpu.memory_space<vmem_shared>> -> memref<50176x32xf32, #tpu.memory_space<vmem_shared>>
        tpu.enqueue_indirect_dma source(%arg11 : memref<128x32xf32, #tpu.memory_space<vmem>>) target(%dma_start3A_151 : memref<50176x32xf32, #tpu.memory_space<vmem_shared>>) offsets(%dma_start3A_148 : memref<128xi32, #tpu.memory_space<vmem>>) semaphore(%arg19 : memref<!tpu.dma_semaphore, #tpu.memory_space<semaphore_mem>>) {add = true}
        %add3A_152 = arith.constant 4 : i32
        %add3A_153 = arith.addi %mul3A_92, %add3A_152 : i32
        %add3A_154 = arith.constant 0 : i32
        %add3A_155 = arith.addi %add3A_153, %add3A_154 : i32
        %lt3A = arith.constant 28 : i32
        %lt3A_156 = arith.cmpi slt, %add3A_155, %lt3A : i32
        %convert_element_type3A_157 = arith.extui %lt3A_156 : i1 to i32
        %cond3A_158 = arith.constant 0 : i32
        %cond3A_159 = arith.cmpi ne, %convert_element_type3A_157, %cond3A_158 : i32
        scf.if %cond3A_159 {
          %add3A_187 = arith.constant 0 : i32
          %add3A_188 = arith.addi %mul3A_92, %add3A_187 : i32
          %dma_wait3A_189 = arith.constant 0 : i32
          %dma_wait3A_190 = tpu.memref_slice %arg7[%add3A_188, %dma_wait3A_189] : memref<28x128xi32, #tpu.memory_space<vmem>> -> memref<1x128xi32, #tpu.memory_space<vmem>>
          %dma_wait3A_191 = tpu.memref_squeeze %dma_wait3A_190 : memref<1x128xi32, #tpu.memory_space<vmem>> -> memref<128xi32, #tpu.memory_space<vmem>>
          %dma_wait3A_192 = arith.constant 0 : i32
          %dma_wait3A_193 = arith.constant 0 : i32
          %dma_wait3A_194 = tpu.memref_slice %arg20[%dma_wait3A_192, %dma_wait3A_193] : memref<50176x32xf32, #tpu.memory_space<vmem_shared>> -> memref<50176x32xf32, #tpu.memory_space<vmem_shared>>
          tpu.wait_indirect_dma semaphore(%arg16 : memref<!tpu.dma_semaphore, #tpu.memory_space<semaphore_mem>>) src(%arg8 : memref<128x32xf32, #tpu.memory_space<vmem>>) dst(%dma_wait3A_194 : memref<50176x32xf32, #tpu.memory_space<vmem_shared>>)
          %add3A_195 = arith.constant 4 : i32
          %add3A_196 = arith.addi %mul3A_92, %add3A_195 : i32
          %add3A_197 = arith.constant 0 : i32
          %add3A_198 = arith.addi %add3A_196, %add3A_197 : i32
          %dma_start3A_199 = arith.constant 0 : i32
          %dma_start3A_200 = tpu.memref_slice %arg6[%add3A_198, %dma_start3A_199] : memref<28x128xi32, #tpu.memory_space<vmem>> -> memref<1x128xi32, #tpu.memory_space<vmem>>
          %dma_start3A_201 = tpu.memref_squeeze %dma_start3A_200 : memref<1x128xi32, #tpu.memory_space<vmem>> -> memref<128xi32, #tpu.memory_space<vmem>>
          %dma_start3A_202 = arith.constant 0 : i32
          %dma_start3A_203 = arith.constant 0 : i32
          %dma_start3A_204 = tpu.memref_slice %arg2[%dma_start3A_202, %dma_start3A_203] : memref<100352x32xf32, #tpu.memory_space<hbm>> -> memref<100352x32xf32, #tpu.memory_space<hbm>>
          tpu.enqueue_indirect_dma source(%dma_start3A_204 : memref<100352x32xf32, #tpu.memory_space<hbm>>) target(%arg8 : memref<128x32xf32, #tpu.memory_space<vmem>>) offsets(%dma_start3A_201 : memref<128xi32, #tpu.memory_space<vmem>>) semaphore(%arg12 : memref<!tpu.dma_semaphore, #tpu.memory_space<semaphore_mem>>)
        } else {
        }
        %add3A_160 = arith.constant 4 : i32
        %add3A_161 = arith.addi %mul3A_92, %add3A_160 : i32
        %add3A_162 = arith.constant 1 : i32
        %add3A_163 = arith.addi %add3A_161, %add3A_162 : i32
        %lt3A_164 = arith.constant 28 : i32
        %lt3A_165 = arith.cmpi slt, %add3A_163, %lt3A_164 : i32
        %convert_element_type3A_166 = arith.extui %lt3A_165 : i1 to i32
        %cond3A_167 = arith.constant 0 : i32
        %cond3A_168 = arith.cmpi ne, %convert_element_type3A_166, %cond3A_167 : i32
        scf.if %cond3A_168 {
          %add3A_187 = arith.constant 1 : i32
          %add3A_188 = arith.addi %mul3A_92, %add3A_187 : i32
          %dma_wait3A_189 = arith.constant 0 : i32
          %dma_wait3A_190 = tpu.memref_slice %arg7[%add3A_188, %dma_wait3A_189] : memref<28x128xi32, #tpu.memory_space<vmem>> -> memref<1x128xi32, #tpu.memory_space<vmem>>
          %dma_wait3A_191 = tpu.memref_squeeze %dma_wait3A_190 : memref<1x128xi32, #tpu.memory_space<vmem>> -> memref<128xi32, #tpu.memory_space<vmem>>
          %dma_wait3A_192 = arith.constant 0 : i32
          %dma_wait3A_193 = arith.constant 0 : i32
          %dma_wait3A_194 = tpu.memref_slice %arg20[%dma_wait3A_192, %dma_wait3A_193] : memref<50176x32xf32, #tpu.memory_space<vmem_shared>> -> memref<50176x32xf32, #tpu.memory_space<vmem_shared>>
          tpu.wait_indirect_dma semaphore(%arg17 : memref<!tpu.dma_semaphore, #tpu.memory_space<semaphore_mem>>) src(%arg9 : memref<128x32xf32, #tpu.memory_space<vmem>>) dst(%dma_wait3A_194 : memref<50176x32xf32, #tpu.memory_space<vmem_shared>>)
          %add3A_195 = arith.constant 4 : i32
          %add3A_196 = arith.addi %mul3A_92, %add3A_195 : i32
          %add3A_197 = arith.constant 1 : i32
          %add3A_198 = arith.addi %add3A_196, %add3A_197 : i32
          %dma_start3A_199 = arith.constant 0 : i32
          %dma_start3A_200 = tpu.memref_slice %arg6[%add3A_198, %dma_start3A_199] : memref<28x128xi32, #tpu.memory_space<vmem>> -> memref<1x128xi32, #tpu.memory_space<vmem>>
          %dma_start3A_201 = tpu.memref_squeeze %dma_start3A_200 : memref<1x128xi32, #tpu.memory_space<vmem>> -> memref<128xi32, #tpu.memory_space<vmem>>
          %dma_start3A_202 = arith.constant 0 : i32
          %dma_start3A_203 = arith.constant 0 : i32
          %dma_start3A_204 = tpu.memref_slice %arg2[%dma_start3A_202, %dma_start3A_203] : memref<100352x32xf32, #tpu.memory_space<hbm>> -> memref<100352x32xf32, #tpu.memory_space<hbm>>
          tpu.enqueue_indirect_dma source(%dma_start3A_204 : memref<100352x32xf32, #tpu.memory_space<hbm>>) target(%arg9 : memref<128x32xf32, #tpu.memory_space<vmem>>) offsets(%dma_start3A_201 : memref<128xi32, #tpu.memory_space<vmem>>) semaphore(%arg13 : memref<!tpu.dma_semaphore, #tpu.memory_space<semaphore_mem>>)
        } else {
        }
        %add3A_169 = arith.constant 4 : i32
        %add3A_170 = arith.addi %mul3A_92, %add3A_169 : i32
        %add3A_171 = arith.constant 2 : i32
        %add3A_172 = arith.addi %add3A_170, %add3A_171 : i32
        %lt3A_173 = arith.constant 28 : i32
        %lt3A_174 = arith.cmpi slt, %add3A_172, %lt3A_173 : i32
        %convert_element_type3A_175 = arith.extui %lt3A_174 : i1 to i32
        %cond3A_176 = arith.constant 0 : i32
        %cond3A_177 = arith.cmpi ne, %convert_element_type3A_175, %cond3A_176 : i32
        scf.if %cond3A_177 {
          %add3A_187 = arith.constant 2 : i32
          %add3A_188 = arith.addi %mul3A_92, %add3A_187 : i32
          %dma_wait3A_189 = arith.constant 0 : i32
          %dma_wait3A_190 = tpu.memref_slice %arg7[%add3A_188, %dma_wait3A_189] : memref<28x128xi32, #tpu.memory_space<vmem>> -> memref<1x128xi32, #tpu.memory_space<vmem>>
          %dma_wait3A_191 = tpu.memref_squeeze %dma_wait3A_190 : memref<1x128xi32, #tpu.memory_space<vmem>> -> memref<128xi32, #tpu.memory_space<vmem>>
          %dma_wait3A_192 = arith.constant 0 : i32
          %dma_wait3A_193 = arith.constant 0 : i32
          %dma_wait3A_194 = tpu.memref_slice %arg20[%dma_wait3A_192, %dma_wait3A_193] : memref<50176x32xf32, #tpu.memory_space<vmem_shared>> -> memref<50176x32xf32, #tpu.memory_space<vmem_shared>>
          tpu.wait_indirect_dma semaphore(%arg18 : memref<!tpu.dma_semaphore, #tpu.memory_space<semaphore_mem>>) src(%arg10 : memref<128x32xf32, #tpu.memory_space<vmem>>) dst(%dma_wait3A_194 : memref<50176x32xf32, #tpu.memory_space<vmem_shared>>)
          %add3A_195 = arith.constant 4 : i32
          %add3A_196 = arith.addi %mul3A_92, %add3A_195 : i32
          %add3A_197 = arith.constant 2 : i32
          %add3A_198 = arith.addi %add3A_196, %add3A_197 : i32
          %dma_start3A_199 = arith.constant 0 : i32
          %dma_start3A_200 = tpu.memref_slice %arg6[%add3A_198, %dma_start3A_199] : memref<28x128xi32, #tpu.memory_space<vmem>> -> memref<1x128xi32, #tpu.memory_space<vmem>>
          %dma_start3A_201 = tpu.memref_squeeze %dma_start3A_200 : memref<1x128xi32, #tpu.memory_space<vmem>> -> memref<128xi32, #tpu.memory_space<vmem>>
          %dma_start3A_202 = arith.constant 0 : i32
          %dma_start3A_203 = arith.constant 0 : i32
          %dma_start3A_204 = tpu.memref_slice %arg2[%dma_start3A_202, %dma_start3A_203] : memref<100352x32xf32, #tpu.memory_space<hbm>> -> memref<100352x32xf32, #tpu.memory_space<hbm>>
          tpu.enqueue_indirect_dma source(%dma_start3A_204 : memref<100352x32xf32, #tpu.memory_space<hbm>>) target(%arg10 : memref<128x32xf32, #tpu.memory_space<vmem>>) offsets(%dma_start3A_201 : memref<128xi32, #tpu.memory_space<vmem>>) semaphore(%arg14 : memref<!tpu.dma_semaphore, #tpu.memory_space<semaphore_mem>>)
        } else {
        }
        %add3A_178 = arith.constant 4 : i32
        %add3A_179 = arith.addi %mul3A_92, %add3A_178 : i32
        %add3A_180 = arith.constant 3 : i32
        %add3A_181 = arith.addi %add3A_179, %add3A_180 : i32
        %lt3A_182 = arith.constant 28 : i32
        %lt3A_183 = arith.cmpi slt, %add3A_181, %lt3A_182 : i32
        %convert_element_type3A_184 = arith.extui %lt3A_183 : i1 to i32
        %cond3A_185 = arith.constant 0 : i32
        %cond3A_186 = arith.cmpi ne, %convert_element_type3A_184, %cond3A_185 : i32
        scf.if %cond3A_186 {
          %add3A_187 = arith.constant 3 : i32
          %add3A_188 = arith.addi %mul3A_92, %add3A_187 : i32
          %dma_wait3A_189 = arith.constant 0 : i32
          %dma_wait3A_190 = tpu.memref_slice %arg7[%add3A_188, %dma_wait3A_189] : memref<28x128xi32, #tpu.memory_space<vmem>> -> memref<1x128xi32, #tpu.memory_space<vmem>>
          %dma_wait3A_191 = tpu.memref_squeeze %dma_wait3A_190 : memref<1x128xi32, #tpu.memory_space<vmem>> -> memref<128xi32, #tpu.memory_space<vmem>>
          %dma_wait3A_192 = arith.constant 0 : i32
          %dma_wait3A_193 = arith.constant 0 : i32
          %dma_wait3A_194 = tpu.memref_slice %arg20[%dma_wait3A_192, %dma_wait3A_193] : memref<50176x32xf32, #tpu.memory_space<vmem_shared>> -> memref<50176x32xf32, #tpu.memory_space<vmem_shared>>
          tpu.wait_indirect_dma semaphore(%arg19 : memref<!tpu.dma_semaphore, #tpu.memory_space<semaphore_mem>>) src(%arg11 : memref<128x32xf32, #tpu.memory_space<vmem>>) dst(%dma_wait3A_194 : memref<50176x32xf32, #tpu.memory_space<vmem_shared>>)
          %add3A_195 = arith.constant 4 : i32
          %add3A_196 = arith.addi %mul3A_92, %add3A_195 : i32
          %add3A_197 = arith.constant 3 : i32
          %add3A_198 = arith.addi %add3A_196, %add3A_197 : i32
          %dma_start3A_199 = arith.constant 0 : i32
          %dma_start3A_200 = tpu.memref_slice %arg6[%add3A_198, %dma_start3A_199] : memref<28x128xi32, #tpu.memory_space<vmem>> -> memref<1x128xi32, #tpu.memory_space<vmem>>
          %dma_start3A_201 = tpu.memref_squeeze %dma_start3A_200 : memref<1x128xi32, #tpu.memory_space<vmem>> -> memref<128xi32, #tpu.memory_space<vmem>>
          %dma_start3A_202 = arith.constant 0 : i32
          %dma_start3A_203 = arith.constant 0 : i32
          %dma_start3A_204 = tpu.memref_slice %arg2[%dma_start3A_202, %dma_start3A_203] : memref<100352x32xf32, #tpu.memory_space<hbm>> -> memref<100352x32xf32, #tpu.memory_space<hbm>>
          tpu.enqueue_indirect_dma source(%dma_start3A_204 : memref<100352x32xf32, #tpu.memory_space<hbm>>) target(%arg11 : memref<128x32xf32, #tpu.memory_space<vmem>>) offsets(%dma_start3A_201 : memref<128xi32, #tpu.memory_space<vmem>>) semaphore(%arg15 : memref<!tpu.dma_semaphore, #tpu.memory_space<semaphore_mem>>)
        } else {
        }
      }
      %scan3A_62 = arith.constant 7 : i32
      %dma_wait3A = arith.constant 24 : i32
      %dma_wait3A_63 = arith.constant 0 : i32
      %dma_wait3A_64 = tpu.memref_slice %arg7[%dma_wait3A, %dma_wait3A_63] : memref<28x128xi32, #tpu.memory_space<vmem>> -> memref<1x128xi32, #tpu.memory_space<vmem>>
      %dma_wait3A_65 = tpu.memref_squeeze %dma_wait3A_64 : memref<1x128xi32, #tpu.memory_space<vmem>> -> memref<128xi32, #tpu.memory_space<vmem>>
      %dma_wait3A_66 = arith.constant 0 : i32
      %dma_wait3A_67 = arith.constant 0 : i32
      %dma_wait3A_68 = tpu.memref_slice %arg20[%dma_wait3A_66, %dma_wait3A_67] : memref<50176x32xf32, #tpu.memory_space<vmem_shared>> -> memref<50176x32xf32, #tpu.memory_space<vmem_shared>>
      tpu.wait_indirect_dma semaphore(%arg16 : memref<!tpu.dma_semaphore, #tpu.memory_space<semaphore_mem>>) src(%arg8 : memref<128x32xf32, #tpu.memory_space<vmem>>) dst(%dma_wait3A_68 : memref<50176x32xf32, #tpu.memory_space<vmem_shared>>)
      %dma_wait3A_69 = arith.constant 25 : i32
      %dma_wait3A_70 = arith.constant 0 : i32
      %dma_wait3A_71 = tpu.memref_slice %arg7[%dma_wait3A_69, %dma_wait3A_70] : memref<28x128xi32, #tpu.memory_space<vmem>> -> memref<1x128xi32, #tpu.memory_space<vmem>>
      %dma_wait3A_72 = tpu.memref_squeeze %dma_wait3A_71 : memref<1x128xi32, #tpu.memory_space<vmem>> -> memref<128xi32, #tpu.memory_space<vmem>>
      %dma_wait3A_73 = arith.constant 0 : i32
      %dma_wait3A_74 = arith.constant 0 : i32
      %dma_wait3A_75 = tpu.memref_slice %arg20[%dma_wait3A_73, %dma_wait3A_74] : memref<50176x32xf32, #tpu.memory_space<vmem_shared>> -> memref<50176x32xf32, #tpu.memory_space<vmem_shared>>
      tpu.wait_indirect_dma semaphore(%arg17 : memref<!tpu.dma_semaphore, #tpu.memory_space<semaphore_mem>>) src(%arg9 : memref<128x32xf32, #tpu.memory_space<vmem>>) dst(%dma_wait3A_75 : memref<50176x32xf32, #tpu.memory_space<vmem_shared>>)
      %dma_wait3A_76 = arith.constant 26 : i32
      %dma_wait3A_77 = arith.constant 0 : i32
      %dma_wait3A_78 = tpu.memref_slice %arg7[%dma_wait3A_76, %dma_wait3A_77] : memref<28x128xi32, #tpu.memory_space<vmem>> -> memref<1x128xi32, #tpu.memory_space<vmem>>
      %dma_wait3A_79 = tpu.memref_squeeze %dma_wait3A_78 : memref<1x128xi32, #tpu.memory_space<vmem>> -> memref<128xi32, #tpu.memory_space<vmem>>
      %dma_wait3A_80 = arith.constant 0 : i32
      %dma_wait3A_81 = arith.constant 0 : i32
      %dma_wait3A_82 = tpu.memref_slice %arg20[%dma_wait3A_80, %dma_wait3A_81] : memref<50176x32xf32, #tpu.memory_space<vmem_shared>> -> memref<50176x32xf32, #tpu.memory_space<vmem_shared>>
      tpu.wait_indirect_dma semaphore(%arg18 : memref<!tpu.dma_semaphore, #tpu.memory_space<semaphore_mem>>) src(%arg10 : memref<128x32xf32, #tpu.memory_space<vmem>>) dst(%dma_wait3A_82 : memref<50176x32xf32, #tpu.memory_space<vmem_shared>>)
      %dma_wait3A_83 = arith.constant 27 : i32
      %dma_wait3A_84 = arith.constant 0 : i32
      %dma_wait3A_85 = tpu.memref_slice %arg7[%dma_wait3A_83, %dma_wait3A_84] : memref<28x128xi32, #tpu.memory_space<vmem>> -> memref<1x128xi32, #tpu.memory_space<vmem>>
      %dma_wait3A_86 = tpu.memref_squeeze %dma_wait3A_85 : memref<1x128xi32, #tpu.memory_space<vmem>> -> memref<128xi32, #tpu.memory_space<vmem>>
      %dma_wait3A_87 = arith.constant 0 : i32
      %dma_wait3A_88 = arith.constant 0 : i32
      %dma_wait3A_89 = tpu.memref_slice %arg20[%dma_wait3A_87, %dma_wait3A_88] : memref<50176x32xf32, #tpu.memory_space<vmem_shared>> -> memref<50176x32xf32, #tpu.memory_space<vmem_shared>>
      tpu.wait_indirect_dma semaphore(%arg19 : memref<!tpu.dma_semaphore, #tpu.memory_space<semaphore_mem>>) src(%arg11 : memref<128x32xf32, #tpu.memory_space<vmem>>) dst(%dma_wait3A_89 : memref<50176x32xf32, #tpu.memory_space<vmem_shared>>)
    }
    %scan3A_17 = arith.constant 14 : i32
    %barrier3A_18 = arith.constant 0 : index
    tpu.barrier barrier_id(%barrier3A_18)
    %eq3A = arith.constant 0 : i32
    %eq3A_19 = arith.cmpi eq, %arg1, %eq3A : i32
    %convert_element_type3A = arith.extui %eq3A_19 : i1 to i32
    %cond3A = arith.constant 0 : i32
    %cond3A_20 = arith.cmpi ne, %convert_element_type3A, %cond3A : i32
    scf.if %cond3A_20 {
      "tpu.region"() ({
        %run_scoped3A = tpu.sem_alloc : memref<!tpu.dma_semaphore, #tpu.memory_space<semaphore_mem>>
        %dma_start3A = arith.constant 0 : i32
        %dma_start3A_21 = arith.constant 0 : i32
        %dma_start3A_22 = tpu.memref_slice %arg5[%arg0, %dma_start3A, %dma_start3A_21] : memref<2x50176x32xf32, #tpu.memory_space<hbm>> -> memref<1x50176x32xf32, #tpu.memory_space<hbm>>
        %dma_start3A_23 = tpu.memref_squeeze %dma_start3A_22 : memref<1x50176x32xf32, #tpu.memory_space<hbm>> -> memref<50176x32xf32, #tpu.memory_space<hbm>>
        tpu.enqueue_dma source(%arg20 : memref<50176x32xf32, #tpu.memory_space<vmem_shared>>) target(%dma_start3A_23 : memref<50176x32xf32, #tpu.memory_space<hbm>>) target_semaphore(%run_scoped3A : memref<!tpu.dma_semaphore, #tpu.memory_space<semaphore_mem>>)
        %dma_wait3A = arith.constant 0 : i32
        %dma_wait3A_24 = arith.constant 0 : i32
        %dma_wait3A_25 = tpu.memref_slice %arg5[%arg0, %dma_wait3A, %dma_wait3A_24] : memref<2x50176x32xf32, #tpu.memory_space<hbm>> -> memref<1x50176x32xf32, #tpu.memory_space<hbm>>
        %dma_wait3A_26 = tpu.memref_squeeze %dma_wait3A_25 : memref<1x50176x32xf32, #tpu.memory_space<hbm>> -> memref<50176x32xf32, #tpu.memory_space<hbm>>
        tpu.wait_dma2 semaphore(%run_scoped3A : memref<!tpu.dma_semaphore, #tpu.memory_space<semaphore_mem>>) src(%arg20 : memref<50176x32xf32, #tpu.memory_space<vmem_shared>>) dst(%dma_wait3A_26 : memref<50176x32xf32, #tpu.memory_space<hbm>>)
        tpu.yield
      }) : () -> ()
    } else {
    }
    return
  }
}

module attributes {stable_mosaic.version = 14 : i64} {
  func.func @_tc1_body(%arg0: memref<32x50176xf32, #tpu.memory_space<vmem>>, %arg1: memref<1x50176xf32, #tpu.memory_space<vmem>>, %arg2: memref<1x50176xf32, #tpu.memory_space<vmem>>, %arg3: memref<1x50176xf32, #tpu.memory_space<vmem>>) attributes {dimension_semantics = [], scalar_prefetch = 0 : i64, scratch_operands = 0 : i64, tpu.core_type = #tpu.core_type<tc>} {
    %get3A = arith.constant 0 : index
    %get3A_0 = arith.constant 0 : index
    %get3A_1 = vector.load %arg0[%get3A, %get3A_0] : memref<32x50176xf32, #tpu.memory_space<vmem>>, vector<32x50176xf32>
    %reduce_sum3A = arith.constant dense<0.000000e+00> : vector<50176xf32>
    %reduce_sum3A_2 = vector.multi_reduction <add>, %get3A_1, %reduce_sum3A [0] : vector<32x50176xf32> to vector<50176xf32>
    %broadcast_in_dim3A = vector.shape_cast %reduce_sum3A_2 : vector<50176xf32> to vector<1x50176xf32>
    %add3A = arith.constant 1.000000e+00 : f32
    %add3A_3 = vector.broadcast %add3A : f32 to vector<1x50176xf32>
    %add3A_4 = arith.addf %broadcast_in_dim3A, %add3A_3 : vector<1x50176xf32>
    %sqrt3A = math.sqrt %add3A_4 : vector<1x50176xf32>
    %div3A = arith.constant 1.000000e+00 : f32
    %div3A_5 = vector.broadcast %div3A : f32 to vector<1x50176xf32>
    %div3A_6 = arith.divf %div3A_5, %sqrt3A : vector<1x50176xf32>
    %swap3A = arith.constant 0 : index
    %swap3A_7 = arith.constant 0 : index
    %swap3A_8 = vector.load %arg2[%swap3A, %swap3A_7] : memref<1x50176xf32, #tpu.memory_space<vmem>>, vector<1x50176xf32>
    tpu.vector_store %arg2[%swap3A, %swap3A_7], %div3A_6 {strides = array<i32>} : memref<1x50176xf32, #tpu.memory_space<vmem>>, vector<1x50176xf32>,
    %get3A_9 = arith.constant 0 : index
    %get3A_10 = arith.constant 0 : index
    %get3A_11 = vector.load %arg1[%get3A_9, %get3A_10] : memref<1x50176xf32, #tpu.memory_space<vmem>>, vector<1x50176xf32>
    %mul3A = arith.mulf %div3A_6, %get3A_11 : vector<1x50176xf32>
    %swap3A_12 = arith.constant 0 : index
    %swap3A_13 = arith.constant 0 : index
    %swap3A_14 = vector.load %arg3[%swap3A_12, %swap3A_13] : memref<1x50176xf32, #tpu.memory_space<vmem>>, vector<1x50176xf32>
    tpu.vector_store %arg3[%swap3A_12, %swap3A_13], %mul3A {strides = array<i32>} : memref<1x50176xf32, #tpu.memory_space<vmem>>, vector<1x50176xf32>,
    return
  }
}

module attributes {stable_mosaic.version = 14 : i64} {
  func.func @_tc2a_body(%arg0: memref<32x50176xf32, #tpu.memory_space<vmem>>, %arg1: memref<1x50176xf32, #tpu.memory_space<vmem>>, %arg2: memref<1x50176xf32, #tpu.memory_space<vmem>>, %arg3: memref<1x50176xf32, #tpu.memory_space<vmem>>) attributes {dimension_semantics = [], scalar_prefetch = 0 : i64, scratch_operands = 0 : i64, tpu.core_type = #tpu.core_type<tc>} {
    %get3A = arith.constant 0 : index
    %get3A_0 = arith.constant 0 : index
    %get3A_1 = vector.load %arg1[%get3A, %get3A_0] : memref<1x50176xf32, #tpu.memory_space<vmem>>, vector<1x50176xf32>
    %get3A_2 = arith.constant 0 : index
    %get3A_3 = arith.constant 0 : index
    %get3A_4 = vector.load %arg0[%get3A_2, %get3A_3] : memref<32x50176xf32, #tpu.memory_space<vmem>>, vector<32x50176xf32>
    %reduce_sum3A = arith.constant dense<0.000000e+00> : vector<50176xf32>
    %reduce_sum3A_5 = vector.multi_reduction <add>, %get3A_4, %reduce_sum3A [0] : vector<32x50176xf32> to vector<50176xf32>
    %broadcast_in_dim3A = vector.shape_cast %reduce_sum3A_5 : vector<50176xf32> to vector<1x50176xf32>
    %mul3A = arith.mulf %get3A_1, %broadcast_in_dim3A : vector<1x50176xf32>
    %get3A_6 = arith.constant 0 : index
    %get3A_7 = arith.constant 0 : index
    %get3A_8 = vector.load %arg2[%get3A_6, %get3A_7] : memref<1x50176xf32, #tpu.memory_space<vmem>>, vector<1x50176xf32>
    %mul3A_9 = arith.mulf %get3A_1, %get3A_8 : vector<1x50176xf32>
    %add3A = arith.addf %mul3A, %mul3A_9 : vector<1x50176xf32>
    %swap3A = arith.constant 0 : index
    %swap3A_10 = arith.constant 0 : index
    %swap3A_11 = vector.load %arg3[%swap3A, %swap3A_10] : memref<1x50176xf32, #tpu.memory_space<vmem>>, vector<1x50176xf32>
    tpu.vector_store %arg3[%swap3A, %swap3A_10], %add3A {strides = array<i32>} : memref<1x50176xf32, #tpu.memory_space<vmem>>, vector<1x50176xf32>,
    return
  }
}

module attributes {stable_mosaic.version = 14 : i64} {
  func.func @_tc2b_body(%arg0: i32, %arg1: memref<512x1xf32, #tpu.memory_space<vmem>>, %arg2: memref<512x1xf32, #tpu.memory_space<vmem>>, %arg3: memref<1x320xf32, #tpu.memory_space<vmem>>, %arg4: memref<320x320xf32, #tpu.memory_space<vmem>>, %arg5: memref<10x512x32xf32, #tpu.memory_space<vmem>>) attributes {dimension_semantics = [#tpu.dimension_semantics<arbitrary>], iteration_bounds = array<i64: 98>, scalar_prefetch = 0 : i64, scratch_operands = 0 : i64, tpu.core_type = #tpu.core_type<tc>, window_params = [{transform_indices = @transform_0, window_bounds = array<i64: 512, 1>}, {transform_indices = @transform_1, window_bounds = array<i64: 512, 1>}, {pipeline_mode = #tpu.pipeline_mode<synchronous>, transform_indices = @transform_2, window_bounds = array<i64: 1, 320>}, {pipeline_mode = #tpu.pipeline_mode<synchronous>, transform_indices = @transform_3, window_bounds = array<i64: 320, 320>}, {transform_indices = @transform_4, window_bounds = array<i64: 10, 512, 32>}]} {
    %get3A = arith.constant 0 : index
    %get3A_0 = arith.constant 0 : index
    %get3A_1 = vector.load %arg1[%get3A, %get3A_0] : memref<512x1xf32, #tpu.memory_space<vmem>>, vector<512x1xf32>
    %get3A_2 = arith.constant 0 : index
    %get3A_3 = arith.constant 0 : index
    %get3A_4 = vector.load %arg3[%get3A_2, %get3A_3] : memref<1x320xf32, #tpu.memory_space<vmem>>, vector<1x320xf32>
    %mul3A = vector.broadcast %get3A_1 : vector<512x1xf32> to vector<512x320xf32>
    %mul3A_5 = vector.broadcast %get3A_4 : vector<1x320xf32> to vector<512x320xf32>
    %mul3A_6 = arith.mulf %mul3A, %mul3A_5 : vector<512x320xf32>
    %max3A = arith.constant 0.000000e+00 : f32
    %max3A_7 = vector.broadcast %max3A : f32 to vector<512x320xf32>
    %max3A_8 = arith.maximumf %mul3A_6, %max3A_7 : vector<512x320xf32>
    %get3A_9 = arith.constant 0 : index
    %get3A_10 = arith.constant 0 : index
    %get3A_11 = vector.load %arg4[%get3A_9, %get3A_10] : memref<320x320xf32, #tpu.memory_space<vmem>>, vector<320x320xf32>
    %dot_general3A = arith.constant dense<0.000000e+00> : vector<512x320xf32>
    %dot_general3A_12 = tpu.matmul %max3A_8, %get3A_11, %dot_general3A {dimension_numbers = #tpu.dot_dimension_numbers<[1], [0], [0], [1], [0, 0, 1, 1], [], []>, transpose_lhs_hint = false} : vector<512x320xf32>, vector<320x320xf32>, vector<512x320xf32> -> vector<512x320xf32>
    %get3A_13 = arith.constant 0 : index
    %get3A_14 = arith.constant 0 : index
    %get3A_15 = vector.load %arg2[%get3A_13, %get3A_14] : memref<512x1xf32, #tpu.memory_space<vmem>>, vector<512x1xf32>
    %mul3A_16 = vector.broadcast %get3A_15 : vector<512x1xf32> to vector<512x320xf32>
    %mul3A_17 = arith.mulf %mul3A_16, %dot_general3A_12 : vector<512x320xf32>
    %slice3A = vector.extract_strided_slice %mul3A_17 {offsets = [0, 0], sizes = [512, 32], strides = [1, 1]} : vector<512x320xf32> to vector<512x32xf32>
    %swap3A = arith.constant 0 : index
    %swap3A_18 = arith.constant 0 : index
    %swap3A_19 = arith.constant 0 : index
    %swap3A_20 = vector.load %arg5[%swap3A, %swap3A_18, %swap3A_19] : memref<10x512x32xf32, #tpu.memory_space<vmem>>, vector<1x512x32xf32>
    %swap3A_21 = vector.shape_cast %swap3A_20 : vector<1x512x32xf32> to vector<512x32xf32>
    %swap3A_22 = vector.shape_cast %slice3A : vector<512x32xf32> to vector<1x512x32xf32>
    tpu.vector_store %arg5[%swap3A, %swap3A_18, %swap3A_19], %swap3A_22 {strides = array<i32>} : memref<10x512x32xf32, #tpu.memory_space<vmem>>, vector<1x512x32xf32>,
    %slice3A_23 = vector.extract_strided_slice %mul3A_17 {offsets = [0, 32], sizes = [512, 32], strides = [1, 1]} : vector<512x320xf32> to vector<512x32xf32>
    %swap3A_24 = arith.constant 1 : index
    %swap3A_25 = arith.constant 0 : index
    %swap3A_26 = arith.constant 0 : index
    %swap3A_27 = vector.load %arg5[%swap3A_24, %swap3A_25, %swap3A_26] : memref<10x512x32xf32, #tpu.memory_space<vmem>>, vector<1x512x32xf32>
    %swap3A_28 = vector.shape_cast %swap3A_27 : vector<1x512x32xf32> to vector<512x32xf32>
    %swap3A_29 = vector.shape_cast %slice3A_23 : vector<512x32xf32> to vector<1x512x32xf32>
    tpu.vector_store %arg5[%swap3A_24, %swap3A_25, %swap3A_26], %swap3A_29 {strides = array<i32>} : memref<10x512x32xf32, #tpu.memory_space<vmem>>, vector<1x512x32xf32>,
    %slice3A_30 = vector.extract_strided_slice %mul3A_17 {offsets = [0, 64], sizes = [512, 32], strides = [1, 1]} : vector<512x320xf32> to vector<512x32xf32>
    %swap3A_31 = arith.constant 2 : index
    %swap3A_32 = arith.constant 0 : index
    %swap3A_33 = arith.constant 0 : index
    %swap3A_34 = vector.load %arg5[%swap3A_31, %swap3A_32, %swap3A_33] : memref<10x512x32xf32, #tpu.memory_space<vmem>>, vector<1x512x32xf32>
    %swap3A_35 = vector.shape_cast %swap3A_34 : vector<1x512x32xf32> to vector<512x32xf32>
    %swap3A_36 = vector.shape_cast %slice3A_30 : vector<512x32xf32> to vector<1x512x32xf32>
    tpu.vector_store %arg5[%swap3A_31, %swap3A_32, %swap3A_33], %swap3A_36 {strides = array<i32>} : memref<10x512x32xf32, #tpu.memory_space<vmem>>, vector<1x512x32xf32>,
    %slice3A_37 = vector.extract_strided_slice %mul3A_17 {offsets = [0, 96], sizes = [512, 32], strides = [1, 1]} : vector<512x320xf32> to vector<512x32xf32>
    %swap3A_38 = arith.constant 3 : index
    %swap3A_39 = arith.constant 0 : index
    %swap3A_40 = arith.constant 0 : index
    %swap3A_41 = vector.load %arg5[%swap3A_38, %swap3A_39, %swap3A_40] : memref<10x512x32xf32, #tpu.memory_space<vmem>>, vector<1x512x32xf32>
    %swap3A_42 = vector.shape_cast %swap3A_41 : vector<1x512x32xf32> to vector<512x32xf32>
    %swap3A_43 = vector.shape_cast %slice3A_37 : vector<512x32xf32> to vector<1x512x32xf32>
    tpu.vector_store %arg5[%swap3A_38, %swap3A_39, %swap3A_40], %swap3A_43 {strides = array<i32>} : memref<10x512x32xf32, #tpu.memory_space<vmem>>, vector<1x512x32xf32>,
    %slice3A_44 = vector.extract_strided_slice %mul3A_17 {offsets = [0, 128], sizes = [512, 32], strides = [1, 1]} : vector<512x320xf32> to vector<512x32xf32>
    %swap3A_45 = arith.constant 4 : index
    %swap3A_46 = arith.constant 0 : index
    %swap3A_47 = arith.constant 0 : index
    %swap3A_48 = vector.load %arg5[%swap3A_45, %swap3A_46, %swap3A_47] : memref<10x512x32xf32, #tpu.memory_space<vmem>>, vector<1x512x32xf32>
    %swap3A_49 = vector.shape_cast %swap3A_48 : vector<1x512x32xf32> to vector<512x32xf32>
    %swap3A_50 = vector.shape_cast %slice3A_44 : vector<512x32xf32> to vector<1x512x32xf32>
    tpu.vector_store %arg5[%swap3A_45, %swap3A_46, %swap3A_47], %swap3A_50 {strides = array<i32>} : memref<10x512x32xf32, #tpu.memory_space<vmem>>, vector<1x512x32xf32>,
    %slice3A_51 = vector.extract_strided_slice %mul3A_17 {offsets = [0, 160], sizes = [512, 32], strides = [1, 1]} : vector<512x320xf32> to vector<512x32xf32>
    %swap3A_52 = arith.constant 5 : index
    %swap3A_53 = arith.constant 0 : index
    %swap3A_54 = arith.constant 0 : index
    %swap3A_55 = vector.load %arg5[%swap3A_52, %swap3A_53, %swap3A_54] : memref<10x512x32xf32, #tpu.memory_space<vmem>>, vector<1x512x32xf32>
    %swap3A_56 = vector.shape_cast %swap3A_55 : vector<1x512x32xf32> to vector<512x32xf32>
    %swap3A_57 = vector.shape_cast %slice3A_51 : vector<512x32xf32> to vector<1x512x32xf32>
    tpu.vector_store %arg5[%swap3A_52, %swap3A_53, %swap3A_54], %swap3A_57 {strides = array<i32>} : memref<10x512x32xf32, #tpu.memory_space<vmem>>, vector<1x512x32xf32>,
    %slice3A_58 = vector.extract_strided_slice %mul3A_17 {offsets = [0, 192], sizes = [512, 32], strides = [1, 1]} : vector<512x320xf32> to vector<512x32xf32>
    %swap3A_59 = arith.constant 6 : index
    %swap3A_60 = arith.constant 0 : index
    %swap3A_61 = arith.constant 0 : index
    %swap3A_62 = vector.load %arg5[%swap3A_59, %swap3A_60, %swap3A_61] : memref<10x512x32xf32, #tpu.memory_space<vmem>>, vector<1x512x32xf32>
    %swap3A_63 = vector.shape_cast %swap3A_62 : vector<1x512x32xf32> to vector<512x32xf32>
    %swap3A_64 = vector.shape_cast %slice3A_58 : vector<512x32xf32> to vector<1x512x32xf32>
    tpu.vector_store %arg5[%swap3A_59, %swap3A_60, %swap3A_61], %swap3A_64 {strides = array<i32>} : memref<10x512x32xf32, #tpu.memory_space<vmem>>, vector<1x512x32xf32>,
    %slice3A_65 = vector.extract_strided_slice %mul3A_17 {offsets = [0, 224], sizes = [512, 32], strides = [1, 1]} : vector<512x320xf32> to vector<512x32xf32>
    %swap3A_66 = arith.constant 7 : index
    %swap3A_67 = arith.constant 0 : index
    %swap3A_68 = arith.constant 0 : index
    %swap3A_69 = vector.load %arg5[%swap3A_66, %swap3A_67, %swap3A_68] : memref<10x512x32xf32, #tpu.memory_space<vmem>>, vector<1x512x32xf32>
    %swap3A_70 = vector.shape_cast %swap3A_69 : vector<1x512x32xf32> to vector<512x32xf32>
    %swap3A_71 = vector.shape_cast %slice3A_65 : vector<512x32xf32> to vector<1x512x32xf32>
    tpu.vector_store %arg5[%swap3A_66, %swap3A_67, %swap3A_68], %swap3A_71 {strides = array<i32>} : memref<10x512x32xf32, #tpu.memory_space<vmem>>, vector<1x512x32xf32>,
    %slice3A_72 = vector.extract_strided_slice %mul3A_17 {offsets = [0, 256], sizes = [512, 32], strides = [1, 1]} : vector<512x320xf32> to vector<512x32xf32>
    %swap3A_73 = arith.constant 8 : index
    %swap3A_74 = arith.constant 0 : index
    %swap3A_75 = arith.constant 0 : index
    %swap3A_76 = vector.load %arg5[%swap3A_73, %swap3A_74, %swap3A_75] : memref<10x512x32xf32, #tpu.memory_space<vmem>>, vector<1x512x32xf32>
    %swap3A_77 = vector.shape_cast %swap3A_76 : vector<1x512x32xf32> to vector<512x32xf32>
    %swap3A_78 = vector.shape_cast %slice3A_72 : vector<512x32xf32> to vector<1x512x32xf32>
    tpu.vector_store %arg5[%swap3A_73, %swap3A_74, %swap3A_75], %swap3A_78 {strides = array<i32>} : memref<10x512x32xf32, #tpu.memory_space<vmem>>, vector<1x512x32xf32>,
    %slice3A_79 = vector.extract_strided_slice %mul3A_17 {offsets = [0, 288], sizes = [512, 32], strides = [1, 1]} : vector<512x320xf32> to vector<512x32xf32>
    %swap3A_80 = arith.constant 9 : index
    %swap3A_81 = arith.constant 0 : index
    %swap3A_82 = arith.constant 0 : index
    %swap3A_83 = vector.load %arg5[%swap3A_80, %swap3A_81, %swap3A_82] : memref<10x512x32xf32, #tpu.memory_space<vmem>>, vector<1x512x32xf32>
    %swap3A_84 = vector.shape_cast %swap3A_83 : vector<1x512x32xf32> to vector<512x32xf32>
    %swap3A_85 = vector.shape_cast %slice3A_79 : vector<512x32xf32> to vector<1x512x32xf32>
    tpu.vector_store %arg5[%swap3A_80, %swap3A_81, %swap3A_82], %swap3A_85 {strides = array<i32>} : memref<10x512x32xf32, #tpu.memory_space<vmem>>, vector<1x512x32xf32>,
    return
  }
  func.func @transform_0(%arg0: i32) -> (i32, i32) {
    %c0_i32 = arith.constant 0 : i32
    %c0_i32_0 = arith.constant 0 : i32
    return %arg0, %c0_i32 : i32, i32
  }
  func.func @transform_1(%arg0: i32) -> (i32, i32) {
    %c0_i32 = arith.constant 0 : i32
    %c0_i32_0 = arith.constant 0 : i32
    return %arg0, %c0_i32 : i32, i32
  }
  func.func @transform_2(%arg0: i32) -> (i32, i32) {
    %c0_i32 = arith.constant 0 : i32
    %c0_i32_0 = arith.constant 0 : i32
    %c0_i32_1 = arith.constant 0 : i32
    return %c0_i32, %c0_i32_0 : i32, i32
  }
  func.func @transform_3(%arg0: i32) -> (i32, i32) {
    %c0_i32 = arith.constant 0 : i32
    %c0_i32_0 = arith.constant 0 : i32
    %c0_i32_1 = arith.constant 0 : i32
    return %c0_i32, %c0_i32_0 : i32, i32
  }
  func.func @transform_4(%arg0: i32) -> (i32, i32, i32) {
    %c0_i32 = arith.constant 0 : i32
    %c0_i32_0 = arith.constant 0 : i32
    %c0_i32_1 = arith.constant 0 : i32
    return %c0_i32, %arg0, %c0_i32_0 : i32, i32, i32
  }
}

module attributes {stable_mosaic.version = 14 : i64} {
  func.func @_tc3_body(%arg0: i32, %arg1: memref<10x512x32xf32, #tpu.memory_space<vmem>>, %arg2: memref<10x512x32xf32, #tpu.memory_space<vmem>>, %arg3: memref<512x1xf32, #tpu.memory_space<vmem>>, %arg4: memref<1x320xf32, #tpu.memory_space<vmem>>, %arg5: memref<320x64xf32, #tpu.memory_space<vmem>>, %arg6: memref<2x512x32xf32, #tpu.memory_space<vmem>>) attributes {dimension_semantics = [#tpu.dimension_semantics<arbitrary>], iteration_bounds = array<i64: 98>, scalar_prefetch = 0 : i64, scratch_operands = 0 : i64, tpu.core_type = #tpu.core_type<tc>, window_params = [{transform_indices = @transform_0, window_bounds = array<i64: 10, 512, 32>}, {transform_indices = @transform_1, window_bounds = array<i64: 10, 512, 32>}, {transform_indices = @transform_2, window_bounds = array<i64: 512, 1>}, {pipeline_mode = #tpu.pipeline_mode<synchronous>, transform_indices = @transform_3, window_bounds = array<i64: 1, 320>}, {pipeline_mode = #tpu.pipeline_mode<synchronous>, transform_indices = @transform_4, window_bounds = array<i64: 320, 64>}, {transform_indices = @transform_5, window_bounds = array<i64: 2, 512, 32>}]} {
    %get3A = arith.constant 0 : index
    %get3A_0 = arith.constant 0 : index
    %get3A_1 = vector.load %arg3[%get3A, %get3A_0] : memref<512x1xf32, #tpu.memory_space<vmem>>, vector<512x1xf32>
    %get3A_2 = arith.constant 0 : index
    %get3A_3 = arith.constant 0 : index
    %get3A_4 = arith.constant 0 : index
    %get3A_5 = vector.load %arg1[%get3A_2, %get3A_3, %get3A_4] : memref<10x512x32xf32, #tpu.memory_space<vmem>>, vector<1x512x32xf32>
    %get3A_6 = vector.shape_cast %get3A_5 : vector<1x512x32xf32> to vector<512x32xf32>
    %get3A_7 = arith.constant 1 : index
    %get3A_8 = arith.constant 0 : index
    %get3A_9 = arith.constant 0 : index
    %get3A_10 = vector.load %arg1[%get3A_7, %get3A_8, %get3A_9] : memref<10x512x32xf32, #tpu.memory_space<vmem>>, vector<1x512x32xf32>
    %get3A_11 = vector.shape_cast %get3A_10 : vector<1x512x32xf32> to vector<512x32xf32>
    %get3A_12 = arith.constant 2 : index
    %get3A_13 = arith.constant 0 : index
    %get3A_14 = arith.constant 0 : index
    %get3A_15 = vector.load %arg1[%get3A_12, %get3A_13, %get3A_14] : memref<10x512x32xf32, #tpu.memory_space<vmem>>, vector<1x512x32xf32>
    %get3A_16 = vector.shape_cast %get3A_15 : vector<1x512x32xf32> to vector<512x32xf32>
    %get3A_17 = arith.constant 3 : index
    %get3A_18 = arith.constant 0 : index
    %get3A_19 = arith.constant 0 : index
    %get3A_20 = vector.load %arg1[%get3A_17, %get3A_18, %get3A_19] : memref<10x512x32xf32, #tpu.memory_space<vmem>>, vector<1x512x32xf32>
    %get3A_21 = vector.shape_cast %get3A_20 : vector<1x512x32xf32> to vector<512x32xf32>
    %get3A_22 = arith.constant 4 : index
    %get3A_23 = arith.constant 0 : index
    %get3A_24 = arith.constant 0 : index
    %get3A_25 = vector.load %arg1[%get3A_22, %get3A_23, %get3A_24] : memref<10x512x32xf32, #tpu.memory_space<vmem>>, vector<1x512x32xf32>
    %get3A_26 = vector.shape_cast %get3A_25 : vector<1x512x32xf32> to vector<512x32xf32>
    %get3A_27 = arith.constant 5 : index
    %get3A_28 = arith.constant 0 : index
    %get3A_29 = arith.constant 0 : index
    %get3A_30 = vector.load %arg1[%get3A_27, %get3A_28, %get3A_29] : memref<10x512x32xf32, #tpu.memory_space<vmem>>, vector<1x512x32xf32>
    %get3A_31 = vector.shape_cast %get3A_30 : vector<1x512x32xf32> to vector<512x32xf32>
    %get3A_32 = arith.constant 6 : index
    %get3A_33 = arith.constant 0 : index
    %get3A_34 = arith.constant 0 : index
    %get3A_35 = vector.load %arg1[%get3A_32, %get3A_33, %get3A_34] : memref<10x512x32xf32, #tpu.memory_space<vmem>>, vector<1x512x32xf32>
    %get3A_36 = vector.shape_cast %get3A_35 : vector<1x512x32xf32> to vector<512x32xf32>
    %get3A_37 = arith.constant 7 : index
    %get3A_38 = arith.constant 0 : index
    %get3A_39 = arith.constant 0 : index
    %get3A_40 = vector.load %arg1[%get3A_37, %get3A_38, %get3A_39] : memref<10x512x32xf32, #tpu.memory_space<vmem>>, vector<1x512x32xf32>
    %get3A_41 = vector.shape_cast %get3A_40 : vector<1x512x32xf32> to vector<512x32xf32>
    %get3A_42 = arith.constant 8 : index
    %get3A_43 = arith.constant 0 : index
    %get3A_44 = arith.constant 0 : index
    %get3A_45 = vector.load %arg1[%get3A_42, %get3A_43, %get3A_44] : memref<10x512x32xf32, #tpu.memory_space<vmem>>, vector<1x512x32xf32>
    %get3A_46 = vector.shape_cast %get3A_45 : vector<1x512x32xf32> to vector<512x32xf32>
    %get3A_47 = arith.constant 9 : index
    %get3A_48 = arith.constant 0 : index
    %get3A_49 = arith.constant 0 : index
    %get3A_50 = vector.load %arg1[%get3A_47, %get3A_48, %get3A_49] : memref<10x512x32xf32, #tpu.memory_space<vmem>>, vector<1x512x32xf32>
    %get3A_51 = vector.shape_cast %get3A_50 : vector<1x512x32xf32> to vector<512x32xf32>
    %concatenate3A = tpu.concatenate %get3A_6, %get3A_11, %get3A_16, %get3A_21, %get3A_26, %get3A_31, %get3A_36, %get3A_41, %get3A_46, %get3A_51 in 1 : vector<512x32xf32>, vector<512x32xf32>, vector<512x32xf32>, vector<512x32xf32>, vector<512x32xf32>, vector<512x32xf32>, vector<512x32xf32>, vector<512x32xf32>, vector<512x32xf32>, vector<512x32xf32> -> vector<512x320xf32>
    %get3A_52 = arith.constant 0 : index
    %get3A_53 = arith.constant 0 : index
    %get3A_54 = arith.constant 0 : index
    %get3A_55 = vector.load %arg2[%get3A_52, %get3A_53, %get3A_54] : memref<10x512x32xf32, #tpu.memory_space<vmem>>, vector<1x512x32xf32>
    %get3A_56 = vector.shape_cast %get3A_55 : vector<1x512x32xf32> to vector<512x32xf32>
    %get3A_57 = arith.constant 1 : index
    %get3A_58 = arith.constant 0 : index
    %get3A_59 = arith.constant 0 : index
    %get3A_60 = vector.load %arg2[%get3A_57, %get3A_58, %get3A_59] : memref<10x512x32xf32, #tpu.memory_space<vmem>>, vector<1x512x32xf32>
    %get3A_61 = vector.shape_cast %get3A_60 : vector<1x512x32xf32> to vector<512x32xf32>
    %get3A_62 = arith.constant 2 : index
    %get3A_63 = arith.constant 0 : index
    %get3A_64 = arith.constant 0 : index
    %get3A_65 = vector.load %arg2[%get3A_62, %get3A_63, %get3A_64] : memref<10x512x32xf32, #tpu.memory_space<vmem>>, vector<1x512x32xf32>
    %get3A_66 = vector.shape_cast %get3A_65 : vector<1x512x32xf32> to vector<512x32xf32>
    %get3A_67 = arith.constant 3 : index
    %get3A_68 = arith.constant 0 : index
    %get3A_69 = arith.constant 0 : index
    %get3A_70 = vector.load %arg2[%get3A_67, %get3A_68, %get3A_69] : memref<10x512x32xf32, #tpu.memory_space<vmem>>, vector<1x512x32xf32>
    %get3A_71 = vector.shape_cast %get3A_70 : vector<1x512x32xf32> to vector<512x32xf32>
    %get3A_72 = arith.constant 4 : index
    %get3A_73 = arith.constant 0 : index
    %get3A_74 = arith.constant 0 : index
    %get3A_75 = vector.load %arg2[%get3A_72, %get3A_73, %get3A_74] : memref<10x512x32xf32, #tpu.memory_space<vmem>>, vector<1x512x32xf32>
    %get3A_76 = vector.shape_cast %get3A_75 : vector<1x512x32xf32> to vector<512x32xf32>
    %get3A_77 = arith.constant 5 : index
    %get3A_78 = arith.constant 0 : index
    %get3A_79 = arith.constant 0 : index
    %get3A_80 = vector.load %arg2[%get3A_77, %get3A_78, %get3A_79] : memref<10x512x32xf32, #tpu.memory_space<vmem>>, vector<1x512x32xf32>
    %get3A_81 = vector.shape_cast %get3A_80 : vector<1x512x32xf32> to vector<512x32xf32>
    %get3A_82 = arith.constant 6 : index
    %get3A_83 = arith.constant 0 : index
    %get3A_84 = arith.constant 0 : index
    %get3A_85 = vector.load %arg2[%get3A_82, %get3A_83, %get3A_84] : memref<10x512x32xf32, #tpu.memory_space<vmem>>, vector<1x512x32xf32>
    %get3A_86 = vector.shape_cast %get3A_85 : vector<1x512x32xf32> to vector<512x32xf32>
    %get3A_87 = arith.constant 7 : index
    %get3A_88 = arith.constant 0 : index
    %get3A_89 = arith.constant 0 : index
    %get3A_90 = vector.load %arg2[%get3A_87, %get3A_88, %get3A_89] : memref<10x512x32xf32, #tpu.memory_space<vmem>>, vector<1x512x32xf32>
    %get3A_91 = vector.shape_cast %get3A_90 : vector<1x512x32xf32> to vector<512x32xf32>
    %get3A_92 = arith.constant 8 : index
    %get3A_93 = arith.constant 0 : index
    %get3A_94 = arith.constant 0 : index
    %get3A_95 = vector.load %arg2[%get3A_92, %get3A_93, %get3A_94] : memref<10x512x32xf32, #tpu.memory_space<vmem>>, vector<1x512x32xf32>
    %get3A_96 = vector.shape_cast %get3A_95 : vector<1x512x32xf32> to vector<512x32xf32>
    %get3A_97 = arith.constant 9 : index
    %get3A_98 = arith.constant 0 : index
    %get3A_99 = arith.constant 0 : index
    %get3A_100 = vector.load %arg2[%get3A_97, %get3A_98, %get3A_99] : memref<10x512x32xf32, #tpu.memory_space<vmem>>, vector<1x512x32xf32>
    %get3A_101 = vector.shape_cast %get3A_100 : vector<1x512x32xf32> to vector<512x32xf32>
    %concatenate3A_102 = tpu.concatenate %get3A_56, %get3A_61, %get3A_66, %get3A_71, %get3A_76, %get3A_81, %get3A_86, %get3A_91, %get3A_96, %get3A_101 in 1 : vector<512x32xf32>, vector<512x32xf32>, vector<512x32xf32>, vector<512x32xf32>, vector<512x32xf32>, vector<512x32xf32>, vector<512x32xf32>, vector<512x32xf32>, vector<512x32xf32>, vector<512x32xf32> -> vector<512x320xf32>
    %add3A = arith.addf %concatenate3A, %concatenate3A_102 : vector<512x320xf32>
    %mul3A = vector.broadcast %get3A_1 : vector<512x1xf32> to vector<512x320xf32>
    %mul3A_103 = arith.mulf %mul3A, %add3A : vector<512x320xf32>
    %get3A_104 = arith.constant 0 : index
    %get3A_105 = arith.constant 0 : index
    %get3A_106 = vector.load %arg4[%get3A_104, %get3A_105] : memref<1x320xf32, #tpu.memory_space<vmem>>, vector<1x320xf32>
    %add3A_107 = vector.broadcast %get3A_106 : vector<1x320xf32> to vector<512x320xf32>
    %add3A_108 = arith.addf %mul3A_103, %add3A_107 : vector<512x320xf32>
    %max3A = arith.constant 0.000000e+00 : f32
    %max3A_109 = vector.broadcast %max3A : f32 to vector<512x320xf32>
    %max3A_110 = arith.maximumf %add3A_108, %max3A_109 : vector<512x320xf32>
    %get3A_111 = arith.constant 0 : index
    %get3A_112 = arith.constant 0 : index
    %get3A_113 = vector.load %arg5[%get3A_111, %get3A_112] : memref<320x64xf32, #tpu.memory_space<vmem>>, vector<320x64xf32>
    %dot_general3A = arith.constant dense<0.000000e+00> : vector<512x64xf32>
    %dot_general3A_114 = tpu.matmul %max3A_110, %get3A_113, %dot_general3A {dimension_numbers = #tpu.dot_dimension_numbers<[1], [0], [0], [1], [0, 0, 1, 1], [], []>, transpose_lhs_hint = false} : vector<512x320xf32>, vector<320x64xf32>, vector<512x64xf32> -> vector<512x64xf32>
    %mul3A_115 = vector.broadcast %get3A_1 : vector<512x1xf32> to vector<512x64xf32>
    %mul3A_116 = arith.mulf %mul3A_115, %dot_general3A_114 : vector<512x64xf32>
    %slice3A = vector.extract_strided_slice %mul3A_116 {offsets = [0, 0], sizes = [512, 32], strides = [1, 1]} : vector<512x64xf32> to vector<512x32xf32>
    %swap3A = arith.constant 0 : index
    %swap3A_117 = arith.constant 0 : index
    %swap3A_118 = arith.constant 0 : index
    %swap3A_119 = vector.load %arg6[%swap3A, %swap3A_117, %swap3A_118] : memref<2x512x32xf32, #tpu.memory_space<vmem>>, vector<1x512x32xf32>
    %swap3A_120 = vector.shape_cast %swap3A_119 : vector<1x512x32xf32> to vector<512x32xf32>
    %swap3A_121 = vector.shape_cast %slice3A : vector<512x32xf32> to vector<1x512x32xf32>
    tpu.vector_store %arg6[%swap3A, %swap3A_117, %swap3A_118], %swap3A_121 {strides = array<i32>} : memref<2x512x32xf32, #tpu.memory_space<vmem>>, vector<1x512x32xf32>,
    %slice3A_122 = vector.extract_strided_slice %mul3A_116 {offsets = [0, 32], sizes = [512, 32], strides = [1, 1]} : vector<512x64xf32> to vector<512x32xf32>
    %swap3A_123 = arith.constant 1 : index
    %swap3A_124 = arith.constant 0 : index
    %swap3A_125 = arith.constant 0 : index
    %swap3A_126 = vector.load %arg6[%swap3A_123, %swap3A_124, %swap3A_125] : memref<2x512x32xf32, #tpu.memory_space<vmem>>, vector<1x512x32xf32>
    %swap3A_127 = vector.shape_cast %swap3A_126 : vector<1x512x32xf32> to vector<512x32xf32>
    %swap3A_128 = vector.shape_cast %slice3A_122 : vector<512x32xf32> to vector<1x512x32xf32>
    tpu.vector_store %arg6[%swap3A_123, %swap3A_124, %swap3A_125], %swap3A_128 {strides = array<i32>} : memref<2x512x32xf32, #tpu.memory_space<vmem>>, vector<1x512x32xf32>,
    return
  }
  func.func @transform_0(%arg0: i32) -> (i32, i32, i32) {
    %c0_i32 = arith.constant 0 : i32
    %c0_i32_0 = arith.constant 0 : i32
    %c0_i32_1 = arith.constant 0 : i32
    return %c0_i32, %arg0, %c0_i32_0 : i32, i32, i32
  }
  func.func @transform_1(%arg0: i32) -> (i32, i32, i32) {
    %c0_i32 = arith.constant 0 : i32
    %c0_i32_0 = arith.constant 0 : i32
    %c0_i32_1 = arith.constant 0 : i32
    return %c0_i32, %arg0, %c0_i32_0 : i32, i32, i32
  }
  func.func @transform_2(%arg0: i32) -> (i32, i32) {
    %c0_i32 = arith.constant 0 : i32
    %c0_i32_0 = arith.constant 0 : i32
    return %arg0, %c0_i32 : i32, i32
  }
  func.func @transform_3(%arg0: i32) -> (i32, i32) {
    %c0_i32 = arith.constant 0 : i32
    %c0_i32_0 = arith.constant 0 : i32
    %c0_i32_1 = arith.constant 0 : i32
    return %c0_i32, %c0_i32_0 : i32, i32
  }
  func.func @transform_4(%arg0: i32) -> (i32, i32) {
    %c0_i32 = arith.constant 0 : i32
    %c0_i32_0 = arith.constant 0 : i32
    %c0_i32_1 = arith.constant 0 : i32
    return %c0_i32, %c0_i32_0 : i32, i32
  }
  func.func @transform_5(%arg0: i32) -> (i32, i32, i32) {
    %c0_i32 = arith.constant 0 : i32
    %c0_i32_0 = arith.constant 0 : i32
    %c0_i32_1 = arith.constant 0 : i32
    return %c0_i32, %arg0, %c0_i32_0 : i32, i32, i32
  }
}

module attributes {stable_mosaic.version = 14 : i64} {
  func.func @_tc4_body(%arg0: i32, %arg1: memref<2x512x32xf32, #tpu.memory_space<vmem>>, %arg2: memref<2x512x32xf32, #tpu.memory_space<vmem>>, %arg3: memref<512x1xf32, #tpu.memory_space<vmem>>, %arg4: memref<1x64xf32, #tpu.memory_space<vmem>>, %arg5: memref<64x1xf32, #tpu.memory_space<vmem>>, %arg6: memref<1x1xf32, #tpu.memory_space<vmem>>, %arg7: memref<512x1xf32, #tpu.memory_space<vmem>>) attributes {dimension_semantics = [#tpu.dimension_semantics<arbitrary>], iteration_bounds = array<i64: 98>, scalar_prefetch = 0 : i64, scratch_operands = 0 : i64, tpu.core_type = #tpu.core_type<tc>, window_params = [{transform_indices = @transform_0, window_bounds = array<i64: 2, 512, 32>}, {transform_indices = @transform_1, window_bounds = array<i64: 2, 512, 32>}, {transform_indices = @transform_2, window_bounds = array<i64: 512, 1>}, {pipeline_mode = #tpu.pipeline_mode<synchronous>, transform_indices = @transform_3, window_bounds = array<i64: 1, 64>}, {pipeline_mode = #tpu.pipeline_mode<synchronous>, transform_indices = @transform_4, window_bounds = array<i64: 64, 1>}, {pipeline_mode = #tpu.pipeline_mode<synchronous>, transform_indices = @transform_5, window_bounds = array<i64: 1, 1>}, {transform_indices = @transform_6, window_bounds = array<i64: 512, 1>}]} {
    %get3A = arith.constant 0 : index
    %get3A_0 = arith.constant 0 : index
    %get3A_1 = vector.load %arg3[%get3A, %get3A_0] : memref<512x1xf32, #tpu.memory_space<vmem>>, vector<512x1xf32>
    %get3A_2 = arith.constant 0 : index
    %get3A_3 = arith.constant 0 : index
    %get3A_4 = vector.load %arg4[%get3A_2, %get3A_3] : memref<1x64xf32, #tpu.memory_space<vmem>>, vector<1x64xf32>
    %get3A_5 = arith.constant 0 : index
    %get3A_6 = arith.constant 0 : index
    %get3A_7 = vector.load %arg5[%get3A_5, %get3A_6] : memref<64x1xf32, #tpu.memory_space<vmem>>, vector<64x1xf32>
    %get3A_8 = arith.constant 0 : index
    %get3A_9 = arith.constant 0 : index
    %get3A_10 = arith.constant 0 : index
    %get3A_11 = vector.load %arg1[%get3A_8, %get3A_9, %get3A_10] : memref<2x512x32xf32, #tpu.memory_space<vmem>>, vector<1x512x32xf32>
    %get3A_12 = vector.shape_cast %get3A_11 : vector<1x512x32xf32> to vector<512x32xf32>
    %get3A_13 = arith.constant 0 : index
    %get3A_14 = arith.constant 0 : index
    %get3A_15 = arith.constant 0 : index
    %get3A_16 = vector.load %arg2[%get3A_13, %get3A_14, %get3A_15] : memref<2x512x32xf32, #tpu.memory_space<vmem>>, vector<1x512x32xf32>
    %get3A_17 = vector.shape_cast %get3A_16 : vector<1x512x32xf32> to vector<512x32xf32>
    %add3A = arith.addf %get3A_12, %get3A_17 : vector<512x32xf32>
    %mul3A = vector.broadcast %get3A_1 : vector<512x1xf32> to vector<512x32xf32>
    %mul3A_18 = arith.mulf %mul3A, %add3A : vector<512x32xf32>
    %slice3A = vector.extract_strided_slice %get3A_4 {offsets = [0, 0], sizes = [1, 32], strides = [1, 1]} : vector<1x64xf32> to vector<1x32xf32>
    %add3A_19 = vector.broadcast %slice3A : vector<1x32xf32> to vector<512x32xf32>
    %add3A_20 = arith.addf %mul3A_18, %add3A_19 : vector<512x32xf32>
    %get3A_21 = arith.constant 1 : index
    %get3A_22 = arith.constant 0 : index
    %get3A_23 = arith.constant 0 : index
    %get3A_24 = vector.load %arg1[%get3A_21, %get3A_22, %get3A_23] : memref<2x512x32xf32, #tpu.memory_space<vmem>>, vector<1x512x32xf32>
    %get3A_25 = vector.shape_cast %get3A_24 : vector<1x512x32xf32> to vector<512x32xf32>
    %get3A_26 = arith.constant 1 : index
    %get3A_27 = arith.constant 0 : index
    %get3A_28 = arith.constant 0 : index
    %get3A_29 = vector.load %arg2[%get3A_26, %get3A_27, %get3A_28] : memref<2x512x32xf32, #tpu.memory_space<vmem>>, vector<1x512x32xf32>
    %get3A_30 = vector.shape_cast %get3A_29 : vector<1x512x32xf32> to vector<512x32xf32>
    %add3A_31 = arith.addf %get3A_25, %get3A_30 : vector<512x32xf32>
    %mul3A_32 = vector.broadcast %get3A_1 : vector<512x1xf32> to vector<512x32xf32>
    %mul3A_33 = arith.mulf %mul3A_32, %add3A_31 : vector<512x32xf32>
    %slice3A_34 = vector.extract_strided_slice %get3A_4 {offsets = [0, 32], sizes = [1, 32], strides = [1, 1]} : vector<1x64xf32> to vector<1x32xf32>
    %add3A_35 = vector.broadcast %slice3A_34 : vector<1x32xf32> to vector<512x32xf32>
    %add3A_36 = arith.addf %mul3A_33, %add3A_35 : vector<512x32xf32>
    %max3A = arith.constant 0.000000e+00 : f32
    %max3A_37 = vector.broadcast %max3A : f32 to vector<512x32xf32>
    %max3A_38 = arith.maximumf %add3A_20, %max3A_37 : vector<512x32xf32>
    %max3A_39 = arith.constant 0.000000e+00 : f32
    %max3A_40 = vector.broadcast %max3A_39 : f32 to vector<512x32xf32>
    %max3A_41 = arith.maximumf %add3A_36, %max3A_40 : vector<512x32xf32>
    %concatenate3A = tpu.concatenate %max3A_38, %max3A_41 in 1 : vector<512x32xf32>, vector<512x32xf32> -> vector<512x64xf32>
    %dot_general3A = arith.constant dense<0.000000e+00> : vector<512x1xf32>
    %dot_general3A_42 = tpu.matmul %concatenate3A, %get3A_7, %dot_general3A {dimension_numbers = #tpu.dot_dimension_numbers<[1], [0], [0], [1], [0, 0, 1, 1], [], []>, transpose_lhs_hint = false} : vector<512x64xf32>, vector<64x1xf32>, vector<512x1xf32> -> vector<512x1xf32>
    %get3A_43 = arith.constant 0 : index
    %get3A_44 = arith.constant 0 : index
    %get3A_45 = vector.load %arg6[%get3A_43, %get3A_44] : memref<1x1xf32, #tpu.memory_space<vmem>>, vector<1x1xf32>
    %add3A_46 = vector.broadcast %get3A_45 : vector<1x1xf32> to vector<512x1xf32>
    %add3A_47 = arith.addf %dot_general3A_42, %add3A_46 : vector<512x1xf32>
    %swap3A = arith.constant 0 : index
    %swap3A_48 = arith.constant 0 : index
    %swap3A_49 = vector.load %arg7[%swap3A, %swap3A_48] : memref<512x1xf32, #tpu.memory_space<vmem>>, vector<512x1xf32>
    tpu.vector_store %arg7[%swap3A, %swap3A_48], %add3A_47 {strides = array<i32>} : memref<512x1xf32, #tpu.memory_space<vmem>>, vector<512x1xf32>,
    return
  }
  func.func @transform_0(%arg0: i32) -> (i32, i32, i32) {
    %c0_i32 = arith.constant 0 : i32
    %c0_i32_0 = arith.constant 0 : i32
    %c0_i32_1 = arith.constant 0 : i32
    return %c0_i32, %arg0, %c0_i32_0 : i32, i32, i32
  }
  func.func @transform_1(%arg0: i32) -> (i32, i32, i32) {
    %c0_i32 = arith.constant 0 : i32
    %c0_i32_0 = arith.constant 0 : i32
    %c0_i32_1 = arith.constant 0 : i32
    return %c0_i32, %arg0, %c0_i32_0 : i32, i32, i32
  }
  func.func @transform_2(%arg0: i32) -> (i32, i32) {
    %c0_i32 = arith.constant 0 : i32
    %c0_i32_0 = arith.constant 0 : i32
    return %arg0, %c0_i32 : i32, i32
  }
  func.func @transform_3(%arg0: i32) -> (i32, i32) {
    %c0_i32 = arith.constant 0 : i32
    %c0_i32_0 = arith.constant 0 : i32
    %c0_i32_1 = arith.constant 0 : i32
    return %c0_i32, %c0_i32_0 : i32, i32
  }
  func.func @transform_4(%arg0: i32) -> (i32, i32) {
    %c0_i32 = arith.constant 0 : i32
    %c0_i32_0 = arith.constant 0 : i32
    %c0_i32_1 = arith.constant 0 : i32
    return %c0_i32, %c0_i32_0 : i32, i32
  }
  func.func @transform_5(%arg0: i32) -> (i32, i32) {
    %c0_i32 = arith.constant 0 : i32
    %c0_i32_0 = arith.constant 0 : i32
    %c0_i32_1 = arith.constant 0 : i32
    return %c0_i32, %c0_i32_0 : i32, i32
  }
  func.func @transform_6(%arg0: i32) -> (i32, i32) {
    %c0_i32 = arith.constant 0 : i32
    %c0_i32_0 = arith.constant 0 : i32
    return %arg0, %c0_i32 : i32, i32
  }
}

</mosaic_0001>

<sc_bundles>
// kernel: kernel.11.cloned.1.call-start
scs
__scs_entry_jumppad:
0x0: {  	(pc) =	sbr.rel $0x88, $3  }
0x1: {  	(tag) =	ssettag $0x0;
	lr =	simm.s32 $0x1  }
0x2: {  	[smem:$0x3F98] =	sst lr;
	_ =	strace $0xD0000000  }
0x3: {  	_ = 	snop  }
0x4: {  	_ = 	snop  }
0x5: {  	_ = 	snop  }
0x6: {  	_ = 	snop  }
0x7: {  	_ = 	snop  }
__scs_overlays_trampoline_lowered:
0x8: {  	[smem:$0x3FA7] =	sst s0  }
0x9: {  	[smem:$0x3FA8] =	sst s1  }
0xa: {  	[smem:$0x3FA9] =	sst s2  }
0xb: {  	[smem:$0x3FAA] =	sst s3  }
0xc: {  	[smem:$0x3FAB] =	sst s4  }
0xd: {  	[smem:$0x3FAC] =	sst s5  }
0xe: {  	[smem:$0x3FAD] =	sst s6  }
0xf: {  	[smem:$0x3FAE] =	sst s7  }
0x10: {  	[smem:$0x3FAF] =	sst s8  }
0x11: {  	[smem:$0x3FB0] =	sst s9;
	s0 =	simm.s32 @!p0 $0x0  }
0x12: {  	s1 =	sld [smem:$0x3F96];
	s0 =	simm.s32 @p0 $0x1  }
0x13: {  	[smem:$0x3FB1] =	sst s0;
	s0 =	simm.s32 @!p1 $0x0  }
0x14: {  	s2 =	sld [smem:$0x3F95];
	s0 =	simm.s32 @p1 $0x1  }
0x15: {  	[smem:$0x3FB2] =	sst s0;
	s0 =	simm.s32 @!p2 $0x0  }
0x16: {  	s3 =	sld [smem:$0x3FDB];
	s0 =	simm.s32 @p2 $0x1  }
0x17: {  	s4 =	simm.s32 $0x1BF5;
	[smem:$0x3FB4] =	sst s0  }
0x18: {  	s0 =	sld [smem:$0x3F97];
	_ =	swait.ge [sflag:s4], $0x0  }
0x19: {  	s7 =	sld [smem:$0x3F98]  }
0x1a: {  	s8 =	sadd.s32 $0xFFFFE003, lr  }
0x1b: {  	s9 =	sadd.s32 $0xFFFFFEF7, lr;
	s5 =	simm.s32 $0xFFFFFFFF;
	p2 =	slt.u32 s8, $0xFFFFF086  }
0x1c: {  	p1 =	slt.u32 s9, $0xF7A;
	s5 =	simm.s32 @!p2 $0x0  }
0x1d: {  	s5 =	simm.s32 @p1 $0x1;
	p0 =	seq.s32 s7, s2  }
0x1e: {  	s7 =	smul.u32 @!p0 $0xF7A, s2;
	p2 =	seq.s32 @!p0 s5, $0x0  }
0x1f: {  	s9 =	smul.u32 $0xF7A, s1;
	s8 =	simm.s32 @!p0 $0x1BF5;
	p2 =	por !p2, p0  }
0x20: {  	[sflag:s8] =	ssyncset.s32 @!p0 $0xFFFFF086;
	s6 =	sadd.s32 @!p0 s3, s7;
	s7 =	simm.s32 @!p0 $0x108  }
0x21: {  	s3 =	sadd.s32 s3, s9;
	s6 =	sadd.s32 @!p0 $0x88, s6;
	s7 =	simm.s32 @p2 $0x1082  }
0x22: {  	[simem:s7], [sflag:s8] =	dma.local @!p0 [hbm:s6], $0xF7A  }
0x23: {  	s9 =	sor.u32 $0xD0000000, s2;
	s6 =	simm.s32 $0x108;
	_ =	swait.ge @!p0 [sflag:s8], $0x0  }
0x24: {  	s3 =	sadd.s32 $0x88, s3;
	s6 =	simm.s32 @!p1 $0x1082;
	[sflag:s4] =	ssyncset.s32 $0xFFFFF086  }
0x25: {  	[simem:s6], [sflag:s4] =	dma.local [hbm:s3], $0xF7A  }
0x26: {  	[smem:$0x3F98] =	sst s1;
	(tag) =	ssettag s2;
	_ =	strace s9  }
0x27: {  	s1 =	sld [smem:$0x3FA8]  }
0x28: {  	s2 =	sld [smem:$0x3FA9]  }
0x29: {  	s4 =	sld [smem:$0x3FAB]  }
0x2a: {  	p0 =	seq.s32 s5, $0x0;
	s5 =	sld [smem:$0x3FAC]  }
0x2b: {  	s6 =	sld [smem:$0x3FAD]  }
0x2c: {  	s7 =	sld [smem:$0x3FAE]  }
0x2d: {  	s3 =	simm.s32 $0x108;
	s8 =	sld [smem:$0x3FAF]  }
0x2e: {  	s3 =	simm.s32 @!p0 $0x1082;
	s9 =	sld [smem:$0x3FB0]  }
0x2f: {  	lr =	sadd.s32 s0, s3;
	s0 =	sld [smem:$0x3FA7]  }
0x30: {  	s3 =	sld [smem:$0x3FAA]  }
0x31: {  	[smem:$0x3FB3] =	sst s10  }
0x32: {  	s10 =	sld [smem:$0x3FB1];
	_ =	sdelay $0x3  }
0x33: {  	p0 =	seq.s32 s10, $0x1;
	s10 =	sld [smem:$0x3FB3];
	_ =	sdelay $0x3  }
0x34: {  	[smem:$0x3FB3] =	sst s10  }
0x35: {  	s10 =	sld [smem:$0x3FB2];
	_ =	sdelay $0x3  }
0x36: {  	p1 =	seq.s32 s10, $0x1;
	s10 =	sld [smem:$0x3FB3];
	_ =	sdelay $0x3  }
0x37: {  	[smem:$0x3FB3] =	sst s10  }
0x38: {  	s10 =	sld [smem:$0x3FB4]  }
0x39: {  	_ = 	snop;
	(pc) =	sbr.ind lr, $3  }
0x3a: {  	_ = 	snop  }
0x3b: {  	_ = 	snop  }
0x3c: {  	p2 =	seq.s32 s10, $0x1;
	s10 =	sld [smem:$0x3FB3]  }
0x3d: {  	_ =	shalt  }
0x3e: {  	_ =	shalt  }
0x3f: {  	_ =	shalt  }
0x40: {  	_ =	shalt  }
0x41: {  	_ =	shalt  }
0x42: {  	_ =	shalt  }
0x43: {  	_ =	shalt  }
0x44: {  	_ =	shalt  }
0x45: {  	_ =	shalt  }
0x46: {  	_ =	shalt  }
0x47: {  	_ =	shalt  }
0x48: {  	_ =	shalt  }
0x49: {  	_ =	shalt  }
0x4a: {  	_ =	shalt  }
0x4b: {  	_ =	shalt  }
0x4c: {  	_ =	shalt  }
0x4d: {  	_ =	shalt  }
0x4e: {  	_ =	shalt  }
0x4f: {  	_ =	shalt  }
0x50: {  	_ =	shalt  }
0x51: {  	_ =	shalt  }
0x52: {  	_ =	shalt  }
0x53: {  	_ =	shalt  }
0x54: {  	_ =	shalt  }
0x55: {  	_ =	shalt  }
0x56: {  	_ =	shalt  }
0x57: {  	_ =	shalt  }
0x58: {  	_ =	shalt  }
0x59: {  	_ =	shalt  }
0x5a: {  	_ =	shalt  }
0x5b: {  	_ =	shalt  }
0x5c: {  	_ =	shalt  }
0x5d: {  	_ =	shalt  }
0x5e: {  	_ =	shalt  }
0x5f: {  	_ =	shalt  }
0x60: {  	_ =	shalt  }
0x61: {  	_ =	shalt  }
0x62: {  	_ =	shalt  }
0x63: {  	_ =	shalt  }
0x64: {  	_ =	shalt  }
0x65: {  	_ =	shalt  }
0x66: {  	_ =	shalt  }
0x67: {  	_ =	shalt  }
0x68: {  	_ =	shalt  }
0x69: {  	_ =	shalt  }
0x6a: {  	_ =	shalt  }
0x6b: {  	_ =	shalt  }
0x6c: {  	_ =	shalt  }
0x6d: {  	_ =	shalt  }
0x6e: {  	_ =	shalt  }
0x6f: {  	_ =	shalt  }
0x70: {  	_ =	shalt  }
0x71: {  	_ =	shalt  }
0x72: {  	_ =	shalt  }
0x73: {  	_ =	shalt  }
0x74: {  	_ =	shalt  }
0x75: {  	_ =	shalt  }
0x76: {  	_ =	shalt  }
0x77: {  	_ =	shalt  }
0x78: {  	_ =	shalt  }
0x79: {  	_ =	shalt  }
0x7a: {  	_ =	shalt  }
0x7b: {  	_ =	shalt  }
0x7c: {  	_ =	shalt  }
0x7d: {  	_ =	shalt  }
0x7e: {  	_ =	shalt  }
0x7f: {  	_ =	shalt  }
0x80: {  	_ =	shalt  }
0x81: {  	_ =	shalt  }
0x82: {  	_ =	shalt  }
0x83: {  	_ =	shalt  }
0x84: {  	_ =	shalt  }
0x85: {  	_ =	shalt  }
0x86: {  	_ =	shalt  }
0x87: {  	_ =	shalt  }
.Lfunc_end0:
.L_simem_size_0:
called_computation_lowered:
.L_overlay_start_0:
0x88: {  	s2 =	sld [smem:$0x3FD9]  }
0x89: {  	s3 =	sld [smem:$0x3FFE];
	_ =	sdelay $0x1  }
0x8a: {  	s1 =	srdreg.scid  }
0x8b: {  	s0 =	sand.u32 $0x1, s1  }
0x8c: {  	s16 =	sshll.u32 s0, $0xA;
	s2 =	sadd.s32 s3, s2  }
0x8d: {  	s2 =	sadd.s32 s2, s16  }
0x8e: {  	[smem:$0x3FBF] =	sst s2  }
0x8f: {  	_ = 	snop  }
0x90: {  	(tm) =	ssettm $0x1  }
0x91: {  	s17 =	sld [smem:$0x3FFB];
	_ =	sdelay $0x3  }
0x92: {  	_ =	strace s17  }
0x93: {  	s2 =	sld [smem:$0x3FFC];
	_ =	sdelay $0x3  }
0x94: {  	_ =	strace s2  }
0x95: {  	s2 =	sld [smem:$0x3FFD];
	_ =	sdelay $0x3  }
0x96: {  	_ =	strace s2  }
0x97: {  	_ =	strace $0x8FFFFFFF  }
0x98: {  	s18 =	sld [smem:$0x3FDB];
	_ =	sdelay $0x1  }
0x99: {  	s19 =	simm.s32 $_scs_section_size  }
0x9a: {  	s4 =	simm.s32 $_size__tile_overlayer_lowered;
	s5 =	simm.s32 $_tile_overlayer_lowered  }
0x9b: {  	s22 =	simm.s32 $0x1BFF;
	s21 =	sshll.u32 s5, $0x1;
	s2 =	sadd.s32 s19, s18  }
0x9c: {  	s6 =	simm.s32 $0x0;
	s20 =	sshll.u32 s4, $0x1;
	s4 =	sadd.s32 s21, s2  }
0x9d: {  	[timem:s6], [sflag:s22] =	dma.local [hbm:s4], s20  }
0x9e: {  	_ =	swait.ge [sflag:s22], s20  }
0x9f: {  	s3 =	ssub.s32 $0x0, s20;
	[sflag:s22] =	ssyncset.done $0x0  }
0xa0: {  	[sflag:s22] =	ssyncadd.s32 s3;
	_ =	sdelay $0x1  }
0xa1: {  	s23 =	simm.s32 $0x1B8B  }
0xa2: {  	_ =	swait.ge [sflag:s23], $0x1  }
0xa3: {  	[sflag:s23] =	ssyncset.done $0x0  }
0xa4: {  	s25 =	simm.s32 $0x1B8E;
	s24 =	sld [smem:$0x3FFE];
	[sflag:s23] =	ssyncadd.s32 $0xFFFFFFFF  }
0xa5: {  	s26 =	simm.s32 $execute0_lowered;
	[smem:$0x3FD2] =	sst s25  }
0xa6: {  	s4 =	sshll.u32 s26, $0x1;
	_ =	strace $0x80000046;
	[dreg:$0x1] =	wrdreg $0xFFFFFFFF  }
0xa7: {  	s28 =	simm.s32 $_size_execute0_lowered;
	s2 =	sadd.s32 s2, s4;
	[dreg:$0x0] =	wrdreg $0x0  }
0xa8: {  	s4 =	sshll.u32 s28, $0x1;
	[dreg:$0x2] =	wrdreg s2  }
0xa9: {  	[dreg:$0x3] =	wrdreg s4  }
0xaa: {  	[dreg:$0x4] =	wrdreg $0xC0  }
0xab: {  	_ =	task [dreg:s6], $0x5FFFF  }
0xac: {  	[dreg:$0x1] =	wrdreg $0xFFFFFFFF  }
0xad: {  	[dreg:$0x0] =	wrdreg $0x60  }
0xae: {  	[dreg:$0x2] =	wrdreg s24  }
0xaf: {  	[dreg:$0x3] =	wrdreg $0x9  }
0xb0: {  	_ =	task.clear_ibuf [dreg:s6], $0x4FFFF;
	_ =	strace $0x90000046  }
0xb1: {  	s29 =	simm.s32 $0x9;
	_ =	strace $0x80000048  }
0xb2: {  	_ =	swait.ge [sflag:s29], $0x1  }
0xb3: {  	[sflag:s29] =	ssyncadd.s32 $0xFFFFFFFF  }
0xb4: {  	_ =	strace $0x90000048  }
0xb5: {  	_ =	sfence  }
0xb6: {  	s30 =	sld [smem:$0x0];
	_ =	sdelay $0x2  }
0xb7: {  	s31 =	sshll.u32 s1, $0xD;
	s1 =	sshrl.u32 s1, $0x2  }
0xb8: {  	s3 =	sand.u32 $0x4000, s31;
	s1 =	sadd.s32 s1, s30  }
0xb9: {  	s0 =	sor.u32 s3, s0;
	s1 =	sshll.u32 s1, $0x11  }
0xba: {  	s0 =	sor.u32 s1, s0  }
0xbb: {  	s0 =	sadd.s32 $0x8F2B, s0  }
0xbc: {  	[sflag:s0] =	ssyncadd.remote.s32 $0x1  }
0xbd: {  	_ =	sfence.sel $0xFFFF  }
0xbe: {  	[dreg:$0x0] =	wrdreg $0xFFFFFFFF;
	(pc) =	sbr.abs _section_cstart, $3  }
0xbf: {  	[dreg:$0x1] =	wrdreg $0xFFFFFFFF  }
0xc0: {  	_ =	task.clear_ibuf [dreg:s6], $0x2FFFF;
	_ =	strace $0x9FFFFFFF  }
0xc1: {  	(tm) =	ssettm $0x7FFFFFFF  }
tec
execute0_lowered:
.L_overlay_start_1:
0x0: {  	(tag) =	ssettag $0x1  }
0x1: {  	s3 =	rddreg [dreg:$0x0]  }
0x2: {  	s0 =	rddreg [dreg:$0x1];
	s2 =	simm.s32 $0x0;
	s4 =	srdreg.scid  }
0x3: {  	s1 =	stileid.u32;
	s9 =	simm.s32 $0x6200;
	s4 =	sand.u32 $0x1, s4  }
0x4: {  	s5 =	sshrl.u32 s1, $0x2;
	s6 =	sshll.u32 s1, $0x8;
	[smem:$0x7FF] =	sst s2  }
0x5: {  	s7 =	sshll.u32 s4, $0x7;
	s6 =	sand.u32 $0x300, s6;
	s8 =	smul.u32 $0x31000, s5  }
0x6: {  	s5 =	smul.u32 $0x62000, s5;
	s4 =	ssub.s32 $0x2, s4;
	s6 =	sor.u32 s7, s6  }
0x7: {  	_ =	strace $0x80000047;
	s31 =	sshrl.u32 s4, $0x1;
	s7 =	sor.u32 s8, s6  }
0x8: {  	s5 =	sor.u32 s5, s6;
	s6 =	simm.s32 $0x80;
	s7 =	sshrl.u32 s7, $0x3  }
0x9: {  	s8 =	simm.s32 $0x1;
	s5 =	sshrl.u32 s5, $0x3;
	s30 =	sadd.s32 s7, s3  }
0xa: {  	s5 =	sadd.s32 s5, s3;
	s7 =	ssub.s32 s4, s31;
	s3 =	sadd.s32 $0x1AA00, s30  }
0xb: {  	v0 =	vimm.f32 $0.0e+00;
	v1 =	vimm.f32 $1.000000000e+00;
	s4 =	sadd.s32 $0x33200, s5;
	s5 =	smax.u32 s7, $0x1;
	s7 =	simm.s32 $0x400  }
.LBB2_1:
0xc: {  	s10 =	simm.s32 $0x40;
	s11 =	simm.s32 $0x0  }
.LBB2_2:
0xd: {  	p0 =	sne.s32 s10, $0x30FC0;
	[tilespmem:s11+$0x6200] =	vst v0;
	s11 =	smov.u32 s10;
	s10 =	sadd.s32 $0x40, s10  }
.Ltmp0:
0xe: {  	(pc) =	sbr.rel @p0 .LBB2_2-.Ltmp0, $2  }
0xf: {  	_ =	sdelay $0x2  }
0x10: {  	s11 =	sshra.s32 s11, $0x2  }
0x11: {  	[tilespmem:s11+$0x6200] =	vst v0;
	s10 =	simm.s32 $0x0  }
0x12: {  	[tilespmem:s10], [sflag:$0x1] =	stream.strided.gather [hbm4b:s3+s6], $0x6200, s7, s6, $0x38;
	[tilespmem:$0x12600] =	vst v63  }
0x13: {  	_ =	swait.ge [sflag:s8], $0x6200  }
0x14: {  	[sflag:s8] =	ssyncset.done $0x0  }
0x15: {  	s11 =	simm.s32 $0x0;
	s10 =	simm.s32 $0x40;
	[sflag:s8] =	ssyncadd.s32 $0xFFFF9E00  }
.LBB2_4:
0x16: {  	p0 =	sne.s32 s10, $0x187C0;
	v2 =	vld [tilespmem:s11+$0x0];
	_ =	sdelay $0x3  }
.Ltmp1:
0x17: {  	(pc) =	sbr.rel @p0 .LBB2_4-.Ltmp1, $2  }
0x18: {  	_ =	sdelay $0x2  }
0x19: {  	s11 =	sshra.s32 s10, $0x2;
	s10 =	sadd.s32 $0x40, s10;
	[tilespmem:v2+s9+$0x0] =	vst.idx.add.f32.msk $0xffff, v1  }
0x1a: {  	v2 =	vld [tilespmem:s11+$0x0];
	_ =	sdelay $0x5  }
0x1b: {  	s2 =	sadd.s32 $0x1, s2  }
0x1c: {  	p0 =	sne.s32 s2, s5  }
.Ltmp2:
0x1d: {  	[tilespmem:v2+s9+$0x0] =	vst.idx.add.f32.msk $0xffff, v1;
	(pc) =	sbr.rel @p0 .LBB2_1-.Ltmp2, $4  }
0x1e: {  	[hbm4b:s4+s6] =	stream.strided.scatter [tilespmem:s9], [sflag:$0x1], $0xC400, s7, s6, $0x38;
	[tilespmem:$0x12600] =	vst v63  }
0x1f: {  	_ =	swait.ge [sflag:s8], $0xC400  }
0x20: {  	[sflag:s8] =	ssyncset.done $0x0  }
0x21: {  	[sflag:s8] =	ssyncadd.s32 $0xFFFF3C00  }
0x22: {  	_ =	sfence.sel $0x180000  }
0x23: {  	[bflag:$0x0] =	sbarrier.arrive $0xFFFF  }
0x24: {  	p0 =	sne.s32 s1, $0x0;
	_ =	strace $0x90000047  }
0x25: {  	s0 =	sadd.s32 @!p0 $0x100000, s0;
	[bflag:$0x2] =	sbarrier.arrive $0xFFFF  }
0x26: {  	[sflag:s0] =	ssyncadd.tile.s32 @!p0 $0x1;
	_ =	shalt  }
.Lfunc_end2:
_tile_overlayer_lowered:
.L_overlay_start_2:
0x27: {  	(tag) =	ssettag $0x2  }
0x28: {  	s0 =	rddreg [dreg:$0x0];
	s2 =	stileid.u32  }
0x29: {  	s1 =	rddreg [dreg:$0x1];
	p0 =	sne.s32 s2, $0x0  }
0x2a: {  	s3 =	rddreg [dreg:$0x2];
	[bflag:$0x3] =	sbarrier.arrive $0xFFFF;
	s2 =	simm.s32 @!p0 $0x1C01  }
0x2b: {  	[timem:s3], [sflag:s2] =	dma.local @!p0 [hbm:s0], s1  }
0x2c: {  	s0 =	simm.s32 @!p0 $0x1  }
0x2d: {  	_ =	swait.ge @!p0 [sflag:s0], s1  }
0x2e: {  	s1 =	ssub.s32 @!p0 $0x0, s1;
	[sflag:s0] =	ssyncset.done @!p0 $0x0  }
0x2f: {  	[sflag:s0] =	ssyncadd.s32 @!p0 s1  }
0x30: {  	[bflag:$0x3] =	sbarrier.arrive $0xFFFF  }
0x31: {  	_ =	shalt  }

// kernel: kernel.14.cloned.1.call-start
scs
__scs_entry_jumppad:
0x0: {  	(pc) =	sbr.rel $0x88, $3  }
0x1: {  	(tag) =	ssettag $0x0;
	lr =	simm.s32 $0x1  }
0x2: {  	[smem:$0x3F98] =	sst lr;
	_ =	strace $0xD0000000  }
0x3: {  	_ = 	snop  }
0x4: {  	_ = 	snop  }
0x5: {  	_ = 	snop  }
0x6: {  	_ = 	snop  }
0x7: {  	_ = 	snop  }
__scs_overlays_trampoline_lowered:
0x8: {  	[smem:$0x3FA7] =	sst s0  }
0x9: {  	[smem:$0x3FA8] =	sst s1  }
0xa: {  	[smem:$0x3FA9] =	sst s2  }
0xb: {  	[smem:$0x3FAA] =	sst s3  }
0xc: {  	[smem:$0x3FAB] =	sst s4  }
0xd: {  	[smem:$0x3FAC] =	sst s5  }
0xe: {  	[smem:$0x3FAD] =	sst s6  }
0xf: {  	[smem:$0x3FAE] =	sst s7  }
0x10: {  	[smem:$0x3FAF] =	sst s8  }
0x11: {  	[smem:$0x3FB0] =	sst s9;
	s0 =	simm.s32 @!p0 $0x0  }
0x12: {  	s1 =	sld [smem:$0x3F96];
	s0 =	simm.s32 @p0 $0x1  }
0x13: {  	[smem:$0x3FB1] =	sst s0;
	s0 =	simm.s32 @!p1 $0x0  }
0x14: {  	s2 =	sld [smem:$0x3F95];
	s0 =	simm.s32 @p1 $0x1  }
0x15: {  	[smem:$0x3FB2] =	sst s0;
	s0 =	simm.s32 @!p2 $0x0  }
0x16: {  	s3 =	sld [smem:$0x3FDB];
	s0 =	simm.s32 @p2 $0x1  }
0x17: {  	s4 =	simm.s32 $0x1BF5;
	[smem:$0x3FB4] =	sst s0  }
0x18: {  	s0 =	sld [smem:$0x3F97];
	_ =	swait.ge [sflag:s4], $0x0  }
0x19: {  	s7 =	sld [smem:$0x3F98]  }
0x1a: {  	s8 =	sadd.s32 $0xFFFFE003, lr  }
0x1b: {  	s9 =	sadd.s32 $0xFFFFFEF7, lr;
	s5 =	simm.s32 $0xFFFFFFFF;
	p2 =	slt.u32 s8, $0xFFFFF086  }
0x1c: {  	p1 =	slt.u32 s9, $0xF7A;
	s5 =	simm.s32 @!p2 $0x0  }
0x1d: {  	s5 =	simm.s32 @p1 $0x1;
	p0 =	seq.s32 s7, s2  }
0x1e: {  	s7 =	smul.u32 @!p0 $0xF7A, s2;
	p2 =	seq.s32 @!p0 s5, $0x0  }
0x1f: {  	s9 =	smul.u32 $0xF7A, s1;
	s8 =	simm.s32 @!p0 $0x1BF5;
	p2 =	por !p2, p0  }
0x20: {  	[sflag:s8] =	ssyncset.s32 @!p0 $0xFFFFF086;
	s6 =	sadd.s32 @!p0 s3, s7;
	s7 =	simm.s32 @!p0 $0x108  }
0x21: {  	s3 =	sadd.s32 s3, s9;
	s6 =	sadd.s32 @!p0 $0x88, s6;
	s7 =	simm.s32 @p2 $0x1082  }
0x22: {  	[simem:s7], [sflag:s8] =	dma.local @!p0 [hbm:s6], $0xF7A  }
0x23: {  	s9 =	sor.u32 $0xD0000000, s2;
	s6 =	simm.s32 $0x108;
	_ =	swait.ge @!p0 [sflag:s8], $0x0  }
0x24: {  	s3 =	sadd.s32 $0x88, s3;
	s6 =	simm.s32 @!p1 $0x1082;
	[sflag:s4] =	ssyncset.s32 $0xFFFFF086  }
0x25: {  	[simem:s6], [sflag:s4] =	dma.local [hbm:s3], $0xF7A  }
0x26: {  	[smem:$0x3F98] =	sst s1;
	(tag) =	ssettag s2;
	_ =	strace s9  }
0x27: {  	s1 =	sld [smem:$0x3FA8]  }
0x28: {  	s2 =	sld [smem:$0x3FA9]  }
0x29: {  	s4 =	sld [smem:$0x3FAB]  }
0x2a: {  	p0 =	seq.s32 s5, $0x0;
	s5 =	sld [smem:$0x3FAC]  }
0x2b: {  	s6 =	sld [smem:$0x3FAD]  }
0x2c: {  	s7 =	sld [smem:$0x3FAE]  }
0x2d: {  	s3 =	simm.s32 $0x108;
	s8 =	sld [smem:$0x3FAF]  }
0x2e: {  	s3 =	simm.s32 @!p0 $0x1082;
	s9 =	sld [smem:$0x3FB0]  }
0x2f: {  	lr =	sadd.s32 s0, s3;
	s0 =	sld [smem:$0x3FA7]  }
0x30: {  	s3 =	sld [smem:$0x3FAA]  }
0x31: {  	[smem:$0x3FB3] =	sst s10  }
0x32: {  	s10 =	sld [smem:$0x3FB1];
	_ =	sdelay $0x3  }
0x33: {  	p0 =	seq.s32 s10, $0x1;
	s10 =	sld [smem:$0x3FB3];
	_ =	sdelay $0x3  }
0x34: {  	[smem:$0x3FB3] =	sst s10  }
0x35: {  	s10 =	sld [smem:$0x3FB2];
	_ =	sdelay $0x3  }
0x36: {  	p1 =	seq.s32 s10, $0x1;
	s10 =	sld [smem:$0x3FB3];
	_ =	sdelay $0x3  }
0x37: {  	[smem:$0x3FB3] =	sst s10  }
0x38: {  	s10 =	sld [smem:$0x3FB4]  }
0x39: {  	_ = 	snop;
	(pc) =	sbr.ind lr, $3  }
0x3a: {  	_ = 	snop  }
0x3b: {  	_ = 	snop  }
0x3c: {  	p2 =	seq.s32 s10, $0x1;
	s10 =	sld [smem:$0x3FB3]  }
0x3d: {  	_ =	shalt  }
0x3e: {  	_ =	shalt  }
0x3f: {  	_ =	shalt  }
0x40: {  	_ =	shalt  }
0x41: {  	_ =	shalt  }
0x42: {  	_ =	shalt  }
0x43: {  	_ =	shalt  }
0x44: {  	_ =	shalt  }
0x45: {  	_ =	shalt  }
0x46: {  	_ =	shalt  }
0x47: {  	_ =	shalt  }
0x48: {  	_ =	shalt  }
0x49: {  	_ =	shalt  }
0x4a: {  	_ =	shalt  }
0x4b: {  	_ =	shalt  }
0x4c: {  	_ =	shalt  }
0x4d: {  	_ =	shalt  }
0x4e: {  	_ =	shalt  }
0x4f: {  	_ =	shalt  }
0x50: {  	_ =	shalt  }
0x51: {  	_ =	shalt  }
0x52: {  	_ =	shalt  }
0x53: {  	_ =	shalt  }
0x54: {  	_ =	shalt  }
0x55: {  	_ =	shalt  }
0x56: {  	_ =	shalt  }
0x57: {  	_ =	shalt  }
0x58: {  	_ =	shalt  }
0x59: {  	_ =	shalt  }
0x5a: {  	_ =	shalt  }
0x5b: {  	_ =	shalt  }
0x5c: {  	_ =	shalt  }
0x5d: {  	_ =	shalt  }
0x5e: {  	_ =	shalt  }
0x5f: {  	_ =	shalt  }
0x60: {  	_ =	shalt  }
0x61: {  	_ =	shalt  }
0x62: {  	_ =	shalt  }
0x63: {  	_ =	shalt  }
0x64: {  	_ =	shalt  }
0x65: {  	_ =	shalt  }
0x66: {  	_ =	shalt  }
0x67: {  	_ =	shalt  }
0x68: {  	_ =	shalt  }
0x69: {  	_ =	shalt  }
0x6a: {  	_ =	shalt  }
0x6b: {  	_ =	shalt  }
0x6c: {  	_ =	shalt  }
0x6d: {  	_ =	shalt  }
0x6e: {  	_ =	shalt  }
0x6f: {  	_ =	shalt  }
0x70: {  	_ =	shalt  }
0x71: {  	_ =	shalt  }
0x72: {  	_ =	shalt  }
0x73: {  	_ =	shalt  }
0x74: {  	_ =	shalt  }
0x75: {  	_ =	shalt  }
0x76: {  	_ =	shalt  }
0x77: {  	_ =	shalt  }
0x78: {  	_ =	shalt  }
0x79: {  	_ =	shalt  }
0x7a: {  	_ =	shalt  }
0x7b: {  	_ =	shalt  }
0x7c: {  	_ =	shalt  }
0x7d: {  	_ =	shalt  }
0x7e: {  	_ =	shalt  }
0x7f: {  	_ =	shalt  }
0x80: {  	_ =	shalt  }
0x81: {  	_ =	shalt  }
0x82: {  	_ =	shalt  }
0x83: {  	_ =	shalt  }
0x84: {  	_ =	shalt  }
0x85: {  	_ =	shalt  }
0x86: {  	_ =	shalt  }
0x87: {  	_ =	shalt  }
.Lfunc_end0:
.L_simem_size_0:
called_computation.1_lowered:
.L_overlay_start_0:
0x88: {  	s2 =	sld [smem:$0x3FD9]  }
0x89: {  	s3 =	sld [smem:$0x3FFE];
	_ =	sdelay $0x1  }
0x8a: {  	s1 =	srdreg.scid  }
0x8b: {  	s0 =	sand.u32 $0x1, s1  }
0x8c: {  	s16 =	sshll.u32 s0, $0xA;
	s2 =	sadd.s32 s3, s2  }
0x8d: {  	s2 =	sadd.s32 s2, s16  }
0x8e: {  	[smem:$0x3FBF] =	sst s2  }
0x8f: {  	_ = 	snop  }
0x90: {  	(tm) =	ssettm $0x1  }
0x91: {  	s17 =	sld [smem:$0x3FFB];
	_ =	sdelay $0x3  }
0x92: {  	_ =	strace s17  }
0x93: {  	s2 =	sld [smem:$0x3FFC];
	_ =	sdelay $0x3  }
0x94: {  	_ =	strace s2  }
0x95: {  	s2 =	sld [smem:$0x3FFD];
	_ =	sdelay $0x3  }
0x96: {  	_ =	strace s2  }
0x97: {  	_ =	strace $0x8FFFFFFF  }
0x98: {  	s18 =	sld [smem:$0x3FDB];
	_ =	sdelay $0x1  }
0x99: {  	s19 =	simm.s32 $_scs_section_size  }
0x9a: {  	s4 =	simm.s32 $_size__tile_overlayer_lowered;
	s5 =	simm.s32 $_tile_overlayer_lowered  }
0x9b: {  	s22 =	simm.s32 $0x1BFF;
	s21 =	sshll.u32 s5, $0x1;
	s2 =	sadd.s32 s19, s18  }
0x9c: {  	s6 =	simm.s32 $0x0;
	s20 =	sshll.u32 s4, $0x1;
	s4 =	sadd.s32 s21, s2  }
0x9d: {  	[timem:s6], [sflag:s22] =	dma.local [hbm:s4], s20  }
0x9e: {  	_ =	swait.ge [sflag:s22], s20  }
0x9f: {  	s3 =	ssub.s32 $0x0, s20;
	[sflag:s22] =	ssyncset.done $0x0  }
0xa0: {  	[sflag:s22] =	ssyncadd.s32 s3;
	_ =	sdelay $0x1  }
0xa1: {  	s23 =	simm.s32 $0x1B8B  }
0xa2: {  	_ =	swait.ge [sflag:s23], $0x1  }
0xa3: {  	[sflag:s23] =	ssyncset.done $0x0  }
0xa4: {  	s25 =	simm.s32 $0x1B8E;
	s24 =	sld [smem:$0x3FFE];
	[sflag:s23] =	ssyncadd.s32 $0xFFFFFFFF  }
0xa5: {  	s26 =	simm.s32 $execute0_lowered;
	[smem:$0x3FD2] =	sst s25  }
0xa6: {  	s4 =	sshll.u32 s26, $0x1;
	_ =	strace $0x80000049;
	[dreg:$0x1] =	wrdreg $0xFFFFFFFF  }
0xa7: {  	s28 =	simm.s32 $_size_execute0_lowered;
	s2 =	sadd.s32 s2, s4;
	[dreg:$0x0] =	wrdreg $0x0  }
0xa8: {  	s4 =	sshll.u32 s28, $0x1;
	[dreg:$0x2] =	wrdreg s2  }
0xa9: {  	[dreg:$0x3] =	wrdreg s4  }
0xaa: {  	[dreg:$0x4] =	wrdreg $0xC0  }
0xab: {  	_ =	task [dreg:s6], $0x5FFFF  }
0xac: {  	[dreg:$0x1] =	wrdreg $0xFFFFFFFF  }
0xad: {  	[dreg:$0x0] =	wrdreg $0x60  }
0xae: {  	[dreg:$0x2] =	wrdreg s24  }
0xaf: {  	[dreg:$0x3] =	wrdreg $0x9  }
0xb0: {  	_ =	task.clear_ibuf [dreg:s6], $0x4FFFF;
	_ =	strace $0x90000049  }
0xb1: {  	s29 =	simm.s32 $0x9;
	_ =	strace $0x8000004B  }
0xb2: {  	_ =	swait.ge [sflag:s29], $0x1  }
0xb3: {  	[sflag:s29] =	ssyncadd.s32 $0xFFFFFFFF  }
0xb4: {  	_ =	strace $0x9000004B  }
0xb5: {  	_ =	sfence  }
0xb6: {  	s30 =	sld [smem:$0x0];
	_ =	sdelay $0x2  }
0xb7: {  	s31 =	sshll.u32 s1, $0xD;
	s1 =	sshrl.u32 s1, $0x2  }
0xb8: {  	s3 =	sand.u32 $0x4000, s31;
	s1 =	sadd.s32 s1, s30  }
0xb9: {  	s0 =	sor.u32 s3, s0;
	s1 =	sshll.u32 s1, $0x11  }
0xba: {  	s0 =	sor.u32 s1, s0  }
0xbb: {  	s0 =	sadd.s32 $0x8F2B, s0  }
0xbc: {  	[sflag:s0] =	ssyncadd.remote.s32 $0x1  }
0xbd: {  	_ =	sfence.sel $0xFFFF  }
0xbe: {  	[dreg:$0x0] =	wrdreg $0xFFFFFFFF;
	(pc) =	sbr.abs _section_cstart, $3  }
0xbf: {  	[dreg:$0x1] =	wrdreg $0xFFFFFFFF  }
0xc0: {  	_ =	task.clear_ibuf [dreg:s6], $0x2FFFF;
	_ =	strace $0x9FFFFFFF  }
0xc1: {  	(tm) =	ssettm $0x7FFFFFFF  }
tec
execute0_lowered:
.L_overlay_start_1:
0x0: {  	(tag) =	ssettag $0x1  }
0x1: {  	s4 =	rddreg [dreg:$0x0]  }
0x2: {  	s0 =	rddreg [dreg:$0x1];
	s2 =	simm.s32 $0x0;
	s3 =	srdreg.scid  }
0x3: {  	s1 =	stileid.u32;
	s15 =	simm.s32 $0x80;
	s16 =	simm.s32 $0x400  }
0x4: {  	s17 =	simm.s32 $0x18800;
	s18 =	simm.s32 $0x1A080;
	s19 =	simm.s32 $0xC400  }
0x5: {  	s20 =	simm.s32 $0x0;
	[smem:$0x7FF] =	sst s2;
	s5 =	sand.u32 $0x1, s3  }
0x6: {  	s6 =	sshrl.u32 s1, $0x2;
	s28 =	sshll.u32 s1, $0x8;
	s3 =	sadd.s32 $0x33200, s4  }
0x7: {  	s10 =	sadd.s32 $0x7CA00, s4;
	s11 =	sadd.s32 $0x1AA00, s4;
	s9 =	smul.u32 $0x62000, s6  }
0x8: {  	s7 =	sshll.u32 s5, $0x7;
	s8 =	sand.u32 $0x300, s28;
	s6 =	smul.u32 $0x31000, s6  }
0x9: {  	_ =	strace $0x8000004A;
	s5 =	ssub.s32 $0x2, s5;
	s7 =	sor.u32 s7, s8  }
0xa: {  	s29 =	sshrl.u32 s5, $0x1;
	s8 =	sor.u32 s9, s7;
	s7 =	sor.u32 s6, s7  }
0xb: {  	s13 =	ssub.s32 s5, s29;
	s8 =	sshrl.u32 s8, $0x3;
	s6 =	sshrl.u32 s7, $0x3  }
0xc: {  	s30 =	sadd.s32 $0xC400, s7;
	s31 =	sadd.s32 $0x18800, s7;
	s14 =	sadd.s32 $0x24C00, s7  }
0xd: {  	s13 =	smax.u32 s13, $0x1;
	s12 =	sadd.s32 s8, s4;
	s4 =	sadd.s32 s10, s6  }
0xe: {  	s5 =	sadd.s32 s11, s6;
	s8 =	sshrl.u32 s30, $0x3;
	s9 =	sshrl.u32 s31, $0x3  }
0xf: {  	s14 =	sshrl.u32 s14, $0x3;
	s6 =	sadd.s32 s10, s8;
	s7 =	sadd.s32 s11, s8  }
0x10: {  	s8 =	sadd.s32 s10, s9;
	s9 =	sadd.s32 s11, s9;
	s10 =	sadd.s32 s10, s14  }
0x11: {  	v0 =	vimm.f32 $0.0e+00;
	s11 =	sadd.s32 s11, s14;
	s12 =	sadd.s32 $0x95200, s12;
	s14 =	simm.s32 $0x1  }
.LBB2_1:
0x12: {  	s21 =	simm.s32 $0x40;
	s22 =	simm.s32 $0x0  }
.LBB2_2:
0x13: {  	p0 =	sne.s32 s21, $0x30FC0;
	[tilespmem:s22+$0xC400] =	vst v0;
	s22 =	smov.u32 s21;
	s21 =	sadd.s32 $0x40, s21  }
.Ltmp0:
0x14: {  	(pc) =	sbr.rel @p0 .LBB2_2-.Ltmp0, $2  }
0x15: {  	_ =	sdelay $0x2  }
0x16: {  	s22 =	sshra.s32 s22, $0x2  }
0x17: {  	[tilespmem:s22+$0xC400] =	vst v0;
	s21 =	simm.s32 $0x0  }
0x18: {  	[tilespmem:s21], [sflag:$0x1] =	stream.linear.gather [hbm4b:s3+s21], $0xC400, $0x38;
	[tilespmem:$0x1B900] =	vst v63  }
0x19: {  	_ =	swait.ge [sflag:s14], $0xC400  }
0x1a: {  	[sflag:s14] =	ssyncset.done $0x0  }
0x1b: {  	[sflag:s14] =	ssyncadd.s32 $0xFFFF3C00  }
0x1c: {  	[tilespmem:s17], [sflag:$0x1] =	stream.strided.gather [hbm4b:s4+s15], $0x1880, s16, s15, $0x38;
	[tilespmem:$0x1B900] =	vst v63  }
0x1d: {  	_ =	swait.ge [sflag:s14], $0x1880  }
0x1e: {  	[sflag:s14] =	ssyncset.done $0x0  }
0x1f: {  	[sflag:s14] =	ssyncadd.s32 $0xFFFFE780  }
0x20: {  	[tilespmem:s18], [sflag:$0x1] =	stream.strided.gather [hbm4b:s5+s15], $0x1880, s16, s15, $0x38;
	[tilespmem:$0x1B900] =	vst v63  }
0x21: {  	_ =	swait.ge [sflag:s14], $0x1880  }
0x22: {  	[sflag:s14] =	ssyncset.done $0x0  }
0x23: {  	s22 =	simm.s32 $0x0;
	s21 =	simm.s32 $0x40;
	[sflag:s14] =	ssyncadd.s32 $0xFFFFE780  }
.LBB2_4:
0x24: {  	p0 =	sne.s32 s21, $0x61C0;
	v1 =	vld [tilespmem:s22+$0x18800];
	_ =	sdelay $0x5  }
0x25: {  	v2 =	vld [tilespmem:s22+$0x1A080];
	_ =	sdelay $0x1  }
0x26: {  	v1 =	vld.idx.msk [tilespmem:v1+s2+$0x0], $0xffff;
	_ =	sdelay $0x1  }
.Ltmp1:
0x27: {  	(pc) =	sbr.rel @p0 .LBB2_4-.Ltmp1, $2  }
0x28: {  	_ =	sdelay $0x2  }
0x29: {  	s22 =	sshra.s32 s21, $0x2;
	s21 =	sadd.s32 $0x40, s21;
	[tilespmem:v2+s19+$0x0] =	vst.idx.add.f32.msk $0xffff, v1  }
0x2a: {  	v1 =	vld [tilespmem:s22+$0x18800];
	_ =	sdelay $0x4  }
0x2b: {  	v2 =	vld [tilespmem:s22+$0x1A080];
	_ =	sdelay $0x2  }
0x2c: {  	v1 =	vld.idx.msk [tilespmem:v1+s2+$0x0], $0xffff;
	_ =	sdelay $0x4  }
0x2d: {  	[tilespmem:v2+s19+$0x0] =	vst.idx.add.f32.msk $0xffff, v1  }
0x2e: {  	[tilespmem:s17], [sflag:$0x1] =	stream.strided.gather [hbm4b:s6+s15], $0x1880, s16, s15, $0x38;
	[tilespmem:$0x1B900] =	vst v63  }
0x2f: {  	_ =	swait.ge [sflag:s14], $0x1880  }
0x30: {  	[sflag:s14] =	ssyncset.done $0x0  }
0x31: {  	[sflag:s14] =	ssyncadd.s32 $0xFFFFE780  }
0x32: {  	[tilespmem:s18], [sflag:$0x1] =	stream.strided.gather [hbm4b:s7+s15], $0x1880, s16, s15, $0x38;
	[tilespmem:$0x1B900] =	vst v63  }
0x33: {  	_ =	swait.ge [sflag:s14], $0x1880  }
0x34: {  	[sflag:s14] =	ssyncset.done $0x0  }
0x35: {  	s22 =	simm.s32 $0x0;
	s21 =	simm.s32 $0x40;
	[sflag:s14] =	ssyncadd.s32 $0xFFFFE780  }
.LBB2_6:
0x36: {  	p0 =	sne.s32 s21, $0x61C0;
	v1 =	vld [tilespmem:s22+$0x18800];
	_ =	sdelay $0x5  }
0x37: {  	v2 =	vld [tilespmem:s22+$0x1A080];
	_ =	sdelay $0x1  }
0x38: {  	v1 =	vld.idx.msk [tilespmem:v1+s2+$0x0], $0xffff;
	_ =	sdelay $0x1  }
.Ltmp2:
0x39: {  	(pc) =	sbr.rel @p0 .LBB2_6-.Ltmp2, $2  }
0x3a: {  	_ =	sdelay $0x2  }
0x3b: {  	s22 =	sshra.s32 s21, $0x2;
	s21 =	sadd.s32 $0x40, s21;
	[tilespmem:v2+s19+$0x0] =	vst.idx.add.f32.msk $0xffff, v1  }
0x3c: {  	v1 =	vld [tilespmem:s22+$0x18800];
	_ =	sdelay $0x4  }
0x3d: {  	v2 =	vld [tilespmem:s22+$0x1A080];
	_ =	sdelay $0x2  }
0x3e: {  	v1 =	vld.idx.msk [tilespmem:v1+s2+$0x0], $0xffff;
	_ =	sdelay $0x4  }
0x3f: {  	[tilespmem:v2+s19+$0x0] =	vst.idx.add.f32.msk $0xffff, v1  }
0x40: {  	[tilespmem:s17], [sflag:$0x1] =	stream.strided.gather [hbm4b:s8+s15], $0x1880, s16, s15, $0x38;
	[tilespmem:$0x1B900] =	vst v63  }
0x41: {  	_ =	swait.ge [sflag:s14], $0x1880  }
0x42: {  	[sflag:s14] =	ssyncset.done $0x0  }
0x43: {  	[sflag:s14] =	ssyncadd.s32 $0xFFFFE780  }
0x44: {  	[tilespmem:s18], [sflag:$0x1] =	stream.strided.gather [hbm4b:s9+s15], $0x1880, s16, s15, $0x38;
	[tilespmem:$0x1B900] =	vst v63  }
0x45: {  	_ =	swait.ge [sflag:s14], $0x1880  }
0x46: {  	[sflag:s14] =	ssyncset.done $0x0  }
0x47: {  	s22 =	simm.s32 $0x0;
	s21 =	simm.s32 $0x40;
	[sflag:s14] =	ssyncadd.s32 $0xFFFFE780  }
.LBB2_8:
0x48: {  	p0 =	sne.s32 s21, $0x61C0;
	v1 =	vld [tilespmem:s22+$0x18800];
	_ =	sdelay $0x5  }
0x49: {  	v2 =	vld [tilespmem:s22+$0x1A080];
	_ =	sdelay $0x1  }
0x4a: {  	v1 =	vld.idx.msk [tilespmem:v1+s2+$0x0], $0xffff;
	_ =	sdelay $0x1  }
.Ltmp3:
0x4b: {  	(pc) =	sbr.rel @p0 .LBB2_8-.Ltmp3, $2  }
0x4c: {  	_ =	sdelay $0x2  }
0x4d: {  	s22 =	sshra.s32 s21, $0x2;
	s21 =	sadd.s32 $0x40, s21;
	[tilespmem:v2+s19+$0x0] =	vst.idx.add.f32.msk $0xffff, v1  }
0x4e: {  	v1 =	vld [tilespmem:s22+$0x18800];
	_ =	sdelay $0x4  }
0x4f: {  	v2 =	vld [tilespmem:s22+$0x1A080];
	_ =	sdelay $0x2  }
0x50: {  	v1 =	vld.idx.msk [tilespmem:v1+s2+$0x0], $0xffff;
	_ =	sdelay $0x4  }
0x51: {  	[tilespmem:v2+s19+$0x0] =	vst.idx.add.f32.msk $0xffff, v1  }
0x52: {  	[tilespmem:s17], [sflag:$0x1] =	stream.strided.gather [hbm4b:s10+s15], $0x1880, s16, s15, $0x38;
	[tilespmem:$0x1B900] =	vst v63  }
0x53: {  	_ =	swait.ge [sflag:s14], $0x1880  }
0x54: {  	[sflag:s14] =	ssyncset.done $0x0  }
0x55: {  	[sflag:s14] =	ssyncadd.s32 $0xFFFFE780  }
0x56: {  	[tilespmem:s18], [sflag:$0x1] =	stream.strided.gather [hbm4b:s11+s15], $0x1880, s16, s15, $0x38;
	[tilespmem:$0x1B900] =	vst v63  }
0x57: {  	_ =	swait.ge [sflag:s14], $0x1880  }
0x58: {  	[sflag:s14] =	ssyncset.done $0x0  }
0x59: {  	s22 =	simm.s32 $0x0;
	s21 =	simm.s32 $0x40;
	[sflag:s14] =	ssyncadd.s32 $0xFFFFE780  }
.LBB2_10:
0x5a: {  	p0 =	sne.s32 s21, $0x61C0;
	v1 =	vld [tilespmem:s22+$0x18800];
	_ =	sdelay $0x5  }
0x5b: {  	v2 =	vld [tilespmem:s22+$0x1A080];
	_ =	sdelay $0x1  }
0x5c: {  	v1 =	vld.idx.msk [tilespmem:v1+s2+$0x0], $0xffff;
	_ =	sdelay $0x1  }
.Ltmp4:
0x5d: {  	(pc) =	sbr.rel @p0 .LBB2_10-.Ltmp4, $2  }
0x5e: {  	_ =	sdelay $0x2  }
0x5f: {  	s22 =	sshra.s32 s21, $0x2;
	s21 =	sadd.s32 $0x40, s21;
	[tilespmem:v2+s19+$0x0] =	vst.idx.add.f32.msk $0xffff, v1  }
0x60: {  	v1 =	vld [tilespmem:s22+$0x18800];
	_ =	sdelay $0x4  }
0x61: {  	v2 =	vld [tilespmem:s22+$0x1A080];
	_ =	sdelay $0x2  }
0x62: {  	v1 =	vld.idx.msk [tilespmem:v1+s2+$0x0], $0xffff;
	_ =	sdelay $0x2  }
0x63: {  	s20 =	sadd.s32 $0x1, s20  }
0x64: {  	p0 =	sne.s32 s20, s13  }
.Ltmp5:
0x65: {  	[tilespmem:v2+s19+$0x0] =	vst.idx.add.f32.msk $0xffff, v1;
	(pc) =	sbr.rel @p0 .LBB2_1-.Ltmp5, $4  }
0x66: {  	[hbm4b:s12+s15] =	stream.strided.scatter [tilespmem:s19], [sflag:$0x1], $0xC400, s16, s15, $0x38;
	[tilespmem:$0x1B900] =	vst v63  }
0x67: {  	_ =	swait.ge [sflag:s14], $0xC400  }
0x68: {  	[sflag:s14] =	ssyncset.done $0x0  }
0x69: {  	[sflag:s14] =	ssyncadd.s32 $0xFFFF3C00  }
0x6a: {  	_ =	sfence.sel $0x180000  }
0x6b: {  	[bflag:$0x0] =	sbarrier.arrive $0xFFFF  }
0x6c: {  	p0 =	sne.s32 s1, $0x0;
	_ =	strace $0x9000004A  }
0x6d: {  	s0 =	sadd.s32 @!p0 $0x100000, s0;
	[bflag:$0x2] =	sbarrier.arrive $0xFFFF  }
0x6e: {  	[sflag:s0] =	ssyncadd.tile.s32 @!p0 $0x1;
	_ =	shalt  }
.Lfunc_end2:
_tile_overlayer_lowered:
.L_overlay_start_2:
0x6f: {  	(tag) =	ssettag $0x2  }
0x70: {  	s0 =	rddreg [dreg:$0x0];
	s2 =	stileid.u32  }
0x71: {  	s1 =	rddreg [dreg:$0x1];
	p0 =	sne.s32 s2, $0x0  }
0x72: {  	s3 =	rddreg [dreg:$0x2];
	[bflag:$0x3] =	sbarrier.arrive $0xFFFF;
	s2 =	simm.s32 @!p0 $0x1C01  }
0x73: {  	[timem:s3], [sflag:s2] =	dma.local @!p0 [hbm:s0], s1  }
0x74: {  	s0 =	simm.s32 @!p0 $0x1  }
0x75: {  	_ =	swait.ge @!p0 [sflag:s0], s1  }
0x76: {  	s1 =	ssub.s32 @!p0 $0x0, s1;
	[sflag:s0] =	ssyncset.done @!p0 $0x0  }
0x77: {  	[sflag:s0] =	ssyncadd.s32 @!p0 s1  }
0x78: {  	[bflag:$0x3] =	sbarrier.arrive $0xFFFF  }
0x79: {  	_ =	shalt  }

// kernel: kernel.17.cloned.1.call-start
scs
__scs_entry_jumppad:
0x0: {  	(pc) =	sbr.rel $0x88, $3  }
0x1: {  	(tag) =	ssettag $0x0;
	lr =	simm.s32 $0x1  }
0x2: {  	[smem:$0x3F98] =	sst lr;
	_ =	strace $0xD0000000  }
0x3: {  	_ = 	snop  }
0x4: {  	_ = 	snop  }
0x5: {  	_ = 	snop  }
0x6: {  	_ = 	snop  }
0x7: {  	_ = 	snop  }
__scs_overlays_trampoline_lowered:
0x8: {  	[smem:$0x3FA7] =	sst s0  }
0x9: {  	[smem:$0x3FA8] =	sst s1  }
0xa: {  	[smem:$0x3FA9] =	sst s2  }
0xb: {  	[smem:$0x3FAA] =	sst s3  }
0xc: {  	[smem:$0x3FAB] =	sst s4  }
0xd: {  	[smem:$0x3FAC] =	sst s5  }
0xe: {  	[smem:$0x3FAD] =	sst s6  }
0xf: {  	[smem:$0x3FAE] =	sst s7  }
0x10: {  	[smem:$0x3FAF] =	sst s8  }
0x11: {  	[smem:$0x3FB0] =	sst s9;
	s0 =	simm.s32 @!p0 $0x0  }
0x12: {  	s1 =	sld [smem:$0x3F96];
	s0 =	simm.s32 @p0 $0x1  }
0x13: {  	[smem:$0x3FB1] =	sst s0;
	s0 =	simm.s32 @!p1 $0x0  }
0x14: {  	s2 =	sld [smem:$0x3F95];
	s0 =	simm.s32 @p1 $0x1  }
0x15: {  	[smem:$0x3FB2] =	sst s0;
	s0 =	simm.s32 @!p2 $0x0  }
0x16: {  	s3 =	sld [smem:$0x3FDB];
	s0 =	simm.s32 @p2 $0x1  }
0x17: {  	s4 =	simm.s32 $0x1BF5;
	[smem:$0x3FB4] =	sst s0  }
0x18: {  	s0 =	sld [smem:$0x3F97];
	_ =	swait.ge [sflag:s4], $0x0  }
0x19: {  	s7 =	sld [smem:$0x3F98]  }
0x1a: {  	s8 =	sadd.s32 $0xFFFFE003, lr  }
0x1b: {  	s9 =	sadd.s32 $0xFFFFFEF7, lr;
	s5 =	simm.s32 $0xFFFFFFFF;
	p2 =	slt.u32 s8, $0xFFFFF086  }
0x1c: {  	p1 =	slt.u32 s9, $0xF7A;
	s5 =	simm.s32 @!p2 $0x0  }
0x1d: {  	s5 =	simm.s32 @p1 $0x1;
	p0 =	seq.s32 s7, s2  }
0x1e: {  	s7 =	smul.u32 @!p0 $0xF7A, s2;
	p2 =	seq.s32 @!p0 s5, $0x0  }
0x1f: {  	s9 =	smul.u32 $0xF7A, s1;
	s8 =	simm.s32 @!p0 $0x1BF5;
	p2 =	por !p2, p0  }
0x20: {  	[sflag:s8] =	ssyncset.s32 @!p0 $0xFFFFF086;
	s6 =	sadd.s32 @!p0 s3, s7;
	s7 =	simm.s32 @!p0 $0x108  }
0x21: {  	s3 =	sadd.s32 s3, s9;
	s6 =	sadd.s32 @!p0 $0x88, s6;
	s7 =	simm.s32 @p2 $0x1082  }
0x22: {  	[simem:s7], [sflag:s8] =	dma.local @!p0 [hbm:s6], $0xF7A  }
0x23: {  	s9 =	sor.u32 $0xD0000000, s2;
	s6 =	simm.s32 $0x108;
	_ =	swait.ge @!p0 [sflag:s8], $0x0  }
0x24: {  	s3 =	sadd.s32 $0x88, s3;
	s6 =	simm.s32 @!p1 $0x1082;
	[sflag:s4] =	ssyncset.s32 $0xFFFFF086  }
0x25: {  	[simem:s6], [sflag:s4] =	dma.local [hbm:s3], $0xF7A  }
0x26: {  	[smem:$0x3F98] =	sst s1;
	(tag) =	ssettag s2;
	_ =	strace s9  }
0x27: {  	s1 =	sld [smem:$0x3FA8]  }
0x28: {  	s2 =	sld [smem:$0x3FA9]  }
0x29: {  	s4 =	sld [smem:$0x3FAB]  }
0x2a: {  	p0 =	seq.s32 s5, $0x0;
	s5 =	sld [smem:$0x3FAC]  }
0x2b: {  	s6 =	sld [smem:$0x3FAD]  }
0x2c: {  	s7 =	sld [smem:$0x3FAE]  }
0x2d: {  	s3 =	simm.s32 $0x108;
	s8 =	sld [smem:$0x3FAF]  }
0x2e: {  	s3 =	simm.s32 @!p0 $0x1082;
	s9 =	sld [smem:$0x3FB0]  }
0x2f: {  	lr =	sadd.s32 s0, s3;
	s0 =	sld [smem:$0x3FA7]  }
0x30: {  	s3 =	sld [smem:$0x3FAA]  }
0x31: {  	[smem:$0x3FB3] =	sst s10  }
0x32: {  	s10 =	sld [smem:$0x3FB1];
	_ =	sdelay $0x3  }
0x33: {  	p0 =	seq.s32 s10, $0x1;
	s10 =	sld [smem:$0x3FB3];
	_ =	sdelay $0x3  }
0x34: {  	[smem:$0x3FB3] =	sst s10  }
0x35: {  	s10 =	sld [smem:$0x3FB2];
	_ =	sdelay $0x3  }
0x36: {  	p1 =	seq.s32 s10, $0x1;
	s10 =	sld [smem:$0x3FB3];
	_ =	sdelay $0x3  }
0x37: {  	[smem:$0x3FB3] =	sst s10  }
0x38: {  	s10 =	sld [smem:$0x3FB4]  }
0x39: {  	_ = 	snop;
	(pc) =	sbr.ind lr, $3  }
0x3a: {  	_ = 	snop  }
0x3b: {  	_ = 	snop  }
0x3c: {  	p2 =	seq.s32 s10, $0x1;
	s10 =	sld [smem:$0x3FB3]  }
0x3d: {  	_ =	shalt  }
0x3e: {  	_ =	shalt  }
0x3f: {  	_ =	shalt  }
0x40: {  	_ =	shalt  }
0x41: {  	_ =	shalt  }
0x42: {  	_ =	shalt  }
0x43: {  	_ =	shalt  }
0x44: {  	_ =	shalt  }
0x45: {  	_ =	shalt  }
0x46: {  	_ =	shalt  }
0x47: {  	_ =	shalt  }
0x48: {  	_ =	shalt  }
0x49: {  	_ =	shalt  }
0x4a: {  	_ =	shalt  }
0x4b: {  	_ =	shalt  }
0x4c: {  	_ =	shalt  }
0x4d: {  	_ =	shalt  }
0x4e: {  	_ =	shalt  }
0x4f: {  	_ =	shalt  }
0x50: {  	_ =	shalt  }
0x51: {  	_ =	shalt  }
0x52: {  	_ =	shalt  }
0x53: {  	_ =	shalt  }
0x54: {  	_ =	shalt  }
0x55: {  	_ =	shalt  }
0x56: {  	_ =	shalt  }
0x57: {  	_ =	shalt  }
0x58: {  	_ =	shalt  }
0x59: {  	_ =	shalt  }
0x5a: {  	_ =	shalt  }
0x5b: {  	_ =	shalt  }
0x5c: {  	_ =	shalt  }
0x5d: {  	_ =	shalt  }
0x5e: {  	_ =	shalt  }
0x5f: {  	_ =	shalt  }
0x60: {  	_ =	shalt  }
0x61: {  	_ =	shalt  }
0x62: {  	_ =	shalt  }
0x63: {  	_ =	shalt  }
0x64: {  	_ =	shalt  }
0x65: {  	_ =	shalt  }
0x66: {  	_ =	shalt  }
0x67: {  	_ =	shalt  }
0x68: {  	_ =	shalt  }
0x69: {  	_ =	shalt  }
0x6a: {  	_ =	shalt  }
0x6b: {  	_ =	shalt  }
0x6c: {  	_ =	shalt  }
0x6d: {  	_ =	shalt  }
0x6e: {  	_ =	shalt  }
0x6f: {  	_ =	shalt  }
0x70: {  	_ =	shalt  }
0x71: {  	_ =	shalt  }
0x72: {  	_ =	shalt  }
0x73: {  	_ =	shalt  }
0x74: {  	_ =	shalt  }
0x75: {  	_ =	shalt  }
0x76: {  	_ =	shalt  }
0x77: {  	_ =	shalt  }
0x78: {  	_ =	shalt  }
0x79: {  	_ =	shalt  }
0x7a: {  	_ =	shalt  }
0x7b: {  	_ =	shalt  }
0x7c: {  	_ =	shalt  }
0x7d: {  	_ =	shalt  }
0x7e: {  	_ =	shalt  }
0x7f: {  	_ =	shalt  }
0x80: {  	_ =	shalt  }
0x81: {  	_ =	shalt  }
0x82: {  	_ =	shalt  }
0x83: {  	_ =	shalt  }
0x84: {  	_ =	shalt  }
0x85: {  	_ =	shalt  }
0x86: {  	_ =	shalt  }
0x87: {  	_ =	shalt  }
.Lfunc_end0:
.L_simem_size_0:
called_computation.2_lowered:
.L_overlay_start_0:
0x88: {  	s2 =	sld [smem:$0x3FD9]  }
0x89: {  	s3 =	sld [smem:$0x3FFE];
	_ =	sdelay $0x1  }
0x8a: {  	s1 =	srdreg.scid  }
0x8b: {  	s0 =	sand.u32 $0x1, s1  }
0x8c: {  	s16 =	sshll.u32 s0, $0xA;
	s2 =	sadd.s32 s3, s2  }
0x8d: {  	s2 =	sadd.s32 s2, s16  }
0x8e: {  	[smem:$0x3FBF] =	sst s2  }
0x8f: {  	_ = 	snop  }
0x90: {  	(tm) =	ssettm $0x1  }
0x91: {  	s17 =	sld [smem:$0x3FFB];
	_ =	sdelay $0x3  }
0x92: {  	_ =	strace s17  }
0x93: {  	s2 =	sld [smem:$0x3FFC];
	_ =	sdelay $0x3  }
0x94: {  	_ =	strace s2  }
0x95: {  	s2 =	sld [smem:$0x3FFD];
	_ =	sdelay $0x3  }
0x96: {  	_ =	strace s2  }
0x97: {  	_ =	strace $0x8FFFFFFF  }
0x98: {  	s18 =	sld [smem:$0x3FDB];
	_ =	sdelay $0x1  }
0x99: {  	s19 =	simm.s32 $_scs_section_size  }
0x9a: {  	s4 =	simm.s32 $_size__tile_overlayer_lowered;
	s5 =	simm.s32 $_tile_overlayer_lowered  }
0x9b: {  	s22 =	simm.s32 $0x1BFF;
	s21 =	sshll.u32 s5, $0x1;
	s2 =	sadd.s32 s19, s18  }
0x9c: {  	s6 =	simm.s32 $0x0;
	s20 =	sshll.u32 s4, $0x1;
	s4 =	sadd.s32 s21, s2  }
0x9d: {  	[timem:s6], [sflag:s22] =	dma.local [hbm:s4], s20  }
0x9e: {  	_ =	swait.ge [sflag:s22], s20  }
0x9f: {  	s3 =	ssub.s32 $0x0, s20;
	[sflag:s22] =	ssyncset.done $0x0  }
0xa0: {  	[sflag:s22] =	ssyncadd.s32 s3;
	_ =	sdelay $0x1  }
0xa1: {  	s23 =	simm.s32 $0x1B8B  }
0xa2: {  	_ =	swait.ge [sflag:s23], $0x1  }
0xa3: {  	[sflag:s23] =	ssyncset.done $0x0  }
0xa4: {  	s25 =	simm.s32 $0x1B8E;
	s24 =	sld [smem:$0x3FFE];
	[sflag:s23] =	ssyncadd.s32 $0xFFFFFFFF  }
0xa5: {  	s26 =	simm.s32 $execute0_lowered;
	[smem:$0x3FD2] =	sst s25  }
0xa6: {  	s4 =	sshll.u32 s26, $0x1;
	_ =	strace $0x8000004C;
	[dreg:$0x1] =	wrdreg $0xFFFFFFFF  }
0xa7: {  	s28 =	simm.s32 $_size_execute0_lowered;
	s2 =	sadd.s32 s2, s4;
	[dreg:$0x0] =	wrdreg $0x0  }
0xa8: {  	s4 =	sshll.u32 s28, $0x1;
	[dreg:$0x2] =	wrdreg s2  }
0xa9: {  	[dreg:$0x3] =	wrdreg s4  }
0xaa: {  	[dreg:$0x4] =	wrdreg $0xC0  }
0xab: {  	_ =	task [dreg:s6], $0x5FFFF  }
0xac: {  	[dreg:$0x1] =	wrdreg $0xFFFFFFFF  }
0xad: {  	[dreg:$0x0] =	wrdreg $0x60  }
0xae: {  	[dreg:$0x2] =	wrdreg s24  }
0xaf: {  	[dreg:$0x3] =	wrdreg $0x5C000  }
0xb0: {  	[dreg:$0x4] =	wrdreg $0x9  }
0xb1: {  	_ =	task.clear_ibuf [dreg:s6], $0x5FFFF;
	_ =	strace $0x9000004C  }
0xb2: {  	s29 =	simm.s32 $0x9;
	_ =	strace $0x8000004E  }
0xb3: {  	_ =	swait.ge [sflag:s29], $0x1  }
0xb4: {  	[sflag:s29] =	ssyncadd.s32 $0xFFFFFFFF  }
0xb5: {  	_ =	strace $0x9000004E  }
0xb6: {  	_ =	sfence  }
0xb7: {  	s30 =	sld [smem:$0x0];
	_ =	sdelay $0x2  }
0xb8: {  	s31 =	sshll.u32 s1, $0xD;
	s1 =	sshrl.u32 s1, $0x2  }
0xb9: {  	s3 =	sand.u32 $0x4000, s31;
	s1 =	sadd.s32 s1, s30  }
0xba: {  	s0 =	sor.u32 s3, s0;
	s1 =	sshll.u32 s1, $0x11  }
0xbb: {  	s0 =	sor.u32 s1, s0  }
0xbc: {  	s0 =	sadd.s32 $0x8F2B, s0  }
0xbd: {  	[sflag:s0] =	ssyncadd.remote.s32 $0x1  }
0xbe: {  	_ =	sfence.sel $0xFFFF  }
0xbf: {  	[dreg:$0x0] =	wrdreg $0xFFFFFFFF;
	(pc) =	sbr.abs _section_cstart, $3  }
0xc0: {  	[dreg:$0x1] =	wrdreg $0xFFFFFFFF  }
0xc1: {  	_ =	task.clear_ibuf [dreg:s6], $0x2FFFF;
	_ =	strace $0x9FFFFFFF  }
0xc2: {  	(tm) =	ssettm $0x7FFFFFFF  }
0xc3: {  	_ =	shalt  }
tec
execute0_lowered:
.L_overlay_start_1:
0x0: {  	(tag) =	ssettag $0x1  }
0x1: {  	s0 =	rddreg [dreg:$0x0]  }
0x2: {  	s1 =	rddreg [dreg:$0x1]  }
0x3: {  	s16 =	simm.s32 $0x0;
	s2 =	srdreg.scid;
	s8 =	stileid.u32  }
0x4: {  	s22 =	simm.s32 $0x4C00;
	s23 =	simm.s32 $0x1;
	s24 =	simm.s32 $0x2  }
0x5: {  	s25 =	simm.s32 $0x3;
	s28 =	simm.s32 $0x5;
	s29 =	simm.s32 $0x6  }
0x6: {  	s30 =	simm.s32 $0x7;
	s31 =	simm.s32 $0x8;
	[smem:$0x7FF] =	sst s16  }
0x7: {  	s2 =	sand.u32 $0x1, s2;
	s3 =	sadd.s32 $0x9F6200, s0;
	s10 =	smul.u32 $0x62000, s8  }
0x8: {  	s4 =	sadd.s32 $0x64200, s0;
	s5 =	sadd.s32 $0x2200, s0;
	s6 =	smul.u32 $0xC400, s8  }
0x9: {  	s0 =	sadd.s32 $0xBE0200, s0;
	p0 =	sne.s32 s8, $0x0;
	s7 =	smul.u32 $0x5, s2  }
0xa: {  	_ =	strace $0x8000004D;
	s9 =	smul.u32 $0x3D400, s2;
	s11 =	ssub.s32 $0x2, s2  }
0xb: {  	s2 =	smul.u32 $0xF5000, s2;
	s12 =	sshrl.u32 s11, $0x1;
	s15 =	sshrl.u32 s10, $0x2  }
0xc: {  	s10 =	simm.s32 $0x1B00;
	s13 =	sadd.s32 $0x1, s7;
	s11 =	ssub.s32 s11, s12  }
0xd: {  	s7 =	sadd.s32 s15, s1;
	s14 =	sadd.s32 s0, s2;
	s19 =	sadd.s32 $0x24C00, s9  }
0xe: {  	s21 =	sadd.s32 $0x31000, s9;
	s18 =	sadd.s32 $0x62000, s14;
	[dreg:$0x4] =	wrdreg s14  }
0xf: {  	s15 =	simm.s32 $0x9;
	s20 =	sadd.s32 $0x93000, s14;
	[dreg:$0x6] =	wrdreg s18  }
0x10: {  	s17 =	smul.u32 $0x31000, s13;
	s26 =	sadd.s32 $0xC4000, s14;
	[dreg:$0x7] =	wrdreg s20  }
0x11: {  	s2 =	smul.u32 $0xC400, s13;
	s11 =	smax.u32 s11, $0x1;
	[dreg:$0x8] =	wrdreg s26  }
0x12: {  	s14 =	simm.s32 $0x1C00;
	[dreg:$0x9] =	wrdreg s11;
	s18 =	simm.s32 $0x2C00  }
0x13: {  	s20 =	simm.s32 $0x3C00;
	s26 =	simm.s32 $0x4;
	s0 =	sadd.s32 s0, s17  }
0x14: {  	v5 =	vimm.f32 $0.0e+00;
	v0 =	vmov s9;
	v3 =	vmov s19;
	s11 =	simm.s32 $0x1B80;
	[dreg:$0x5] =	wrdreg s0;
	s0 =	sadd.s32 $0x18800, s9  }
0x15: {  	v4 =	vmov s21;
	s17 =	simm.s32 $0x80;
	v1 =	vmov s2;
	s9 =	simm.s32 $0x1A80;
	v2 =	vmov s0;
	s0 =	simm.s32 $0x1A00  }
.LBB2_1:
0x16: {  	s2 =	simm.s32 $0x0  }
.LBB2_2:
0x17: {  	p1 =	sne.s32 s2, $0x3F80  }
.Ltmp0:
0x18: {  	_ = 	snop;
	(pc) =	sbr.rel @p1 .LBB2_2-.Ltmp0, $4  }
0x19: {  	_ = 	snop  }
0x1a: {  	s8 =	sshra.s32 s2, $0x2  }
0x1b: {  	[tilespmem:s8+$0x1C00] =	vst v5  }
0x1c: {  	s2 =	sadd.s32 $0x80, s2;
	[tilespmem:s8+$0x1C10] =	vst v5  }
0x1d: {  	[dreg:$0x3] =	wrdreg s16;
	s2 =	sadd.s32 $0x0, s7  }
0x1e: {  	[spmem:s2] =	stream.linear.scatter [tilespmem:s14], [sflag:$0x9], $0x800, $0x38;
	[tilespmem:$0x1E400] =	vst v63  }
0x1f: {  	s2 =	simm.s32 $0x2000;
	_ =	swait.ge [sflag:s15], $0x800  }
.LBB2_4:
0x20: {  	s8 =	sshra.s32 s2, $0x2;
	[sflag:s15] =	ssyncset.done $0x0;
	p1 =	sne.s32 s2, $0x60000  }
.Ltmp1:
0x21: {  	s8 =	sadd.s32 s8, s7;
	[sflag:s15] =	ssyncadd.s32 $0xFFFFF800;
	(pc) =	sbr.rel @p1 .LBB2_4-.Ltmp1, $3  }
0x22: {  	[spmem:s8] =	stream.linear.scatter [tilespmem:s14], [sflag:$0x9], $0x800, $0x38;
	[tilespmem:$0x1E400] =	vst v63  }
0x23: {  	s2 =	sadd.s32 $0x2000, s2;
	_ =	sdelay $0x1  }
0x24: {  	_ =	swait.ge [sflag:s15], $0x800  }
0x25: {  	[sflag:s15] =	ssyncset.done $0x0  }
0x26: {  	[sflag:s15] =	ssyncadd.s32 $0xFFFFF800  }
0x27: {  	s12 =	simm.s32 $0x0;
	s13 =	simm.s32 $0x0;
	[bflag:$0x0] =	sbarrier.arrive $0xFFFF  }
.LBB2_6:
0x28: {  	s2 =	smul.u32 $0xE00, s13;
	_ =	sdelay $0x1  }
0x29: {  	s2 =	sadd.s32 s6, s2  }
0x2a: {  	s2 =	sshrl.u32 s2, $0x3  }
0x2b: {  	s8 =	sadd.s32 s4, s2  }
0x2c: {  	[tilespmem:s12], [sflag:$0x9] =	stream.linear.gather [hbm4b:s8+s12], $0xE00, $0x38;
	[tilespmem:$0x1E400] =	vst v63  }
0x2d: {  	_ =	swait.ge [sflag:s15], $0xE00  }
0x2e: {  	[sflag:s15] =	ssyncset.done $0x0  }
0x2f: {  	s16 =	simm.s32 $0xE00;
	s2 =	sadd.s32 s5, s2;
	[sflag:s15] =	ssyncadd.s32 $0xFFFFF200  }
0x30: {  	[tilespmem:s16], [sflag:$0x9] =	stream.linear.gather [hbm4b:s2+s12], $0xE00, $0x38;
	[tilespmem:$0x1E400] =	vst v63  }
0x31: {  	s19 =	sand.u32 $0x3E00, s12;
	_ =	swait.ge [sflag:s15], $0xE00  }
0x32: {  	s21 =	sand.u32 $0x70, s12;
	s2 =	sshrl.u32 s19, $0x2;
	[sflag:s15] =	ssyncset.done $0x0  }
0x33: {  	s2 =	sor.u32 s21, s2;
	[sflag:s15] =	ssyncadd.s32 $0xFFFFF200  }
0x34: {  	v6 =	vld [tilespmem:s2+$0x0];
	_ =	sdelay $0x2  }
0x35: {  	s16 =	simm.s32 $0x40  }
0x36: {  	s8 =	simm.s32 $0x10;
	s19 =	sand.u32 $0x3E00, s16;
	s16 =	simm.s32 $0x80  }
.LBB2_7:
0x37: {  	p1 =	sne.s32 s16, $0x37C0;
	s21 =	sand.u32 $0x70, s8;
	s19 =	sshrl.u32 s19, $0x2;
	v6 =	vadd.s32 v0, v6  }
0x38: {  	[tilespmem:s2+$0x0] =	vst v6;
	s2 =	sor.u32 s21, s19  }
.Ltmp2:
0x39: {  	v6 =	vld [tilespmem:s2+$0x0];
	(pc) =	sbr.rel @p1 .LBB2_7-.Ltmp2, $2  }
0x3a: {  	_ =	sdelay $0x2  }
0x3b: {  	s8 =	sadd.s32 $0x10, s8;
	s19 =	sand.u32 $0x3E00, s16;
	s16 =	sadd.s32 $0x40, s16  }
0x3c: {  	s8 =	sand.u32 $0x70, s8;
	s16 =	sshrl.u32 s19, $0x2;
	v6 =	vadd.s32 v0, v6  }
0x3d: {  	s8 =	sor.u32 s8, s16;
	[tilespmem:s2+$0x0] =	vst v6  }
0x3e: {  	v6 =	vld [tilespmem:s8+$0x0];
	_ =	sdelay $0x4  }
0x3f: {  	v6 =	vadd.s32 v0, v6  }
0x40: {  	s19 =	simm.s32 $0x0;
	[tilespmem:s8+$0x0] =	vst v6  }
0x41: {  	[tilespmem:s14], [sflag:$0x1] =	stream.indirect.gather [hbm4b:s3+s17], $0x20, s19, s17, $0xb8;
	[tilespmem:$0x1E400] =	vst v63  }
0x42: {  	_ = 	snop  }
0x43: {  	[tilespmem:s18], [sflag:$0x2] =	stream.indirect.gather [hbm4b:s3+s17], $0x20, s17, s17, $0xb8;
	[tilespmem:$0x1E400] =	vst v63  }
0x44: {  	s21 =	simm.s32 $0x100  }
0x45: {  	[tilespmem:s20], [sflag:$0x3] =	stream.indirect.gather [hbm4b:s3+s17], $0x20, s21, s17, $0xb8;
	[tilespmem:$0x1E400] =	vst v63  }
0x46: {  	s8 =	simm.s32 $0x180  }
0x47: {  	[tilespmem:s22], [sflag:$0x4] =	stream.indirect.gather [hbm4b:s3+s17], $0x20, s8, s17, $0xb8;
	[tilespmem:$0x1E400] =	vst v63  }
0x48: {  	_ =	swait.ge [sflag:s23], $0x1000  }
0x49: {  	[sflag:s23] =	ssyncset.done $0x0  }
0x4a: {  	s16 =	simm.s32 $0xE00;
	[sflag:s23] =	ssyncadd.s32 $0xFFFFF000  }
0x4b: {  	[spmem:s1] =	stream.indirect.scatter.add.f32 [tilespmem:s14], [sflag:$0x5], $0x20, s16, s17, $0xb8;
	[tilespmem:$0x1E400] =	vst v63  }
0x4c: {  	_ =	swait.ge [sflag:s24], $0x1000  }
0x4d: {  	[sflag:s24] =	ssyncset.done $0x0  }
0x4e: {  	s19 =	simm.s32 $0xE80;
	[sflag:s24] =	ssyncadd.s32 $0xFFFFF000  }
0x4f: {  	[spmem:s1] =	stream.indirect.scatter.add.f32 [tilespmem:s18], [sflag:$0x6], $0x20, s19, s17, $0xb8;
	[tilespmem:$0x1E400] =	vst v63  }
0x50: {  	_ =	swait.ge [sflag:s25], $0x1000  }
0x51: {  	[sflag:s25] =	ssyncset.done $0x0  }
0x52: {  	s21 =	simm.s32 $0xF00;
	[sflag:s25] =	ssyncadd.s32 $0xFFFFF000  }
0x53: {  	[spmem:s1] =	stream.indirect.scatter.add.f32 [tilespmem:s20], [sflag:$0x7], $0x20, s21, s17, $0xb8;
	[tilespmem:$0x1E400] =	vst v63  }
0x54: {  	_ =	swait.ge [sflag:s26], $0x1000  }
0x55: {  	[sflag:s26] =	ssyncset.done $0x0  }
0x56: {  	s8 =	simm.s32 $0xF80;
	[sflag:s26] =	ssyncadd.s32 $0xFFFFF000  }
0x57: {  	[spmem:s1] =	stream.indirect.scatter.add.f32 [tilespmem:s22], [sflag:$0x8], $0x20, s8, s17, $0xb8;
	[tilespmem:$0x1E400] =	vst v63  }
0x58: {  	_ =	swait.ge [sflag:s28], $0x1000  }
0x59: {  	[sflag:s28] =	ssyncset.done $0x0  }
0x5a: {  	s16 =	simm.s32 $0x200;
	[sflag:s28] =	ssyncadd.s32 $0xFFFFF000  }
0x5b: {  	[tilespmem:s14], [sflag:$0x1] =	stream.indirect.gather [hbm4b:s3+s17], $0x20, s16, s17, $0xb8;
	[tilespmem:$0x1E400] =	vst v63  }
0x5c: {  	_ =	swait.ge [sflag:s29], $0x1000  }
0x5d: {  	[sflag:s29] =	ssyncset.done $0x0  }
0x5e: {  	s19 =	simm.s32 $0x280;
	[sflag:s29] =	ssyncadd.s32 $0xFFFFF000  }
0x5f: {  	[tilespmem:s18], [sflag:$0x2] =	stream.indirect.gather [hbm4b:s3+s17], $0x20, s19, s17, $0xb8;
	[tilespmem:$0x1E400] =	vst v63  }
0x60: {  	_ =	swait.ge [sflag:s30], $0x1000  }
0x61: {  	[sflag:s30] =	ssyncset.done $0x0  }
0x62: {  	s21 =	simm.s32 $0x300;
	[sflag:s30] =	ssyncadd.s32 $0xFFFFF000  }
0x63: {  	[tilespmem:s20], [sflag:$0x3] =	stream.indirect.gather [hbm4b:s3+s17], $0x20, s21, s17, $0xb8;
	[tilespmem:$0x1E400] =	vst v63  }
0x64: {  	_ =	swait.ge [sflag:s31], $0x1000  }
0x65: {  	[sflag:s31] =	ssyncset.done $0x0  }
0x66: {  	s2 =	simm.s32 $0x380;
	s8 =	simm.s32 $0x800;
	[sflag:s31] =	ssyncadd.s32 $0xFFFFF000  }
.LBB2_9:
0x67: {  	[tilespmem:s22], [sflag:$0x4] =	stream.indirect.gather [hbm4b:s3+s17], $0x20, s2, s17, $0xb8;
	[tilespmem:$0x1E400] =	vst v63  }
0x68: {  	s2 =	smov.u32 s8  }
0x69: {  	p1 =	sne.s32 s8, $0x2800;
	s8 =	sadd.s32 $0x800, s8;
	_ =	swait.ge [sflag:s23], $0x1000  }
0x6a: {  	s2 =	sshra.s32 s2, $0x2;
	[sflag:s23] =	ssyncset.done $0x0  }
0x6b: {  	s16 =	sadd.s32 $0xE00, s2;
	[sflag:s23] =	ssyncadd.s32 $0xFFFFF000  }
0x6c: {  	[spmem:s1] =	stream.indirect.scatter.add.f32 [tilespmem:s14], [sflag:$0x5], $0x20, s16, s17, $0xb8;
	[tilespmem:$0x1E400] =	vst v63  }
0x6d: {  	_ =	swait.ge [sflag:s24], $0x1000  }
0x6e: {  	[sflag:s24] =	ssyncset.done $0x0  }
0x6f: {  	s16 =	sadd.s32 $0xE80, s2;
	[sflag:s24] =	ssyncadd.s32 $0xFFFFF000  }
0x70: {  	[spmem:s1] =	stream.indirect.scatter.add.f32 [tilespmem:s18], [sflag:$0x6], $0x20, s16, s17, $0xb8;
	[tilespmem:$0x1E400] =	vst v63  }
0x71: {  	_ =	swait.ge [sflag:s25], $0x1000  }
0x72: {  	[sflag:s25] =	ssyncset.done $0x0  }
0x73: {  	s16 =	sadd.s32 $0xF00, s2;
	[sflag:s25] =	ssyncadd.s32 $0xFFFFF000  }
0x74: {  	[spmem:s1] =	stream.indirect.scatter.add.f32 [tilespmem:s20], [sflag:$0x7], $0x20, s16, s17, $0xb8;
	[tilespmem:$0x1E400] =	vst v63  }
0x75: {  	_ =	swait.ge [sflag:s26], $0x1000  }
0x76: {  	[sflag:s26] =	ssyncset.done $0x0  }
0x77: {  	s16 =	sadd.s32 $0xF80, s2;
	[sflag:s26] =	ssyncadd.s32 $0xFFFFF000  }
0x78: {  	[spmem:s1] =	stream.indirect.scatter.add.f32 [tilespmem:s22], [sflag:$0x8], $0x20, s16, s17, $0xb8;
	[tilespmem:$0x1E400] =	vst v63  }
0x79: {  	_ =	swait.ge [sflag:s28], $0x1000  }
0x7a: {  	[sflag:s28] =	ssyncset.done $0x0  }
0x7b: {  	s16 =	sadd.s32 $0x200, s2;
	[sflag:s28] =	ssyncadd.s32 $0xFFFFF000  }
0x7c: {  	[tilespmem:s14], [sflag:$0x1] =	stream.indirect.gather [hbm4b:s3+s17], $0x20, s16, s17, $0xb8;
	[tilespmem:$0x1E400] =	vst v63  }
0x7d: {  	_ =	swait.ge [sflag:s29], $0x1000  }
0x7e: {  	[sflag:s29] =	ssyncset.done $0x0  }
0x7f: {  	s16 =	sadd.s32 $0x280, s2;
	[sflag:s29] =	ssyncadd.s32 $0xFFFFF000  }
0x80: {  	[tilespmem:s18], [sflag:$0x2] =	stream.indirect.gather [hbm4b:s3+s17], $0x20, s16, s17, $0xb8;
	[tilespmem:$0x1E400] =	vst v63  }
0x81: {  	_ =	swait.ge [sflag:s30], $0x1000  }
0x82: {  	[sflag:s30] =	ssyncset.done $0x0  }
.Ltmp3:
0x83: {  	s16 =	sadd.s32 $0x300, s2;
	[sflag:s30] =	ssyncadd.s32 $0xFFFFF000;
	(pc) =	sbr.rel @p1 .LBB2_9-.Ltmp3, $4  }
0x84: {  	[tilespmem:s20], [sflag:$0x3] =	stream.indirect.gather [hbm4b:s3+s17], $0x20, s16, s17, $0xb8;
	[tilespmem:$0x1E400] =	vst v63  }
0x85: {  	_ =	swait.ge [sflag:s31], $0x1000  }
0x86: {  	[sflag:s31] =	ssyncset.done $0x0  }
0x87: {  	s2 =	sadd.s32 $0x380, s2;
	[sflag:s31] =	ssyncadd.s32 $0xFFFFF000  }
0x88: {  	[tilespmem:s22], [sflag:$0x4] =	stream.indirect.gather [hbm4b:s3+s17], $0x20, s2, s17, $0xb8;
	[tilespmem:$0x1E400] =	vst v63  }
0x89: {  	_ =	swait.ge [sflag:s23], $0x1000  }
0x8a: {  	[sflag:s23] =	ssyncset.done $0x0  }
0x8b: {  	[sflag:s23] =	ssyncadd.s32 $0xFFFFF000  }
0x8c: {  	[spmem:s1] =	stream.indirect.scatter.add.f32 [tilespmem:s14], [sflag:$0x5], $0x20, s0, s17, $0xb8;
	[tilespmem:$0x1E400] =	vst v63  }
0x8d: {  	_ =	swait.ge [sflag:s24], $0x1000  }
0x8e: {  	[sflag:s24] =	ssyncset.done $0x0  }
0x8f: {  	[sflag:s24] =	ssyncadd.s32 $0xFFFFF000  }
0x90: {  	[spmem:s1] =	stream.indirect.scatter.add.f32 [tilespmem:s18], [sflag:$0x6], $0x20, s9, s17, $0xb8;
	[tilespmem:$0x1E400] =	vst v63  }
0x91: {  	_ =	swait.ge [sflag:s25], $0x1000  }
0x92: {  	[sflag:s25] =	ssyncset.done $0x0  }
0x93: {  	[sflag:s25] =	ssyncadd.s32 $0xFFFFF000  }
0x94: {  	[spmem:s1] =	stream.indirect.scatter.add.f32 [tilespmem:s20], [sflag:$0x7], $0x20, s10, s17, $0xb8;
	[tilespmem:$0x1E400] =	vst v63  }
0x95: {  	_ =	swait.ge [sflag:s26], $0x1000  }
0x96: {  	[sflag:s26] =	ssyncset.done $0x0  }
0x97: {  	[sflag:s26] =	ssyncadd.s32 $0xFFFFF000  }
0x98: {  	[spmem:s1] =	stream.indirect.scatter.add.f32 [tilespmem:s22], [sflag:$0x8], $0x20, s11, s17, $0xb8;
	[tilespmem:$0x1E400] =	vst v63  }
0x99: {  	_ =	swait.ge [sflag:s28], $0x1000  }
0x9a: {  	[sflag:s28] =	ssyncset.done $0x0  }
0x9b: {  	[sflag:s28] =	ssyncadd.s32 $0xFFFFF000  }
0x9c: {  	_ =	swait.ge [sflag:s29], $0x1000  }
0x9d: {  	[sflag:s29] =	ssyncset.done $0x0  }
0x9e: {  	s13 =	sadd.s32 $0x1, s13;
	[sflag:s29] =	ssyncadd.s32 $0xFFFFF000  }
0x9f: {  	p1 =	sne.s32 s13, $0xE;
	_ =	swait.ge [sflag:s30], $0x1000  }
.Ltmp4:
0xa0: {  	[sflag:s30] =	ssyncset.done $0x0;
	(pc) =	sbr.rel @p1 .LBB2_6-.Ltmp4, $4  }
0xa1: {  	[sflag:s30] =	ssyncadd.s32 $0xFFFFF000  }
0xa2: {  	_ =	swait.ge [sflag:s31], $0x1000  }
0xa3: {  	[sflag:s31] =	ssyncset.done $0x0  }
0xa4: {  	[sflag:s31] =	ssyncadd.s32 $0xFFFFF000  }
0xa5: {  	[bflag:$0x0] =	sbarrier.arrive $0xFFFF  }
0xa6: {  	s12 =	sshrl.u32 @!p0 s1, $0x3;
	s8 =	rddreg [dreg:$0x4]  }
0xa7: {  	s2 =	simm.s32 @!p0 $0x1C09;
	[dreg:$0xa] =	wrdreg s12  }
0xa8: {  	[hbm:s8], [sflag:s2] =	dma.local @!p0 [spmem:s12], $0x31000  }
0xa9: {  	s2 =	simm.s32 @!p0 $0x9  }
0xaa: {  	_ =	swait.ge @!p0 [sflag:s2], $0x31000  }
0xab: {  	[sflag:s2] =	ssyncset.done @!p0 $0x0  }
0xac: {  	[sflag:s2] =	ssyncadd.s32 @!p0 $0xFFFCF000  }
0xad: {  	s8 =	simm.s32 $0x0;
	s2 =	simm.s32 $0x80;
	[bflag:$0x0] =	sbarrier.arrive $0xFFFF  }
.LBB2_12:
0xae: {  	p1 =	sne.s32 s2, $0x3F80;
	[tilespmem:s8+$0x1C00] =	vst v5;
	s12 =	smov.u32 s2;
	s2 =	sadd.s32 $0x80, s2  }
.Ltmp5:
0xaf: {  	[tilespmem:s8+$0x1C10] =	vst v5;
	(pc) =	sbr.rel @p1 .LBB2_12-.Ltmp5, $2  }
0xb0: {  	_ =	sdelay $0x2  }
0xb1: {  	s8 =	sshra.s32 s12, $0x2  }
0xb2: {  	[tilespmem:s8+$0x1C00] =	vst v5  }
0xb3: {  	[tilespmem:s8+$0x1C10] =	vst v5;
	s2 =	sadd.s32 $0x0, s7  }
0xb4: {  	[spmem:s2] =	stream.linear.scatter [tilespmem:s14], [sflag:$0x9], $0x800, $0x38;
	[tilespmem:$0x1E400] =	vst v63  }
0xb5: {  	s2 =	simm.s32 $0x2000;
	_ =	swait.ge [sflag:s15], $0x800  }
.LBB2_14:
0xb6: {  	s8 =	sshra.s32 s2, $0x2;
	[sflag:s15] =	ssyncset.done $0x0;
	p1 =	sne.s32 s2, $0x60000  }
.Ltmp6:
0xb7: {  	s8 =	sadd.s32 s8, s7;
	[sflag:s15] =	ssyncadd.s32 $0xFFFFF800;
	(pc) =	sbr.rel @p1 .LBB2_14-.Ltmp6, $3  }
0xb8: {  	[spmem:s8] =	stream.linear.scatter [tilespmem:s14], [sflag:$0x9], $0x800, $0x38;
	[tilespmem:$0x1E400] =	vst v63  }
0xb9: {  	s2 =	sadd.s32 $0x2000, s2;
	_ =	sdelay $0x1  }
0xba: {  	_ =	swait.ge [sflag:s15], $0x800  }
0xbb: {  	[sflag:s15] =	ssyncset.done $0x0  }
0xbc: {  	[sflag:s15] =	ssyncadd.s32 $0xFFFFF800  }
0xbd: {  	s13 =	simm.s32 $0x0;
	s8 =	simm.s32 $0x0;
	[bflag:$0x0] =	sbarrier.arrive $0xFFFF  }
.LBB2_16:
0xbe: {  	s2 =	smul.u32 $0xE00, s8;
	_ =	sdelay $0x1  }
0xbf: {  	s2 =	sadd.s32 s6, s2  }
0xc0: {  	s2 =	sshrl.u32 s2, $0x3  }
0xc1: {  	s12 =	sadd.s32 s4, s2  }
0xc2: {  	[tilespmem:s13], [sflag:$0x9] =	stream.linear.gather [hbm4b:s12+s13], $0xE00, $0x38;
	[tilespmem:$0x1E400] =	vst v63  }
0xc3: {  	_ =	swait.ge [sflag:s15], $0xE00  }
0xc4: {  	[sflag:s15] =	ssyncset.done $0x0  }
0xc5: {  	s16 =	simm.s32 $0xE00;
	s2 =	sadd.s32 s5, s2;
	[sflag:s15] =	ssyncadd.s32 $0xFFFFF200  }
0xc6: {  	[tilespmem:s16], [sflag:$0x9] =	stream.linear.gather [hbm4b:s2+s13], $0xE00, $0x38;
	[tilespmem:$0x1E400] =	vst v63  }
0xc7: {  	s19 =	sand.u32 $0x3E00, s13;
	_ =	swait.ge [sflag:s15], $0xE00  }
0xc8: {  	s21 =	sand.u32 $0x70, s13;
	s2 =	sshrl.u32 s19, $0x2;
	[sflag:s15] =	ssyncset.done $0x0  }
0xc9: {  	s2 =	sor.u32 s21, s2;
	[sflag:s15] =	ssyncadd.s32 $0xFFFFF200  }
0xca: {  	v6 =	vld [tilespmem:s2+$0x0];
	_ =	sdelay $0x2  }
0xcb: {  	s16 =	simm.s32 $0x40  }
0xcc: {  	s12 =	simm.s32 $0x10;
	s19 =	sand.u32 $0x3E00, s16;
	s16 =	simm.s32 $0x80  }
.LBB2_17:
0xcd: {  	p1 =	sne.s32 s16, $0x37C0;
	s21 =	sand.u32 $0x70, s12;
	s19 =	sshrl.u32 s19, $0x2;
	v6 =	vadd.s32 v1, v6  }
0xce: {  	[tilespmem:s2+$0x0] =	vst v6;
	s2 =	sor.u32 s21, s19  }
.Ltmp7:
0xcf: {  	v6 =	vld [tilespmem:s2+$0x0];
	(pc) =	sbr.rel @p1 .LBB2_17-.Ltmp7, $2  }
0xd0: {  	_ =	sdelay $0x2  }
0xd1: {  	s12 =	sadd.s32 $0x10, s12;
	s19 =	sand.u32 $0x3E00, s16;
	s16 =	sadd.s32 $0x40, s16  }
0xd2: {  	s12 =	sand.u32 $0x70, s12;
	s16 =	sshrl.u32 s19, $0x2;
	v6 =	vadd.s32 v1, v6  }
0xd3: {  	s12 =	sor.u32 s12, s16;
	[tilespmem:s2+$0x0] =	vst v6  }
0xd4: {  	v6 =	vld [tilespmem:s12+$0x0];
	_ =	sdelay $0x4  }
0xd5: {  	v6 =	vadd.s32 v1, v6  }
0xd6: {  	s19 =	simm.s32 $0x0;
	[tilespmem:s12+$0x0] =	vst v6  }
0xd7: {  	[tilespmem:s14], [sflag:$0x1] =	stream.indirect.gather [hbm4b:s3+s17], $0x20, s19, s17, $0xb8;
	[tilespmem:$0x1E400] =	vst v63  }
0xd8: {  	_ = 	snop  }
0xd9: {  	[tilespmem:s18], [sflag:$0x2] =	stream.indirect.gather [hbm4b:s3+s17], $0x20, s17, s17, $0xb8;
	[tilespmem:$0x1E400] =	vst v63  }
0xda: {  	s21 =	simm.s32 $0x100  }
0xdb: {  	[tilespmem:s20], [sflag:$0x3] =	stream.indirect.gather [hbm4b:s3+s17], $0x20, s21, s17, $0xb8;
	[tilespmem:$0x1E400] =	vst v63  }
0xdc: {  	s12 =	simm.s32 $0x180  }
0xdd: {  	[tilespmem:s22], [sflag:$0x4] =	stream.indirect.gather [hbm4b:s3+s17], $0x20, s12, s17, $0xb8;
	[tilespmem:$0x1E400] =	vst v63  }
0xde: {  	_ =	swait.ge [sflag:s23], $0x1000  }
0xdf: {  	[sflag:s23] =	ssyncset.done $0x0  }
0xe0: {  	s16 =	simm.s32 $0xE00;
	[sflag:s23] =	ssyncadd.s32 $0xFFFFF000  }
0xe1: {  	[spmem:s1] =	stream.indirect.scatter.add.f32 [tilespmem:s14], [sflag:$0x5], $0x20, s16, s17, $0xb8;
	[tilespmem:$0x1E400] =	vst v63  }
0xe2: {  	_ =	swait.ge [sflag:s24], $0x1000  }
0xe3: {  	[sflag:s24] =	ssyncset.done $0x0  }
0xe4: {  	s19 =	simm.s32 $0xE80;
	[sflag:s24] =	ssyncadd.s32 $0xFFFFF000  }
0xe5: {  	[spmem:s1] =	stream.indirect.scatter.add.f32 [tilespmem:s18], [sflag:$0x6], $0x20, s19, s17, $0xb8;
	[tilespmem:$0x1E400] =	vst v63  }
0xe6: {  	_ =	swait.ge [sflag:s25], $0x1000  }
0xe7: {  	[sflag:s25] =	ssyncset.done $0x0  }
0xe8: {  	s21 =	simm.s32 $0xF00;
	[sflag:s25] =	ssyncadd.s32 $0xFFFFF000  }
0xe9: {  	[spmem:s1] =	stream.indirect.scatter.add.f32 [tilespmem:s20], [sflag:$0x7], $0x20, s21, s17, $0xb8;
	[tilespmem:$0x1E400] =	vst v63  }
0xea: {  	_ =	swait.ge [sflag:s26], $0x1000  }
0xeb: {  	[sflag:s26] =	ssyncset.done $0x0  }
0xec: {  	s12 =	simm.s32 $0xF80;
	[sflag:s26] =	ssyncadd.s32 $0xFFFFF000  }
0xed: {  	[spmem:s1] =	stream.indirect.scatter.add.f32 [tilespmem:s22], [sflag:$0x8], $0x20, s12, s17, $0xb8;
	[tilespmem:$0x1E400] =	vst v63  }
0xee: {  	_ =	swait.ge [sflag:s28], $0x1000  }
0xef: {  	[sflag:s28] =	ssyncset.done $0x0  }
0xf0: {  	s16 =	simm.s32 $0x200;
	[sflag:s28] =	ssyncadd.s32 $0xFFFFF000  }
0xf1: {  	[tilespmem:s14], [sflag:$0x1] =	stream.indirect.gather [hbm4b:s3+s17], $0x20, s16, s17, $0xb8;
	[tilespmem:$0x1E400] =	vst v63  }
0xf2: {  	_ =	swait.ge [sflag:s29], $0x1000  }
0xf3: {  	[sflag:s29] =	ssyncset.done $0x0  }
0xf4: {  	s19 =	simm.s32 $0x280;
	[sflag:s29] =	ssyncadd.s32 $0xFFFFF000  }
0xf5: {  	[tilespmem:s18], [sflag:$0x2] =	stream.indirect.gather [hbm4b:s3+s17], $0x20, s19, s17, $0xb8;
	[tilespmem:$0x1E400] =	vst v63  }
0xf6: {  	_ =	swait.ge [sflag:s30], $0x1000  }
0xf7: {  	[sflag:s30] =	ssyncset.done $0x0  }
0xf8: {  	s21 =	simm.s32 $0x300;
	[sflag:s30] =	ssyncadd.s32 $0xFFFFF000  }
0xf9: {  	[tilespmem:s20], [sflag:$0x3] =	stream.indirect.gather [hbm4b:s3+s17], $0x20, s21, s17, $0xb8;
	[tilespmem:$0x1E400] =	vst v63  }
0xfa: {  	_ =	swait.ge [sflag:s31], $0x1000  }
0xfb: {  	[sflag:s31] =	ssyncset.done $0x0  }
0xfc: {  	s2 =	simm.s32 $0x800;
	s12 =	simm.s32 $0x380;
	[sflag:s31] =	ssyncadd.s32 $0xFFFFF000  }
.LBB2_19:
0xfd: {  	[tilespmem:s22], [sflag:$0x4] =	stream.indirect.gather [hbm4b:s3+s17], $0x20, s12, s17, $0xb8;
	[tilespmem:$0x1E400] =	vst v63  }
0xfe: {  	s12 =	smov.u32 s2  }
0xff: {  	p1 =	sne.s32 s2, $0x2800;
	s2 =	sadd.s32 $0x800, s2;
	_ =	swait.ge [sflag:s23], $0x1000  }
0x100: {  	s12 =	sshra.s32 s12, $0x2;
	[sflag:s23] =	ssyncset.done $0x0  }
0x101: {  	s16 =	sadd.s32 $0xE00, s12;
	[sflag:s23] =	ssyncadd.s32 $0xFFFFF000  }
0x102: {  	[spmem:s1] =	stream.indirect.scatter.add.f32 [tilespmem:s14], [sflag:$0x5], $0x20, s16, s17, $0xb8;
	[tilespmem:$0x1E400] =	vst v63  }
0x103: {  	_ =	swait.ge [sflag:s24], $0x1000  }
0x104: {  	[sflag:s24] =	ssyncset.done $0x0  }
0x105: {  	s16 =	sadd.s32 $0xE80, s12;
	[sflag:s24] =	ssyncadd.s32 $0xFFFFF000  }
0x106: {  	[spmem:s1] =	stream.indirect.scatter.add.f32 [tilespmem:s18], [sflag:$0x6], $0x20, s16, s17, $0xb8;
	[tilespmem:$0x1E400] =	vst v63  }
0x107: {  	_ =	swait.ge [sflag:s25], $0x1000  }
0x108: {  	[sflag:s25] =	ssyncset.done $0x0  }
0x109: {  	s16 =	sadd.s32 $0xF00, s12;
	[sflag:s25] =	ssyncadd.s32 $0xFFFFF000  }
0x10a: {  	[spmem:s1] =	stream.indirect.scatter.add.f32 [tilespmem:s20], [sflag:$0x7], $0x20, s16, s17, $0xb8;
	[tilespmem:$0x1E400] =	vst v63  }
0x10b: {  	_ =	swait.ge [sflag:s26], $0x1000  }
0x10c: {  	[sflag:s26] =	ssyncset.done $0x0  }
0x10d: {  	s16 =	sadd.s32 $0xF80, s12;
	[sflag:s26] =	ssyncadd.s32 $0xFFFFF000  }
0x10e: {  	[spmem:s1] =	stream.indirect.scatter.add.f32 [tilespmem:s22], [sflag:$0x8], $0x20, s16, s17, $0xb8;
	[tilespmem:$0x1E400] =	vst v63  }
0x10f: {  	_ =	swait.ge [sflag:s28], $0x1000  }
0x110: {  	[sflag:s28] =	ssyncset.done $0x0  }
0x111: {  	s16 =	sadd.s32 $0x200, s12;
	[sflag:s28] =	ssyncadd.s32 $0xFFFFF000  }
0x112: {  	[tilespmem:s14], [sflag:$0x1] =	stream.indirect.gather [hbm4b:s3+s17], $0x20, s16, s17, $0xb8;
	[tilespmem:$0x1E400] =	vst v63  }
0x113: {  	_ =	swait.ge [sflag:s29], $0x1000  }
0x114: {  	[sflag:s29] =	ssyncset.done $0x0  }
0x115: {  	s16 =	sadd.s32 $0x280, s12;
	[sflag:s29] =	ssyncadd.s32 $0xFFFFF000  }
0x116: {  	[tilespmem:s18], [sflag:$0x2] =	stream.indirect.gather [hbm4b:s3+s17], $0x20, s16, s17, $0xb8;
	[tilespmem:$0x1E400] =	vst v63  }
0x117: {  	_ =	swait.ge [sflag:s30], $0x1000  }
0x118: {  	[sflag:s30] =	ssyncset.done $0x0  }
.Ltmp8:
0x119: {  	s16 =	sadd.s32 $0x300, s12;
	[sflag:s30] =	ssyncadd.s32 $0xFFFFF000;
	(pc) =	sbr.rel @p1 .LBB2_19-.Ltmp8, $4  }
0x11a: {  	[tilespmem:s20], [sflag:$0x3] =	stream.indirect.gather [hbm4b:s3+s17], $0x20, s16, s17, $0xb8;
	[tilespmem:$0x1E400] =	vst v63  }
0x11b: {  	_ =	swait.ge [sflag:s31], $0x1000  }
0x11c: {  	[sflag:s31] =	ssyncset.done $0x0  }
0x11d: {  	s12 =	sadd.s32 $0x380, s12;
	[sflag:s31] =	ssyncadd.s32 $0xFFFFF000  }
0x11e: {  	[tilespmem:s22], [sflag:$0x4] =	stream.indirect.gather [hbm4b:s3+s17], $0x20, s12, s17, $0xb8;
	[tilespmem:$0x1E400] =	vst v63  }
0x11f: {  	_ =	swait.ge [sflag:s23], $0x1000  }
0x120: {  	[sflag:s23] =	ssyncset.done $0x0  }
0x121: {  	[sflag:s23] =	ssyncadd.s32 $0xFFFFF000  }
0x122: {  	[spmem:s1] =	stream.indirect.scatter.add.f32 [tilespmem:s14], [sflag:$0x5], $0x20, s0, s17, $0xb8;
	[tilespmem:$0x1E400] =	vst v63  }
0x123: {  	_ =	swait.ge [sflag:s24], $0x1000  }
0x124: {  	[sflag:s24] =	ssyncset.done $0x0  }
0x125: {  	[sflag:s24] =	ssyncadd.s32 $0xFFFFF000  }
0x126: {  	[spmem:s1] =	stream.indirect.scatter.add.f32 [tilespmem:s18], [sflag:$0x6], $0x20, s9, s17, $0xb8;
	[tilespmem:$0x1E400] =	vst v63  }
0x127: {  	_ =	swait.ge [sflag:s25], $0x1000  }
0x128: {  	[sflag:s25] =	ssyncset.done $0x0  }
0x129: {  	[sflag:s25] =	ssyncadd.s32 $0xFFFFF000  }
0x12a: {  	[spmem:s1] =	stream.indirect.scatter.add.f32 [tilespmem:s20], [sflag:$0x7], $0x20, s10, s17, $0xb8;
	[tilespmem:$0x1E400] =	vst v63  }
0x12b: {  	_ =	swait.ge [sflag:s26], $0x1000  }
0x12c: {  	[sflag:s26] =	ssyncset.done $0x0  }
0x12d: {  	[sflag:s26] =	ssyncadd.s32 $0xFFFFF000  }
0x12e: {  	[spmem:s1] =	stream.indirect.scatter.add.f32 [tilespmem:s22], [sflag:$0x8], $0x20, s11, s17, $0xb8;
	[tilespmem:$0x1E400] =	vst v63  }
0x12f: {  	_ =	swait.ge [sflag:s28], $0x1000  }
0x130: {  	[sflag:s28] =	ssyncset.done $0x0  }
0x131: {  	[sflag:s28] =	ssyncadd.s32 $0xFFFFF000  }
0x132: {  	_ =	swait.ge [sflag:s29], $0x1000  }
0x133: {  	[sflag:s29] =	ssyncset.done $0x0  }
0x134: {  	s8 =	sadd.s32 $0x1, s8;
	[sflag:s29] =	ssyncadd.s32 $0xFFFFF000  }
0x135: {  	p1 =	sne.s32 s8, $0xE;
	_ =	swait.ge [sflag:s30], $0x1000  }
.Ltmp9:
0x136: {  	[sflag:s30] =	ssyncset.done $0x0;
	(pc) =	sbr.rel @p1 .LBB2_16-.Ltmp9, $4  }
0x137: {  	[sflag:s30] =	ssyncadd.s32 $0xFFFFF000  }
0x138: {  	_ =	swait.ge [sflag:s31], $0x1000  }
0x139: {  	[sflag:s31] =	ssyncset.done $0x0  }
0x13a: {  	[sflag:s31] =	ssyncadd.s32 $0xFFFFF000  }
0x13b: {  	[bflag:$0x0] =	sbarrier.arrive $0xFFFF  }
0x13c: {  	s8 =	rddreg [dreg:$0x5]  }
0x13d: {  	s2 =	simm.s32 @!p0 $0x1C09;
	s12 =	rddreg [dreg:$0xa]  }
0x13e: {  	[hbm:s8], [sflag:s2] =	dma.local @!p0 [spmem:s12], $0x31000  }
0x13f: {  	s2 =	simm.s32 @!p0 $0x9  }
0x140: {  	_ =	swait.ge @!p0 [sflag:s2], $0x31000  }
0x141: {  	[sflag:s2] =	ssyncset.done @!p0 $0x0  }
0x142: {  	[sflag:s2] =	ssyncadd.s32 @!p0 $0xFFFCF000  }
0x143: {  	s8 =	simm.s32 $0x0;
	s2 =	simm.s32 $0x80;
	[bflag:$0x0] =	sbarrier.arrive $0xFFFF  }
.LBB2_22:
0x144: {  	p1 =	sne.s32 s2, $0x3F80;
	[tilespmem:s8+$0x1C00] =	vst v5;
	s12 =	smov.u32 s2;
	s2 =	sadd.s32 $0x80, s2  }
.Ltmp10:
0x145: {  	[tilespmem:s8+$0x1C10] =	vst v5;
	(pc) =	sbr.rel @p1 .LBB2_22-.Ltmp10, $2  }
0x146: {  	_ =	sdelay $0x2  }
0x147: {  	s8 =	sshra.s32 s12, $0x2  }
0x148: {  	[tilespmem:s8+$0x1C00] =	vst v5  }
0x149: {  	[tilespmem:s8+$0x1C10] =	vst v5;
	s2 =	sadd.s32 $0x0, s7  }
0x14a: {  	[spmem:s2] =	stream.linear.scatter [tilespmem:s14], [sflag:$0x9], $0x800, $0x38;
	[tilespmem:$0x1E400] =	vst v63  }
0x14b: {  	s2 =	simm.s32 $0x2000;
	_ =	swait.ge [sflag:s15], $0x800  }
.LBB2_24:
0x14c: {  	s8 =	sshra.s32 s2, $0x2;
	[sflag:s15] =	ssyncset.done $0x0;
	p1 =	sne.s32 s2, $0x60000  }
.Ltmp11:
0x14d: {  	s8 =	sadd.s32 s8, s7;
	[sflag:s15] =	ssyncadd.s32 $0xFFFFF800;
	(pc) =	sbr.rel @p1 .LBB2_24-.Ltmp11, $3  }
0x14e: {  	[spmem:s8] =	stream.linear.scatter [tilespmem:s14], [sflag:$0x9], $0x800, $0x38;
	[tilespmem:$0x1E400] =	vst v63  }
0x14f: {  	s2 =	sadd.s32 $0x2000, s2;
	_ =	sdelay $0x1  }
0x150: {  	_ =	swait.ge [sflag:s15], $0x800  }
0x151: {  	[sflag:s15] =	ssyncset.done $0x0  }
0x152: {  	[sflag:s15] =	ssyncadd.s32 $0xFFFFF800  }
0x153: {  	s13 =	simm.s32 $0x0;
	s8 =	simm.s32 $0x0;
	[bflag:$0x0] =	sbarrier.arrive $0xFFFF  }
.LBB2_26:
0x154: {  	s2 =	smul.u32 $0xE00, s8;
	_ =	sdelay $0x1  }
0x155: {  	s2 =	sadd.s32 s6, s2  }
0x156: {  	s2 =	sshrl.u32 s2, $0x3  }
0x157: {  	s12 =	sadd.s32 s4, s2  }
0x158: {  	[tilespmem:s13], [sflag:$0x9] =	stream.linear.gather [hbm4b:s12+s13], $0xE00, $0x38;
	[tilespmem:$0x1E400] =	vst v63  }
0x159: {  	_ =	swait.ge [sflag:s15], $0xE00  }
0x15a: {  	[sflag:s15] =	ssyncset.done $0x0  }
0x15b: {  	s16 =	simm.s32 $0xE00;
	s2 =	sadd.s32 s5, s2;
	[sflag:s15] =	ssyncadd.s32 $0xFFFFF200  }
0x15c: {  	[tilespmem:s16], [sflag:$0x9] =	stream.linear.gather [hbm4b:s2+s13], $0xE00, $0x38;
	[tilespmem:$0x1E400] =	vst v63  }
0x15d: {  	s19 =	sand.u32 $0x3E00, s13;
	_ =	swait.ge [sflag:s15], $0xE00  }
0x15e: {  	s21 =	sand.u32 $0x70, s13;
	s2 =	sshrl.u32 s19, $0x2;
	[sflag:s15] =	ssyncset.done $0x0  }
0x15f: {  	s2 =	sor.u32 s21, s2;
	[sflag:s15] =	ssyncadd.s32 $0xFFFFF200  }
0x160: {  	v6 =	vld [tilespmem:s2+$0x0];
	_ =	sdelay $0x2  }
0x161: {  	s16 =	simm.s32 $0x40  }
0x162: {  	s12 =	simm.s32 $0x10;
	s19 =	sand.u32 $0x3E00, s16;
	s16 =	simm.s32 $0x80  }
.LBB2_27:
0x163: {  	p1 =	sne.s32 s16, $0x37C0;
	s21 =	sand.u32 $0x70, s12;
	s19 =	sshrl.u32 s19, $0x2;
	v6 =	vadd.s32 v2, v6  }
0x164: {  	[tilespmem:s2+$0x0] =	vst v6;
	s2 =	sor.u32 s21, s19  }
.Ltmp12:
0x165: {  	v6 =	vld [tilespmem:s2+$0x0];
	(pc) =	sbr.rel @p1 .LBB2_27-.Ltmp12, $2  }
0x166: {  	_ =	sdelay $0x2  }
0x167: {  	s12 =	sadd.s32 $0x10, s12;
	s19 =	sand.u32 $0x3E00, s16;
	s16 =	sadd.s32 $0x40, s16  }
0x168: {  	s12 =	sand.u32 $0x70, s12;
	s16 =	sshrl.u32 s19, $0x2;
	v6 =	vadd.s32 v2, v6  }
0x169: {  	s12 =	sor.u32 s12, s16;
	[tilespmem:s2+$0x0] =	vst v6  }
0x16a: {  	v6 =	vld [tilespmem:s12+$0x0];
	_ =	sdelay $0x4  }
0x16b: {  	v6 =	vadd.s32 v2, v6  }
0x16c: {  	s19 =	simm.s32 $0x0;
	[tilespmem:s12+$0x0] =	vst v6  }
0x16d: {  	[tilespmem:s14], [sflag:$0x1] =	stream.indirect.gather [hbm4b:s3+s17], $0x20, s19, s17, $0xb8;
	[tilespmem:$0x1E400] =	vst v63  }
0x16e: {  	_ = 	snop  }
0x16f: {  	[tilespmem:s18], [sflag:$0x2] =	stream.indirect.gather [hbm4b:s3+s17], $0x20, s17, s17, $0xb8;
	[tilespmem:$0x1E400] =	vst v63  }
0x170: {  	s21 =	simm.s32 $0x100  }
0x171: {  	[tilespmem:s20], [sflag:$0x3] =	stream.indirect.gather [hbm4b:s3+s17], $0x20, s21, s17, $0xb8;
	[tilespmem:$0x1E400] =	vst v63  }
0x172: {  	s12 =	simm.s32 $0x180  }
0x173: {  	[tilespmem:s22], [sflag:$0x4] =	stream.indirect.gather [hbm4b:s3+s17], $0x20, s12, s17, $0xb8;
	[tilespmem:$0x1E400] =	vst v63  }
0x174: {  	_ =	swait.ge [sflag:s23], $0x1000  }
0x175: {  	[sflag:s23] =	ssyncset.done $0x0  }
0x176: {  	s16 =	simm.s32 $0xE00;
	[sflag:s23] =	ssyncadd.s32 $0xFFFFF000  }
0x177: {  	[spmem:s1] =	stream.indirect.scatter.add.f32 [tilespmem:s14], [sflag:$0x5], $0x20, s16, s17, $0xb8;
	[tilespmem:$0x1E400] =	vst v63  }
0x178: {  	_ =	swait.ge [sflag:s24], $0x1000  }
0x179: {  	[sflag:s24] =	ssyncset.done $0x0  }
0x17a: {  	s19 =	simm.s32 $0xE80;
	[sflag:s24] =	ssyncadd.s32 $0xFFFFF000  }
0x17b: {  	[spmem:s1] =	stream.indirect.scatter.add.f32 [tilespmem:s18], [sflag:$0x6], $0x20, s19, s17, $0xb8;
	[tilespmem:$0x1E400] =	vst v63  }
0x17c: {  	_ =	swait.ge [sflag:s25], $0x1000  }
0x17d: {  	[sflag:s25] =	ssyncset.done $0x0  }
0x17e: {  	s21 =	simm.s32 $0xF00;
	[sflag:s25] =	ssyncadd.s32 $0xFFFFF000  }
0x17f: {  	[spmem:s1] =	stream.indirect.scatter.add.f32 [tilespmem:s20], [sflag:$0x7], $0x20, s21, s17, $0xb8;
	[tilespmem:$0x1E400] =	vst v63  }
0x180: {  	_ =	swait.ge [sflag:s26], $0x1000  }
0x181: {  	[sflag:s26] =	ssyncset.done $0x0  }
0x182: {  	s12 =	simm.s32 $0xF80;
	[sflag:s26] =	ssyncadd.s32 $0xFFFFF000  }
0x183: {  	[spmem:s1] =	stream.indirect.scatter.add.f32 [tilespmem:s22], [sflag:$0x8], $0x20, s12, s17, $0xb8;
	[tilespmem:$0x1E400] =	vst v63  }
0x184: {  	_ =	swait.ge [sflag:s28], $0x1000  }
0x185: {  	[sflag:s28] =	ssyncset.done $0x0  }
0x186: {  	s16 =	simm.s32 $0x200;
	[sflag:s28] =	ssyncadd.s32 $0xFFFFF000  }
0x187: {  	[tilespmem:s14], [sflag:$0x1] =	stream.indirect.gather [hbm4b:s3+s17], $0x20, s16, s17, $0xb8;
	[tilespmem:$0x1E400] =	vst v63  }
0x188: {  	_ =	swait.ge [sflag:s29], $0x1000  }
0x189: {  	[sflag:s29] =	ssyncset.done $0x0  }
0x18a: {  	s19 =	simm.s32 $0x280;
	[sflag:s29] =	ssyncadd.s32 $0xFFFFF000  }
0x18b: {  	[tilespmem:s18], [sflag:$0x2] =	stream.indirect.gather [hbm4b:s3+s17], $0x20, s19, s17, $0xb8;
	[tilespmem:$0x1E400] =	vst v63  }
0x18c: {  	_ =	swait.ge [sflag:s30], $0x1000  }
0x18d: {  	[sflag:s30] =	ssyncset.done $0x0  }
0x18e: {  	s21 =	simm.s32 $0x300;
	[sflag:s30] =	ssyncadd.s32 $0xFFFFF000  }
0x18f: {  	[tilespmem:s20], [sflag:$0x3] =	stream.indirect.gather [hbm4b:s3+s17], $0x20, s21, s17, $0xb8;
	[tilespmem:$0x1E400] =	vst v63  }
0x190: {  	_ =	swait.ge [sflag:s31], $0x1000  }
0x191: {  	[sflag:s31] =	ssyncset.done $0x0  }
0x192: {  	s2 =	simm.s32 $0x800;
	s12 =	simm.s32 $0x380;
	[sflag:s31] =	ssyncadd.s32 $0xFFFFF000  }
.LBB2_29:
0x193: {  	[tilespmem:s22], [sflag:$0x4] =	stream.indirect.gather [hbm4b:s3+s17], $0x20, s12, s17, $0xb8;
	[tilespmem:$0x1E400] =	vst v63  }
0x194: {  	s12 =	smov.u32 s2  }
0x195: {  	p1 =	sne.s32 s2, $0x2800;
	s2 =	sadd.s32 $0x800, s2;
	_ =	swait.ge [sflag:s23], $0x1000  }
0x196: {  	s12 =	sshra.s32 s12, $0x2;
	[sflag:s23] =	ssyncset.done $0x0  }
0x197: {  	s16 =	sadd.s32 $0xE00, s12;
	[sflag:s23] =	ssyncadd.s32 $0xFFFFF000  }
0x198: {  	[spmem:s1] =	stream.indirect.scatter.add.f32 [tilespmem:s14], [sflag:$0x5], $0x20, s16, s17, $0xb8;
	[tilespmem:$0x1E400] =	vst v63  }
0x199: {  	_ =	swait.ge [sflag:s24], $0x1000  }
0x19a: {  	[sflag:s24] =	ssyncset.done $0x0  }
0x19b: {  	s16 =	sadd.s32 $0xE80, s12;
	[sflag:s24] =	ssyncadd.s32 $0xFFFFF000  }
0x19c: {  	[spmem:s1] =	stream.indirect.scatter.add.f32 [tilespmem:s18], [sflag:$0x6], $0x20, s16, s17, $0xb8;
	[tilespmem:$0x1E400] =	vst v63  }
0x19d: {  	_ =	swait.ge [sflag:s25], $0x1000  }
0x19e: {  	[sflag:s25] =	ssyncset.done $0x0  }
0x19f: {  	s16 =	sadd.s32 $0xF00, s12;
	[sflag:s25] =	ssyncadd.s32 $0xFFFFF000  }
0x1a0: {  	[spmem:s1] =	stream.indirect.scatter.add.f32 [tilespmem:s20], [sflag:$0x7], $0x20, s16, s17, $0xb8;
	[tilespmem:$0x1E400] =	vst v63  }
0x1a1: {  	_ =	swait.ge [sflag:s26], $0x1000  }
0x1a2: {  	[sflag:s26] =	ssyncset.done $0x0  }
0x1a3: {  	s16 =	sadd.s32 $0xF80, s12;
	[sflag:s26] =	ssyncadd.s32 $0xFFFFF000  }
0x1a4: {  	[spmem:s1] =	stream.indirect.scatter.add.f32 [tilespmem:s22], [sflag:$0x8], $0x20, s16, s17, $0xb8;
	[tilespmem:$0x1E400] =	vst v63  }
0x1a5: {  	_ =	swait.ge [sflag:s28], $0x1000  }
0x1a6: {  	[sflag:s28] =	ssyncset.done $0x0  }
0x1a7: {  	s16 =	sadd.s32 $0x200, s12;
	[sflag:s28] =	ssyncadd.s32 $0xFFFFF000  }
0x1a8: {  	[tilespmem:s14], [sflag:$0x1] =	stream.indirect.gather [hbm4b:s3+s17], $0x20, s16, s17, $0xb8;
	[tilespmem:$0x1E400] =	vst v63  }
0x1a9: {  	_ =	swait.ge [sflag:s29], $0x1000  }
0x1aa: {  	[sflag:s29] =	ssyncset.done $0x0  }
0x1ab: {  	s16 =	sadd.s32 $0x280, s12;
	[sflag:s29] =	ssyncadd.s32 $0xFFFFF000  }
0x1ac: {  	[tilespmem:s18], [sflag:$0x2] =	stream.indirect.gather [hbm4b:s3+s17], $0x20, s16, s17, $0xb8;
	[tilespmem:$0x1E400] =	vst v63  }
0x1ad: {  	_ =	swait.ge [sflag:s30], $0x1000  }
0x1ae: {  	[sflag:s30] =	ssyncset.done $0x0  }
.Ltmp13:
0x1af: {  	s16 =	sadd.s32 $0x300, s12;
	[sflag:s30] =	ssyncadd.s32 $0xFFFFF000;
	(pc) =	sbr.rel @p1 .LBB2_29-.Ltmp13, $4  }
0x1b0: {  	[tilespmem:s20], [sflag:$0x3] =	stream.indirect.gather [hbm4b:s3+s17], $0x20, s16, s17, $0xb8;
	[tilespmem:$0x1E400] =	vst v63  }
0x1b1: {  	_ =	swait.ge [sflag:s31], $0x1000  }
0x1b2: {  	[sflag:s31] =	ssyncset.done $0x0  }
0x1b3: {  	s12 =	sadd.s32 $0x380, s12;
	[sflag:s31] =	ssyncadd.s32 $0xFFFFF000  }
0x1b4: {  	[tilespmem:s22], [sflag:$0x4] =	stream.indirect.gather [hbm4b:s3+s17], $0x20, s12, s17, $0xb8;
	[tilespmem:$0x1E400] =	vst v63  }
0x1b5: {  	_ =	swait.ge [sflag:s23], $0x1000  }
0x1b6: {  	[sflag:s23] =	ssyncset.done $0x0  }
0x1b7: {  	[sflag:s23] =	ssyncadd.s32 $0xFFFFF000  }
0x1b8: {  	[spmem:s1] =	stream.indirect.scatter.add.f32 [tilespmem:s14], [sflag:$0x5], $0x20, s0, s17, $0xb8;
	[tilespmem:$0x1E400] =	vst v63  }
0x1b9: {  	_ =	swait.ge [sflag:s24], $0x1000  }
0x1ba: {  	[sflag:s24] =	ssyncset.done $0x0  }
0x1bb: {  	[sflag:s24] =	ssyncadd.s32 $0xFFFFF000  }
0x1bc: {  	[spmem:s1] =	stream.indirect.scatter.add.f32 [tilespmem:s18], [sflag:$0x6], $0x20, s9, s17, $0xb8;
	[tilespmem:$0x1E400] =	vst v63  }
0x1bd: {  	_ =	swait.ge [sflag:s25], $0x1000  }
0x1be: {  	[sflag:s25] =	ssyncset.done $0x0  }
0x1bf: {  	[sflag:s25] =	ssyncadd.s32 $0xFFFFF000  }
0x1c0: {  	[spmem:s1] =	stream.indirect.scatter.add.f32 [tilespmem:s20], [sflag:$0x7], $0x20, s10, s17, $0xb8;
	[tilespmem:$0x1E400] =	vst v63  }
0x1c1: {  	_ =	swait.ge [sflag:s26], $0x1000  }
0x1c2: {  	[sflag:s26] =	ssyncset.done $0x0  }
0x1c3: {  	[sflag:s26] =	ssyncadd.s32 $0xFFFFF000  }
0x1c4: {  	[spmem:s1] =	stream.indirect.scatter.add.f32 [tilespmem:s22], [sflag:$0x8], $0x20, s11, s17, $0xb8;
	[tilespmem:$0x1E400] =	vst v63  }
0x1c5: {  	_ =	swait.ge [sflag:s28], $0x1000  }
0x1c6: {  	[sflag:s28] =	ssyncset.done $0x0  }
0x1c7: {  	[sflag:s28] =	ssyncadd.s32 $0xFFFFF000  }
0x1c8: {  	_ =	swait.ge [sflag:s29], $0x1000  }
0x1c9: {  	[sflag:s29] =	ssyncset.done $0x0  }
0x1ca: {  	s8 =	sadd.s32 $0x1, s8;
	[sflag:s29] =	ssyncadd.s32 $0xFFFFF000  }
0x1cb: {  	p1 =	sne.s32 s8, $0xE;
	_ =	swait.ge [sflag:s30], $0x1000  }
.Ltmp14:
0x1cc: {  	[sflag:s30] =	ssyncset.done $0x0;
	(pc) =	sbr.rel @p1 .LBB2_26-.Ltmp14, $4  }
0x1cd: {  	[sflag:s30] =	ssyncadd.s32 $0xFFFFF000  }
0x1ce: {  	_ =	swait.ge [sflag:s31], $0x1000  }
0x1cf: {  	[sflag:s31] =	ssyncset.done $0x0  }
0x1d0: {  	[sflag:s31] =	ssyncadd.s32 $0xFFFFF000  }
0x1d1: {  	[bflag:$0x0] =	sbarrier.arrive $0xFFFF  }
0x1d2: {  	s8 =	rddreg [dreg:$0x6]  }
0x1d3: {  	s2 =	simm.s32 @!p0 $0x1C09;
	s12 =	rddreg [dreg:$0xa]  }
0x1d4: {  	[hbm:s8], [sflag:s2] =	dma.local @!p0 [spmem:s12], $0x31000  }
0x1d5: {  	s2 =	simm.s32 @!p0 $0x9  }
0x1d6: {  	_ =	swait.ge @!p0 [sflag:s2], $0x31000  }
0x1d7: {  	[sflag:s2] =	ssyncset.done @!p0 $0x0  }
0x1d8: {  	[sflag:s2] =	ssyncadd.s32 @!p0 $0xFFFCF000  }
0x1d9: {  	s8 =	simm.s32 $0x0;
	s2 =	simm.s32 $0x80;
	[bflag:$0x0] =	sbarrier.arrive $0xFFFF  }
.LBB2_32:
0x1da: {  	p1 =	sne.s32 s2, $0x3F80;
	[tilespmem:s8+$0x1C00] =	vst v5;
	s12 =	smov.u32 s2;
	s2 =	sadd.s32 $0x80, s2  }
.Ltmp15:
0x1db: {  	[tilespmem:s8+$0x1C10] =	vst v5;
	(pc) =	sbr.rel @p1 .LBB2_32-.Ltmp15, $2  }
0x1dc: {  	_ =	sdelay $0x2  }
0x1dd: {  	s8 =	sshra.s32 s12, $0x2  }
0x1de: {  	[tilespmem:s8+$0x1C00] =	vst v5  }
0x1df: {  	[tilespmem:s8+$0x1C10] =	vst v5;
	s2 =	sadd.s32 $0x0, s7  }
0x1e0: {  	[spmem:s2] =	stream.linear.scatter [tilespmem:s14], [sflag:$0x9], $0x800, $0x38;
	[tilespmem:$0x1E400] =	vst v63  }
0x1e1: {  	s2 =	simm.s32 $0x2000;
	_ =	swait.ge [sflag:s15], $0x800  }
.LBB2_34:
0x1e2: {  	s8 =	sshra.s32 s2, $0x2;
	[sflag:s15] =	ssyncset.done $0x0;
	p1 =	sne.s32 s2, $0x60000  }
.Ltmp16:
0x1e3: {  	s8 =	sadd.s32 s8, s7;
	[sflag:s15] =	ssyncadd.s32 $0xFFFFF800;
	(pc) =	sbr.rel @p1 .LBB2_34-.Ltmp16, $3  }
0x1e4: {  	[spmem:s8] =	stream.linear.scatter [tilespmem:s14], [sflag:$0x9], $0x800, $0x38;
	[tilespmem:$0x1E400] =	vst v63  }
0x1e5: {  	s2 =	sadd.s32 $0x2000, s2;
	_ =	sdelay $0x1  }
0x1e6: {  	_ =	swait.ge [sflag:s15], $0x800  }
0x1e7: {  	[sflag:s15] =	ssyncset.done $0x0  }
0x1e8: {  	[sflag:s15] =	ssyncadd.s32 $0xFFFFF800  }
0x1e9: {  	s13 =	simm.s32 $0x0;
	s8 =	simm.s32 $0x0;
	[bflag:$0x0] =	sbarrier.arrive $0xFFFF  }
.LBB2_36:
0x1ea: {  	s2 =	smul.u32 $0xE00, s8;
	_ =	sdelay $0x1  }
0x1eb: {  	s2 =	sadd.s32 s6, s2  }
0x1ec: {  	s2 =	sshrl.u32 s2, $0x3  }
0x1ed: {  	s12 =	sadd.s32 s4, s2  }
0x1ee: {  	[tilespmem:s13], [sflag:$0x9] =	stream.linear.gather [hbm4b:s12+s13], $0xE00, $0x38;
	[tilespmem:$0x1E400] =	vst v63  }
0x1ef: {  	_ =	swait.ge [sflag:s15], $0xE00  }
0x1f0: {  	[sflag:s15] =	ssyncset.done $0x0  }
0x1f1: {  	s16 =	simm.s32 $0xE00;
	s2 =	sadd.s32 s5, s2;
	[sflag:s15] =	ssyncadd.s32 $0xFFFFF200  }
0x1f2: {  	[tilespmem:s16], [sflag:$0x9] =	stream.linear.gather [hbm4b:s2+s13], $0xE00, $0x38;
	[tilespmem:$0x1E400] =	vst v63  }
0x1f3: {  	s19 =	sand.u32 $0x3E00, s13;
	_ =	swait.ge [sflag:s15], $0xE00  }
0x1f4: {  	s21 =	sand.u32 $0x70, s13;
	s2 =	sshrl.u32 s19, $0x2;
	[sflag:s15] =	ssyncset.done $0x0  }
0x1f5: {  	s2 =	sor.u32 s21, s2;
	[sflag:s15] =	ssyncadd.s32 $0xFFFFF200  }
0x1f6: {  	v6 =	vld [tilespmem:s2+$0x0];
	_ =	sdelay $0x2  }
0x1f7: {  	s16 =	simm.s32 $0x40  }
0x1f8: {  	s12 =	simm.s32 $0x10;
	s19 =	sand.u32 $0x3E00, s16;
	s16 =	simm.s32 $0x80  }
.LBB2_37:
0x1f9: {  	p1 =	sne.s32 s16, $0x37C0;
	s21 =	sand.u32 $0x70, s12;
	s19 =	sshrl.u32 s19, $0x2;
	v6 =	vadd.s32 v3, v6  }
0x1fa: {  	[tilespmem:s2+$0x0] =	vst v6;
	s2 =	sor.u32 s21, s19  }
.Ltmp17:
0x1fb: {  	v6 =	vld [tilespmem:s2+$0x0];
	(pc) =	sbr.rel @p1 .LBB2_37-.Ltmp17, $2  }
0x1fc: {  	_ =	sdelay $0x2  }
0x1fd: {  	s12 =	sadd.s32 $0x10, s12;
	s19 =	sand.u32 $0x3E00, s16;
	s16 =	sadd.s32 $0x40, s16  }
0x1fe: {  	s12 =	sand.u32 $0x70, s12;
	s16 =	sshrl.u32 s19, $0x2;
	v6 =	vadd.s32 v3, v6  }
0x1ff: {  	s12 =	sor.u32 s12, s16;
	[tilespmem:s2+$0x0] =	vst v6  }
0x200: {  	v6 =	vld [tilespmem:s12+$0x0];
	_ =	sdelay $0x4  }
0x201: {  	v6 =	vadd.s32 v3, v6  }
0x202: {  	s19 =	simm.s32 $0x0;
	[tilespmem:s12+$0x0] =	vst v6  }
0x203: {  	[tilespmem:s14], [sflag:$0x1] =	stream.indirect.gather [hbm4b:s3+s17], $0x20, s19, s17, $0xb8;
	[tilespmem:$0x1E400] =	vst v63  }
0x204: {  	_ = 	snop  }
0x205: {  	[tilespmem:s18], [sflag:$0x2] =	stream.indirect.gather [hbm4b:s3+s17], $0x20, s17, s17, $0xb8;
	[tilespmem:$0x1E400] =	vst v63  }
0x206: {  	s21 =	simm.s32 $0x100  }
0x207: {  	[tilespmem:s20], [sflag:$0x3] =	stream.indirect.gather [hbm4b:s3+s17], $0x20, s21, s17, $0xb8;
	[tilespmem:$0x1E400] =	vst v63  }
0x208: {  	s12 =	simm.s32 $0x180  }
0x209: {  	[tilespmem:s22], [sflag:$0x4] =	stream.indirect.gather [hbm4b:s3+s17], $0x20, s12, s17, $0xb8;
	[tilespmem:$0x1E400] =	vst v63  }
0x20a: {  	_ =	swait.ge [sflag:s23], $0x1000  }
0x20b: {  	[sflag:s23] =	ssyncset.done $0x0  }
0x20c: {  	s16 =	simm.s32 $0xE00;
	[sflag:s23] =	ssyncadd.s32 $0xFFFFF000  }
0x20d: {  	[spmem:s1] =	stream.indirect.scatter.add.f32 [tilespmem:s14], [sflag:$0x5], $0x20, s16, s17, $0xb8;
	[tilespmem:$0x1E400] =	vst v63  }
0x20e: {  	_ =	swait.ge [sflag:s24], $0x1000  }
0x20f: {  	[sflag:s24] =	ssyncset.done $0x0  }
0x210: {  	s19 =	simm.s32 $0xE80;
	[sflag:s24] =	ssyncadd.s32 $0xFFFFF000  }
0x211: {  	[spmem:s1] =	stream.indirect.scatter.add.f32 [tilespmem:s18], [sflag:$0x6], $0x20, s19, s17, $0xb8;
	[tilespmem:$0x1E400] =	vst v63  }
0x212: {  	_ =	swait.ge [sflag:s25], $0x1000  }
0x213: {  	[sflag:s25] =	ssyncset.done $0x0  }
0x214: {  	s21 =	simm.s32 $0xF00;
	[sflag:s25] =	ssyncadd.s32 $0xFFFFF000  }
0x215: {  	[spmem:s1] =	stream.indirect.scatter.add.f32 [tilespmem:s20], [sflag:$0x7], $0x20, s21, s17, $0xb8;
	[tilespmem:$0x1E400] =	vst v63  }
0x216: {  	_ =	swait.ge [sflag:s26], $0x1000  }
0x217: {  	[sflag:s26] =	ssyncset.done $0x0  }
0x218: {  	s12 =	simm.s32 $0xF80;
	[sflag:s26] =	ssyncadd.s32 $0xFFFFF000  }
0x219: {  	[spmem:s1] =	stream.indirect.scatter.add.f32 [tilespmem:s22], [sflag:$0x8], $0x20, s12, s17, $0xb8;
	[tilespmem:$0x1E400] =	vst v63  }
0x21a: {  	_ =	swait.ge [sflag:s28], $0x1000  }
0x21b: {  	[sflag:s28] =	ssyncset.done $0x0  }
0x21c: {  	s16 =	simm.s32 $0x200;
	[sflag:s28] =	ssyncadd.s32 $0xFFFFF000  }
0x21d: {  	[tilespmem:s14], [sflag:$0x1] =	stream.indirect.gather [hbm4b:s3+s17], $0x20, s16, s17, $0xb8;
	[tilespmem:$0x1E400] =	vst v63  }
0x21e: {  	_ =	swait.ge [sflag:s29], $0x1000  }
0x21f: {  	[sflag:s29] =	ssyncset.done $0x0  }
0x220: {  	s19 =	simm.s32 $0x280;
	[sflag:s29] =	ssyncadd.s32 $0xFFFFF000  }
0x221: {  	[tilespmem:s18], [sflag:$0x2] =	stream.indirect.gather [hbm4b:s3+s17], $0x20, s19, s17, $0xb8;
	[tilespmem:$0x1E400] =	vst v63  }
0x222: {  	_ =	swait.ge [sflag:s30], $0x1000  }
0x223: {  	[sflag:s30] =	ssyncset.done $0x0  }
0x224: {  	s21 =	simm.s32 $0x300;
	[sflag:s30] =	ssyncadd.s32 $0xFFFFF000  }
0x225: {  	[tilespmem:s20], [sflag:$0x3] =	stream.indirect.gather [hbm4b:s3+s17], $0x20, s21, s17, $0xb8;
	[tilespmem:$0x1E400] =	vst v63  }
0x226: {  	_ =	swait.ge [sflag:s31], $0x1000  }
0x227: {  	[sflag:s31] =	ssyncset.done $0x0  }
0x228: {  	s2 =	simm.s32 $0x800;
	s12 =	simm.s32 $0x380;
	[sflag:s31] =	ssyncadd.s32 $0xFFFFF000  }
.LBB2_39:
0x229: {  	[tilespmem:s22], [sflag:$0x4] =	stream.indirect.gather [hbm4b:s3+s17], $0x20, s12, s17, $0xb8;
	[tilespmem:$0x1E400] =	vst v63  }
0x22a: {  	s12 =	smov.u32 s2  }
0x22b: {  	p1 =	sne.s32 s2, $0x2800;
	s2 =	sadd.s32 $0x800, s2;
	_ =	swait.ge [sflag:s23], $0x1000  }
0x22c: {  	s12 =	sshra.s32 s12, $0x2;
	[sflag:s23] =	ssyncset.done $0x0  }
0x22d: {  	s16 =	sadd.s32 $0xE00, s12;
	[sflag:s23] =	ssyncadd.s32 $0xFFFFF000  }
0x22e: {  	[spmem:s1] =	stream.indirect.scatter.add.f32 [tilespmem:s14], [sflag:$0x5], $0x20, s16, s17, $0xb8;
	[tilespmem:$0x1E400] =	vst v63  }
0x22f: {  	_ =	swait.ge [sflag:s24], $0x1000  }
0x230: {  	[sflag:s24] =	ssyncset.done $0x0  }
0x231: {  	s16 =	sadd.s32 $0xE80, s12;
	[sflag:s24] =	ssyncadd.s32 $0xFFFFF000  }
0x232: {  	[spmem:s1] =	stream.indirect.scatter.add.f32 [tilespmem:s18], [sflag:$0x6], $0x20, s16, s17, $0xb8;
	[tilespmem:$0x1E400] =	vst v63  }
0x233: {  	_ =	swait.ge [sflag:s25], $0x1000  }
0x234: {  	[sflag:s25] =	ssyncset.done $0x0  }
0x235: {  	s16 =	sadd.s32 $0xF00, s12;
	[sflag:s25] =	ssyncadd.s32 $0xFFFFF000  }
0x236: {  	[spmem:s1] =	stream.indirect.scatter.add.f32 [tilespmem:s20], [sflag:$0x7], $0x20, s16, s17, $0xb8;
	[tilespmem:$0x1E400] =	vst v63  }
0x237: {  	_ =	swait.ge [sflag:s26], $0x1000  }
0x238: {  	[sflag:s26] =	ssyncset.done $0x0  }
0x239: {  	s16 =	sadd.s32 $0xF80, s12;
	[sflag:s26] =	ssyncadd.s32 $0xFFFFF000  }
0x23a: {  	[spmem:s1] =	stream.indirect.scatter.add.f32 [tilespmem:s22], [sflag:$0x8], $0x20, s16, s17, $0xb8;
	[tilespmem:$0x1E400] =	vst v63  }
0x23b: {  	_ =	swait.ge [sflag:s28], $0x1000  }
0x23c: {  	[sflag:s28] =	ssyncset.done $0x0  }
0x23d: {  	s16 =	sadd.s32 $0x200, s12;
	[sflag:s28] =	ssyncadd.s32 $0xFFFFF000  }
0x23e: {  	[tilespmem:s14], [sflag:$0x1] =	stream.indirect.gather [hbm4b:s3+s17], $0x20, s16, s17, $0xb8;
	[tilespmem:$0x1E400] =	vst v63  }
0x23f: {  	_ =	swait.ge [sflag:s29], $0x1000  }
0x240: {  	[sflag:s29] =	ssyncset.done $0x0  }
0x241: {  	s16 =	sadd.s32 $0x280, s12;
	[sflag:s29] =	ssyncadd.s32 $0xFFFFF000  }
0x242: {  	[tilespmem:s18], [sflag:$0x2] =	stream.indirect.gather [hbm4b:s3+s17], $0x20, s16, s17, $0xb8;
	[tilespmem:$0x1E400] =	vst v63  }
0x243: {  	_ =	swait.ge [sflag:s30], $0x1000  }
0x244: {  	[sflag:s30] =	ssyncset.done $0x0  }
.Ltmp18:
0x245: {  	s16 =	sadd.s32 $0x300, s12;
	[sflag:s30] =	ssyncadd.s32 $0xFFFFF000;
	(pc) =	sbr.rel @p1 .LBB2_39-.Ltmp18, $4  }
0x246: {  	[tilespmem:s20], [sflag:$0x3] =	stream.indirect.gather [hbm4b:s3+s17], $0x20, s16, s17, $0xb8;
	[tilespmem:$0x1E400] =	vst v63  }
0x247: {  	_ =	swait.ge [sflag:s31], $0x1000  }
0x248: {  	[sflag:s31] =	ssyncset.done $0x0  }
0x249: {  	s12 =	sadd.s32 $0x380, s12;
	[sflag:s31] =	ssyncadd.s32 $0xFFFFF000  }
0x24a: {  	[tilespmem:s22], [sflag:$0x4] =	stream.indirect.gather [hbm4b:s3+s17], $0x20, s12, s17, $0xb8;
	[tilespmem:$0x1E400] =	vst v63  }
0x24b: {  	_ =	swait.ge [sflag:s23], $0x1000  }
0x24c: {  	[sflag:s23] =	ssyncset.done $0x0  }
0x24d: {  	[sflag:s23] =	ssyncadd.s32 $0xFFFFF000  }
0x24e: {  	[spmem:s1] =	stream.indirect.scatter.add.f32 [tilespmem:s14], [sflag:$0x5], $0x20, s0, s17, $0xb8;
	[tilespmem:$0x1E400] =	vst v63  }
0x24f: {  	_ =	swait.ge [sflag:s24], $0x1000  }
0x250: {  	[sflag:s24] =	ssyncset.done $0x0  }
0x251: {  	[sflag:s24] =	ssyncadd.s32 $0xFFFFF000  }
0x252: {  	[spmem:s1] =	stream.indirect.scatter.add.f32 [tilespmem:s18], [sflag:$0x6], $0x20, s9, s17, $0xb8;
	[tilespmem:$0x1E400] =	vst v63  }
0x253: {  	_ =	swait.ge [sflag:s25], $0x1000  }
0x254: {  	[sflag:s25] =	ssyncset.done $0x0  }
0x255: {  	[sflag:s25] =	ssyncadd.s32 $0xFFFFF000  }
0x256: {  	[spmem:s1] =	stream.indirect.scatter.add.f32 [tilespmem:s20], [sflag:$0x7], $0x20, s10, s17, $0xb8;
	[tilespmem:$0x1E400] =	vst v63  }
0x257: {  	_ =	swait.ge [sflag:s26], $0x1000  }
0x258: {  	[sflag:s26] =	ssyncset.done $0x0  }
0x259: {  	[sflag:s26] =	ssyncadd.s32 $0xFFFFF000  }
0x25a: {  	[spmem:s1] =	stream.indirect.scatter.add.f32 [tilespmem:s22], [sflag:$0x8], $0x20, s11, s17, $0xb8;
	[tilespmem:$0x1E400] =	vst v63  }
0x25b: {  	_ =	swait.ge [sflag:s28], $0x1000  }
0x25c: {  	[sflag:s28] =	ssyncset.done $0x0  }
0x25d: {  	[sflag:s28] =	ssyncadd.s32 $0xFFFFF000  }
0x25e: {  	_ =	swait.ge [sflag:s29], $0x1000  }
0x25f: {  	[sflag:s29] =	ssyncset.done $0x0  }
0x260: {  	s8 =	sadd.s32 $0x1, s8;
	[sflag:s29] =	ssyncadd.s32 $0xFFFFF000  }
0x261: {  	p1 =	sne.s32 s8, $0xE;
	_ =	swait.ge [sflag:s30], $0x1000  }
.Ltmp19:
0x262: {  	[sflag:s30] =	ssyncset.done $0x0;
	(pc) =	sbr.rel @p1 .LBB2_36-.Ltmp19, $4  }
0x263: {  	[sflag:s30] =	ssyncadd.s32 $0xFFFFF000  }
0x264: {  	_ =	swait.ge [sflag:s31], $0x1000  }
0x265: {  	[sflag:s31] =	ssyncset.done $0x0  }
0x266: {  	[sflag:s31] =	ssyncadd.s32 $0xFFFFF000  }
0x267: {  	[bflag:$0x0] =	sbarrier.arrive $0xFFFF  }
0x268: {  	s8 =	rddreg [dreg:$0x7]  }
0x269: {  	s2 =	simm.s32 @!p0 $0x1C09;
	s12 =	rddreg [dreg:$0xa]  }
0x26a: {  	[hbm:s8], [sflag:s2] =	dma.local @!p0 [spmem:s12], $0x31000  }
0x26b: {  	s2 =	simm.s32 @!p0 $0x9  }
0x26c: {  	_ =	swait.ge @!p0 [sflag:s2], $0x31000  }
0x26d: {  	[sflag:s2] =	ssyncset.done @!p0 $0x0  }
0x26e: {  	[sflag:s2] =	ssyncadd.s32 @!p0 $0xFFFCF000  }
0x26f: {  	s8 =	simm.s32 $0x0;
	s2 =	simm.s32 $0x80;
	[bflag:$0x0] =	sbarrier.arrive $0xFFFF  }
.LBB2_42:
0x270: {  	p1 =	sne.s32 s2, $0x3F80;
	[tilespmem:s8+$0x1C00] =	vst v5;
	s12 =	smov.u32 s2;
	s2 =	sadd.s32 $0x80, s2  }
.Ltmp20:
0x271: {  	[tilespmem:s8+$0x1C10] =	vst v5;
	(pc) =	sbr.rel @p1 .LBB2_42-.Ltmp20, $2  }
0x272: {  	_ =	sdelay $0x2  }
0x273: {  	s8 =	sshra.s32 s12, $0x2  }
0x274: {  	[tilespmem:s8+$0x1C00] =	vst v5  }
0x275: {  	[tilespmem:s8+$0x1C10] =	vst v5;
	s2 =	sadd.s32 $0x0, s7  }
0x276: {  	[spmem:s2] =	stream.linear.scatter [tilespmem:s14], [sflag:$0x9], $0x800, $0x38;
	[tilespmem:$0x1E400] =	vst v63  }
0x277: {  	s2 =	simm.s32 $0x2000;
	_ =	swait.ge [sflag:s15], $0x800  }
.LBB2_44:
0x278: {  	s8 =	sshra.s32 s2, $0x2;
	[sflag:s15] =	ssyncset.done $0x0;
	p1 =	sne.s32 s2, $0x60000  }
.Ltmp21:
0x279: {  	s8 =	sadd.s32 s8, s7;
	[sflag:s15] =	ssyncadd.s32 $0xFFFFF800;
	(pc) =	sbr.rel @p1 .LBB2_44-.Ltmp21, $3  }
0x27a: {  	[spmem:s8] =	stream.linear.scatter [tilespmem:s14], [sflag:$0x9], $0x800, $0x38;
	[tilespmem:$0x1E400] =	vst v63  }
0x27b: {  	s2 =	sadd.s32 $0x2000, s2;
	_ =	sdelay $0x1  }
0x27c: {  	_ =	swait.ge [sflag:s15], $0x800  }
0x27d: {  	[sflag:s15] =	ssyncset.done $0x0  }
0x27e: {  	[sflag:s15] =	ssyncadd.s32 $0xFFFFF800  }
0x27f: {  	s13 =	simm.s32 $0x0;
	s8 =	simm.s32 $0x0;
	[bflag:$0x0] =	sbarrier.arrive $0xFFFF  }
.LBB2_46:
0x280: {  	s2 =	smul.u32 $0xE00, s8;
	_ =	sdelay $0x1  }
0x281: {  	s2 =	sadd.s32 s6, s2  }
0x282: {  	s2 =	sshrl.u32 s2, $0x3  }
0x283: {  	s12 =	sadd.s32 s4, s2  }
0x284: {  	[tilespmem:s13], [sflag:$0x9] =	stream.linear.gather [hbm4b:s12+s13], $0xE00, $0x38;
	[tilespmem:$0x1E400] =	vst v63  }
0x285: {  	_ =	swait.ge [sflag:s15], $0xE00  }
0x286: {  	[sflag:s15] =	ssyncset.done $0x0  }
0x287: {  	s16 =	simm.s32 $0xE00;
	s2 =	sadd.s32 s5, s2;
	[sflag:s15] =	ssyncadd.s32 $0xFFFFF200  }
0x288: {  	[tilespmem:s16], [sflag:$0x9] =	stream.linear.gather [hbm4b:s2+s13], $0xE00, $0x38;
	[tilespmem:$0x1E400] =	vst v63  }
0x289: {  	s19 =	sand.u32 $0x3E00, s13;
	_ =	swait.ge [sflag:s15], $0xE00  }
0x28a: {  	s21 =	sand.u32 $0x70, s13;
	s2 =	sshrl.u32 s19, $0x2;
	[sflag:s15] =	ssyncset.done $0x0  }
0x28b: {  	s2 =	sor.u32 s21, s2;
	[sflag:s15] =	ssyncadd.s32 $0xFFFFF200  }
0x28c: {  	v6 =	vld [tilespmem:s2+$0x0];
	_ =	sdelay $0x2  }
0x28d: {  	s16 =	simm.s32 $0x40  }
0x28e: {  	s12 =	simm.s32 $0x10;
	s19 =	sand.u32 $0x3E00, s16;
	s16 =	simm.s32 $0x80  }
.LBB2_47:
0x28f: {  	p1 =	sne.s32 s16, $0x37C0;
	s21 =	sand.u32 $0x70, s12;
	s19 =	sshrl.u32 s19, $0x2;
	v6 =	vadd.s32 v4, v6  }
0x290: {  	[tilespmem:s2+$0x0] =	vst v6;
	s2 =	sor.u32 s21, s19  }
.Ltmp22:
0x291: {  	v6 =	vld [tilespmem:s2+$0x0];
	(pc) =	sbr.rel @p1 .LBB2_47-.Ltmp22, $2  }
0x292: {  	_ =	sdelay $0x2  }
0x293: {  	s12 =	sadd.s32 $0x10, s12;
	s19 =	sand.u32 $0x3E00, s16;
	s16 =	sadd.s32 $0x40, s16  }
0x294: {  	s12 =	sand.u32 $0x70, s12;
	s16 =	sshrl.u32 s19, $0x2;
	v6 =	vadd.s32 v4, v6  }
0x295: {  	s12 =	sor.u32 s12, s16;
	[tilespmem:s2+$0x0] =	vst v6  }
0x296: {  	v6 =	vld [tilespmem:s12+$0x0];
	_ =	sdelay $0x4  }
0x297: {  	v6 =	vadd.s32 v4, v6  }
0x298: {  	s19 =	simm.s32 $0x0;
	[tilespmem:s12+$0x0] =	vst v6  }
0x299: {  	[tilespmem:s14], [sflag:$0x1] =	stream.indirect.gather [hbm4b:s3+s17], $0x20, s19, s17, $0xb8;
	[tilespmem:$0x1E400] =	vst v63  }
0x29a: {  	_ = 	snop  }
0x29b: {  	[tilespmem:s18], [sflag:$0x2] =	stream.indirect.gather [hbm4b:s3+s17], $0x20, s17, s17, $0xb8;
	[tilespmem:$0x1E400] =	vst v63  }
0x29c: {  	s21 =	simm.s32 $0x100  }
0x29d: {  	[tilespmem:s20], [sflag:$0x3] =	stream.indirect.gather [hbm4b:s3+s17], $0x20, s21, s17, $0xb8;
	[tilespmem:$0x1E400] =	vst v63  }
0x29e: {  	s12 =	simm.s32 $0x180  }
0x29f: {  	[tilespmem:s22], [sflag:$0x4] =	stream.indirect.gather [hbm4b:s3+s17], $0x20, s12, s17, $0xb8;
	[tilespmem:$0x1E400] =	vst v63  }
0x2a0: {  	_ =	swait.ge [sflag:s23], $0x1000  }
0x2a1: {  	[sflag:s23] =	ssyncset.done $0x0  }
0x2a2: {  	s16 =	simm.s32 $0xE00;
	[sflag:s23] =	ssyncadd.s32 $0xFFFFF000  }
0x2a3: {  	[spmem:s1] =	stream.indirect.scatter.add.f32 [tilespmem:s14], [sflag:$0x5], $0x20, s16, s17, $0xb8;
	[tilespmem:$0x1E400] =	vst v63  }
0x2a4: {  	_ =	swait.ge [sflag:s24], $0x1000  }
0x2a5: {  	[sflag:s24] =	ssyncset.done $0x0  }
0x2a6: {  	s19 =	simm.s32 $0xE80;
	[sflag:s24] =	ssyncadd.s32 $0xFFFFF000  }
0x2a7: {  	[spmem:s1] =	stream.indirect.scatter.add.f32 [tilespmem:s18], [sflag:$0x6], $0x20, s19, s17, $0xb8;
	[tilespmem:$0x1E400] =	vst v63  }
0x2a8: {  	_ =	swait.ge [sflag:s25], $0x1000  }
0x2a9: {  	[sflag:s25] =	ssyncset.done $0x0  }
0x2aa: {  	s21 =	simm.s32 $0xF00;
	[sflag:s25] =	ssyncadd.s32 $0xFFFFF000  }
0x2ab: {  	[spmem:s1] =	stream.indirect.scatter.add.f32 [tilespmem:s20], [sflag:$0x7], $0x20, s21, s17, $0xb8;
	[tilespmem:$0x1E400] =	vst v63  }
0x2ac: {  	_ =	swait.ge [sflag:s26], $0x1000  }
0x2ad: {  	[sflag:s26] =	ssyncset.done $0x0  }
0x2ae: {  	s12 =	simm.s32 $0xF80;
	[sflag:s26] =	ssyncadd.s32 $0xFFFFF000  }
0x2af: {  	[spmem:s1] =	stream.indirect.scatter.add.f32 [tilespmem:s22], [sflag:$0x8], $0x20, s12, s17, $0xb8;
	[tilespmem:$0x1E400] =	vst v63  }
0x2b0: {  	_ =	swait.ge [sflag:s28], $0x1000  }
0x2b1: {  	[sflag:s28] =	ssyncset.done $0x0  }
0x2b2: {  	s16 =	simm.s32 $0x200;
	[sflag:s28] =	ssyncadd.s32 $0xFFFFF000  }
0x2b3: {  	[tilespmem:s14], [sflag:$0x1] =	stream.indirect.gather [hbm4b:s3+s17], $0x20, s16, s17, $0xb8;
	[tilespmem:$0x1E400] =	vst v63  }
0x2b4: {  	_ =	swait.ge [sflag:s29], $0x1000  }
0x2b5: {  	[sflag:s29] =	ssyncset.done $0x0  }
0x2b6: {  	s19 =	simm.s32 $0x280;
	[sflag:s29] =	ssyncadd.s32 $0xFFFFF000  }
0x2b7: {  	[tilespmem:s18], [sflag:$0x2] =	stream.indirect.gather [hbm4b:s3+s17], $0x20, s19, s17, $0xb8;
	[tilespmem:$0x1E400] =	vst v63  }
0x2b8: {  	_ =	swait.ge [sflag:s30], $0x1000  }
0x2b9: {  	[sflag:s30] =	ssyncset.done $0x0  }
0x2ba: {  	s21 =	simm.s32 $0x300;
	[sflag:s30] =	ssyncadd.s32 $0xFFFFF000  }
0x2bb: {  	[tilespmem:s20], [sflag:$0x3] =	stream.indirect.gather [hbm4b:s3+s17], $0x20, s21, s17, $0xb8;
	[tilespmem:$0x1E400] =	vst v63  }
0x2bc: {  	_ =	swait.ge [sflag:s31], $0x1000  }
0x2bd: {  	[sflag:s31] =	ssyncset.done $0x0  }
0x2be: {  	s2 =	simm.s32 $0x800;
	s12 =	simm.s32 $0x380;
	[sflag:s31] =	ssyncadd.s32 $0xFFFFF000  }
.LBB2_49:
0x2bf: {  	[tilespmem:s22], [sflag:$0x4] =	stream.indirect.gather [hbm4b:s3+s17], $0x20, s12, s17, $0xb8;
	[tilespmem:$0x1E400] =	vst v63  }
0x2c0: {  	s12 =	smov.u32 s2  }
0x2c1: {  	p1 =	sne.s32 s2, $0x2800;
	s2 =	sadd.s32 $0x800, s2;
	_ =	swait.ge [sflag:s23], $0x1000  }
0x2c2: {  	s12 =	sshra.s32 s12, $0x2;
	[sflag:s23] =	ssyncset.done $0x0  }
0x2c3: {  	s16 =	sadd.s32 $0xE00, s12;
	[sflag:s23] =	ssyncadd.s32 $0xFFFFF000  }
0x2c4: {  	[spmem:s1] =	stream.indirect.scatter.add.f32 [tilespmem:s14], [sflag:$0x5], $0x20, s16, s17, $0xb8;
	[tilespmem:$0x1E400] =	vst v63  }
0x2c5: {  	_ =	swait.ge [sflag:s24], $0x1000  }
0x2c6: {  	[sflag:s24] =	ssyncset.done $0x0  }
0x2c7: {  	s16 =	sadd.s32 $0xE80, s12;
	[sflag:s24] =	ssyncadd.s32 $0xFFFFF000  }
0x2c8: {  	[spmem:s1] =	stream.indirect.scatter.add.f32 [tilespmem:s18], [sflag:$0x6], $0x20, s16, s17, $0xb8;
	[tilespmem:$0x1E400] =	vst v63  }
0x2c9: {  	_ =	swait.ge [sflag:s25], $0x1000  }
0x2ca: {  	[sflag:s25] =	ssyncset.done $0x0  }
0x2cb: {  	s16 =	sadd.s32 $0xF00, s12;
	[sflag:s25] =	ssyncadd.s32 $0xFFFFF000  }
0x2cc: {  	[spmem:s1] =	stream.indirect.scatter.add.f32 [tilespmem:s20], [sflag:$0x7], $0x20, s16, s17, $0xb8;
	[tilespmem:$0x1E400] =	vst v63  }
0x2cd: {  	_ =	swait.ge [sflag:s26], $0x1000  }
0x2ce: {  	[sflag:s26] =	ssyncset.done $0x0  }
0x2cf: {  	s16 =	sadd.s32 $0xF80, s12;
	[sflag:s26] =	ssyncadd.s32 $0xFFFFF000  }
0x2d0: {  	[spmem:s1] =	stream.indirect.scatter.add.f32 [tilespmem:s22], [sflag:$0x8], $0x20, s16, s17, $0xb8;
	[tilespmem:$0x1E400] =	vst v63  }
0x2d1: {  	_ =	swait.ge [sflag:s28], $0x1000  }
0x2d2: {  	[sflag:s28] =	ssyncset.done $0x0  }
0x2d3: {  	s16 =	sadd.s32 $0x200, s12;
	[sflag:s28] =	ssyncadd.s32 $0xFFFFF000  }
0x2d4: {  	[tilespmem:s14], [sflag:$0x1] =	stream.indirect.gather [hbm4b:s3+s17], $0x20, s16, s17, $0xb8;
	[tilespmem:$0x1E400] =	vst v63  }
0x2d5: {  	_ =	swait.ge [sflag:s29], $0x1000  }
0x2d6: {  	[sflag:s29] =	ssyncset.done $0x0  }
0x2d7: {  	s16 =	sadd.s32 $0x280, s12;
	[sflag:s29] =	ssyncadd.s32 $0xFFFFF000  }
0x2d8: {  	[tilespmem:s18], [sflag:$0x2] =	stream.indirect.gather [hbm4b:s3+s17], $0x20, s16, s17, $0xb8;
	[tilespmem:$0x1E400] =	vst v63  }
0x2d9: {  	_ =	swait.ge [sflag:s30], $0x1000  }
0x2da: {  	[sflag:s30] =	ssyncset.done $0x0  }
.Ltmp23:
0x2db: {  	s16 =	sadd.s32 $0x300, s12;
	[sflag:s30] =	ssyncadd.s32 $0xFFFFF000;
	(pc) =	sbr.rel @p1 .LBB2_49-.Ltmp23, $4  }
0x2dc: {  	[tilespmem:s20], [sflag:$0x3] =	stream.indirect.gather [hbm4b:s3+s17], $0x20, s16, s17, $0xb8;
	[tilespmem:$0x1E400] =	vst v63  }
0x2dd: {  	_ =	swait.ge [sflag:s31], $0x1000  }
0x2de: {  	[sflag:s31] =	ssyncset.done $0x0  }
0x2df: {  	s12 =	sadd.s32 $0x380, s12;
	[sflag:s31] =	ssyncadd.s32 $0xFFFFF000  }
0x2e0: {  	[tilespmem:s22], [sflag:$0x4] =	stream.indirect.gather [hbm4b:s3+s17], $0x20, s12, s17, $0xb8;
	[tilespmem:$0x1E400] =	vst v63  }
0x2e1: {  	_ =	swait.ge [sflag:s23], $0x1000  }
0x2e2: {  	[sflag:s23] =	ssyncset.done $0x0  }
0x2e3: {  	[sflag:s23] =	ssyncadd.s32 $0xFFFFF000  }
0x2e4: {  	[spmem:s1] =	stream.indirect.scatter.add.f32 [tilespmem:s14], [sflag:$0x5], $0x20, s0, s17, $0xb8;
	[tilespmem:$0x1E400] =	vst v63  }
0x2e5: {  	_ =	swait.ge [sflag:s24], $0x1000  }
0x2e6: {  	[sflag:s24] =	ssyncset.done $0x0  }
0x2e7: {  	[sflag:s24] =	ssyncadd.s32 $0xFFFFF000  }
0x2e8: {  	[spmem:s1] =	stream.indirect.scatter.add.f32 [tilespmem:s18], [sflag:$0x6], $0x20, s9, s17, $0xb8;
	[tilespmem:$0x1E400] =	vst v63  }
0x2e9: {  	_ =	swait.ge [sflag:s25], $0x1000  }
0x2ea: {  	[sflag:s25] =	ssyncset.done $0x0  }
0x2eb: {  	[sflag:s25] =	ssyncadd.s32 $0xFFFFF000  }
0x2ec: {  	[spmem:s1] =	stream.indirect.scatter.add.f32 [tilespmem:s20], [sflag:$0x7], $0x20, s10, s17, $0xb8;
	[tilespmem:$0x1E400] =	vst v63  }
0x2ed: {  	_ =	swait.ge [sflag:s26], $0x1000  }
0x2ee: {  	[sflag:s26] =	ssyncset.done $0x0  }
0x2ef: {  	[sflag:s26] =	ssyncadd.s32 $0xFFFFF000  }
0x2f0: {  	[spmem:s1] =	stream.indirect.scatter.add.f32 [tilespmem:s22], [sflag:$0x8], $0x20, s11, s17, $0xb8;
	[tilespmem:$0x1E400] =	vst v63  }
0x2f1: {  	_ =	swait.ge [sflag:s28], $0x1000  }
0x2f2: {  	[sflag:s28] =	ssyncset.done $0x0  }
0x2f3: {  	[sflag:s28] =	ssyncadd.s32 $0xFFFFF000  }
0x2f4: {  	_ =	swait.ge [sflag:s29], $0x1000  }
0x2f5: {  	[sflag:s29] =	ssyncset.done $0x0  }
0x2f6: {  	s8 =	sadd.s32 $0x1, s8;
	[sflag:s29] =	ssyncadd.s32 $0xFFFFF000  }
0x2f7: {  	p1 =	sne.s32 s8, $0xE;
	_ =	swait.ge [sflag:s30], $0x1000  }
.Ltmp24:
0x2f8: {  	[sflag:s30] =	ssyncset.done $0x0;
	(pc) =	sbr.rel @p1 .LBB2_46-.Ltmp24, $4  }
0x2f9: {  	[sflag:s30] =	ssyncadd.s32 $0xFFFFF000  }
0x2fa: {  	_ =	swait.ge [sflag:s31], $0x1000  }
0x2fb: {  	[sflag:s31] =	ssyncset.done $0x0  }
0x2fc: {  	[sflag:s31] =	ssyncadd.s32 $0xFFFFF000  }
0x2fd: {  	[bflag:$0x0] =	sbarrier.arrive $0xFFFF  }
0x2fe: {  	s8 =	rddreg [dreg:$0x8]  }
0x2ff: {  	s2 =	simm.s32 @!p0 $0x1C09;
	s12 =	rddreg [dreg:$0xa]  }
0x300: {  	[hbm:s8], [sflag:s2] =	dma.local @!p0 [spmem:s12], $0x31000  }
0x301: {  	s2 =	simm.s32 @!p0 $0x9  }
0x302: {  	_ =	swait.ge @!p0 [sflag:s2], $0x31000  }
0x303: {  	s16 =	rddreg [dreg:$0x3]  }
0x304: {  	s21 =	rddreg [dreg:$0x9];
	s16 =	sadd.s32 $0x1, s16  }
0x305: {  	p1 =	sne.s32 s16, s21  }
.Ltmp25:
0x306: {  	_ = 	snop;
	(pc) =	sbr.rel @p1 .LBB2_1-.Ltmp25, $3  }
0x307: {  	[sflag:s2] =	ssyncset.done @!p0 $0x0  }
0x308: {  	[sflag:s2] =	ssyncadd.s32 @!p0 $0xFFFCF000  }
0x309: {  	[bflag:$0x0] =	sbarrier.arrive $0xFFFF;
	_ =	sdelay $0x1  }
0x30a: {  	_ =	sfence.sel $0x180000  }
0x30b: {  	[bflag:$0x0] =	sbarrier.arrive $0xFFFF  }
0x30c: {  	_ =	strace $0x9000004D  }
0x30d: {  	[bflag:$0x2] =	sbarrier.arrive $0xFFFF  }
0x30e: {  	s0 =	rddreg [dreg:$0x2]  }
0x30f: {  	s0 =	sadd.s32 @!p0 $0x100000, s0  }
0x310: {  	[sflag:s0] =	ssyncadd.tile.s32 @!p0 $0x1;
	_ =	shalt  }
.Lfunc_end2:
_tile_overlayer_lowered:
.L_overlay_start_2:
0x311: {  	(tag) =	ssettag $0x2  }
0x312: {  	s0 =	rddreg [dreg:$0x0];
	s2 =	stileid.u32  }
0x313: {  	s1 =	rddreg [dreg:$0x1];
	p0 =	sne.s32 s2, $0x0  }
0x314: {  	s3 =	rddreg [dreg:$0x2];
	[bflag:$0x3] =	sbarrier.arrive $0xFFFF;
	s2 =	simm.s32 @!p0 $0x1C09  }
0x315: {  	[timem:s3], [sflag:s2] =	dma.local @!p0 [hbm:s0], s1  }
0x316: {  	s0 =	simm.s32 @!p0 $0x9  }
0x317: {  	_ =	swait.ge @!p0 [sflag:s0], s1  }
0x318: {  	s1 =	ssub.s32 @!p0 $0x0, s1;
	[sflag:s0] =	ssyncset.done @!p0 $0x0  }
0x319: {  	[sflag:s0] =	ssyncadd.s32 @!p0 s1  }
0x31a: {  	[bflag:$0x3] =	sbarrier.arrive $0xFFFF  }
0x31b: {  	_ =	shalt  }

// kernel: kernel.20.cloned.1.call-start
scs
__scs_entry_jumppad:
0x0: {  	(pc) =	sbr.rel $0x88, $3  }
0x1: {  	(tag) =	ssettag $0x0;
	lr =	simm.s32 $0x1  }
0x2: {  	[smem:$0x3F98] =	sst lr;
	_ =	strace $0xD0000000  }
0x3: {  	_ = 	snop  }
0x4: {  	_ = 	snop  }
0x5: {  	_ = 	snop  }
0x6: {  	_ = 	snop  }
0x7: {  	_ = 	snop  }
__scs_overlays_trampoline_lowered:
0x8: {  	[smem:$0x3FA7] =	sst s0  }
0x9: {  	[smem:$0x3FA8] =	sst s1  }
0xa: {  	[smem:$0x3FA9] =	sst s2  }
0xb: {  	[smem:$0x3FAA] =	sst s3  }
0xc: {  	[smem:$0x3FAB] =	sst s4  }
0xd: {  	[smem:$0x3FAC] =	sst s5  }
0xe: {  	[smem:$0x3FAD] =	sst s6  }
0xf: {  	[smem:$0x3FAE] =	sst s7  }
0x10: {  	[smem:$0x3FAF] =	sst s8  }
0x11: {  	[smem:$0x3FB0] =	sst s9;
	s0 =	simm.s32 @!p0 $0x0  }
0x12: {  	s1 =	sld [smem:$0x3F96];
	s0 =	simm.s32 @p0 $0x1  }
0x13: {  	[smem:$0x3FB1] =	sst s0;
	s0 =	simm.s32 @!p1 $0x0  }
0x14: {  	s2 =	sld [smem:$0x3F95];
	s0 =	simm.s32 @p1 $0x1  }
0x15: {  	[smem:$0x3FB2] =	sst s0;
	s0 =	simm.s32 @!p2 $0x0  }
0x16: {  	s3 =	sld [smem:$0x3FDB];
	s0 =	simm.s32 @p2 $0x1  }
0x17: {  	s4 =	simm.s32 $0x1BF5;
	[smem:$0x3FB4] =	sst s0  }
0x18: {  	s0 =	sld [smem:$0x3F97];
	_ =	swait.ge [sflag:s4], $0x0  }
0x19: {  	s7 =	sld [smem:$0x3F98]  }
0x1a: {  	s8 =	sadd.s32 $0xFFFFE003, lr  }
0x1b: {  	s9 =	sadd.s32 $0xFFFFFEF7, lr;
	s5 =	simm.s32 $0xFFFFFFFF;
	p2 =	slt.u32 s8, $0xFFFFF086  }
0x1c: {  	p1 =	slt.u32 s9, $0xF7A;
	s5 =	simm.s32 @!p2 $0x0  }
0x1d: {  	s5 =	simm.s32 @p1 $0x1;
	p0 =	seq.s32 s7, s2  }
0x1e: {  	s7 =	smul.u32 @!p0 $0xF7A, s2;
	p2 =	seq.s32 @!p0 s5, $0x0  }
0x1f: {  	s9 =	smul.u32 $0xF7A, s1;
	s8 =	simm.s32 @!p0 $0x1BF5;
	p2 =	por !p2, p0  }
0x20: {  	[sflag:s8] =	ssyncset.s32 @!p0 $0xFFFFF086;
	s6 =	sadd.s32 @!p0 s3, s7;
	s7 =	simm.s32 @!p0 $0x108  }
0x21: {  	s3 =	sadd.s32 s3, s9;
	s6 =	sadd.s32 @!p0 $0x88, s6;
	s7 =	simm.s32 @p2 $0x1082  }
0x22: {  	[simem:s7], [sflag:s8] =	dma.local @!p0 [hbm:s6], $0xF7A  }
0x23: {  	s9 =	sor.u32 $0xD0000000, s2;
	s6 =	simm.s32 $0x108;
	_ =	swait.ge @!p0 [sflag:s8], $0x0  }
0x24: {  	s3 =	sadd.s32 $0x88, s3;
	s6 =	simm.s32 @!p1 $0x1082;
	[sflag:s4] =	ssyncset.s32 $0xFFFFF086  }
0x25: {  	[simem:s6], [sflag:s4] =	dma.local [hbm:s3], $0xF7A  }
0x26: {  	[smem:$0x3F98] =	sst s1;
	(tag) =	ssettag s2;
	_ =	strace s9  }
0x27: {  	s1 =	sld [smem:$0x3FA8]  }
0x28: {  	s2 =	sld [smem:$0x3FA9]  }
0x29: {  	s4 =	sld [smem:$0x3FAB]  }
0x2a: {  	p0 =	seq.s32 s5, $0x0;
	s5 =	sld [smem:$0x3FAC]  }
0x2b: {  	s6 =	sld [smem:$0x3FAD]  }
0x2c: {  	s7 =	sld [smem:$0x3FAE]  }
0x2d: {  	s3 =	simm.s32 $0x108;
	s8 =	sld [smem:$0x3FAF]  }
0x2e: {  	s3 =	simm.s32 @!p0 $0x1082;
	s9 =	sld [smem:$0x3FB0]  }
0x2f: {  	lr =	sadd.s32 s0, s3;
	s0 =	sld [smem:$0x3FA7]  }
0x30: {  	s3 =	sld [smem:$0x3FAA]  }
0x31: {  	[smem:$0x3FB3] =	sst s10  }
0x32: {  	s10 =	sld [smem:$0x3FB1];
	_ =	sdelay $0x3  }
0x33: {  	p0 =	seq.s32 s10, $0x1;
	s10 =	sld [smem:$0x3FB3];
	_ =	sdelay $0x3  }
0x34: {  	[smem:$0x3FB3] =	sst s10  }
0x35: {  	s10 =	sld [smem:$0x3FB2];
	_ =	sdelay $0x3  }
0x36: {  	p1 =	seq.s32 s10, $0x1;
	s10 =	sld [smem:$0x3FB3];
	_ =	sdelay $0x3  }
0x37: {  	[smem:$0x3FB3] =	sst s10  }
0x38: {  	s10 =	sld [smem:$0x3FB4]  }
0x39: {  	_ = 	snop;
	(pc) =	sbr.ind lr, $3  }
0x3a: {  	_ = 	snop  }
0x3b: {  	_ = 	snop  }
0x3c: {  	p2 =	seq.s32 s10, $0x1;
	s10 =	sld [smem:$0x3FB3]  }
0x3d: {  	_ =	shalt  }
0x3e: {  	_ =	shalt  }
0x3f: {  	_ =	shalt  }
0x40: {  	_ =	shalt  }
0x41: {  	_ =	shalt  }
0x42: {  	_ =	shalt  }
0x43: {  	_ =	shalt  }
0x44: {  	_ =	shalt  }
0x45: {  	_ =	shalt  }
0x46: {  	_ =	shalt  }
0x47: {  	_ =	shalt  }
0x48: {  	_ =	shalt  }
0x49: {  	_ =	shalt  }
0x4a: {  	_ =	shalt  }
0x4b: {  	_ =	shalt  }
0x4c: {  	_ =	shalt  }
0x4d: {  	_ =	shalt  }
0x4e: {  	_ =	shalt  }
0x4f: {  	_ =	shalt  }
0x50: {  	_ =	shalt  }
0x51: {  	_ =	shalt  }
0x52: {  	_ =	shalt  }
0x53: {  	_ =	shalt  }
0x54: {  	_ =	shalt  }
0x55: {  	_ =	shalt  }
0x56: {  	_ =	shalt  }
0x57: {  	_ =	shalt  }
0x58: {  	_ =	shalt  }
0x59: {  	_ =	shalt  }
0x5a: {  	_ =	shalt  }
0x5b: {  	_ =	shalt  }
0x5c: {  	_ =	shalt  }
0x5d: {  	_ =	shalt  }
0x5e: {  	_ =	shalt  }
0x5f: {  	_ =	shalt  }
0x60: {  	_ =	shalt  }
0x61: {  	_ =	shalt  }
0x62: {  	_ =	shalt  }
0x63: {  	_ =	shalt  }
0x64: {  	_ =	shalt  }
0x65: {  	_ =	shalt  }
0x66: {  	_ =	shalt  }
0x67: {  	_ =	shalt  }
0x68: {  	_ =	shalt  }
0x69: {  	_ =	shalt  }
0x6a: {  	_ =	shalt  }
0x6b: {  	_ =	shalt  }
0x6c: {  	_ =	shalt  }
0x6d: {  	_ =	shalt  }
0x6e: {  	_ =	shalt  }
0x6f: {  	_ =	shalt  }
0x70: {  	_ =	shalt  }
0x71: {  	_ =	shalt  }
0x72: {  	_ =	shalt  }
0x73: {  	_ =	shalt  }
0x74: {  	_ =	shalt  }
0x75: {  	_ =	shalt  }
0x76: {  	_ =	shalt  }
0x77: {  	_ =	shalt  }
0x78: {  	_ =	shalt  }
0x79: {  	_ =	shalt  }
0x7a: {  	_ =	shalt  }
0x7b: {  	_ =	shalt  }
0x7c: {  	_ =	shalt  }
0x7d: {  	_ =	shalt  }
0x7e: {  	_ =	shalt  }
0x7f: {  	_ =	shalt  }
0x80: {  	_ =	shalt  }
0x81: {  	_ =	shalt  }
0x82: {  	_ =	shalt  }
0x83: {  	_ =	shalt  }
0x84: {  	_ =	shalt  }
0x85: {  	_ =	shalt  }
0x86: {  	_ =	shalt  }
0x87: {  	_ =	shalt  }
.Lfunc_end0:
.L_simem_size_0:
called_computation.3_lowered:
.L_overlay_start_0:
0x88: {  	s2 =	sld [smem:$0x3FD9]  }
0x89: {  	s3 =	sld [smem:$0x3FFE];
	_ =	sdelay $0x1  }
0x8a: {  	s1 =	srdreg.scid  }
0x8b: {  	s0 =	sand.u32 $0x1, s1  }
0x8c: {  	s16 =	sshll.u32 s0, $0xA;
	s2 =	sadd.s32 s3, s2  }
0x8d: {  	s2 =	sadd.s32 s2, s16  }
0x8e: {  	[smem:$0x3FBF] =	sst s2  }
0x8f: {  	_ = 	snop  }
0x90: {  	(tm) =	ssettm $0x1  }
0x91: {  	s17 =	sld [smem:$0x3FFB];
	_ =	sdelay $0x3  }
0x92: {  	_ =	strace s17  }
0x93: {  	s2 =	sld [smem:$0x3FFC];
	_ =	sdelay $0x3  }
0x94: {  	_ =	strace s2  }
0x95: {  	s2 =	sld [smem:$0x3FFD];
	_ =	sdelay $0x3  }
0x96: {  	_ =	strace s2  }
0x97: {  	_ =	strace $0x8FFFFFFF  }
0x98: {  	s18 =	sld [smem:$0x3FDB];
	_ =	sdelay $0x1  }
0x99: {  	s19 =	simm.s32 $_scs_section_size  }
0x9a: {  	s4 =	simm.s32 $_size__tile_overlayer_lowered;
	s5 =	simm.s32 $_tile_overlayer_lowered  }
0x9b: {  	s22 =	simm.s32 $0x1BFF;
	s21 =	sshll.u32 s5, $0x1;
	s2 =	sadd.s32 s19, s18  }
0x9c: {  	s6 =	simm.s32 $0x0;
	s20 =	sshll.u32 s4, $0x1;
	s4 =	sadd.s32 s21, s2  }
0x9d: {  	[timem:s6], [sflag:s22] =	dma.local [hbm:s4], s20  }
0x9e: {  	_ =	swait.ge [sflag:s22], s20  }
0x9f: {  	s3 =	ssub.s32 $0x0, s20;
	[sflag:s22] =	ssyncset.done $0x0  }
0xa0: {  	[sflag:s22] =	ssyncadd.s32 s3;
	_ =	sdelay $0x1  }
0xa1: {  	s23 =	simm.s32 $0x1B8B  }
0xa2: {  	_ =	swait.ge [sflag:s23], $0x1  }
0xa3: {  	[sflag:s23] =	ssyncset.done $0x0  }
0xa4: {  	s25 =	simm.s32 $0x1B8E;
	s24 =	sld [smem:$0x3FFE];
	[sflag:s23] =	ssyncadd.s32 $0xFFFFFFFF  }
0xa5: {  	s26 =	simm.s32 $execute0_lowered;
	[smem:$0x3FD2] =	sst s25  }
0xa6: {  	s4 =	sshll.u32 s26, $0x1;
	_ =	strace $0x8000004F;
	[dreg:$0x1] =	wrdreg $0xFFFFFFFF  }
0xa7: {  	s28 =	simm.s32 $_size_execute0_lowered;
	s2 =	sadd.s32 s2, s4;
	[dreg:$0x0] =	wrdreg $0x0  }
0xa8: {  	s4 =	sshll.u32 s28, $0x1;
	[dreg:$0x2] =	wrdreg s2  }
0xa9: {  	[dreg:$0x3] =	wrdreg s4  }
0xaa: {  	[dreg:$0x4] =	wrdreg $0xC0  }
0xab: {  	_ =	task [dreg:s6], $0x5FFFF  }
0xac: {  	[dreg:$0x1] =	wrdreg $0xFFFFFFFF  }
0xad: {  	[dreg:$0x0] =	wrdreg $0x60  }
0xae: {  	[dreg:$0x2] =	wrdreg s24  }
0xaf: {  	[dreg:$0x3] =	wrdreg $0x5C000  }
0xb0: {  	[dreg:$0x4] =	wrdreg $0x9  }
0xb1: {  	_ =	task.clear_ibuf [dreg:s6], $0x5FFFF;
	_ =	strace $0x9000004F  }
0xb2: {  	s29 =	simm.s32 $0x9;
	_ =	strace $0x80000051  }
0xb3: {  	_ =	swait.ge [sflag:s29], $0x1  }
0xb4: {  	[sflag:s29] =	ssyncadd.s32 $0xFFFFFFFF  }
0xb5: {  	_ =	strace $0x90000051  }
0xb6: {  	_ =	sfence  }
0xb7: {  	s30 =	sld [smem:$0x0];
	_ =	sdelay $0x2  }
0xb8: {  	s31 =	sshll.u32 s1, $0xD;
	s1 =	sshrl.u32 s1, $0x2  }
0xb9: {  	s3 =	sand.u32 $0x4000, s31;
	s1 =	sadd.s32 s1, s30  }
0xba: {  	s0 =	sor.u32 s3, s0;
	s1 =	sshll.u32 s1, $0x11  }
0xbb: {  	s0 =	sor.u32 s1, s0  }
0xbc: {  	s0 =	sadd.s32 $0x8F2B, s0  }
0xbd: {  	[sflag:s0] =	ssyncadd.remote.s32 $0x1  }
0xbe: {  	_ =	sfence.sel $0xFFFF  }
0xbf: {  	[dreg:$0x0] =	wrdreg $0xFFFFFFFF;
	(pc) =	sbr.abs _section_cstart, $3  }
0xc0: {  	[dreg:$0x1] =	wrdreg $0xFFFFFFFF  }
0xc1: {  	_ =	task.clear_ibuf [dreg:s6], $0x2FFFF;
	_ =	strace $0x9FFFFFFF  }
0xc2: {  	(tm) =	ssettm $0x7FFFFFFF  }
0xc3: {  	_ =	shalt  }
tec
execute0_lowered:
.L_overlay_start_1:
0x0: {  	(tag) =	ssettag $0x1  }
0x1: {  	s0 =	rddreg [dreg:$0x0]  }
0x2: {  	s1 =	rddreg [dreg:$0x1]  }
0x3: {  	s12 =	simm.s32 $0x0;
	s2 =	srdreg.scid;
	s8 =	stileid.u32  }
0x4: {  	s10 =	simm.s32 $0x1C00;
	s11 =	simm.s32 $0x9;
	s13 =	simm.s32 $0x80  }
0x5: {  	s14 =	simm.s32 $0x2C00;
	s16 =	simm.s32 $0x3C00;
	s18 =	simm.s32 $0x4C00  }
0x6: {  	s19 =	simm.s32 $0x1;
	s20 =	simm.s32 $0x2;
	s21 =	simm.s32 $0x3  }
0x7: {  	s22 =	simm.s32 $0x4;
	s23 =	simm.s32 $0x5;
	s24 =	simm.s32 $0x6  }
0x8: {  	s28 =	simm.s32 $0x1A00;
	s29 =	simm.s32 $0x1A80;
	s30 =	simm.s32 $0x1B00  }
0x9: {  	s31 =	simm.s32 $0x1B80;
	[smem:$0x7FF] =	sst s12;
	s2 =	sand.u32 $0x1, s2  }
0xa: {  	s3 =	sadd.s32 $0x18A200, s0;
	s4 =	sadd.s32 $0x64200, s0;
	s7 =	smul.u32 $0x62000, s8  }
0xb: {  	s5 =	sadd.s32 $0x2200, s0;
	p0 =	sne.s32 s8, $0x0;
	s6 =	smul.u32 $0x31000, s2  }
0xc: {  	_ =	strace $0x80000050;
	s25 =	ssub.s32 $0x2, s2;
	s2 =	smul.u32 $0xC400, s2  }
0xd: {  	s9 =	sshrl.u32 s25, $0x1;
	s7 =	sshrl.u32 s7, $0x2;
	s0 =	sadd.s32 s6, s0  }
0xe: {  	s9 =	ssub.s32 s25, s9;
	s6 =	sadd.s32 s7, s1;
	s0 =	sadd.s32 $0x1EC200, s0  }
0xf: {  	s7 =	smul.u32 $0xC400, s8;
	s26 =	smax.u32 s9, $0x1;
	[dreg:$0x4] =	wrdreg s0  }
0x10: {  	v1 =	vimm.f32 $0.0e+00;
	s25 =	simm.s32 $0x7;
	v0 =	vmov s2;
	[dreg:$0x5] =	wrdreg s26;
	s26 =	simm.s32 $0x8  }
.LBB2_1:
0x11: {  	s0 =	simm.s32 $0x0  }
.LBB2_2:
0x12: {  	p1 =	sne.s32 s0, $0x3F80  }
.Ltmp0:
0x13: {  	_ = 	snop;
	(pc) =	sbr.rel @p1 .LBB2_2-.Ltmp0, $4  }
0x14: {  	_ = 	snop  }
0x15: {  	s2 =	sshra.s32 s0, $0x2  }
0x16: {  	[tilespmem:s2+$0x1C00] =	vst v1  }
0x17: {  	s0 =	sadd.s32 $0x80, s0;
	[tilespmem:s2+$0x1C10] =	vst v1  }
0x18: {  	[dreg:$0x3] =	wrdreg s12;
	s0 =	sadd.s32 $0x0, s6  }
0x19: {  	[spmem:s0] =	stream.linear.scatter [tilespmem:s10], [sflag:$0x9], $0x800, $0x38;
	[tilespmem:$0x1E400] =	vst v63  }
0x1a: {  	s0 =	simm.s32 $0x2000;
	_ =	swait.ge [sflag:s11], $0x800  }
.LBB2_4:
0x1b: {  	s2 =	sshra.s32 s0, $0x2;
	[sflag:s11] =	ssyncset.done $0x0;
	p1 =	sne.s32 s0, $0x60000  }
.Ltmp1:
0x1c: {  	s2 =	sadd.s32 s2, s6;
	[sflag:s11] =	ssyncadd.s32 $0xFFFFF800;
	(pc) =	sbr.rel @p1 .LBB2_4-.Ltmp1, $3  }
0x1d: {  	[spmem:s2] =	stream.linear.scatter [tilespmem:s10], [sflag:$0x9], $0x800, $0x38;
	[tilespmem:$0x1E400] =	vst v63  }
0x1e: {  	s0 =	sadd.s32 $0x2000, s0;
	_ =	sdelay $0x1  }
0x1f: {  	_ =	swait.ge [sflag:s11], $0x800  }
0x20: {  	[sflag:s11] =	ssyncset.done $0x0  }
0x21: {  	[sflag:s11] =	ssyncadd.s32 $0xFFFFF800  }
0x22: {  	s0 =	simm.s32 $0x0;
	s8 =	simm.s32 $0x0;
	[bflag:$0x0] =	sbarrier.arrive $0xFFFF  }
.LBB2_6:
0x23: {  	s2 =	smul.u32 $0xE00, s8;
	_ =	sdelay $0x1  }
0x24: {  	s2 =	sadd.s32 s7, s2  }
0x25: {  	s2 =	sshrl.u32 s2, $0x3  }
0x26: {  	s9 =	sadd.s32 s4, s2  }
0x27: {  	[tilespmem:s0], [sflag:$0x9] =	stream.linear.gather [hbm4b:s9+s0], $0xE00, $0x38;
	[tilespmem:$0x1E400] =	vst v63  }
0x28: {  	_ =	swait.ge [sflag:s11], $0xE00  }
0x29: {  	[sflag:s11] =	ssyncset.done $0x0  }
0x2a: {  	s12 =	simm.s32 $0xE00;
	s2 =	sadd.s32 s5, s2;
	[sflag:s11] =	ssyncadd.s32 $0xFFFFF200  }
0x2b: {  	[tilespmem:s12], [sflag:$0x9] =	stream.linear.gather [hbm4b:s2+s0], $0xE00, $0x38;
	[tilespmem:$0x1E400] =	vst v63  }
0x2c: {  	s15 =	sand.u32 $0x3E00, s0;
	_ =	swait.ge [sflag:s11], $0xE00  }
0x2d: {  	s17 =	sand.u32 $0x70, s0;
	s2 =	sshrl.u32 s15, $0x2;
	[sflag:s11] =	ssyncset.done $0x0  }
0x2e: {  	s2 =	sor.u32 s17, s2;
	[sflag:s11] =	ssyncadd.s32 $0xFFFFF200  }
0x2f: {  	v2 =	vld [tilespmem:s2+$0x0];
	_ =	sdelay $0x2  }
0x30: {  	s12 =	simm.s32 $0x40  }
0x31: {  	s9 =	simm.s32 $0x10;
	s15 =	sand.u32 $0x3E00, s12;
	s12 =	simm.s32 $0x80  }
.LBB2_7:
0x32: {  	p1 =	sne.s32 s12, $0x37C0;
	s17 =	sand.u32 $0x70, s9;
	s15 =	sshrl.u32 s15, $0x2;
	v2 =	vadd.s32 v0, v2  }
0x33: {  	[tilespmem:s2+$0x0] =	vst v2;
	s2 =	sor.u32 s17, s15  }
.Ltmp2:
0x34: {  	v2 =	vld [tilespmem:s2+$0x0];
	(pc) =	sbr.rel @p1 .LBB2_7-.Ltmp2, $2  }
0x35: {  	_ =	sdelay $0x2  }
0x36: {  	s9 =	sadd.s32 $0x10, s9;
	s15 =	sand.u32 $0x3E00, s12;
	s12 =	sadd.s32 $0x40, s12  }
0x37: {  	s9 =	sand.u32 $0x70, s9;
	s12 =	sshrl.u32 s15, $0x2;
	v2 =	vadd.s32 v0, v2  }
0x38: {  	s9 =	sor.u32 s9, s12;
	[tilespmem:s2+$0x0] =	vst v2  }
0x39: {  	v2 =	vld [tilespmem:s9+$0x0];
	_ =	sdelay $0x4  }
0x3a: {  	v2 =	vadd.s32 v0, v2  }
0x3b: {  	s15 =	simm.s32 $0x0;
	[tilespmem:s9+$0x0] =	vst v2  }
0x3c: {  	[tilespmem:s10], [sflag:$0x1] =	stream.indirect.gather [hbm4b:s3+s13], $0x20, s15, s13, $0xb8;
	[tilespmem:$0x1E400] =	vst v63  }
0x3d: {  	_ = 	snop  }
0x3e: {  	[tilespmem:s14], [sflag:$0x2] =	stream.indirect.gather [hbm4b:s3+s13], $0x20, s13, s13, $0xb8;
	[tilespmem:$0x1E400] =	vst v63  }
0x3f: {  	s17 =	simm.s32 $0x100  }
0x40: {  	[tilespmem:s16], [sflag:$0x3] =	stream.indirect.gather [hbm4b:s3+s13], $0x20, s17, s13, $0xb8;
	[tilespmem:$0x1E400] =	vst v63  }
0x41: {  	s9 =	simm.s32 $0x180  }
0x42: {  	[tilespmem:s18], [sflag:$0x4] =	stream.indirect.gather [hbm4b:s3+s13], $0x20, s9, s13, $0xb8;
	[tilespmem:$0x1E400] =	vst v63  }
0x43: {  	_ =	swait.ge [sflag:s19], $0x1000  }
0x44: {  	[sflag:s19] =	ssyncset.done $0x0  }
0x45: {  	s12 =	simm.s32 $0xE00;
	[sflag:s19] =	ssyncadd.s32 $0xFFFFF000  }
0x46: {  	[spmem:s1] =	stream.indirect.scatter.add.f32 [tilespmem:s10], [sflag:$0x5], $0x20, s12, s13, $0xb8;
	[tilespmem:$0x1E400] =	vst v63  }
0x47: {  	_ =	swait.ge [sflag:s20], $0x1000  }
0x48: {  	[sflag:s20] =	ssyncset.done $0x0  }
0x49: {  	s15 =	simm.s32 $0xE80;
	[sflag:s20] =	ssyncadd.s32 $0xFFFFF000  }
0x4a: {  	[spmem:s1] =	stream.indirect.scatter.add.f32 [tilespmem:s14], [sflag:$0x6], $0x20, s15, s13, $0xb8;
	[tilespmem:$0x1E400] =	vst v63  }
0x4b: {  	_ =	swait.ge [sflag:s21], $0x1000  }
0x4c: {  	[sflag:s21] =	ssyncset.done $0x0  }
0x4d: {  	s17 =	simm.s32 $0xF00;
	[sflag:s21] =	ssyncadd.s32 $0xFFFFF000  }
0x4e: {  	[spmem:s1] =	stream.indirect.scatter.add.f32 [tilespmem:s16], [sflag:$0x7], $0x20, s17, s13, $0xb8;
	[tilespmem:$0x1E400] =	vst v63  }
0x4f: {  	_ =	swait.ge [sflag:s22], $0x1000  }
0x50: {  	[sflag:s22] =	ssyncset.done $0x0  }
0x51: {  	s9 =	simm.s32 $0xF80;
	[sflag:s22] =	ssyncadd.s32 $0xFFFFF000  }
0x52: {  	[spmem:s1] =	stream.indirect.scatter.add.f32 [tilespmem:s18], [sflag:$0x8], $0x20, s9, s13, $0xb8;
	[tilespmem:$0x1E400] =	vst v63  }
0x53: {  	_ =	swait.ge [sflag:s23], $0x1000  }
0x54: {  	[sflag:s23] =	ssyncset.done $0x0  }
0x55: {  	s12 =	simm.s32 $0x200;
	[sflag:s23] =	ssyncadd.s32 $0xFFFFF000  }
0x56: {  	[tilespmem:s10], [sflag:$0x1] =	stream.indirect.gather [hbm4b:s3+s13], $0x20, s12, s13, $0xb8;
	[tilespmem:$0x1E400] =	vst v63  }
0x57: {  	_ =	swait.ge [sflag:s24], $0x1000  }
0x58: {  	[sflag:s24] =	ssyncset.done $0x0  }
0x59: {  	s15 =	simm.s32 $0x280;
	[sflag:s24] =	ssyncadd.s32 $0xFFFFF000  }
0x5a: {  	[tilespmem:s14], [sflag:$0x2] =	stream.indirect.gather [hbm4b:s3+s13], $0x20, s15, s13, $0xb8;
	[tilespmem:$0x1E400] =	vst v63  }
0x5b: {  	_ =	swait.ge [sflag:s25], $0x1000  }
0x5c: {  	[sflag:s25] =	ssyncset.done $0x0  }
0x5d: {  	s17 =	simm.s32 $0x300;
	[sflag:s25] =	ssyncadd.s32 $0xFFFFF000  }
0x5e: {  	[tilespmem:s16], [sflag:$0x3] =	stream.indirect.gather [hbm4b:s3+s13], $0x20, s17, s13, $0xb8;
	[tilespmem:$0x1E400] =	vst v63  }
0x5f: {  	_ =	swait.ge [sflag:s26], $0x1000  }
0x60: {  	[sflag:s26] =	ssyncset.done $0x0  }
0x61: {  	s2 =	simm.s32 $0x380;
	s9 =	simm.s32 $0x800;
	[sflag:s26] =	ssyncadd.s32 $0xFFFFF000  }
.LBB2_9:
0x62: {  	[tilespmem:s18], [sflag:$0x4] =	stream.indirect.gather [hbm4b:s3+s13], $0x20, s2, s13, $0xb8;
	[tilespmem:$0x1E400] =	vst v63  }
0x63: {  	s2 =	smov.u32 s9  }
0x64: {  	p1 =	sne.s32 s9, $0x2800;
	s9 =	sadd.s32 $0x800, s9;
	_ =	swait.ge [sflag:s19], $0x1000  }
0x65: {  	s2 =	sshra.s32 s2, $0x2;
	[sflag:s19] =	ssyncset.done $0x0  }
0x66: {  	s12 =	sadd.s32 $0xE00, s2;
	[sflag:s19] =	ssyncadd.s32 $0xFFFFF000  }
0x67: {  	[spmem:s1] =	stream.indirect.scatter.add.f32 [tilespmem:s10], [sflag:$0x5], $0x20, s12, s13, $0xb8;
	[tilespmem:$0x1E400] =	vst v63  }
0x68: {  	_ =	swait.ge [sflag:s20], $0x1000  }
0x69: {  	[sflag:s20] =	ssyncset.done $0x0  }
0x6a: {  	s12 =	sadd.s32 $0xE80, s2;
	[sflag:s20] =	ssyncadd.s32 $0xFFFFF000  }
0x6b: {  	[spmem:s1] =	stream.indirect.scatter.add.f32 [tilespmem:s14], [sflag:$0x6], $0x20, s12, s13, $0xb8;
	[tilespmem:$0x1E400] =	vst v63  }
0x6c: {  	_ =	swait.ge [sflag:s21], $0x1000  }
0x6d: {  	[sflag:s21] =	ssyncset.done $0x0  }
0x6e: {  	s12 =	sadd.s32 $0xF00, s2;
	[sflag:s21] =	ssyncadd.s32 $0xFFFFF000  }
0x6f: {  	[spmem:s1] =	stream.indirect.scatter.add.f32 [tilespmem:s16], [sflag:$0x7], $0x20, s12, s13, $0xb8;
	[tilespmem:$0x1E400] =	vst v63  }
0x70: {  	_ =	swait.ge [sflag:s22], $0x1000  }
0x71: {  	[sflag:s22] =	ssyncset.done $0x0  }
0x72: {  	s12 =	sadd.s32 $0xF80, s2;
	[sflag:s22] =	ssyncadd.s32 $0xFFFFF000  }
0x73: {  	[spmem:s1] =	stream.indirect.scatter.add.f32 [tilespmem:s18], [sflag:$0x8], $0x20, s12, s13, $0xb8;
	[tilespmem:$0x1E400] =	vst v63  }
0x74: {  	_ =	swait.ge [sflag:s23], $0x1000  }
0x75: {  	[sflag:s23] =	ssyncset.done $0x0  }
0x76: {  	s12 =	sadd.s32 $0x200, s2;
	[sflag:s23] =	ssyncadd.s32 $0xFFFFF000  }
0x77: {  	[tilespmem:s10], [sflag:$0x1] =	stream.indirect.gather [hbm4b:s3+s13], $0x20, s12, s13, $0xb8;
	[tilespmem:$0x1E400] =	vst v63  }
0x78: {  	_ =	swait.ge [sflag:s24], $0x1000  }
0x79: {  	[sflag:s24] =	ssyncset.done $0x0  }
0x7a: {  	s12 =	sadd.s32 $0x280, s2;
	[sflag:s24] =	ssyncadd.s32 $0xFFFFF000  }
0x7b: {  	[tilespmem:s14], [sflag:$0x2] =	stream.indirect.gather [hbm4b:s3+s13], $0x20, s12, s13, $0xb8;
	[tilespmem:$0x1E400] =	vst v63  }
0x7c: {  	_ =	swait.ge [sflag:s25], $0x1000  }
0x7d: {  	[sflag:s25] =	ssyncset.done $0x0  }
.Ltmp3:
0x7e: {  	s12 =	sadd.s32 $0x300, s2;
	[sflag:s25] =	ssyncadd.s32 $0xFFFFF000;
	(pc) =	sbr.rel @p1 .LBB2_9-.Ltmp3, $4  }
0x7f: {  	[tilespmem:s16], [sflag:$0x3] =	stream.indirect.gather [hbm4b:s3+s13], $0x20, s12, s13, $0xb8;
	[tilespmem:$0x1E400] =	vst v63  }
0x80: {  	_ =	swait.ge [sflag:s26], $0x1000  }
0x81: {  	[sflag:s26] =	ssyncset.done $0x0  }
0x82: {  	s2 =	sadd.s32 $0x380, s2;
	[sflag:s26] =	ssyncadd.s32 $0xFFFFF000  }
0x83: {  	[tilespmem:s18], [sflag:$0x4] =	stream.indirect.gather [hbm4b:s3+s13], $0x20, s2, s13, $0xb8;
	[tilespmem:$0x1E400] =	vst v63  }
0x84: {  	_ =	swait.ge [sflag:s19], $0x1000  }
0x85: {  	[sflag:s19] =	ssyncset.done $0x0  }
0x86: {  	[sflag:s19] =	ssyncadd.s32 $0xFFFFF000  }
0x87: {  	[spmem:s1] =	stream.indirect.scatter.add.f32 [tilespmem:s10], [sflag:$0x5], $0x20, s28, s13, $0xb8;
	[tilespmem:$0x1E400] =	vst v63  }
0x88: {  	_ =	swait.ge [sflag:s20], $0x1000  }
0x89: {  	[sflag:s20] =	ssyncset.done $0x0  }
0x8a: {  	[sflag:s20] =	ssyncadd.s32 $0xFFFFF000  }
0x8b: {  	[spmem:s1] =	stream.indirect.scatter.add.f32 [tilespmem:s14], [sflag:$0x6], $0x20, s29, s13, $0xb8;
	[tilespmem:$0x1E400] =	vst v63  }
0x8c: {  	_ =	swait.ge [sflag:s21], $0x1000  }
0x8d: {  	[sflag:s21] =	ssyncset.done $0x0  }
0x8e: {  	[sflag:s21] =	ssyncadd.s32 $0xFFFFF000  }
0x8f: {  	[spmem:s1] =	stream.indirect.scatter.add.f32 [tilespmem:s16], [sflag:$0x7], $0x20, s30, s13, $0xb8;
	[tilespmem:$0x1E400] =	vst v63  }
0x90: {  	_ =	swait.ge [sflag:s22], $0x1000  }
0x91: {  	[sflag:s22] =	ssyncset.done $0x0  }
0x92: {  	[sflag:s22] =	ssyncadd.s32 $0xFFFFF000  }
0x93: {  	[spmem:s1] =	stream.indirect.scatter.add.f32 [tilespmem:s18], [sflag:$0x8], $0x20, s31, s13, $0xb8;
	[tilespmem:$0x1E400] =	vst v63  }
0x94: {  	_ =	swait.ge [sflag:s23], $0x1000  }
0x95: {  	[sflag:s23] =	ssyncset.done $0x0  }
0x96: {  	[sflag:s23] =	ssyncadd.s32 $0xFFFFF000  }
0x97: {  	_ =	swait.ge [sflag:s24], $0x1000  }
0x98: {  	[sflag:s24] =	ssyncset.done $0x0  }
0x99: {  	s8 =	sadd.s32 $0x1, s8;
	[sflag:s24] =	ssyncadd.s32 $0xFFFFF000  }
0x9a: {  	p1 =	sne.s32 s8, $0xE;
	_ =	swait.ge [sflag:s25], $0x1000  }
.Ltmp4:
0x9b: {  	[sflag:s25] =	ssyncset.done $0x0;
	(pc) =	sbr.rel @p1 .LBB2_6-.Ltmp4, $4  }
0x9c: {  	[sflag:s25] =	ssyncadd.s32 $0xFFFFF000  }
0x9d: {  	_ =	swait.ge [sflag:s26], $0x1000  }
0x9e: {  	[sflag:s26] =	ssyncset.done $0x0  }
0x9f: {  	[sflag:s26] =	ssyncadd.s32 $0xFFFFF000  }
0xa0: {  	[bflag:$0x0] =	sbarrier.arrive $0xFFFF  }
0xa1: {  	s0 =	sshrl.u32 @!p0 s1, $0x3;
	s2 =	simm.s32 @!p0 $0x1C09;
	s8 =	rddreg [dreg:$0x4]  }
0xa2: {  	[hbm:s8], [sflag:s2] =	dma.local @!p0 [spmem:s0], $0x31000  }
0xa3: {  	s0 =	simm.s32 @!p0 $0x9  }
0xa4: {  	_ =	swait.ge @!p0 [sflag:s0], $0x31000  }
0xa5: {  	s12 =	rddreg [dreg:$0x3]  }
0xa6: {  	s17 =	rddreg [dreg:$0x5];
	s12 =	sadd.s32 $0x1, s12  }
0xa7: {  	p1 =	sne.s32 s12, s17  }
.Ltmp5:
0xa8: {  	_ = 	snop;
	(pc) =	sbr.rel @p1 .LBB2_1-.Ltmp5, $3  }
0xa9: {  	_ =	sdelay $0x1  }
0xaa: {  	[sflag:s0] =	ssyncset.done @!p0 $0x0  }
0xab: {  	[sflag:s0] =	ssyncadd.s32 @!p0 $0xFFFCF000  }
0xac: {  	_ =	sfence.sel $0x180000  }
0xad: {  	[bflag:$0x0] =	sbarrier.arrive $0xFFFF  }
0xae: {  	_ =	strace $0x90000050  }
0xaf: {  	[bflag:$0x2] =	sbarrier.arrive $0xFFFF  }
0xb0: {  	s0 =	rddreg [dreg:$0x2]  }
0xb1: {  	s0 =	sadd.s32 @!p0 $0x100000, s0  }
0xb2: {  	[sflag:s0] =	ssyncadd.tile.s32 @!p0 $0x1;
	_ =	shalt  }
.Lfunc_end2:
_tile_overlayer_lowered:
.L_overlay_start_2:
0xb3: {  	(tag) =	ssettag $0x2  }
0xb4: {  	s0 =	rddreg [dreg:$0x0];
	s2 =	stileid.u32  }
0xb5: {  	s1 =	rddreg [dreg:$0x1];
	p0 =	sne.s32 s2, $0x0  }
0xb6: {  	s3 =	rddreg [dreg:$0x2];
	[bflag:$0x3] =	sbarrier.arrive $0xFFFF;
	s2 =	simm.s32 @!p0 $0x1C09  }
0xb7: {  	[timem:s3], [sflag:s2] =	dma.local @!p0 [hbm:s0], s1  }
0xb8: {  	s0 =	simm.s32 @!p0 $0x9  }
0xb9: {  	_ =	swait.ge @!p0 [sflag:s0], s1  }
0xba: {  	s1 =	ssub.s32 @!p0 $0x0, s1;
	[sflag:s0] =	ssyncset.done @!p0 $0x0  }
0xbb: {  	[sflag:s0] =	ssyncadd.s32 @!p0 s1  }
0xbc: {  	[bflag:$0x3] =	sbarrier.arrive $0xFFFF  }
0xbd: {  	_ =	shalt  }

</sc_bundles>
